<compile_context>
chip_gen: v7x
topology: tpu7x:2x2x1
jax: 0.10.2.dev20260603
libtpu: 0.0.44.dev20260713+nightly
codegen_flags: <defaults>
</compile_context>

<pallas_src>
import functools

import jax
import jax.numpy as jnp
from jax import lax
from jax.experimental import pallas as pl
from jax.experimental.pallas import tpu as pltpu, tpu_sc as plsc


def _tc_copy(kin, kout):
    kout[...] = kin[...]


def _tc_scatter(pos_ref, val, copy_hbm, out):
    del pos_ref, copy_hbm
    out[...] = val[...]


def _sc_copy(vcache_hbm, vout_hbm, stage_v, sem_ld, sem_st, *, nw, rows_per):
    wid = lax.axis_index("c") * (nw // 2) + lax.axis_index("s")
    base = wid * rows_per

    ch = stage_v[0].shape[0]
    n_ch = rows_per // ch
    nbuf = len(stage_v)
    ld_d = [None] * n_ch
    st_d = [None] * n_ch

    for i in range(n_ch):
        b = i % nbuf
        if i >= nbuf:
            st_d[i - nbuf].wait()
        off = base + i * ch
        ld_d[i] = pltpu.async_copy(vcache_hbm.at[pl.ds(off, ch)], stage_v[b],
                                   sem_ld[b])
        j = i - 2
        if j >= 0:
            ld_d[j].wait()
            offj = base + j * ch
            st_d[j] = pltpu.async_copy(stage_v[j % nbuf],
                                       vout_hbm.at[pl.ds(offj, ch)],
                                       sem_st[j % nbuf])
    for j in (n_ch - 2, n_ch - 1):
        ld_d[j].wait()
        offj = base + j * ch
        st_d[j] = pltpu.async_copy(stage_v[j % nbuf],
                                   vout_hbm.at[pl.ds(offj, ch)],
                                   sem_st[j % nbuf])
    for d_ in st_d[-nbuf:]:
        d_.wait()


def _scatter_call(pos, val4, copy4, bh, s, s_max, d, dtype):
    grid_spec = pltpu.PrefetchScalarGridSpec(
        num_scalar_prefetch=1,
        grid=(s,),
        in_specs=[
            pl.BlockSpec((bh, 1, 1, d), lambda j, pos_ref: (0, j, 0, 0)),
            pl.BlockSpec(memory_space=pltpu.HBM),
        ],
        out_specs=pl.BlockSpec((bh, 1, 1, d),
                               lambda j, pos_ref: (0, pos_ref[j], 0, 0)),
    )
    return pl.pallas_call(
        _tc_scatter,
        grid_spec=grid_spec,
        out_shape=jax.ShapeDtypeStruct((bh, s_max, 1, d), dtype),
        input_output_aliases={2: 0},
    )(pos, val4, copy4)


def kernel(input_pos, k_val, v_val, k_cache, v_cache):
    b, h, s_max, d = k_cache.shape
    s = k_val.shape[2]
    bh = b * h
    total_rows = bh * s_max

    mesh = plsc.VectorSubcoreMesh(core_axis_name="c", subcore_axis_name="s")
    nw = mesh.num_cores * mesh.num_subcores
    assert total_rows % nw == 0
    rows_per = total_rows // nw

    pos = input_pos.astype(jnp.int32)

    nblk = 32
    k_copy = pl.pallas_call(
        _tc_copy,
        grid=(nblk,),
        in_specs=[pl.BlockSpec((total_rows // nblk, d), lambda i: (i, 0))],
        out_specs=pl.BlockSpec((total_rows // nblk, d), lambda i: (i, 0)),
        out_shape=jax.ShapeDtypeStruct((total_rows, d), k_cache.dtype),
    )(k_cache.reshape(total_rows, d))

    v_copy = pl.kernel(
        functools.partial(_sc_copy, nw=nw, rows_per=rows_per),
        out_type=jax.ShapeDtypeStruct((total_rows, d), v_cache.dtype),
        mesh=mesh,
        scratch_types=[
            [pltpu.VMEM((128, d), jnp.float32) for _ in range(4)],
            [pltpu.SemaphoreType.DMA for _ in range(4)],
            [pltpu.SemaphoreType.DMA for _ in range(4)],
        ],
    )(v_cache.reshape(total_rows, d))

    k_out = _scatter_call(pos, k_val.reshape(bh, s, 1, d),
                          k_copy.reshape(bh, s_max, 1, d),
                          bh, s, s_max, d, k_cache.dtype)
    v_out = _scatter_call(pos, v_val.reshape(bh, s, 1, d),
                          v_copy.reshape(bh, s_max, 1, d),
                          bh, s, s_max, d, v_cache.dtype)
    return (k_out.reshape(b, h, s_max, d), v_out.reshape(b, h, s_max, d))

# --- scband reference (transcript-rebuilt; emitter-appended) ---
"""Pipeline reference for scband-kvcache-7584912245141 (READ-ONLY COPY).

The authoritative reference and input builder live on the scoring server;
editing this copy changes nothing except your own understanding.
"""

import jax, jax.numpy as jnp
import numpy as np

B, H, S_MAX, D = 8, 16, 2048, 128
S = 32

def setup_inputs(seed: int = 0) -> dict:
    key = jax.random.key(seed)
    k1, k2, k3 = jax.random.split(key, 3)
    input_pos = jnp.sort(jax.random.randint(k1, (S,), 0, S_MAX)).astype(jnp.int64) if jax.config.jax_enable_x64 else jnp.sort(jax.random.randint(k1, (S,), 0, S_MAX))
    k_val = jax.random.normal(k2, (B, H, S, D), dtype=jnp.float32)
    v_val = jax.random.normal(k3, (B, H, S, D), dtype=jnp.float32)
    # persistent cache buffers (registered buffers in the torch module)
    k_cache = jnp.zeros((B, H, S_MAX, D), dtype=jnp.float32)
    v_cache = jnp.zeros((B, H, S_MAX, D), dtype=jnp.float32)
    return {"input_pos": input_pos, "k_val": k_val, "v_val": v_val, "k_cache": k_cache, "v_cache": v_cache}

def reference(input_pos, k_val, v_val, k_cache, v_cache):
    # KVCache.update: scatter-overwrite k_val/v_val into the full caches at
    # sequence positions input_pos, then return the updated caches.
    # torch: k_cpu[:, :, input_pos] = k_val  ->  jax: .at[:, :, input_pos].set
    k_out = k_cache.at[:, :, input_pos].set(k_val)
    v_out = v_cache.at[:, :, input_pos].set(v_val)
    return (k_out, v_out)

if __name__ == "__main__":
    import jax
    _d = setup_inputs()
    print(jax.jit(kernel)(*tuple(_d.values())))

</pallas_src>

<mosaic_0001>
#map = affine_map<(d0, d1) -> (0, 0)>
module attributes {stable_mosaic.version = 14 : i64} {
  func.func @_sc_copy(%arg0: i32, %arg1: i32, %arg2: memref<262144x128xf32, #tpu.memory_space<hbm>>, %arg3: memref<262144x128xf32, #tpu.memory_space<hbm>>, %arg4: memref<128x128xf32, #tpu.memory_space<vmem>>, %arg5: memref<128x128xf32, #tpu.memory_space<vmem>>, %arg6: memref<128x128xf32, #tpu.memory_space<vmem>>, %arg7: memref<128x128xf32, #tpu.memory_space<vmem>>, %arg8: memref<!tpu.dma_semaphore, #tpu.memory_space<semaphore_mem>>, %arg9: memref<!tpu.dma_semaphore, #tpu.memory_space<semaphore_mem>>, %arg10: memref<!tpu.dma_semaphore, #tpu.memory_space<semaphore_mem>>, %arg11: memref<!tpu.dma_semaphore, #tpu.memory_space<semaphore_mem>>, %arg12: memref<!tpu.dma_semaphore, #tpu.memory_space<semaphore_mem>>, %arg13: memref<!tpu.dma_semaphore, #tpu.memory_space<semaphore_mem>>, %arg14: memref<!tpu.dma_semaphore, #tpu.memory_space<semaphore_mem>>, %arg15: memref<!tpu.dma_semaphore, #tpu.memory_space<semaphore_mem>>) attributes {dimension_semantics = [#tpu.dimension_semantics<core_parallel>, #tpu.dimension_semantics<subcore_parallel>], iteration_bounds = array<i64: 2, 16>, scalar_prefetch = 0 : i64, scratch_operands = 12 : i64, tpu.core_type = #tpu.core_type<sc_vector_subcore>, window_params = [{transform_indices = #map}, {transform_indices = #map}]} {
    %mul3A = arith.constant 16 : i32
    %mul3A_0 = arith.muli %arg0, %mul3A : i32
    %add3A = arith.addi %mul3A_0, %arg1 : i32
    %mul3A_1 = arith.constant 8192 : i32
    %mul3A_2 = arith.muli %add3A, %mul3A_1 : i32
    %add3A_3 = arith.constant 0 : i32
    %add3A_4 = arith.addi %mul3A_2, %add3A_3 : i32
    %dma_start3A = arith.constant 0 : i32
    %dma_start3A_5 = tpu.memref_slice %arg2[%add3A_4, %dma_start3A] : memref<262144x128xf32, #tpu.memory_space<hbm>> -> memref<128x128xf32, #tpu.memory_space<hbm>>
    %dma_start3A_6 = arith.constant 0 : i32
    %dma_start3A_7 = tpu.memref_slice %arg2[%add3A_4, %dma_start3A_6] : memref<262144x128xf32, #tpu.memory_space<hbm>> -> memref<128x128xf32, #tpu.memory_space<hbm>>
    tpu.enqueue_dma source(%dma_start3A_7 : memref<128x128xf32, #tpu.memory_space<hbm>>) target(%arg4 : memref<128x128xf32, #tpu.memory_space<vmem>>) target_semaphore(%arg8 : memref<!tpu.dma_semaphore, #tpu.memory_space<semaphore_mem>>)
    %add3A_8 = arith.constant 128 : i32
    %add3A_9 = arith.addi %mul3A_2, %add3A_8 : i32
    %dma_start3A_10 = arith.constant 0 : i32
    %dma_start3A_11 = tpu.memref_slice %arg2[%add3A_9, %dma_start3A_10] : memref<262144x128xf32, #tpu.memory_space<hbm>> -> memref<128x128xf32, #tpu.memory_space<hbm>>
    %dma_start3A_12 = arith.constant 0 : i32
    %dma_start3A_13 = tpu.memref_slice %arg2[%add3A_9, %dma_start3A_12] : memref<262144x128xf32, #tpu.memory_space<hbm>> -> memref<128x128xf32, #tpu.memory_space<hbm>>
    tpu.enqueue_dma source(%dma_start3A_13 : memref<128x128xf32, #tpu.memory_space<hbm>>) target(%arg5 : memref<128x128xf32, #tpu.memory_space<vmem>>) target_semaphore(%arg9 : memref<!tpu.dma_semaphore, #tpu.memory_space<semaphore_mem>>)
    %add3A_14 = arith.constant 256 : i32
    %add3A_15 = arith.addi %mul3A_2, %add3A_14 : i32
    %dma_start3A_16 = arith.constant 0 : i32
    %dma_start3A_17 = tpu.memref_slice %arg2[%add3A_15, %dma_start3A_16] : memref<262144x128xf32, #tpu.memory_space<hbm>> -> memref<128x128xf32, #tpu.memory_space<hbm>>
    %dma_start3A_18 = arith.constant 0 : i32
    %dma_start3A_19 = tpu.memref_slice %arg2[%add3A_15, %dma_start3A_18] : memref<262144x128xf32, #tpu.memory_space<hbm>> -> memref<128x128xf32, #tpu.memory_space<hbm>>
    tpu.enqueue_dma source(%dma_start3A_19 : memref<128x128xf32, #tpu.memory_space<hbm>>) target(%arg6 : memref<128x128xf32, #tpu.memory_space<vmem>>) target_semaphore(%arg10 : memref<!tpu.dma_semaphore, #tpu.memory_space<semaphore_mem>>)
    %dma_wait3A = arith.constant 0 : i32
    %dma_wait3A_20 = tpu.memref_slice %arg2[%add3A_4, %dma_wait3A] : memref<262144x128xf32, #tpu.memory_space<hbm>> -> memref<128x128xf32, #tpu.memory_space<hbm>>
    %dma_wait3A_21 = arith.constant 0 : i32
    %dma_wait3A_22 = tpu.memref_slice %arg2[%add3A_4, %dma_wait3A_21] : memref<262144x128xf32, #tpu.memory_space<hbm>> -> memref<128x128xf32, #tpu.memory_space<hbm>>
    tpu.wait_dma2 semaphore(%arg8 : memref<!tpu.dma_semaphore, #tpu.memory_space<semaphore_mem>>) src(%dma_wait3A_22 : memref<128x128xf32, #tpu.memory_space<hbm>>) dst(%arg4 : memref<128x128xf32, #tpu.memory_space<vmem>>)
    %add3A_23 = arith.constant 0 : i32
    %add3A_24 = arith.addi %mul3A_2, %add3A_23 : i32
    %dma_start3A_25 = arith.constant 0 : i32
    %dma_start3A_26 = tpu.memref_slice %arg3[%add3A_24, %dma_start3A_25] : memref<262144x128xf32, #tpu.memory_space<hbm>> -> memref<128x128xf32, #tpu.memory_space<hbm>>
    %dma_start3A_27 = arith.constant 0 : i32
    %dma_start3A_28 = tpu.memref_slice %arg3[%add3A_24, %dma_start3A_27] : memref<262144x128xf32, #tpu.memory_space<hbm>> -> memref<128x128xf32, #tpu.memory_space<hbm>>
    tpu.enqueue_dma source(%arg4 : memref<128x128xf32, #tpu.memory_space<vmem>>) target(%dma_start3A_28 : memref<128x128xf32, #tpu.memory_space<hbm>>) target_semaphore(%arg12 : memref<!tpu.dma_semaphore, #tpu.memory_space<semaphore_mem>>)
    %add3A_29 = arith.constant 384 : i32
    %add3A_30 = arith.addi %mul3A_2, %add3A_29 : i32
    %dma_start3A_31 = arith.constant 0 : i32
    %dma_start3A_32 = tpu.memref_slice %arg2[%add3A_30, %dma_start3A_31] : memref<262144x128xf32, #tpu.memory_space<hbm>> -> memref<128x128xf32, #tpu.memory_space<hbm>>
    %dma_start3A_33 = arith.constant 0 : i32
    %dma_start3A_34 = tpu.memref_slice %arg2[%add3A_30, %dma_start3A_33] : memref<262144x128xf32, #tpu.memory_space<hbm>> -> memref<128x128xf32, #tpu.memory_space<hbm>>
    tpu.enqueue_dma source(%dma_start3A_34 : memref<128x128xf32, #tpu.memory_space<hbm>>) target(%arg7 : memref<128x128xf32, #tpu.memory_space<vmem>>) target_semaphore(%arg11 : memref<!tpu.dma_semaphore, #tpu.memory_space<semaphore_mem>>)
    %dma_wait3A_35 = arith.constant 0 : i32
    %dma_wait3A_36 = tpu.memref_slice %arg2[%add3A_9, %dma_wait3A_35] : memref<262144x128xf32, #tpu.memory_space<hbm>> -> memref<128x128xf32, #tpu.memory_space<hbm>>
    %dma_wait3A_37 = arith.constant 0 : i32
    %dma_wait3A_38 = tpu.memref_slice %arg2[%add3A_9, %dma_wait3A_37] : memref<262144x128xf32, #tpu.memory_space<hbm>> -> memref<128x128xf32, #tpu.memory_space<hbm>>
    tpu.wait_dma2 semaphore(%arg9 : memref<!tpu.dma_semaphore, #tpu.memory_space<semaphore_mem>>) src(%dma_wait3A_38 : memref<128x128xf32, #tpu.memory_space<hbm>>) dst(%arg5 : memref<128x128xf32, #tpu.memory_space<vmem>>)
    %add3A_39 = arith.constant 128 : i32
    %add3A_40 = arith.addi %mul3A_2, %add3A_39 : i32
    %dma_start3A_41 = arith.constant 0 : i32
    %dma_start3A_42 = tpu.memref_slice %arg3[%add3A_40, %dma_start3A_41] : memref<262144x128xf32, #tpu.memory_space<hbm>> -> memref<128x128xf32, #tpu.memory_space<hbm>>
    %dma_start3A_43 = arith.constant 0 : i32
    %dma_start3A_44 = tpu.memref_slice %arg3[%add3A_40, %dma_start3A_43] : memref<262144x128xf32, #tpu.memory_space<hbm>> -> memref<128x128xf32, #tpu.memory_space<hbm>>
    tpu.enqueue_dma source(%arg5 : memref<128x128xf32, #tpu.memory_space<vmem>>) target(%dma_start3A_44 : memref<128x128xf32, #tpu.memory_space<hbm>>) target_semaphore(%arg13 : memref<!tpu.dma_semaphore, #tpu.memory_space<semaphore_mem>>)
    %dma_wait3A_45 = arith.constant 0 : i32
    %dma_wait3A_46 = tpu.memref_slice %arg3[%add3A_24, %dma_wait3A_45] : memref<262144x128xf32, #tpu.memory_space<hbm>> -> memref<128x128xf32, #tpu.memory_space<hbm>>
    %dma_wait3A_47 = arith.constant 0 : i32
    %dma_wait3A_48 = tpu.memref_slice %arg3[%add3A_24, %dma_wait3A_47] : memref<262144x128xf32, #tpu.memory_space<hbm>> -> memref<128x128xf32, #tpu.memory_space<hbm>>
    tpu.wait_dma2 semaphore(%arg12 : memref<!tpu.dma_semaphore, #tpu.memory_space<semaphore_mem>>) src(%arg4 : memref<128x128xf32, #tpu.memory_space<vmem>>) dst(%dma_wait3A_48 : memref<128x128xf32, #tpu.memory_space<hbm>>)
    %add3A_49 = arith.constant 512 : i32
    %add3A_50 = arith.addi %mul3A_2, %add3A_49 : i32
    %dma_start3A_51 = arith.constant 0 : i32
    %dma_start3A_52 = tpu.memref_slice %arg2[%add3A_50, %dma_start3A_51] : memref<262144x128xf32, #tpu.memory_space<hbm>> -> memref<128x128xf32, #tpu.memory_space<hbm>>
    %dma_start3A_53 = arith.constant 0 : i32
    %dma_start3A_54 = tpu.memref_slice %arg2[%add3A_50, %dma_start3A_53] : memref<262144x128xf32, #tpu.memory_space<hbm>> -> memref<128x128xf32, #tpu.memory_space<hbm>>
    tpu.enqueue_dma source(%dma_start3A_54 : memref<128x128xf32, #tpu.memory_space<hbm>>) target(%arg4 : memref<128x128xf32, #tpu.memory_space<vmem>>) target_semaphore(%arg8 : memref<!tpu.dma_semaphore, #tpu.memory_space<semaphore_mem>>)
    %dma_wait3A_55 = arith.constant 0 : i32
    %dma_wait3A_56 = tpu.memref_slice %arg2[%add3A_15, %dma_wait3A_55] : memref<262144x128xf32, #tpu.memory_space<hbm>> -> memref<128x128xf32, #tpu.memory_space<hbm>>
    %dma_wait3A_57 = arith.constant 0 : i32
    %dma_wait3A_58 = tpu.memref_slice %arg2[%add3A_15, %dma_wait3A_57] : memref<262144x128xf32, #tpu.memory_space<hbm>> -> memref<128x128xf32, #tpu.memory_space<hbm>>
    tpu.wait_dma2 semaphore(%arg10 : memref<!tpu.dma_semaphore, #tpu.memory_space<semaphore_mem>>) src(%dma_wait3A_58 : memref<128x128xf32, #tpu.memory_space<hbm>>) dst(%arg6 : memref<128x128xf32, #tpu.memory_space<vmem>>)
    %add3A_59 = arith.constant 256 : i32
    %add3A_60 = arith.addi %mul3A_2, %add3A_59 : i32
    %dma_start3A_61 = arith.constant 0 : i32
    %dma_start3A_62 = tpu.memref_slice %arg3[%add3A_60, %dma_start3A_61] : memref<262144x128xf32, #tpu.memory_space<hbm>> -> memref<128x128xf32, #tpu.memory_space<hbm>>
    %dma_start3A_63 = arith.constant 0 : i32
    %dma_start3A_64 = tpu.memref_slice %arg3[%add3A_60, %dma_start3A_63] : memref<262144x128xf32, #tpu.memory_space<hbm>> -> memref<128x128xf32, #tpu.memory_space<hbm>>
    tpu.enqueue_dma source(%arg6 : memref<128x128xf32, #tpu.memory_space<vmem>>) target(%dma_start3A_64 : memref<128x128xf32, #tpu.memory_space<hbm>>) target_semaphore(%arg14 : memref<!tpu.dma_semaphore, #tpu.memory_space<semaphore_mem>>)
    %dma_wait3A_65 = arith.constant 0 : i32
    %dma_wait3A_66 = tpu.memref_slice %arg3[%add3A_40, %dma_wait3A_65] : memref<262144x128xf32, #tpu.memory_space<hbm>> -> memref<128x128xf32, #tpu.memory_space<hbm>>
    %dma_wait3A_67 = arith.constant 0 : i32
    %dma_wait3A_68 = tpu.memref_slice %arg3[%add3A_40, %dma_wait3A_67] : memref<262144x128xf32, #tpu.memory_space<hbm>> -> memref<128x128xf32, #tpu.memory_space<hbm>>
    tpu.wait_dma2 semaphore(%arg13 : memref<!tpu.dma_semaphore, #tpu.memory_space<semaphore_mem>>) src(%arg5 : memref<128x128xf32, #tpu.memory_space<vmem>>) dst(%dma_wait3A_68 : memref<128x128xf32, #tpu.memory_space<hbm>>)
    %add3A_69 = arith.constant 640 : i32
    %add3A_70 = arith.addi %mul3A_2, %add3A_69 : i32
    %dma_start3A_71 = arith.constant 0 : i32
    %dma_start3A_72 = tpu.memref_slice %arg2[%add3A_70, %dma_start3A_71] : memref<262144x128xf32, #tpu.memory_space<hbm>> -> memref<128x128xf32, #tpu.memory_space<hbm>>
    %dma_start3A_73 = arith.constant 0 : i32
    %dma_start3A_74 = tpu.memref_slice %arg2[%add3A_70, %dma_start3A_73] : memref<262144x128xf32, #tpu.memory_space<hbm>> -> memref<128x128xf32, #tpu.memory_space<hbm>>
    tpu.enqueue_dma source(%dma_start3A_74 : memref<128x128xf32, #tpu.memory_space<hbm>>) target(%arg5 : memref<128x128xf32, #tpu.memory_space<vmem>>) target_semaphore(%arg9 : memref<!tpu.dma_semaphore, #tpu.memory_space<semaphore_mem>>)
    %dma_wait3A_75 = arith.constant 0 : i32
    %dma_wait3A_76 = tpu.memref_slice %arg2[%add3A_30, %dma_wait3A_75] : memref<262144x128xf32, #tpu.memory_space<hbm>> -> memref<128x128xf32, #tpu.memory_space<hbm>>
    %dma_wait3A_77 = arith.constant 0 : i32
    %dma_wait3A_78 = tpu.memref_slice %arg2[%add3A_30, %dma_wait3A_77] : memref<262144x128xf32, #tpu.memory_space<hbm>> -> memref<128x128xf32, #tpu.memory_space<hbm>>
    tpu.wait_dma2 semaphore(%arg11 : memref<!tpu.dma_semaphore, #tpu.memory_space<semaphore_mem>>) src(%dma_wait3A_78 : memref<128x128xf32, #tpu.memory_space<hbm>>) dst(%arg7 : memref<128x128xf32, #tpu.memory_space<vmem>>)
    %add3A_79 = arith.constant 384 : i32
    %add3A_80 = arith.addi %mul3A_2, %add3A_79 : i32
    %dma_start3A_81 = arith.constant 0 : i32
    %dma_start3A_82 = tpu.memref_slice %arg3[%add3A_80, %dma_start3A_81] : memref<262144x128xf32, #tpu.memory_space<hbm>> -> memref<128x128xf32, #tpu.memory_space<hbm>>
    %dma_start3A_83 = arith.constant 0 : i32
    %dma_start3A_84 = tpu.memref_slice %arg3[%add3A_80, %dma_start3A_83] : memref<262144x128xf32, #tpu.memory_space<hbm>> -> memref<128x128xf32, #tpu.memory_space<hbm>>
    tpu.enqueue_dma source(%arg7 : memref<128x128xf32, #tpu.memory_space<vmem>>) target(%dma_start3A_84 : memref<128x128xf32, #tpu.memory_space<hbm>>) target_semaphore(%arg15 : memref<!tpu.dma_semaphore, #tpu.memory_space<semaphore_mem>>)
    %dma_wait3A_85 = arith.constant 0 : i32
    %dma_wait3A_86 = tpu.memref_slice %arg3[%add3A_60, %dma_wait3A_85] : memref<262144x128xf32, #tpu.memory_space<hbm>> -> memref<128x128xf32, #tpu.memory_space<hbm>>
    %dma_wait3A_87 = arith.constant 0 : i32
    %dma_wait3A_88 = tpu.memref_slice %arg3[%add3A_60, %dma_wait3A_87] : memref<262144x128xf32, #tpu.memory_space<hbm>> -> memref<128x128xf32, #tpu.memory_space<hbm>>
    tpu.wait_dma2 semaphore(%arg14 : memref<!tpu.dma_semaphore, #tpu.memory_space<semaphore_mem>>) src(%arg6 : memref<128x128xf32, #tpu.memory_space<vmem>>) dst(%dma_wait3A_88 : memref<128x128xf32, #tpu.memory_space<hbm>>)
    %add3A_89 = arith.constant 768 : i32
    %add3A_90 = arith.addi %mul3A_2, %add3A_89 : i32
    %dma_start3A_91 = arith.constant 0 : i32
    %dma_start3A_92 = tpu.memref_slice %arg2[%add3A_90, %dma_start3A_91] : memref<262144x128xf32, #tpu.memory_space<hbm>> -> memref<128x128xf32, #tpu.memory_space<hbm>>
    %dma_start3A_93 = arith.constant 0 : i32
    %dma_start3A_94 = tpu.memref_slice %arg2[%add3A_90, %dma_start3A_93] : memref<262144x128xf32, #tpu.memory_space<hbm>> -> memref<128x128xf32, #tpu.memory_space<hbm>>
    tpu.enqueue_dma source(%dma_start3A_94 : memref<128x128xf32, #tpu.memory_space<hbm>>) target(%arg6 : memref<128x128xf32, #tpu.memory_space<vmem>>) target_semaphore(%arg10 : memref<!tpu.dma_semaphore, #tpu.memory_space<semaphore_mem>>)
    %dma_wait3A_95 = arith.constant 0 : i32
    %dma_wait3A_96 = tpu.memref_slice %arg2[%add3A_50, %dma_wait3A_95] : memref<262144x128xf32, #tpu.memory_space<hbm>> -> memref<128x128xf32, #tpu.memory_space<hbm>>
    %dma_wait3A_97 = arith.constant 0 : i32
    %dma_wait3A_98 = tpu.memref_slice %arg2[%add3A_50, %dma_wait3A_97] : memref<262144x128xf32, #tpu.memory_space<hbm>> -> memref<128x128xf32, #tpu.memory_space<hbm>>
    tpu.wait_dma2 semaphore(%arg8 : memref<!tpu.dma_semaphore, #tpu.memory_space<semaphore_mem>>) src(%dma_wait3A_98 : memref<128x128xf32, #tpu.memory_space<hbm>>) dst(%arg4 : memref<128x128xf32, #tpu.memory_space<vmem>>)
    %add3A_99 = arith.constant 512 : i32
    %add3A_100 = arith.addi %mul3A_2, %add3A_99 : i32
    %dma_start3A_101 = arith.constant 0 : i32
    %dma_start3A_102 = tpu.memref_slice %arg3[%add3A_100, %dma_start3A_101] : memref<262144x128xf32, #tpu.memory_space<hbm>> -> memref<128x128xf32, #tpu.memory_space<hbm>>
    %dma_start3A_103 = arith.constant 0 : i32
    %dma_start3A_104 = tpu.memref_slice %arg3[%add3A_100, %dma_start3A_103] : memref<262144x128xf32, #tpu.memory_space<hbm>> -> memref<128x128xf32, #tpu.memory_space<hbm>>
    tpu.enqueue_dma source(%arg4 : memref<128x128xf32, #tpu.memory_space<vmem>>) target(%dma_start3A_104 : memref<128x128xf32, #tpu.memory_space<hbm>>) target_semaphore(%arg12 : memref<!tpu.dma_semaphore, #tpu.memory_space<semaphore_mem>>)
    %dma_wait3A_105 = arith.constant 0 : i32
    %dma_wait3A_106 = tpu.memref_slice %arg3[%add3A_80, %dma_wait3A_105] : memref<262144x128xf32, #tpu.memory_space<hbm>> -> memref<128x128xf32, #tpu.memory_space<hbm>>
    %dma_wait3A_107 = arith.constant 0 : i32
    %dma_wait3A_108 = tpu.memref_slice %arg3[%add3A_80, %dma_wait3A_107] : memref<262144x128xf32, #tpu.memory_space<hbm>> -> memref<128x128xf32, #tpu.memory_space<hbm>>
    tpu.wait_dma2 semaphore(%arg15 : memref<!tpu.dma_semaphore, #tpu.memory_space<semaphore_mem>>) src(%arg7 : memref<128x128xf32, #tpu.memory_space<vmem>>) dst(%dma_wait3A_108 : memref<128x128xf32, #tpu.memory_space<hbm>>)
    %add3A_109 = arith.constant 896 : i32
    %add3A_110 = arith.addi %mul3A_2, %add3A_109 : i32
    %dma_start3A_111 = arith.constant 0 : i32
    %dma_start3A_112 = tpu.memref_slice %arg2[%add3A_110, %dma_start3A_111] : memref<262144x128xf32, #tpu.memory_space<hbm>> -> memref<128x128xf32, #tpu.memory_space<hbm>>
    %dma_start3A_113 = arith.constant 0 : i32
    %dma_start3A_114 = tpu.memref_slice %arg2[%add3A_110, %dma_start3A_113] : memref<262144x128xf32, #tpu.memory_space<hbm>> -> memref<128x128xf32, #tpu.memory_space<hbm>>
    tpu.enqueue_dma source(%dma_start3A_114 : memref<128x128xf32, #tpu.memory_space<hbm>>) target(%arg7 : memref<128x128xf32, #tpu.memory_space<vmem>>) target_semaphore(%arg11 : memref<!tpu.dma_semaphore, #tpu.memory_space<semaphore_mem>>)
    %dma_wait3A_115 = arith.constant 0 : i32
    %dma_wait3A_116 = tpu.memref_slice %arg2[%add3A_70, %dma_wait3A_115] : memref<262144x128xf32, #tpu.memory_space<hbm>> -> memref<128x128xf32, #tpu.memory_space<hbm>>
    %dma_wait3A_117 = arith.constant 0 : i32
    %dma_wait3A_118 = tpu.memref_slice %arg2[%add3A_70, %dma_wait3A_117] : memref<262144x128xf32, #tpu.memory_space<hbm>> -> memref<128x128xf32, #tpu.memory_space<hbm>>
    tpu.wait_dma2 semaphore(%arg9 : memref<!tpu.dma_semaphore, #tpu.memory_space<semaphore_mem>>) src(%dma_wait3A_118 : memref<128x128xf32, #tpu.memory_space<hbm>>) dst(%arg5 : memref<128x128xf32, #tpu.memory_space<vmem>>)
    %add3A_119 = arith.constant 640 : i32
    %add3A_120 = arith.addi %mul3A_2, %add3A_119 : i32
    %dma_start3A_121 = arith.constant 0 : i32
    %dma_start3A_122 = tpu.memref_slice %arg3[%add3A_120, %dma_start3A_121] : memref<262144x128xf32, #tpu.memory_space<hbm>> -> memref<128x128xf32, #tpu.memory_space<hbm>>
    %dma_start3A_123 = arith.constant 0 : i32
    %dma_start3A_124 = tpu.memref_slice %arg3[%add3A_120, %dma_start3A_123] : memref<262144x128xf32, #tpu.memory_space<hbm>> -> memref<128x128xf32, #tpu.memory_space<hbm>>
    tpu.enqueue_dma source(%arg5 : memref<128x128xf32, #tpu.memory_space<vmem>>) target(%dma_start3A_124 : memref<128x128xf32, #tpu.memory_space<hbm>>) target_semaphore(%arg13 : memref<!tpu.dma_semaphore, #tpu.memory_space<semaphore_mem>>)
    %dma_wait3A_125 = arith.constant 0 : i32
    %dma_wait3A_126 = tpu.memref_slice %arg3[%add3A_100, %dma_wait3A_125] : memref<262144x128xf32, #tpu.memory_space<hbm>> -> memref<128x128xf32, #tpu.memory_space<hbm>>
    %dma_wait3A_127 = arith.constant 0 : i32
    %dma_wait3A_128 = tpu.memref_slice %arg3[%add3A_100, %dma_wait3A_127] : memref<262144x128xf32, #tpu.memory_space<hbm>> -> memref<128x128xf32, #tpu.memory_space<hbm>>
    tpu.wait_dma2 semaphore(%arg12 : memref<!tpu.dma_semaphore, #tpu.memory_space<semaphore_mem>>) src(%arg4 : memref<128x128xf32, #tpu.memory_space<vmem>>) dst(%dma_wait3A_128 : memref<128x128xf32, #tpu.memory_space<hbm>>)
    %add3A_129 = arith.constant 1024 : i32
    %add3A_130 = arith.addi %mul3A_2, %add3A_129 : i32
    %dma_start3A_131 = arith.constant 0 : i32
    %dma_start3A_132 = tpu.memref_slice %arg2[%add3A_130, %dma_start3A_131] : memref<262144x128xf32, #tpu.memory_space<hbm>> -> memref<128x128xf32, #tpu.memory_space<hbm>>
    %dma_start3A_133 = arith.constant 0 : i32
    %dma_start3A_134 = tpu.memref_slice %arg2[%add3A_130, %dma_start3A_133] : memref<262144x128xf32, #tpu.memory_space<hbm>> -> memref<128x128xf32, #tpu.memory_space<hbm>>
    tpu.enqueue_dma source(%dma_start3A_134 : memref<128x128xf32, #tpu.memory_space<hbm>>) target(%arg4 : memref<128x128xf32, #tpu.memory_space<vmem>>) target_semaphore(%arg8 : memref<!tpu.dma_semaphore, #tpu.memory_space<semaphore_mem>>)
    %dma_wait3A_135 = arith.constant 0 : i32
    %dma_wait3A_136 = tpu.memref_slice %arg2[%add3A_90, %dma_wait3A_135] : memref<262144x128xf32, #tpu.memory_space<hbm>> -> memref<128x128xf32, #tpu.memory_space<hbm>>
    %dma_wait3A_137 = arith.constant 0 : i32
    %dma_wait3A_138 = tpu.memref_slice %arg2[%add3A_90, %dma_wait3A_137] : memref<262144x128xf32, #tpu.memory_space<hbm>> -> memref<128x128xf32, #tpu.memory_space<hbm>>
    tpu.wait_dma2 semaphore(%arg10 : memref<!tpu.dma_semaphore, #tpu.memory_space<semaphore_mem>>) src(%dma_wait3A_138 : memref<128x128xf32, #tpu.memory_space<hbm>>) dst(%arg6 : memref<128x128xf32, #tpu.memory_space<vmem>>)
    %add3A_139 = arith.constant 768 : i32
    %add3A_140 = arith.addi %mul3A_2, %add3A_139 : i32
    %dma_start3A_141 = arith.constant 0 : i32
    %dma_start3A_142 = tpu.memref_slice %arg3[%add3A_140, %dma_start3A_141] : memref<262144x128xf32, #tpu.memory_space<hbm>> -> memref<128x128xf32, #tpu.memory_space<hbm>>
    %dma_start3A_143 = arith.constant 0 : i32
    %dma_start3A_144 = tpu.memref_slice %arg3[%add3A_140, %dma_start3A_143] : memref<262144x128xf32, #tpu.memory_space<hbm>> -> memref<128x128xf32, #tpu.memory_space<hbm>>
    tpu.enqueue_dma source(%arg6 : memref<128x128xf32, #tpu.memory_space<vmem>>) target(%dma_start3A_144 : memref<128x128xf32, #tpu.memory_space<hbm>>) target_semaphore(%arg14 : memref<!tpu.dma_semaphore, #tpu.memory_space<semaphore_mem>>)
    %dma_wait3A_145 = arith.constant 0 : i32
    %dma_wait3A_146 = tpu.memref_slice %arg3[%add3A_120, %dma_wait3A_145] : memref<262144x128xf32, #tpu.memory_space<hbm>> -> memref<128x128xf32, #tpu.memory_space<hbm>>
    %dma_wait3A_147 = arith.constant 0 : i32
    %dma_wait3A_148 = tpu.memref_slice %arg3[%add3A_120, %dma_wait3A_147] : memref<262144x128xf32, #tpu.memory_space<hbm>> -> memref<128x128xf32, #tpu.memory_space<hbm>>
    tpu.wait_dma2 semaphore(%arg13 : memref<!tpu.dma_semaphore, #tpu.memory_space<semaphore_mem>>) src(%arg5 : memref<128x128xf32, #tpu.memory_space<vmem>>) dst(%dma_wait3A_148 : memref<128x128xf32, #tpu.memory_space<hbm>>)
    %add3A_149 = arith.constant 1152 : i32
    %add3A_150 = arith.addi %mul3A_2, %add3A_149 : i32
    %dma_start3A_151 = arith.constant 0 : i32
    %dma_start3A_152 = tpu.memref_slice %arg2[%add3A_150, %dma_start3A_151] : memref<262144x128xf32, #tpu.memory_space<hbm>> -> memref<128x128xf32, #tpu.memory_space<hbm>>
    %dma_start3A_153 = arith.constant 0 : i32
    %dma_start3A_154 = tpu.memref_slice %arg2[%add3A_150, %dma_start3A_153] : memref<262144x128xf32, #tpu.memory_space<hbm>> -> memref<128x128xf32, #tpu.memory_space<hbm>>
    tpu.enqueue_dma source(%dma_start3A_154 : memref<128x128xf32, #tpu.memory_space<hbm>>) target(%arg5 : memref<128x128xf32, #tpu.memory_space<vmem>>) target_semaphore(%arg9 : memref<!tpu.dma_semaphore, #tpu.memory_space<semaphore_mem>>)
    %dma_wait3A_155 = arith.constant 0 : i32
    %dma_wait3A_156 = tpu.memref_slice %arg2[%add3A_110, %dma_wait3A_155] : memref<262144x128xf32, #tpu.memory_space<hbm>> -> memref<128x128xf32, #tpu.memory_space<hbm>>
    %dma_wait3A_157 = arith.constant 0 : i32
    %dma_wait3A_158 = tpu.memref_slice %arg2[%add3A_110, %dma_wait3A_157] : memref<262144x128xf32, #tpu.memory_space<hbm>> -> memref<128x128xf32, #tpu.memory_space<hbm>>
    tpu.wait_dma2 semaphore(%arg11 : memref<!tpu.dma_semaphore, #tpu.memory_space<semaphore_mem>>) src(%dma_wait3A_158 : memref<128x128xf32, #tpu.memory_space<hbm>>) dst(%arg7 : memref<128x128xf32, #tpu.memory_space<vmem>>)
    %add3A_159 = arith.constant 896 : i32
    %add3A_160 = arith.addi %mul3A_2, %add3A_159 : i32
    %dma_start3A_161 = arith.constant 0 : i32
    %dma_start3A_162 = tpu.memref_slice %arg3[%add3A_160, %dma_start3A_161] : memref<262144x128xf32, #tpu.memory_space<hbm>> -> memref<128x128xf32, #tpu.memory_space<hbm>>
    %dma_start3A_163 = arith.constant 0 : i32
    %dma_start3A_164 = tpu.memref_slice %arg3[%add3A_160, %dma_start3A_163] : memref<262144x128xf32, #tpu.memory_space<hbm>> -> memref<128x128xf32, #tpu.memory_space<hbm>>
    tpu.enqueue_dma source(%arg7 : memref<128x128xf32, #tpu.memory_space<vmem>>) target(%dma_start3A_164 : memref<128x128xf32, #tpu.memory_space<hbm>>) target_semaphore(%arg15 : memref<!tpu.dma_semaphore, #tpu.memory_space<semaphore_mem>>)
    %dma_wait3A_165 = arith.constant 0 : i32
    %dma_wait3A_166 = tpu.memref_slice %arg3[%add3A_140, %dma_wait3A_165] : memref<262144x128xf32, #tpu.memory_space<hbm>> -> memref<128x128xf32, #tpu.memory_space<hbm>>
    %dma_wait3A_167 = arith.constant 0 : i32
    %dma_wait3A_168 = tpu.memref_slice %arg3[%add3A_140, %dma_wait3A_167] : memref<262144x128xf32, #tpu.memory_space<hbm>> -> memref<128x128xf32, #tpu.memory_space<hbm>>
    tpu.wait_dma2 semaphore(%arg14 : memref<!tpu.dma_semaphore, #tpu.memory_space<semaphore_mem>>) src(%arg6 : memref<128x128xf32, #tpu.memory_space<vmem>>) dst(%dma_wait3A_168 : memref<128x128xf32, #tpu.memory_space<hbm>>)
    %add3A_169 = arith.constant 1280 : i32
    %add3A_170 = arith.addi %mul3A_2, %add3A_169 : i32
    %dma_start3A_171 = arith.constant 0 : i32
    %dma_start3A_172 = tpu.memref_slice %arg2[%add3A_170, %dma_start3A_171] : memref<262144x128xf32, #tpu.memory_space<hbm>> -> memref<128x128xf32, #tpu.memory_space<hbm>>
    %dma_start3A_173 = arith.constant 0 : i32
    %dma_start3A_174 = tpu.memref_slice %arg2[%add3A_170, %dma_start3A_173] : memref<262144x128xf32, #tpu.memory_space<hbm>> -> memref<128x128xf32, #tpu.memory_space<hbm>>
    tpu.enqueue_dma source(%dma_start3A_174 : memref<128x128xf32, #tpu.memory_space<hbm>>) target(%arg6 : memref<128x128xf32, #tpu.memory_space<vmem>>) target_semaphore(%arg10 : memref<!tpu.dma_semaphore, #tpu.memory_space<semaphore_mem>>)
    %dma_wait3A_175 = arith.constant 0 : i32
    %dma_wait3A_176 = tpu.memref_slice %arg2[%add3A_130, %dma_wait3A_175] : memref<262144x128xf32, #tpu.memory_space<hbm>> -> memref<128x128xf32, #tpu.memory_space<hbm>>
    %dma_wait3A_177 = arith.constant 0 : i32
    %dma_wait3A_178 = tpu.memref_slice %arg2[%add3A_130, %dma_wait3A_177] : memref<262144x128xf32, #tpu.memory_space<hbm>> -> memref<128x128xf32, #tpu.memory_space<hbm>>
    tpu.wait_dma2 semaphore(%arg8 : memref<!tpu.dma_semaphore, #tpu.memory_space<semaphore_mem>>) src(%dma_wait3A_178 : memref<128x128xf32, #tpu.memory_space<hbm>>) dst(%arg4 : memref<128x128xf32, #tpu.memory_space<vmem>>)
    %add3A_179 = arith.constant 1024 : i32
    %add3A_180 = arith.addi %mul3A_2, %add3A_179 : i32
    %dma_start3A_181 = arith.constant 0 : i32
    %dma_start3A_182 = tpu.memref_slice %arg3[%add3A_180, %dma_start3A_181] : memref<262144x128xf32, #tpu.memory_space<hbm>> -> memref<128x128xf32, #tpu.memory_space<hbm>>
    %dma_start3A_183 = arith.constant 0 : i32
    %dma_start3A_184 = tpu.memref_slice %arg3[%add3A_180, %dma_start3A_183] : memref<262144x128xf32, #tpu.memory_space<hbm>> -> memref<128x128xf32, #tpu.memory_space<hbm>>
    tpu.enqueue_dma source(%arg4 : memref<128x128xf32, #tpu.memory_space<vmem>>) target(%dma_start3A_184 : memref<128x128xf32, #tpu.memory_space<hbm>>) target_semaphore(%arg12 : memref<!tpu.dma_semaphore, #tpu.memory_space<semaphore_mem>>)
    %dma_wait3A_185 = arith.constant 0 : i32
    %dma_wait3A_186 = tpu.memref_slice %arg3[%add3A_160, %dma_wait3A_185] : memref<262144x128xf32, #tpu.memory_space<hbm>> -> memref<128x128xf32, #tpu.memory_space<hbm>>
    %dma_wait3A_187 = arith.constant 0 : i32
    %dma_wait3A_188 = tpu.memref_slice %arg3[%add3A_160, %dma_wait3A_187] : memref<262144x128xf32, #tpu.memory_space<hbm>> -> memref<128x128xf32, #tpu.memory_space<hbm>>
    tpu.wait_dma2 semaphore(%arg15 : memref<!tpu.dma_semaphore, #tpu.memory_space<semaphore_mem>>) src(%arg7 : memref<128x128xf32, #tpu.memory_space<vmem>>) dst(%dma_wait3A_188 : memref<128x128xf32, #tpu.memory_space<hbm>>)
    %add3A_189 = arith.constant 1408 : i32
    %add3A_190 = arith.addi %mul3A_2, %add3A_189 : i32
    %dma_start3A_191 = arith.constant 0 : i32
    %dma_start3A_192 = tpu.memref_slice %arg2[%add3A_190, %dma_start3A_191] : memref<262144x128xf32, #tpu.memory_space<hbm>> -> memref<128x128xf32, #tpu.memory_space<hbm>>
    %dma_start3A_193 = arith.constant 0 : i32
    %dma_start3A_194 = tpu.memref_slice %arg2[%add3A_190, %dma_start3A_193] : memref<262144x128xf32, #tpu.memory_space<hbm>> -> memref<128x128xf32, #tpu.memory_space<hbm>>
    tpu.enqueue_dma source(%dma_start3A_194 : memref<128x128xf32, #tpu.memory_space<hbm>>) target(%arg7 : memref<128x128xf32, #tpu.memory_space<vmem>>) target_semaphore(%arg11 : memref<!tpu.dma_semaphore, #tpu.memory_space<semaphore_mem>>)
    %dma_wait3A_195 = arith.constant 0 : i32
    %dma_wait3A_196 = tpu.memref_slice %arg2[%add3A_150, %dma_wait3A_195] : memref<262144x128xf32, #tpu.memory_space<hbm>> -> memref<128x128xf32, #tpu.memory_space<hbm>>
    %dma_wait3A_197 = arith.constant 0 : i32
    %dma_wait3A_198 = tpu.memref_slice %arg2[%add3A_150, %dma_wait3A_197] : memref<262144x128xf32, #tpu.memory_space<hbm>> -> memref<128x128xf32, #tpu.memory_space<hbm>>
    tpu.wait_dma2 semaphore(%arg9 : memref<!tpu.dma_semaphore, #tpu.memory_space<semaphore_mem>>) src(%dma_wait3A_198 : memref<128x128xf32, #tpu.memory_space<hbm>>) dst(%arg5 : memref<128x128xf32, #tpu.memory_space<vmem>>)
    %add3A_199 = arith.constant 1152 : i32
    %add3A_200 = arith.addi %mul3A_2, %add3A_199 : i32
    %dma_start3A_201 = arith.constant 0 : i32
    %dma_start3A_202 = tpu.memref_slice %arg3[%add3A_200, %dma_start3A_201] : memref<262144x128xf32, #tpu.memory_space<hbm>> -> memref<128x128xf32, #tpu.memory_space<hbm>>
    %dma_start3A_203 = arith.constant 0 : i32
    %dma_start3A_204 = tpu.memref_slice %arg3[%add3A_200, %dma_start3A_203] : memref<262144x128xf32, #tpu.memory_space<hbm>> -> memref<128x128xf32, #tpu.memory_space<hbm>>
    tpu.enqueue_dma source(%arg5 : memref<128x128xf32, #tpu.memory_space<vmem>>) target(%dma_start3A_204 : memref<128x128xf32, #tpu.memory_space<hbm>>) target_semaphore(%arg13 : memref<!tpu.dma_semaphore, #tpu.memory_space<semaphore_mem>>)
    %dma_wait3A_205 = arith.constant 0 : i32
    %dma_wait3A_206 = tpu.memref_slice %arg3[%add3A_180, %dma_wait3A_205] : memref<262144x128xf32, #tpu.memory_space<hbm>> -> memref<128x128xf32, #tpu.memory_space<hbm>>
    %dma_wait3A_207 = arith.constant 0 : i32
    %dma_wait3A_208 = tpu.memref_slice %arg3[%add3A_180, %dma_wait3A_207] : memref<262144x128xf32, #tpu.memory_space<hbm>> -> memref<128x128xf32, #tpu.memory_space<hbm>>
    tpu.wait_dma2 semaphore(%arg12 : memref<!tpu.dma_semaphore, #tpu.memory_space<semaphore_mem>>) src(%arg4 : memref<128x128xf32, #tpu.memory_space<vmem>>) dst(%dma_wait3A_208 : memref<128x128xf32, #tpu.memory_space<hbm>>)
    %add3A_209 = arith.constant 1536 : i32
    %add3A_210 = arith.addi %mul3A_2, %add3A_209 : i32
    %dma_start3A_211 = arith.constant 0 : i32
    %dma_start3A_212 = tpu.memref_slice %arg2[%add3A_210, %dma_start3A_211] : memref<262144x128xf32, #tpu.memory_space<hbm>> -> memref<128x128xf32, #tpu.memory_space<hbm>>
    %dma_start3A_213 = arith.constant 0 : i32
    %dma_start3A_214 = tpu.memref_slice %arg2[%add3A_210, %dma_start3A_213] : memref<262144x128xf32, #tpu.memory_space<hbm>> -> memref<128x128xf32, #tpu.memory_space<hbm>>
    tpu.enqueue_dma source(%dma_start3A_214 : memref<128x128xf32, #tpu.memory_space<hbm>>) target(%arg4 : memref<128x128xf32, #tpu.memory_space<vmem>>) target_semaphore(%arg8 : memref<!tpu.dma_semaphore, #tpu.memory_space<semaphore_mem>>)
    %dma_wait3A_215 = arith.constant 0 : i32
    %dma_wait3A_216 = tpu.memref_slice %arg2[%add3A_170, %dma_wait3A_215] : memref<262144x128xf32, #tpu.memory_space<hbm>> -> memref<128x128xf32, #tpu.memory_space<hbm>>
    %dma_wait3A_217 = arith.constant 0 : i32
    %dma_wait3A_218 = tpu.memref_slice %arg2[%add3A_170, %dma_wait3A_217] : memref<262144x128xf32, #tpu.memory_space<hbm>> -> memref<128x128xf32, #tpu.memory_space<hbm>>
    tpu.wait_dma2 semaphore(%arg10 : memref<!tpu.dma_semaphore, #tpu.memory_space<semaphore_mem>>) src(%dma_wait3A_218 : memref<128x128xf32, #tpu.memory_space<hbm>>) dst(%arg6 : memref<128x128xf32, #tpu.memory_space<vmem>>)
    %add3A_219 = arith.constant 1280 : i32
    %add3A_220 = arith.addi %mul3A_2, %add3A_219 : i32
    %dma_start3A_221 = arith.constant 0 : i32
    %dma_start3A_222 = tpu.memref_slice %arg3[%add3A_220, %dma_start3A_221] : memref<262144x128xf32, #tpu.memory_space<hbm>> -> memref<128x128xf32, #tpu.memory_space<hbm>>
    %dma_start3A_223 = arith.constant 0 : i32
    %dma_start3A_224 = tpu.memref_slice %arg3[%add3A_220, %dma_start3A_223] : memref<262144x128xf32, #tpu.memory_space<hbm>> -> memref<128x128xf32, #tpu.memory_space<hbm>>
    tpu.enqueue_dma source(%arg6 : memref<128x128xf32, #tpu.memory_space<vmem>>) target(%dma_start3A_224 : memref<128x128xf32, #tpu.memory_space<hbm>>) target_semaphore(%arg14 : memref<!tpu.dma_semaphore, #tpu.memory_space<semaphore_mem>>)
    %dma_wait3A_225 = arith.constant 0 : i32
    %dma_wait3A_226 = tpu.memref_slice %arg3[%add3A_200, %dma_wait3A_225] : memref<262144x128xf32, #tpu.memory_space<hbm>> -> memref<128x128xf32, #tpu.memory_space<hbm>>
    %dma_wait3A_227 = arith.constant 0 : i32
    %dma_wait3A_228 = tpu.memref_slice %arg3[%add3A_200, %dma_wait3A_227] : memref<262144x128xf32, #tpu.memory_space<hbm>> -> memref<128x128xf32, #tpu.memory_space<hbm>>
    tpu.wait_dma2 semaphore(%arg13 : memref<!tpu.dma_semaphore, #tpu.memory_space<semaphore_mem>>) src(%arg5 : memref<128x128xf32, #tpu.memory_space<vmem>>) dst(%dma_wait3A_228 : memref<128x128xf32, #tpu.memory_space<hbm>>)
    %add3A_229 = arith.constant 1664 : i32
    %add3A_230 = arith.addi %mul3A_2, %add3A_229 : i32
    %dma_start3A_231 = arith.constant 0 : i32
    %dma_start3A_232 = tpu.memref_slice %arg2[%add3A_230, %dma_start3A_231] : memref<262144x128xf32, #tpu.memory_space<hbm>> -> memref<128x128xf32, #tpu.memory_space<hbm>>
    %dma_start3A_233 = arith.constant 0 : i32
    %dma_start3A_234 = tpu.memref_slice %arg2[%add3A_230, %dma_start3A_233] : memref<262144x128xf32, #tpu.memory_space<hbm>> -> memref<128x128xf32, #tpu.memory_space<hbm>>
    tpu.enqueue_dma source(%dma_start3A_234 : memref<128x128xf32, #tpu.memory_space<hbm>>) target(%arg5 : memref<128x128xf32, #tpu.memory_space<vmem>>) target_semaphore(%arg9 : memref<!tpu.dma_semaphore, #tpu.memory_space<semaphore_mem>>)
    %dma_wait3A_235 = arith.constant 0 : i32
    %dma_wait3A_236 = tpu.memref_slice %arg2[%add3A_190, %dma_wait3A_235] : memref<262144x128xf32, #tpu.memory_space<hbm>> -> memref<128x128xf32, #tpu.memory_space<hbm>>
    %dma_wait3A_237 = arith.constant 0 : i32
    %dma_wait3A_238 = tpu.memref_slice %arg2[%add3A_190, %dma_wait3A_237] : memref<262144x128xf32, #tpu.memory_space<hbm>> -> memref<128x128xf32, #tpu.memory_space<hbm>>
    tpu.wait_dma2 semaphore(%arg11 : memref<!tpu.dma_semaphore, #tpu.memory_space<semaphore_mem>>) src(%dma_wait3A_238 : memref<128x128xf32, #tpu.memory_space<hbm>>) dst(%arg7 : memref<128x128xf32, #tpu.memory_space<vmem>>)
    %add3A_239 = arith.constant 1408 : i32
    %add3A_240 = arith.addi %mul3A_2, %add3A_239 : i32
    %dma_start3A_241 = arith.constant 0 : i32
    %dma_start3A_242 = tpu.memref_slice %arg3[%add3A_240, %dma_start3A_241] : memref<262144x128xf32, #tpu.memory_space<hbm>> -> memref<128x128xf32, #tpu.memory_space<hbm>>
    %dma_start3A_243 = arith.constant 0 : i32
    %dma_start3A_244 = tpu.memref_slice %arg3[%add3A_240, %dma_start3A_243] : memref<262144x128xf32, #tpu.memory_space<hbm>> -> memref<128x128xf32, #tpu.memory_space<hbm>>
    tpu.enqueue_dma source(%arg7 : memref<128x128xf32, #tpu.memory_space<vmem>>) target(%dma_start3A_244 : memref<128x128xf32, #tpu.memory_space<hbm>>) target_semaphore(%arg15 : memref<!tpu.dma_semaphore, #tpu.memory_space<semaphore_mem>>)
    %dma_wait3A_245 = arith.constant 0 : i32
    %dma_wait3A_246 = tpu.memref_slice %arg3[%add3A_220, %dma_wait3A_245] : memref<262144x128xf32, #tpu.memory_space<hbm>> -> memref<128x128xf32, #tpu.memory_space<hbm>>
    %dma_wait3A_247 = arith.constant 0 : i32
    %dma_wait3A_248 = tpu.memref_slice %arg3[%add3A_220, %dma_wait3A_247] : memref<262144x128xf32, #tpu.memory_space<hbm>> -> memref<128x128xf32, #tpu.memory_space<hbm>>
    tpu.wait_dma2 semaphore(%arg14 : memref<!tpu.dma_semaphore, #tpu.memory_space<semaphore_mem>>) src(%arg6 : memref<128x128xf32, #tpu.memory_space<vmem>>) dst(%dma_wait3A_248 : memref<128x128xf32, #tpu.memory_space<hbm>>)
    %add3A_249 = arith.constant 1792 : i32
    %add3A_250 = arith.addi %mul3A_2, %add3A_249 : i32
    %dma_start3A_251 = arith.constant 0 : i32
    %dma_start3A_252 = tpu.memref_slice %arg2[%add3A_250, %dma_start3A_251] : memref<262144x128xf32, #tpu.memory_space<hbm>> -> memref<128x128xf32, #tpu.memory_space<hbm>>
    %dma_start3A_253 = arith.constant 0 : i32
    %dma_start3A_254 = tpu.memref_slice %arg2[%add3A_250, %dma_start3A_253] : memref<262144x128xf32, #tpu.memory_space<hbm>> -> memref<128x128xf32, #tpu.memory_space<hbm>>
    tpu.enqueue_dma source(%dma_start3A_254 : memref<128x128xf32, #tpu.memory_space<hbm>>) target(%arg6 : memref<128x128xf32, #tpu.memory_space<vmem>>) target_semaphore(%arg10 : memref<!tpu.dma_semaphore, #tpu.memory_space<semaphore_mem>>)
    %dma_wait3A_255 = arith.constant 0 : i32
    %dma_wait3A_256 = tpu.memref_slice %arg2[%add3A_210, %dma_wait3A_255] : memref<262144x128xf32, #tpu.memory_space<hbm>> -> memref<128x128xf32, #tpu.memory_space<hbm>>
    %dma_wait3A_257 = arith.constant 0 : i32
    %dma_wait3A_258 = tpu.memref_slice %arg2[%add3A_210, %dma_wait3A_257] : memref<262144x128xf32, #tpu.memory_space<hbm>> -> memref<128x128xf32, #tpu.memory_space<hbm>>
    tpu.wait_dma2 semaphore(%arg8 : memref<!tpu.dma_semaphore, #tpu.memory_space<semaphore_mem>>) src(%dma_wait3A_258 : memref<128x128xf32, #tpu.memory_space<hbm>>) dst(%arg4 : memref<128x128xf32, #tpu.memory_space<vmem>>)
    %add3A_259 = arith.constant 1536 : i32
    %add3A_260 = arith.addi %mul3A_2, %add3A_259 : i32
    %dma_start3A_261 = arith.constant 0 : i32
    %dma_start3A_262 = tpu.memref_slice %arg3[%add3A_260, %dma_start3A_261] : memref<262144x128xf32, #tpu.memory_space<hbm>> -> memref<128x128xf32, #tpu.memory_space<hbm>>
    %dma_start3A_263 = arith.constant 0 : i32
    %dma_start3A_264 = tpu.memref_slice %arg3[%add3A_260, %dma_start3A_263] : memref<262144x128xf32, #tpu.memory_space<hbm>> -> memref<128x128xf32, #tpu.memory_space<hbm>>
    tpu.enqueue_dma source(%arg4 : memref<128x128xf32, #tpu.memory_space<vmem>>) target(%dma_start3A_264 : memref<128x128xf32, #tpu.memory_space<hbm>>) target_semaphore(%arg12 : memref<!tpu.dma_semaphore, #tpu.memory_space<semaphore_mem>>)
    %dma_wait3A_265 = arith.constant 0 : i32
    %dma_wait3A_266 = tpu.memref_slice %arg3[%add3A_240, %dma_wait3A_265] : memref<262144x128xf32, #tpu.memory_space<hbm>> -> memref<128x128xf32, #tpu.memory_space<hbm>>
    %dma_wait3A_267 = arith.constant 0 : i32
    %dma_wait3A_268 = tpu.memref_slice %arg3[%add3A_240, %dma_wait3A_267] : memref<262144x128xf32, #tpu.memory_space<hbm>> -> memref<128x128xf32, #tpu.memory_space<hbm>>
    tpu.wait_dma2 semaphore(%arg15 : memref<!tpu.dma_semaphore, #tpu.memory_space<semaphore_mem>>) src(%arg7 : memref<128x128xf32, #tpu.memory_space<vmem>>) dst(%dma_wait3A_268 : memref<128x128xf32, #tpu.memory_space<hbm>>)
    %add3A_269 = arith.constant 1920 : i32
    %add3A_270 = arith.addi %mul3A_2, %add3A_269 : i32
    %dma_start3A_271 = arith.constant 0 : i32
    %dma_start3A_272 = tpu.memref_slice %arg2[%add3A_270, %dma_start3A_271] : memref<262144x128xf32, #tpu.memory_space<hbm>> -> memref<128x128xf32, #tpu.memory_space<hbm>>
    %dma_start3A_273 = arith.constant 0 : i32
    %dma_start3A_274 = tpu.memref_slice %arg2[%add3A_270, %dma_start3A_273] : memref<262144x128xf32, #tpu.memory_space<hbm>> -> memref<128x128xf32, #tpu.memory_space<hbm>>
    tpu.enqueue_dma source(%dma_start3A_274 : memref<128x128xf32, #tpu.memory_space<hbm>>) target(%arg7 : memref<128x128xf32, #tpu.memory_space<vmem>>) target_semaphore(%arg11 : memref<!tpu.dma_semaphore, #tpu.memory_space<semaphore_mem>>)
    %dma_wait3A_275 = arith.constant 0 : i32
    %dma_wait3A_276 = tpu.memref_slice %arg2[%add3A_230, %dma_wait3A_275] : memref<262144x128xf32, #tpu.memory_space<hbm>> -> memref<128x128xf32, #tpu.memory_space<hbm>>
    %dma_wait3A_277 = arith.constant 0 : i32
    %dma_wait3A_278 = tpu.memref_slice %arg2[%add3A_230, %dma_wait3A_277] : memref<262144x128xf32, #tpu.memory_space<hbm>> -> memref<128x128xf32, #tpu.memory_space<hbm>>
    tpu.wait_dma2 semaphore(%arg9 : memref<!tpu.dma_semaphore, #tpu.memory_space<semaphore_mem>>) src(%dma_wait3A_278 : memref<128x128xf32, #tpu.memory_space<hbm>>) dst(%arg5 : memref<128x128xf32, #tpu.memory_space<vmem>>)
    %add3A_279 = arith.constant 1664 : i32
    %add3A_280 = arith.addi %mul3A_2, %add3A_279 : i32
    %dma_start3A_281 = arith.constant 0 : i32
    %dma_start3A_282 = tpu.memref_slice %arg3[%add3A_280, %dma_start3A_281] : memref<262144x128xf32, #tpu.memory_space<hbm>> -> memref<128x128xf32, #tpu.memory_space<hbm>>
    %dma_start3A_283 = arith.constant 0 : i32
    %dma_start3A_284 = tpu.memref_slice %arg3[%add3A_280, %dma_start3A_283] : memref<262144x128xf32, #tpu.memory_space<hbm>> -> memref<128x128xf32, #tpu.memory_space<hbm>>
    tpu.enqueue_dma source(%arg5 : memref<128x128xf32, #tpu.memory_space<vmem>>) target(%dma_start3A_284 : memref<128x128xf32, #tpu.memory_space<hbm>>) target_semaphore(%arg13 : memref<!tpu.dma_semaphore, #tpu.memory_space<semaphore_mem>>)
    %dma_wait3A_285 = arith.constant 0 : i32
    %dma_wait3A_286 = tpu.memref_slice %arg3[%add3A_260, %dma_wait3A_285] : memref<262144x128xf32, #tpu.memory_space<hbm>> -> memref<128x128xf32, #tpu.memory_space<hbm>>
    %dma_wait3A_287 = arith.constant 0 : i32
    %dma_wait3A_288 = tpu.memref_slice %arg3[%add3A_260, %dma_wait3A_287] : memref<262144x128xf32, #tpu.memory_space<hbm>> -> memref<128x128xf32, #tpu.memory_space<hbm>>
    tpu.wait_dma2 semaphore(%arg12 : memref<!tpu.dma_semaphore, #tpu.memory_space<semaphore_mem>>) src(%arg4 : memref<128x128xf32, #tpu.memory_space<vmem>>) dst(%dma_wait3A_288 : memref<128x128xf32, #tpu.memory_space<hbm>>)
    %add3A_289 = arith.constant 2048 : i32
    %add3A_290 = arith.addi %mul3A_2, %add3A_289 : i32
    %dma_start3A_291 = arith.constant 0 : i32
    %dma_start3A_292 = tpu.memref_slice %arg2[%add3A_290, %dma_start3A_291] : memref<262144x128xf32, #tpu.memory_space<hbm>> -> memref<128x128xf32, #tpu.memory_space<hbm>>
    %dma_start3A_293 = arith.constant 0 : i32
    %dma_start3A_294 = tpu.memref_slice %arg2[%add3A_290, %dma_start3A_293] : memref<262144x128xf32, #tpu.memory_space<hbm>> -> memref<128x128xf32, #tpu.memory_space<hbm>>
    tpu.enqueue_dma source(%dma_start3A_294 : memref<128x128xf32, #tpu.memory_space<hbm>>) target(%arg4 : memref<128x128xf32, #tpu.memory_space<vmem>>) target_semaphore(%arg8 : memref<!tpu.dma_semaphore, #tpu.memory_space<semaphore_mem>>)
    %dma_wait3A_295 = arith.constant 0 : i32
    %dma_wait3A_296 = tpu.memref_slice %arg2[%add3A_250, %dma_wait3A_295] : memref<262144x128xf32, #tpu.memory_space<hbm>> -> memref<128x128xf32, #tpu.memory_space<hbm>>
    %dma_wait3A_297 = arith.constant 0 : i32
    %dma_wait3A_298 = tpu.memref_slice %arg2[%add3A_250, %dma_wait3A_297] : memref<262144x128xf32, #tpu.memory_space<hbm>> -> memref<128x128xf32, #tpu.memory_space<hbm>>
    tpu.wait_dma2 semaphore(%arg10 : memref<!tpu.dma_semaphore, #tpu.memory_space<semaphore_mem>>) src(%dma_wait3A_298 : memref<128x128xf32, #tpu.memory_space<hbm>>) dst(%arg6 : memref<128x128xf32, #tpu.memory_space<vmem>>)
    %add3A_299 = arith.constant 1792 : i32
    %add3A_300 = arith.addi %mul3A_2, %add3A_299 : i32
    %dma_start3A_301 = arith.constant 0 : i32
    %dma_start3A_302 = tpu.memref_slice %arg3[%add3A_300, %dma_start3A_301] : memref<262144x128xf32, #tpu.memory_space<hbm>> -> memref<128x128xf32, #tpu.memory_space<hbm>>
    %dma_start3A_303 = arith.constant 0 : i32
    %dma_start3A_304 = tpu.memref_slice %arg3[%add3A_300, %dma_start3A_303] : memref<262144x128xf32, #tpu.memory_space<hbm>> -> memref<128x128xf32, #tpu.memory_space<hbm>>
    tpu.enqueue_dma source(%arg6 : memref<128x128xf32, #tpu.memory_space<vmem>>) target(%dma_start3A_304 : memref<128x128xf32, #tpu.memory_space<hbm>>) target_semaphore(%arg14 : memref<!tpu.dma_semaphore, #tpu.memory_space<semaphore_mem>>)
    %dma_wait3A_305 = arith.constant 0 : i32
    %dma_wait3A_306 = tpu.memref_slice %arg3[%add3A_280, %dma_wait3A_305] : memref<262144x128xf32, #tpu.memory_space<hbm>> -> memref<128x128xf32, #tpu.memory_space<hbm>>
    %dma_wait3A_307 = arith.constant 0 : i32
    %dma_wait3A_308 = tpu.memref_slice %arg3[%add3A_280, %dma_wait3A_307] : memref<262144x128xf32, #tpu.memory_space<hbm>> -> memref<128x128xf32, #tpu.memory_space<hbm>>
    tpu.wait_dma2 semaphore(%arg13 : memref<!tpu.dma_semaphore, #tpu.memory_space<semaphore_mem>>) src(%arg5 : memref<128x128xf32, #tpu.memory_space<vmem>>) dst(%dma_wait3A_308 : memref<128x128xf32, #tpu.memory_space<hbm>>)
    %add3A_309 = arith.constant 2176 : i32
    %add3A_310 = arith.addi %mul3A_2, %add3A_309 : i32
    %dma_start3A_311 = arith.constant 0 : i32
    %dma_start3A_312 = tpu.memref_slice %arg2[%add3A_310, %dma_start3A_311] : memref<262144x128xf32, #tpu.memory_space<hbm>> -> memref<128x128xf32, #tpu.memory_space<hbm>>
    %dma_start3A_313 = arith.constant 0 : i32
    %dma_start3A_314 = tpu.memref_slice %arg2[%add3A_310, %dma_start3A_313] : memref<262144x128xf32, #tpu.memory_space<hbm>> -> memref<128x128xf32, #tpu.memory_space<hbm>>
    tpu.enqueue_dma source(%dma_start3A_314 : memref<128x128xf32, #tpu.memory_space<hbm>>) target(%arg5 : memref<128x128xf32, #tpu.memory_space<vmem>>) target_semaphore(%arg9 : memref<!tpu.dma_semaphore, #tpu.memory_space<semaphore_mem>>)
    %dma_wait3A_315 = arith.constant 0 : i32
    %dma_wait3A_316 = tpu.memref_slice %arg2[%add3A_270, %dma_wait3A_315] : memref<262144x128xf32, #tpu.memory_space<hbm>> -> memref<128x128xf32, #tpu.memory_space<hbm>>
    %dma_wait3A_317 = arith.constant 0 : i32
    %dma_wait3A_318 = tpu.memref_slice %arg2[%add3A_270, %dma_wait3A_317] : memref<262144x128xf32, #tpu.memory_space<hbm>> -> memref<128x128xf32, #tpu.memory_space<hbm>>
    tpu.wait_dma2 semaphore(%arg11 : memref<!tpu.dma_semaphore, #tpu.memory_space<semaphore_mem>>) src(%dma_wait3A_318 : memref<128x128xf32, #tpu.memory_space<hbm>>) dst(%arg7 : memref<128x128xf32, #tpu.memory_space<vmem>>)
    %add3A_319 = arith.constant 1920 : i32
    %add3A_320 = arith.addi %mul3A_2, %add3A_319 : i32
    %dma_start3A_321 = arith.constant 0 : i32
    %dma_start3A_322 = tpu.memref_slice %arg3[%add3A_320, %dma_start3A_321] : memref<262144x128xf32, #tpu.memory_space<hbm>> -> memref<128x128xf32, #tpu.memory_space<hbm>>
    %dma_start3A_323 = arith.constant 0 : i32
    %dma_start3A_324 = tpu.memref_slice %arg3[%add3A_320, %dma_start3A_323] : memref<262144x128xf32, #tpu.memory_space<hbm>> -> memref<128x128xf32, #tpu.memory_space<hbm>>
    tpu.enqueue_dma source(%arg7 : memref<128x128xf32, #tpu.memory_space<vmem>>) target(%dma_start3A_324 : memref<128x128xf32, #tpu.memory_space<hbm>>) target_semaphore(%arg15 : memref<!tpu.dma_semaphore, #tpu.memory_space<semaphore_mem>>)
    %dma_wait3A_325 = arith.constant 0 : i32
    %dma_wait3A_326 = tpu.memref_slice %arg3[%add3A_300, %dma_wait3A_325] : memref<262144x128xf32, #tpu.memory_space<hbm>> -> memref<128x128xf32, #tpu.memory_space<hbm>>
    %dma_wait3A_327 = arith.constant 0 : i32
    %dma_wait3A_328 = tpu.memref_slice %arg3[%add3A_300, %dma_wait3A_327] : memref<262144x128xf32, #tpu.memory_space<hbm>> -> memref<128x128xf32, #tpu.memory_space<hbm>>
    tpu.wait_dma2 semaphore(%arg14 : memref<!tpu.dma_semaphore, #tpu.memory_space<semaphore_mem>>) src(%arg6 : memref<128x128xf32, #tpu.memory_space<vmem>>) dst(%dma_wait3A_328 : memref<128x128xf32, #tpu.memory_space<hbm>>)
    %add3A_329 = arith.constant 2304 : i32
    %add3A_330 = arith.addi %mul3A_2, %add3A_329 : i32
    %dma_start3A_331 = arith.constant 0 : i32
    %dma_start3A_332 = tpu.memref_slice %arg2[%add3A_330, %dma_start3A_331] : memref<262144x128xf32, #tpu.memory_space<hbm>> -> memref<128x128xf32, #tpu.memory_space<hbm>>
    %dma_start3A_333 = arith.constant 0 : i32
    %dma_start3A_334 = tpu.memref_slice %arg2[%add3A_330, %dma_start3A_333] : memref<262144x128xf32, #tpu.memory_space<hbm>> -> memref<128x128xf32, #tpu.memory_space<hbm>>
    tpu.enqueue_dma source(%dma_start3A_334 : memref<128x128xf32, #tpu.memory_space<hbm>>) target(%arg6 : memref<128x128xf32, #tpu.memory_space<vmem>>) target_semaphore(%arg10 : memref<!tpu.dma_semaphore, #tpu.memory_space<semaphore_mem>>)
    %dma_wait3A_335 = arith.constant 0 : i32
    %dma_wait3A_336 = tpu.memref_slice %arg2[%add3A_290, %dma_wait3A_335] : memref<262144x128xf32, #tpu.memory_space<hbm>> -> memref<128x128xf32, #tpu.memory_space<hbm>>
    %dma_wait3A_337 = arith.constant 0 : i32
    %dma_wait3A_338 = tpu.memref_slice %arg2[%add3A_290, %dma_wait3A_337] : memref<262144x128xf32, #tpu.memory_space<hbm>> -> memref<128x128xf32, #tpu.memory_space<hbm>>
    tpu.wait_dma2 semaphore(%arg8 : memref<!tpu.dma_semaphore, #tpu.memory_space<semaphore_mem>>) src(%dma_wait3A_338 : memref<128x128xf32, #tpu.memory_space<hbm>>) dst(%arg4 : memref<128x128xf32, #tpu.memory_space<vmem>>)
    %add3A_339 = arith.constant 2048 : i32
    %add3A_340 = arith.addi %mul3A_2, %add3A_339 : i32
    %dma_start3A_341 = arith.constant 0 : i32
    %dma_start3A_342 = tpu.memref_slice %arg3[%add3A_340, %dma_start3A_341] : memref<262144x128xf32, #tpu.memory_space<hbm>> -> memref<128x128xf32, #tpu.memory_space<hbm>>
    %dma_start3A_343 = arith.constant 0 : i32
    %dma_start3A_344 = tpu.memref_slice %arg3[%add3A_340, %dma_start3A_343] : memref<262144x128xf32, #tpu.memory_space<hbm>> -> memref<128x128xf32, #tpu.memory_space<hbm>>
    tpu.enqueue_dma source(%arg4 : memref<128x128xf32, #tpu.memory_space<vmem>>) target(%dma_start3A_344 : memref<128x128xf32, #tpu.memory_space<hbm>>) target_semaphore(%arg12 : memref<!tpu.dma_semaphore, #tpu.memory_space<semaphore_mem>>)
    %dma_wait3A_345 = arith.constant 0 : i32
    %dma_wait3A_346 = tpu.memref_slice %arg3[%add3A_320, %dma_wait3A_345] : memref<262144x128xf32, #tpu.memory_space<hbm>> -> memref<128x128xf32, #tpu.memory_space<hbm>>
    %dma_wait3A_347 = arith.constant 0 : i32
    %dma_wait3A_348 = tpu.memref_slice %arg3[%add3A_320, %dma_wait3A_347] : memref<262144x128xf32, #tpu.memory_space<hbm>> -> memref<128x128xf32, #tpu.memory_space<hbm>>
    tpu.wait_dma2 semaphore(%arg15 : memref<!tpu.dma_semaphore, #tpu.memory_space<semaphore_mem>>) src(%arg7 : memref<128x128xf32, #tpu.memory_space<vmem>>) dst(%dma_wait3A_348 : memref<128x128xf32, #tpu.memory_space<hbm>>)
    %add3A_349 = arith.constant 2432 : i32
    %add3A_350 = arith.addi %mul3A_2, %add3A_349 : i32
    %dma_start3A_351 = arith.constant 0 : i32
    %dma_start3A_352 = tpu.memref_slice %arg2[%add3A_350, %dma_start3A_351] : memref<262144x128xf32, #tpu.memory_space<hbm>> -> memref<128x128xf32, #tpu.memory_space<hbm>>
    %dma_start3A_353 = arith.constant 0 : i32
    %dma_start3A_354 = tpu.memref_slice %arg2[%add3A_350, %dma_start3A_353] : memref<262144x128xf32, #tpu.memory_space<hbm>> -> memref<128x128xf32, #tpu.memory_space<hbm>>
    tpu.enqueue_dma source(%dma_start3A_354 : memref<128x128xf32, #tpu.memory_space<hbm>>) target(%arg7 : memref<128x128xf32, #tpu.memory_space<vmem>>) target_semaphore(%arg11 : memref<!tpu.dma_semaphore, #tpu.memory_space<semaphore_mem>>)
    %dma_wait3A_355 = arith.constant 0 : i32
    %dma_wait3A_356 = tpu.memref_slice %arg2[%add3A_310, %dma_wait3A_355] : memref<262144x128xf32, #tpu.memory_space<hbm>> -> memref<128x128xf32, #tpu.memory_space<hbm>>
    %dma_wait3A_357 = arith.constant 0 : i32
    %dma_wait3A_358 = tpu.memref_slice %arg2[%add3A_310, %dma_wait3A_357] : memref<262144x128xf32, #tpu.memory_space<hbm>> -> memref<128x128xf32, #tpu.memory_space<hbm>>
    tpu.wait_dma2 semaphore(%arg9 : memref<!tpu.dma_semaphore, #tpu.memory_space<semaphore_mem>>) src(%dma_wait3A_358 : memref<128x128xf32, #tpu.memory_space<hbm>>) dst(%arg5 : memref<128x128xf32, #tpu.memory_space<vmem>>)
    %add3A_359 = arith.constant 2176 : i32
    %add3A_360 = arith.addi %mul3A_2, %add3A_359 : i32
    %dma_start3A_361 = arith.constant 0 : i32
    %dma_start3A_362 = tpu.memref_slice %arg3[%add3A_360, %dma_start3A_361] : memref<262144x128xf32, #tpu.memory_space<hbm>> -> memref<128x128xf32, #tpu.memory_space<hbm>>
    %dma_start3A_363 = arith.constant 0 : i32
    %dma_start3A_364 = tpu.memref_slice %arg3[%add3A_360, %dma_start3A_363] : memref<262144x128xf32, #tpu.memory_space<hbm>> -> memref<128x128xf32, #tpu.memory_space<hbm>>
    tpu.enqueue_dma source(%arg5 : memref<128x128xf32, #tpu.memory_space<vmem>>) target(%dma_start3A_364 : memref<128x128xf32, #tpu.memory_space<hbm>>) target_semaphore(%arg13 : memref<!tpu.dma_semaphore, #tpu.memory_space<semaphore_mem>>)
    %dma_wait3A_365 = arith.constant 0 : i32
    %dma_wait3A_366 = tpu.memref_slice %arg3[%add3A_340, %dma_wait3A_365] : memref<262144x128xf32, #tpu.memory_space<hbm>> -> memref<128x128xf32, #tpu.memory_space<hbm>>
    %dma_wait3A_367 = arith.constant 0 : i32
    %dma_wait3A_368 = tpu.memref_slice %arg3[%add3A_340, %dma_wait3A_367] : memref<262144x128xf32, #tpu.memory_space<hbm>> -> memref<128x128xf32, #tpu.memory_space<hbm>>
    tpu.wait_dma2 semaphore(%arg12 : memref<!tpu.dma_semaphore, #tpu.memory_space<semaphore_mem>>) src(%arg4 : memref<128x128xf32, #tpu.memory_space<vmem>>) dst(%dma_wait3A_368 : memref<128x128xf32, #tpu.memory_space<hbm>>)
    %add3A_369 = arith.constant 2560 : i32
    %add3A_370 = arith.addi %mul3A_2, %add3A_369 : i32
    %dma_start3A_371 = arith.constant 0 : i32
    %dma_start3A_372 = tpu.memref_slice %arg2[%add3A_370, %dma_start3A_371] : memref<262144x128xf32, #tpu.memory_space<hbm>> -> memref<128x128xf32, #tpu.memory_space<hbm>>
    %dma_start3A_373 = arith.constant 0 : i32
    %dma_start3A_374 = tpu.memref_slice %arg2[%add3A_370, %dma_start3A_373] : memref<262144x128xf32, #tpu.memory_space<hbm>> -> memref<128x128xf32, #tpu.memory_space<hbm>>
    tpu.enqueue_dma source(%dma_start3A_374 : memref<128x128xf32, #tpu.memory_space<hbm>>) target(%arg4 : memref<128x128xf32, #tpu.memory_space<vmem>>) target_semaphore(%arg8 : memref<!tpu.dma_semaphore, #tpu.memory_space<semaphore_mem>>)
    %dma_wait3A_375 = arith.constant 0 : i32
    %dma_wait3A_376 = tpu.memref_slice %arg2[%add3A_330, %dma_wait3A_375] : memref<262144x128xf32, #tpu.memory_space<hbm>> -> memref<128x128xf32, #tpu.memory_space<hbm>>
    %dma_wait3A_377 = arith.constant 0 : i32
    %dma_wait3A_378 = tpu.memref_slice %arg2[%add3A_330, %dma_wait3A_377] : memref<262144x128xf32, #tpu.memory_space<hbm>> -> memref<128x128xf32, #tpu.memory_space<hbm>>
    tpu.wait_dma2 semaphore(%arg10 : memref<!tpu.dma_semaphore, #tpu.memory_space<semaphore_mem>>) src(%dma_wait3A_378 : memref<128x128xf32, #tpu.memory_space<hbm>>) dst(%arg6 : memref<128x128xf32, #tpu.memory_space<vmem>>)
    %add3A_379 = arith.constant 2304 : i32
    %add3A_380 = arith.addi %mul3A_2, %add3A_379 : i32
    %dma_start3A_381 = arith.constant 0 : i32
    %dma_start3A_382 = tpu.memref_slice %arg3[%add3A_380, %dma_start3A_381] : memref<262144x128xf32, #tpu.memory_space<hbm>> -> memref<128x128xf32, #tpu.memory_space<hbm>>
    %dma_start3A_383 = arith.constant 0 : i32
    %dma_start3A_384 = tpu.memref_slice %arg3[%add3A_380, %dma_start3A_383] : memref<262144x128xf32, #tpu.memory_space<hbm>> -> memref<128x128xf32, #tpu.memory_space<hbm>>
    tpu.enqueue_dma source(%arg6 : memref<128x128xf32, #tpu.memory_space<vmem>>) target(%dma_start3A_384 : memref<128x128xf32, #tpu.memory_space<hbm>>) target_semaphore(%arg14 : memref<!tpu.dma_semaphore, #tpu.memory_space<semaphore_mem>>)
    %dma_wait3A_385 = arith.constant 0 : i32
    %dma_wait3A_386 = tpu.memref_slice %arg3[%add3A_360, %dma_wait3A_385] : memref<262144x128xf32, #tpu.memory_space<hbm>> -> memref<128x128xf32, #tpu.memory_space<hbm>>
    %dma_wait3A_387 = arith.constant 0 : i32
    %dma_wait3A_388 = tpu.memref_slice %arg3[%add3A_360, %dma_wait3A_387] : memref<262144x128xf32, #tpu.memory_space<hbm>> -> memref<128x128xf32, #tpu.memory_space<hbm>>
    tpu.wait_dma2 semaphore(%arg13 : memref<!tpu.dma_semaphore, #tpu.memory_space<semaphore_mem>>) src(%arg5 : memref<128x128xf32, #tpu.memory_space<vmem>>) dst(%dma_wait3A_388 : memref<128x128xf32, #tpu.memory_space<hbm>>)
    %add3A_389 = arith.constant 2688 : i32
    %add3A_390 = arith.addi %mul3A_2, %add3A_389 : i32
    %dma_start3A_391 = arith.constant 0 : i32
    %dma_start3A_392 = tpu.memref_slice %arg2[%add3A_390, %dma_start3A_391] : memref<262144x128xf32, #tpu.memory_space<hbm>> -> memref<128x128xf32, #tpu.memory_space<hbm>>
    %dma_start3A_393 = arith.constant 0 : i32
    %dma_start3A_394 = tpu.memref_slice %arg2[%add3A_390, %dma_start3A_393] : memref<262144x128xf32, #tpu.memory_space<hbm>> -> memref<128x128xf32, #tpu.memory_space<hbm>>
    tpu.enqueue_dma source(%dma_start3A_394 : memref<128x128xf32, #tpu.memory_space<hbm>>) target(%arg5 : memref<128x128xf32, #tpu.memory_space<vmem>>) target_semaphore(%arg9 : memref<!tpu.dma_semaphore, #tpu.memory_space<semaphore_mem>>)
    %dma_wait3A_395 = arith.constant 0 : i32
    %dma_wait3A_396 = tpu.memref_slice %arg2[%add3A_350, %dma_wait3A_395] : memref<262144x128xf32, #tpu.memory_space<hbm>> -> memref<128x128xf32, #tpu.memory_space<hbm>>
    %dma_wait3A_397 = arith.constant 0 : i32
    %dma_wait3A_398 = tpu.memref_slice %arg2[%add3A_350, %dma_wait3A_397] : memref<262144x128xf32, #tpu.memory_space<hbm>> -> memref<128x128xf32, #tpu.memory_space<hbm>>
    tpu.wait_dma2 semaphore(%arg11 : memref<!tpu.dma_semaphore, #tpu.memory_space<semaphore_mem>>) src(%dma_wait3A_398 : memref<128x128xf32, #tpu.memory_space<hbm>>) dst(%arg7 : memref<128x128xf32, #tpu.memory_space<vmem>>)
    %add3A_399 = arith.constant 2432 : i32
    %add3A_400 = arith.addi %mul3A_2, %add3A_399 : i32
    %dma_start3A_401 = arith.constant 0 : i32
    %dma_start3A_402 = tpu.memref_slice %arg3[%add3A_400, %dma_start3A_401] : memref<262144x128xf32, #tpu.memory_space<hbm>> -> memref<128x128xf32, #tpu.memory_space<hbm>>
    %dma_start3A_403 = arith.constant 0 : i32
    %dma_start3A_404 = tpu.memref_slice %arg3[%add3A_400, %dma_start3A_403] : memref<262144x128xf32, #tpu.memory_space<hbm>> -> memref<128x128xf32, #tpu.memory_space<hbm>>
    tpu.enqueue_dma source(%arg7 : memref<128x128xf32, #tpu.memory_space<vmem>>) target(%dma_start3A_404 : memref<128x128xf32, #tpu.memory_space<hbm>>) target_semaphore(%arg15 : memref<!tpu.dma_semaphore, #tpu.memory_space<semaphore_mem>>)
    %dma_wait3A_405 = arith.constant 0 : i32
    %dma_wait3A_406 = tpu.memref_slice %arg3[%add3A_380, %dma_wait3A_405] : memref<262144x128xf32, #tpu.memory_space<hbm>> -> memref<128x128xf32, #tpu.memory_space<hbm>>
    %dma_wait3A_407 = arith.constant 0 : i32
    %dma_wait3A_408 = tpu.memref_slice %arg3[%add3A_380, %dma_wait3A_407] : memref<262144x128xf32, #tpu.memory_space<hbm>> -> memref<128x128xf32, #tpu.memory_space<hbm>>
    tpu.wait_dma2 semaphore(%arg14 : memref<!tpu.dma_semaphore, #tpu.memory_space<semaphore_mem>>) src(%arg6 : memref<128x128xf32, #tpu.memory_space<vmem>>) dst(%dma_wait3A_408 : memref<128x128xf32, #tpu.memory_space<hbm>>)
    %add3A_409 = arith.constant 2816 : i32
    %add3A_410 = arith.addi %mul3A_2, %add3A_409 : i32
    %dma_start3A_411 = arith.constant 0 : i32
    %dma_start3A_412 = tpu.memref_slice %arg2[%add3A_410, %dma_start3A_411] : memref<262144x128xf32, #tpu.memory_space<hbm>> -> memref<128x128xf32, #tpu.memory_space<hbm>>
    %dma_start3A_413 = arith.constant 0 : i32
    %dma_start3A_414 = tpu.memref_slice %arg2[%add3A_410, %dma_start3A_413] : memref<262144x128xf32, #tpu.memory_space<hbm>> -> memref<128x128xf32, #tpu.memory_space<hbm>>
    tpu.enqueue_dma source(%dma_start3A_414 : memref<128x128xf32, #tpu.memory_space<hbm>>) target(%arg6 : memref<128x128xf32, #tpu.memory_space<vmem>>) target_semaphore(%arg10 : memref<!tpu.dma_semaphore, #tpu.memory_space<semaphore_mem>>)
    %dma_wait3A_415 = arith.constant 0 : i32
    %dma_wait3A_416 = tpu.memref_slice %arg2[%add3A_370, %dma_wait3A_415] : memref<262144x128xf32, #tpu.memory_space<hbm>> -> memref<128x128xf32, #tpu.memory_space<hbm>>
    %dma_wait3A_417 = arith.constant 0 : i32
    %dma_wait3A_418 = tpu.memref_slice %arg2[%add3A_370, %dma_wait3A_417] : memref<262144x128xf32, #tpu.memory_space<hbm>> -> memref<128x128xf32, #tpu.memory_space<hbm>>
    tpu.wait_dma2 semaphore(%arg8 : memref<!tpu.dma_semaphore, #tpu.memory_space<semaphore_mem>>) src(%dma_wait3A_418 : memref<128x128xf32, #tpu.memory_space<hbm>>) dst(%arg4 : memref<128x128xf32, #tpu.memory_space<vmem>>)
    %add3A_419 = arith.constant 2560 : i32
    %add3A_420 = arith.addi %mul3A_2, %add3A_419 : i32
    %dma_start3A_421 = arith.constant 0 : i32
    %dma_start3A_422 = tpu.memref_slice %arg3[%add3A_420, %dma_start3A_421] : memref<262144x128xf32, #tpu.memory_space<hbm>> -> memref<128x128xf32, #tpu.memory_space<hbm>>
    %dma_start3A_423 = arith.constant 0 : i32
    %dma_start3A_424 = tpu.memref_slice %arg3[%add3A_420, %dma_start3A_423] : memref<262144x128xf32, #tpu.memory_space<hbm>> -> memref<128x128xf32, #tpu.memory_space<hbm>>
    tpu.enqueue_dma source(%arg4 : memref<128x128xf32, #tpu.memory_space<vmem>>) target(%dma_start3A_424 : memref<128x128xf32, #tpu.memory_space<hbm>>) target_semaphore(%arg12 : memref<!tpu.dma_semaphore, #tpu.memory_space<semaphore_mem>>)
    %dma_wait3A_425 = arith.constant 0 : i32
    %dma_wait3A_426 = tpu.memref_slice %arg3[%add3A_400, %dma_wait3A_425] : memref<262144x128xf32, #tpu.memory_space<hbm>> -> memref<128x128xf32, #tpu.memory_space<hbm>>
    %dma_wait3A_427 = arith.constant 0 : i32
    %dma_wait3A_428 = tpu.memref_slice %arg3[%add3A_400, %dma_wait3A_427] : memref<262144x128xf32, #tpu.memory_space<hbm>> -> memref<128x128xf32, #tpu.memory_space<hbm>>
    tpu.wait_dma2 semaphore(%arg15 : memref<!tpu.dma_semaphore, #tpu.memory_space<semaphore_mem>>) src(%arg7 : memref<128x128xf32, #tpu.memory_space<vmem>>) dst(%dma_wait3A_428 : memref<128x128xf32, #tpu.memory_space<hbm>>)
    %add3A_429 = arith.constant 2944 : i32
    %add3A_430 = arith.addi %mul3A_2, %add3A_429 : i32
    %dma_start3A_431 = arith.constant 0 : i32
    %dma_start3A_432 = tpu.memref_slice %arg2[%add3A_430, %dma_start3A_431] : memref<262144x128xf32, #tpu.memory_space<hbm>> -> memref<128x128xf32, #tpu.memory_space<hbm>>
    %dma_start3A_433 = arith.constant 0 : i32
    %dma_start3A_434 = tpu.memref_slice %arg2[%add3A_430, %dma_start3A_433] : memref<262144x128xf32, #tpu.memory_space<hbm>> -> memref<128x128xf32, #tpu.memory_space<hbm>>
    tpu.enqueue_dma source(%dma_start3A_434 : memref<128x128xf32, #tpu.memory_space<hbm>>) target(%arg7 : memref<128x128xf32, #tpu.memory_space<vmem>>) target_semaphore(%arg11 : memref<!tpu.dma_semaphore, #tpu.memory_space<semaphore_mem>>)
    %dma_wait3A_435 = arith.constant 0 : i32
    %dma_wait3A_436 = tpu.memref_slice %arg2[%add3A_390, %dma_wait3A_435] : memref<262144x128xf32, #tpu.memory_space<hbm>> -> memref<128x128xf32, #tpu.memory_space<hbm>>
    %dma_wait3A_437 = arith.constant 0 : i32
    %dma_wait3A_438 = tpu.memref_slice %arg2[%add3A_390, %dma_wait3A_437] : memref<262144x128xf32, #tpu.memory_space<hbm>> -> memref<128x128xf32, #tpu.memory_space<hbm>>
    tpu.wait_dma2 semaphore(%arg9 : memref<!tpu.dma_semaphore, #tpu.memory_space<semaphore_mem>>) src(%dma_wait3A_438 : memref<128x128xf32, #tpu.memory_space<hbm>>) dst(%arg5 : memref<128x128xf32, #tpu.memory_space<vmem>>)
    %add3A_439 = arith.constant 2688 : i32
    %add3A_440 = arith.addi %mul3A_2, %add3A_439 : i32
    %dma_start3A_441 = arith.constant 0 : i32
    %dma_start3A_442 = tpu.memref_slice %arg3[%add3A_440, %dma_start3A_441] : memref<262144x128xf32, #tpu.memory_space<hbm>> -> memref<128x128xf32, #tpu.memory_space<hbm>>
    %dma_start3A_443 = arith.constant 0 : i32
    %dma_start3A_444 = tpu.memref_slice %arg3[%add3A_440, %dma_start3A_443] : memref<262144x128xf32, #tpu.memory_space<hbm>> -> memref<128x128xf32, #tpu.memory_space<hbm>>
    tpu.enqueue_dma source(%arg5 : memref<128x128xf32, #tpu.memory_space<vmem>>) target(%dma_start3A_444 : memref<128x128xf32, #tpu.memory_space<hbm>>) target_semaphore(%arg13 : memref<!tpu.dma_semaphore, #tpu.memory_space<semaphore_mem>>)
    %dma_wait3A_445 = arith.constant 0 : i32
    %dma_wait3A_446 = tpu.memref_slice %arg3[%add3A_420, %dma_wait3A_445] : memref<262144x128xf32, #tpu.memory_space<hbm>> -> memref<128x128xf32, #tpu.memory_space<hbm>>
    %dma_wait3A_447 = arith.constant 0 : i32
    %dma_wait3A_448 = tpu.memref_slice %arg3[%add3A_420, %dma_wait3A_447] : memref<262144x128xf32, #tpu.memory_space<hbm>> -> memref<128x128xf32, #tpu.memory_space<hbm>>
    tpu.wait_dma2 semaphore(%arg12 : memref<!tpu.dma_semaphore, #tpu.memory_space<semaphore_mem>>) src(%arg4 : memref<128x128xf32, #tpu.memory_space<vmem>>) dst(%dma_wait3A_448 : memref<128x128xf32, #tpu.memory_space<hbm>>)
    %add3A_449 = arith.constant 3072 : i32
    %add3A_450 = arith.addi %mul3A_2, %add3A_449 : i32
    %dma_start3A_451 = arith.constant 0 : i32
    %dma_start3A_452 = tpu.memref_slice %arg2[%add3A_450, %dma_start3A_451] : memref<262144x128xf32, #tpu.memory_space<hbm>> -> memref<128x128xf32, #tpu.memory_space<hbm>>
    %dma_start3A_453 = arith.constant 0 : i32
    %dma_start3A_454 = tpu.memref_slice %arg2[%add3A_450, %dma_start3A_453] : memref<262144x128xf32, #tpu.memory_space<hbm>> -> memref<128x128xf32, #tpu.memory_space<hbm>>
    tpu.enqueue_dma source(%dma_start3A_454 : memref<128x128xf32, #tpu.memory_space<hbm>>) target(%arg4 : memref<128x128xf32, #tpu.memory_space<vmem>>) target_semaphore(%arg8 : memref<!tpu.dma_semaphore, #tpu.memory_space<semaphore_mem>>)
    %dma_wait3A_455 = arith.constant 0 : i32
    %dma_wait3A_456 = tpu.memref_slice %arg2[%add3A_410, %dma_wait3A_455] : memref<262144x128xf32, #tpu.memory_space<hbm>> -> memref<128x128xf32, #tpu.memory_space<hbm>>
    %dma_wait3A_457 = arith.constant 0 : i32
    %dma_wait3A_458 = tpu.memref_slice %arg2[%add3A_410, %dma_wait3A_457] : memref<262144x128xf32, #tpu.memory_space<hbm>> -> memref<128x128xf32, #tpu.memory_space<hbm>>
    tpu.wait_dma2 semaphore(%arg10 : memref<!tpu.dma_semaphore, #tpu.memory_space<semaphore_mem>>) src(%dma_wait3A_458 : memref<128x128xf32, #tpu.memory_space<hbm>>) dst(%arg6 : memref<128x128xf32, #tpu.memory_space<vmem>>)
    %add3A_459 = arith.constant 2816 : i32
    %add3A_460 = arith.addi %mul3A_2, %add3A_459 : i32
    %dma_start3A_461 = arith.constant 0 : i32
    %dma_start3A_462 = tpu.memref_slice %arg3[%add3A_460, %dma_start3A_461] : memref<262144x128xf32, #tpu.memory_space<hbm>> -> memref<128x128xf32, #tpu.memory_space<hbm>>
    %dma_start3A_463 = arith.constant 0 : i32
    %dma_start3A_464 = tpu.memref_slice %arg3[%add3A_460, %dma_start3A_463] : memref<262144x128xf32, #tpu.memory_space<hbm>> -> memref<128x128xf32, #tpu.memory_space<hbm>>
    tpu.enqueue_dma source(%arg6 : memref<128x128xf32, #tpu.memory_space<vmem>>) target(%dma_start3A_464 : memref<128x128xf32, #tpu.memory_space<hbm>>) target_semaphore(%arg14 : memref<!tpu.dma_semaphore, #tpu.memory_space<semaphore_mem>>)
    %dma_wait3A_465 = arith.constant 0 : i32
    %dma_wait3A_466 = tpu.memref_slice %arg3[%add3A_440, %dma_wait3A_465] : memref<262144x128xf32, #tpu.memory_space<hbm>> -> memref<128x128xf32, #tpu.memory_space<hbm>>
    %dma_wait3A_467 = arith.constant 0 : i32
    %dma_wait3A_468 = tpu.memref_slice %arg3[%add3A_440, %dma_wait3A_467] : memref<262144x128xf32, #tpu.memory_space<hbm>> -> memref<128x128xf32, #tpu.memory_space<hbm>>
    tpu.wait_dma2 semaphore(%arg13 : memref<!tpu.dma_semaphore, #tpu.memory_space<semaphore_mem>>) src(%arg5 : memref<128x128xf32, #tpu.memory_space<vmem>>) dst(%dma_wait3A_468 : memref<128x128xf32, #tpu.memory_space<hbm>>)
    %add3A_469 = arith.constant 3200 : i32
    %add3A_470 = arith.addi %mul3A_2, %add3A_469 : i32
    %dma_start3A_471 = arith.constant 0 : i32
    %dma_start3A_472 = tpu.memref_slice %arg2[%add3A_470, %dma_start3A_471] : memref<262144x128xf32, #tpu.memory_space<hbm>> -> memref<128x128xf32, #tpu.memory_space<hbm>>
    %dma_start3A_473 = arith.constant 0 : i32
    %dma_start3A_474 = tpu.memref_slice %arg2[%add3A_470, %dma_start3A_473] : memref<262144x128xf32, #tpu.memory_space<hbm>> -> memref<128x128xf32, #tpu.memory_space<hbm>>
    tpu.enqueue_dma source(%dma_start3A_474 : memref<128x128xf32, #tpu.memory_space<hbm>>) target(%arg5 : memref<128x128xf32, #tpu.memory_space<vmem>>) target_semaphore(%arg9 : memref<!tpu.dma_semaphore, #tpu.memory_space<semaphore_mem>>)
    %dma_wait3A_475 = arith.constant 0 : i32
    %dma_wait3A_476 = tpu.memref_slice %arg2[%add3A_430, %dma_wait3A_475] : memref<262144x128xf32, #tpu.memory_space<hbm>> -> memref<128x128xf32, #tpu.memory_space<hbm>>
    %dma_wait3A_477 = arith.constant 0 : i32
    %dma_wait3A_478 = tpu.memref_slice %arg2[%add3A_430, %dma_wait3A_477] : memref<262144x128xf32, #tpu.memory_space<hbm>> -> memref<128x128xf32, #tpu.memory_space<hbm>>
    tpu.wait_dma2 semaphore(%arg11 : memref<!tpu.dma_semaphore, #tpu.memory_space<semaphore_mem>>) src(%dma_wait3A_478 : memref<128x128xf32, #tpu.memory_space<hbm>>) dst(%arg7 : memref<128x128xf32, #tpu.memory_space<vmem>>)
    %add3A_479 = arith.constant 2944 : i32
    %add3A_480 = arith.addi %mul3A_2, %add3A_479 : i32
    %dma_start3A_481 = arith.constant 0 : i32
    %dma_start3A_482 = tpu.memref_slice %arg3[%add3A_480, %dma_start3A_481] : memref<262144x128xf32, #tpu.memory_space<hbm>> -> memref<128x128xf32, #tpu.memory_space<hbm>>
    %dma_start3A_483 = arith.constant 0 : i32
    %dma_start3A_484 = tpu.memref_slice %arg3[%add3A_480, %dma_start3A_483] : memref<262144x128xf32, #tpu.memory_space<hbm>> -> memref<128x128xf32, #tpu.memory_space<hbm>>
    tpu.enqueue_dma source(%arg7 : memref<128x128xf32, #tpu.memory_space<vmem>>) target(%dma_start3A_484 : memref<128x128xf32, #tpu.memory_space<hbm>>) target_semaphore(%arg15 : memref<!tpu.dma_semaphore, #tpu.memory_space<semaphore_mem>>)
    %dma_wait3A_485 = arith.constant 0 : i32
    %dma_wait3A_486 = tpu.memref_slice %arg3[%add3A_460, %dma_wait3A_485] : memref<262144x128xf32, #tpu.memory_space<hbm>> -> memref<128x128xf32, #tpu.memory_space<hbm>>
    %dma_wait3A_487 = arith.constant 0 : i32
    %dma_wait3A_488 = tpu.memref_slice %arg3[%add3A_460, %dma_wait3A_487] : memref<262144x128xf32, #tpu.memory_space<hbm>> -> memref<128x128xf32, #tpu.memory_space<hbm>>
    tpu.wait_dma2 semaphore(%arg14 : memref<!tpu.dma_semaphore, #tpu.memory_space<semaphore_mem>>) src(%arg6 : memref<128x128xf32, #tpu.memory_space<vmem>>) dst(%dma_wait3A_488 : memref<128x128xf32, #tpu.memory_space<hbm>>)
    %add3A_489 = arith.constant 3328 : i32
    %add3A_490 = arith.addi %mul3A_2, %add3A_489 : i32
    %dma_start3A_491 = arith.constant 0 : i32
    %dma_start3A_492 = tpu.memref_slice %arg2[%add3A_490, %dma_start3A_491] : memref<262144x128xf32, #tpu.memory_space<hbm>> -> memref<128x128xf32, #tpu.memory_space<hbm>>
    %dma_start3A_493 = arith.constant 0 : i32
    %dma_start3A_494 = tpu.memref_slice %arg2[%add3A_490, %dma_start3A_493] : memref<262144x128xf32, #tpu.memory_space<hbm>> -> memref<128x128xf32, #tpu.memory_space<hbm>>
    tpu.enqueue_dma source(%dma_start3A_494 : memref<128x128xf32, #tpu.memory_space<hbm>>) target(%arg6 : memref<128x128xf32, #tpu.memory_space<vmem>>) target_semaphore(%arg10 : memref<!tpu.dma_semaphore, #tpu.memory_space<semaphore_mem>>)
    %dma_wait3A_495 = arith.constant 0 : i32
    %dma_wait3A_496 = tpu.memref_slice %arg2[%add3A_450, %dma_wait3A_495] : memref<262144x128xf32, #tpu.memory_space<hbm>> -> memref<128x128xf32, #tpu.memory_space<hbm>>
    %dma_wait3A_497 = arith.constant 0 : i32
    %dma_wait3A_498 = tpu.memref_slice %arg2[%add3A_450, %dma_wait3A_497] : memref<262144x128xf32, #tpu.memory_space<hbm>> -> memref<128x128xf32, #tpu.memory_space<hbm>>
    tpu.wait_dma2 semaphore(%arg8 : memref<!tpu.dma_semaphore, #tpu.memory_space<semaphore_mem>>) src(%dma_wait3A_498 : memref<128x128xf32, #tpu.memory_space<hbm>>) dst(%arg4 : memref<128x128xf32, #tpu.memory_space<vmem>>)
    %add3A_499 = arith.constant 3072 : i32
    %add3A_500 = arith.addi %mul3A_2, %add3A_499 : i32
    %dma_start3A_501 = arith.constant 0 : i32
    %dma_start3A_502 = tpu.memref_slice %arg3[%add3A_500, %dma_start3A_501] : memref<262144x128xf32, #tpu.memory_space<hbm>> -> memref<128x128xf32, #tpu.memory_space<hbm>>
    %dma_start3A_503 = arith.constant 0 : i32
    %dma_start3A_504 = tpu.memref_slice %arg3[%add3A_500, %dma_start3A_503] : memref<262144x128xf32, #tpu.memory_space<hbm>> -> memref<128x128xf32, #tpu.memory_space<hbm>>
    tpu.enqueue_dma source(%arg4 : memref<128x128xf32, #tpu.memory_space<vmem>>) target(%dma_start3A_504 : memref<128x128xf32, #tpu.memory_space<hbm>>) target_semaphore(%arg12 : memref<!tpu.dma_semaphore, #tpu.memory_space<semaphore_mem>>)
    %dma_wait3A_505 = arith.constant 0 : i32
    %dma_wait3A_506 = tpu.memref_slice %arg3[%add3A_480, %dma_wait3A_505] : memref<262144x128xf32, #tpu.memory_space<hbm>> -> memref<128x128xf32, #tpu.memory_space<hbm>>
    %dma_wait3A_507 = arith.constant 0 : i32
    %dma_wait3A_508 = tpu.memref_slice %arg3[%add3A_480, %dma_wait3A_507] : memref<262144x128xf32, #tpu.memory_space<hbm>> -> memref<128x128xf32, #tpu.memory_space<hbm>>
    tpu.wait_dma2 semaphore(%arg15 : memref<!tpu.dma_semaphore, #tpu.memory_space<semaphore_mem>>) src(%arg7 : memref<128x128xf32, #tpu.memory_space<vmem>>) dst(%dma_wait3A_508 : memref<128x128xf32, #tpu.memory_space<hbm>>)
    %add3A_509 = arith.constant 3456 : i32
    %add3A_510 = arith.addi %mul3A_2, %add3A_509 : i32
    %dma_start3A_511 = arith.constant 0 : i32
    %dma_start3A_512 = tpu.memref_slice %arg2[%add3A_510, %dma_start3A_511] : memref<262144x128xf32, #tpu.memory_space<hbm>> -> memref<128x128xf32, #tpu.memory_space<hbm>>
    %dma_start3A_513 = arith.constant 0 : i32
    %dma_start3A_514 = tpu.memref_slice %arg2[%add3A_510, %dma_start3A_513] : memref<262144x128xf32, #tpu.memory_space<hbm>> -> memref<128x128xf32, #tpu.memory_space<hbm>>
    tpu.enqueue_dma source(%dma_start3A_514 : memref<128x128xf32, #tpu.memory_space<hbm>>) target(%arg7 : memref<128x128xf32, #tpu.memory_space<vmem>>) target_semaphore(%arg11 : memref<!tpu.dma_semaphore, #tpu.memory_space<semaphore_mem>>)
    %dma_wait3A_515 = arith.constant 0 : i32
    %dma_wait3A_516 = tpu.memref_slice %arg2[%add3A_470, %dma_wait3A_515] : memref<262144x128xf32, #tpu.memory_space<hbm>> -> memref<128x128xf32, #tpu.memory_space<hbm>>
    %dma_wait3A_517 = arith.constant 0 : i32
    %dma_wait3A_518 = tpu.memref_slice %arg2[%add3A_470, %dma_wait3A_517] : memref<262144x128xf32, #tpu.memory_space<hbm>> -> memref<128x128xf32, #tpu.memory_space<hbm>>
    tpu.wait_dma2 semaphore(%arg9 : memref<!tpu.dma_semaphore, #tpu.memory_space<semaphore_mem>>) src(%dma_wait3A_518 : memref<128x128xf32, #tpu.memory_space<hbm>>) dst(%arg5 : memref<128x128xf32, #tpu.memory_space<vmem>>)
    %add3A_519 = arith.constant 3200 : i32
    %add3A_520 = arith.addi %mul3A_2, %add3A_519 : i32
    %dma_start3A_521 = arith.constant 0 : i32
    %dma_start3A_522 = tpu.memref_slice %arg3[%add3A_520, %dma_start3A_521] : memref<262144x128xf32, #tpu.memory_space<hbm>> -> memref<128x128xf32, #tpu.memory_space<hbm>>
    %dma_start3A_523 = arith.constant 0 : i32
    %dma_start3A_524 = tpu.memref_slice %arg3[%add3A_520, %dma_start3A_523] : memref<262144x128xf32, #tpu.memory_space<hbm>> -> memref<128x128xf32, #tpu.memory_space<hbm>>
    tpu.enqueue_dma source(%arg5 : memref<128x128xf32, #tpu.memory_space<vmem>>) target(%dma_start3A_524 : memref<128x128xf32, #tpu.memory_space<hbm>>) target_semaphore(%arg13 : memref<!tpu.dma_semaphore, #tpu.memory_space<semaphore_mem>>)
    %dma_wait3A_525 = arith.constant 0 : i32
    %dma_wait3A_526 = tpu.memref_slice %arg3[%add3A_500, %dma_wait3A_525] : memref<262144x128xf32, #tpu.memory_space<hbm>> -> memref<128x128xf32, #tpu.memory_space<hbm>>
    %dma_wait3A_527 = arith.constant 0 : i32
    %dma_wait3A_528 = tpu.memref_slice %arg3[%add3A_500, %dma_wait3A_527] : memref<262144x128xf32, #tpu.memory_space<hbm>> -> memref<128x128xf32, #tpu.memory_space<hbm>>
    tpu.wait_dma2 semaphore(%arg12 : memref<!tpu.dma_semaphore, #tpu.memory_space<semaphore_mem>>) src(%arg4 : memref<128x128xf32, #tpu.memory_space<vmem>>) dst(%dma_wait3A_528 : memref<128x128xf32, #tpu.memory_space<hbm>>)
    %add3A_529 = arith.constant 3584 : i32
    %add3A_530 = arith.addi %mul3A_2, %add3A_529 : i32
    %dma_start3A_531 = arith.constant 0 : i32
    %dma_start3A_532 = tpu.memref_slice %arg2[%add3A_530, %dma_start3A_531] : memref<262144x128xf32, #tpu.memory_space<hbm>> -> memref<128x128xf32, #tpu.memory_space<hbm>>
    %dma_start3A_533 = arith.constant 0 : i32
    %dma_start3A_534 = tpu.memref_slice %arg2[%add3A_530, %dma_start3A_533] : memref<262144x128xf32, #tpu.memory_space<hbm>> -> memref<128x128xf32, #tpu.memory_space<hbm>>
    tpu.enqueue_dma source(%dma_start3A_534 : memref<128x128xf32, #tpu.memory_space<hbm>>) target(%arg4 : memref<128x128xf32, #tpu.memory_space<vmem>>) target_semaphore(%arg8 : memref<!tpu.dma_semaphore, #tpu.memory_space<semaphore_mem>>)
    %dma_wait3A_535 = arith.constant 0 : i32
    %dma_wait3A_536 = tpu.memref_slice %arg2[%add3A_490, %dma_wait3A_535] : memref<262144x128xf32, #tpu.memory_space<hbm>> -> memref<128x128xf32, #tpu.memory_space<hbm>>
    %dma_wait3A_537 = arith.constant 0 : i32
    %dma_wait3A_538 = tpu.memref_slice %arg2[%add3A_490, %dma_wait3A_537] : memref<262144x128xf32, #tpu.memory_space<hbm>> -> memref<128x128xf32, #tpu.memory_space<hbm>>
    tpu.wait_dma2 semaphore(%arg10 : memref<!tpu.dma_semaphore, #tpu.memory_space<semaphore_mem>>) src(%dma_wait3A_538 : memref<128x128xf32, #tpu.memory_space<hbm>>) dst(%arg6 : memref<128x128xf32, #tpu.memory_space<vmem>>)
    %add3A_539 = arith.constant 3328 : i32
    %add3A_540 = arith.addi %mul3A_2, %add3A_539 : i32
    %dma_start3A_541 = arith.constant 0 : i32
    %dma_start3A_542 = tpu.memref_slice %arg3[%add3A_540, %dma_start3A_541] : memref<262144x128xf32, #tpu.memory_space<hbm>> -> memref<128x128xf32, #tpu.memory_space<hbm>>
    %dma_start3A_543 = arith.constant 0 : i32
    %dma_start3A_544 = tpu.memref_slice %arg3[%add3A_540, %dma_start3A_543] : memref<262144x128xf32, #tpu.memory_space<hbm>> -> memref<128x128xf32, #tpu.memory_space<hbm>>
    tpu.enqueue_dma source(%arg6 : memref<128x128xf32, #tpu.memory_space<vmem>>) target(%dma_start3A_544 : memref<128x128xf32, #tpu.memory_space<hbm>>) target_semaphore(%arg14 : memref<!tpu.dma_semaphore, #tpu.memory_space<semaphore_mem>>)
    %dma_wait3A_545 = arith.constant 0 : i32
    %dma_wait3A_546 = tpu.memref_slice %arg3[%add3A_520, %dma_wait3A_545] : memref<262144x128xf32, #tpu.memory_space<hbm>> -> memref<128x128xf32, #tpu.memory_space<hbm>>
    %dma_wait3A_547 = arith.constant 0 : i32
    %dma_wait3A_548 = tpu.memref_slice %arg3[%add3A_520, %dma_wait3A_547] : memref<262144x128xf32, #tpu.memory_space<hbm>> -> memref<128x128xf32, #tpu.memory_space<hbm>>
    tpu.wait_dma2 semaphore(%arg13 : memref<!tpu.dma_semaphore, #tpu.memory_space<semaphore_mem>>) src(%arg5 : memref<128x128xf32, #tpu.memory_space<vmem>>) dst(%dma_wait3A_548 : memref<128x128xf32, #tpu.memory_space<hbm>>)
    %add3A_549 = arith.constant 3712 : i32
    %add3A_550 = arith.addi %mul3A_2, %add3A_549 : i32
    %dma_start3A_551 = arith.constant 0 : i32
    %dma_start3A_552 = tpu.memref_slice %arg2[%add3A_550, %dma_start3A_551] : memref<262144x128xf32, #tpu.memory_space<hbm>> -> memref<128x128xf32, #tpu.memory_space<hbm>>
    %dma_start3A_553 = arith.constant 0 : i32
    %dma_start3A_554 = tpu.memref_slice %arg2[%add3A_550, %dma_start3A_553] : memref<262144x128xf32, #tpu.memory_space<hbm>> -> memref<128x128xf32, #tpu.memory_space<hbm>>
    tpu.enqueue_dma source(%dma_start3A_554 : memref<128x128xf32, #tpu.memory_space<hbm>>) target(%arg5 : memref<128x128xf32, #tpu.memory_space<vmem>>) target_semaphore(%arg9 : memref<!tpu.dma_semaphore, #tpu.memory_space<semaphore_mem>>)
    %dma_wait3A_555 = arith.constant 0 : i32
    %dma_wait3A_556 = tpu.memref_slice %arg2[%add3A_510, %dma_wait3A_555] : memref<262144x128xf32, #tpu.memory_space<hbm>> -> memref<128x128xf32, #tpu.memory_space<hbm>>
    %dma_wait3A_557 = arith.constant 0 : i32
    %dma_wait3A_558 = tpu.memref_slice %arg2[%add3A_510, %dma_wait3A_557] : memref<262144x128xf32, #tpu.memory_space<hbm>> -> memref<128x128xf32, #tpu.memory_space<hbm>>
    tpu.wait_dma2 semaphore(%arg11 : memref<!tpu.dma_semaphore, #tpu.memory_space<semaphore_mem>>) src(%dma_wait3A_558 : memref<128x128xf32, #tpu.memory_space<hbm>>) dst(%arg7 : memref<128x128xf32, #tpu.memory_space<vmem>>)
    %add3A_559 = arith.constant 3456 : i32
    %add3A_560 = arith.addi %mul3A_2, %add3A_559 : i32
    %dma_start3A_561 = arith.constant 0 : i32
    %dma_start3A_562 = tpu.memref_slice %arg3[%add3A_560, %dma_start3A_561] : memref<262144x128xf32, #tpu.memory_space<hbm>> -> memref<128x128xf32, #tpu.memory_space<hbm>>
    %dma_start3A_563 = arith.constant 0 : i32
    %dma_start3A_564 = tpu.memref_slice %arg3[%add3A_560, %dma_start3A_563] : memref<262144x128xf32, #tpu.memory_space<hbm>> -> memref<128x128xf32, #tpu.memory_space<hbm>>
    tpu.enqueue_dma source(%arg7 : memref<128x128xf32, #tpu.memory_space<vmem>>) target(%dma_start3A_564 : memref<128x128xf32, #tpu.memory_space<hbm>>) target_semaphore(%arg15 : memref<!tpu.dma_semaphore, #tpu.memory_space<semaphore_mem>>)
    %dma_wait3A_565 = arith.constant 0 : i32
    %dma_wait3A_566 = tpu.memref_slice %arg3[%add3A_540, %dma_wait3A_565] : memref<262144x128xf32, #tpu.memory_space<hbm>> -> memref<128x128xf32, #tpu.memory_space<hbm>>
    %dma_wait3A_567 = arith.constant 0 : i32
    %dma_wait3A_568 = tpu.memref_slice %arg3[%add3A_540, %dma_wait3A_567] : memref<262144x128xf32, #tpu.memory_space<hbm>> -> memref<128x128xf32, #tpu.memory_space<hbm>>
    tpu.wait_dma2 semaphore(%arg14 : memref<!tpu.dma_semaphore, #tpu.memory_space<semaphore_mem>>) src(%arg6 : memref<128x128xf32, #tpu.memory_space<vmem>>) dst(%dma_wait3A_568 : memref<128x128xf32, #tpu.memory_space<hbm>>)
    %add3A_569 = arith.constant 3840 : i32
    %add3A_570 = arith.addi %mul3A_2, %add3A_569 : i32
    %dma_start3A_571 = arith.constant 0 : i32
    %dma_start3A_572 = tpu.memref_slice %arg2[%add3A_570, %dma_start3A_571] : memref<262144x128xf32, #tpu.memory_space<hbm>> -> memref<128x128xf32, #tpu.memory_space<hbm>>
    %dma_start3A_573 = arith.constant 0 : i32
    %dma_start3A_574 = tpu.memref_slice %arg2[%add3A_570, %dma_start3A_573] : memref<262144x128xf32, #tpu.memory_space<hbm>> -> memref<128x128xf32, #tpu.memory_space<hbm>>
    tpu.enqueue_dma source(%dma_start3A_574 : memref<128x128xf32, #tpu.memory_space<hbm>>) target(%arg6 : memref<128x128xf32, #tpu.memory_space<vmem>>) target_semaphore(%arg10 : memref<!tpu.dma_semaphore, #tpu.memory_space<semaphore_mem>>)
    %dma_wait3A_575 = arith.constant 0 : i32
    %dma_wait3A_576 = tpu.memref_slice %arg2[%add3A_530, %dma_wait3A_575] : memref<262144x128xf32, #tpu.memory_space<hbm>> -> memref<128x128xf32, #tpu.memory_space<hbm>>
    %dma_wait3A_577 = arith.constant 0 : i32
    %dma_wait3A_578 = tpu.memref_slice %arg2[%add3A_530, %dma_wait3A_577] : memref<262144x128xf32, #tpu.memory_space<hbm>> -> memref<128x128xf32, #tpu.memory_space<hbm>>
    tpu.wait_dma2 semaphore(%arg8 : memref<!tpu.dma_semaphore, #tpu.memory_space<semaphore_mem>>) src(%dma_wait3A_578 : memref<128x128xf32, #tpu.memory_space<hbm>>) dst(%arg4 : memref<128x128xf32, #tpu.memory_space<vmem>>)
    %add3A_579 = arith.constant 3584 : i32
    %add3A_580 = arith.addi %mul3A_2, %add3A_579 : i32
    %dma_start3A_581 = arith.constant 0 : i32
    %dma_start3A_582 = tpu.memref_slice %arg3[%add3A_580, %dma_start3A_581] : memref<262144x128xf32, #tpu.memory_space<hbm>> -> memref<128x128xf32, #tpu.memory_space<hbm>>
    %dma_start3A_583 = arith.constant 0 : i32
    %dma_start3A_584 = tpu.memref_slice %arg3[%add3A_580, %dma_start3A_583] : memref<262144x128xf32, #tpu.memory_space<hbm>> -> memref<128x128xf32, #tpu.memory_space<hbm>>
    tpu.enqueue_dma source(%arg4 : memref<128x128xf32, #tpu.memory_space<vmem>>) target(%dma_start3A_584 : memref<128x128xf32, #tpu.memory_space<hbm>>) target_semaphore(%arg12 : memref<!tpu.dma_semaphore, #tpu.memory_space<semaphore_mem>>)
    %dma_wait3A_585 = arith.constant 0 : i32
    %dma_wait3A_586 = tpu.memref_slice %arg3[%add3A_560, %dma_wait3A_585] : memref<262144x128xf32, #tpu.memory_space<hbm>> -> memref<128x128xf32, #tpu.memory_space<hbm>>
    %dma_wait3A_587 = arith.constant 0 : i32
    %dma_wait3A_588 = tpu.memref_slice %arg3[%add3A_560, %dma_wait3A_587] : memref<262144x128xf32, #tpu.memory_space<hbm>> -> memref<128x128xf32, #tpu.memory_space<hbm>>
    tpu.wait_dma2 semaphore(%arg15 : memref<!tpu.dma_semaphore, #tpu.memory_space<semaphore_mem>>) src(%arg7 : memref<128x128xf32, #tpu.memory_space<vmem>>) dst(%dma_wait3A_588 : memref<128x128xf32, #tpu.memory_space<hbm>>)
    %add3A_589 = arith.constant 3968 : i32
    %add3A_590 = arith.addi %mul3A_2, %add3A_589 : i32
    %dma_start3A_591 = arith.constant 0 : i32
    %dma_start3A_592 = tpu.memref_slice %arg2[%add3A_590, %dma_start3A_591] : memref<262144x128xf32, #tpu.memory_space<hbm>> -> memref<128x128xf32, #tpu.memory_space<hbm>>
    %dma_start3A_593 = arith.constant 0 : i32
    %dma_start3A_594 = tpu.memref_slice %arg2[%add3A_590, %dma_start3A_593] : memref<262144x128xf32, #tpu.memory_space<hbm>> -> memref<128x128xf32, #tpu.memory_space<hbm>>
    tpu.enqueue_dma source(%dma_start3A_594 : memref<128x128xf32, #tpu.memory_space<hbm>>) target(%arg7 : memref<128x128xf32, #tpu.memory_space<vmem>>) target_semaphore(%arg11 : memref<!tpu.dma_semaphore, #tpu.memory_space<semaphore_mem>>)
    %dma_wait3A_595 = arith.constant 0 : i32
    %dma_wait3A_596 = tpu.memref_slice %arg2[%add3A_550, %dma_wait3A_595] : memref<262144x128xf32, #tpu.memory_space<hbm>> -> memref<128x128xf32, #tpu.memory_space<hbm>>
    %dma_wait3A_597 = arith.constant 0 : i32
    %dma_wait3A_598 = tpu.memref_slice %arg2[%add3A_550, %dma_wait3A_597] : memref<262144x128xf32, #tpu.memory_space<hbm>> -> memref<128x128xf32, #tpu.memory_space<hbm>>
    tpu.wait_dma2 semaphore(%arg9 : memref<!tpu.dma_semaphore, #tpu.memory_space<semaphore_mem>>) src(%dma_wait3A_598 : memref<128x128xf32, #tpu.memory_space<hbm>>) dst(%arg5 : memref<128x128xf32, #tpu.memory_space<vmem>>)
    %add3A_599 = arith.constant 3712 : i32
    %add3A_600 = arith.addi %mul3A_2, %add3A_599 : i32
    %dma_start3A_601 = arith.constant 0 : i32
    %dma_start3A_602 = tpu.memref_slice %arg3[%add3A_600, %dma_start3A_601] : memref<262144x128xf32, #tpu.memory_space<hbm>> -> memref<128x128xf32, #tpu.memory_space<hbm>>
    %dma_start3A_603 = arith.constant 0 : i32
    %dma_start3A_604 = tpu.memref_slice %arg3[%add3A_600, %dma_start3A_603] : memref<262144x128xf32, #tpu.memory_space<hbm>> -> memref<128x128xf32, #tpu.memory_space<hbm>>
    tpu.enqueue_dma source(%arg5 : memref<128x128xf32, #tpu.memory_space<vmem>>) target(%dma_start3A_604 : memref<128x128xf32, #tpu.memory_space<hbm>>) target_semaphore(%arg13 : memref<!tpu.dma_semaphore, #tpu.memory_space<semaphore_mem>>)
    %dma_wait3A_605 = arith.constant 0 : i32
    %dma_wait3A_606 = tpu.memref_slice %arg3[%add3A_580, %dma_wait3A_605] : memref<262144x128xf32, #tpu.memory_space<hbm>> -> memref<128x128xf32, #tpu.memory_space<hbm>>
    %dma_wait3A_607 = arith.constant 0 : i32
    %dma_wait3A_608 = tpu.memref_slice %arg3[%add3A_580, %dma_wait3A_607] : memref<262144x128xf32, #tpu.memory_space<hbm>> -> memref<128x128xf32, #tpu.memory_space<hbm>>
    tpu.wait_dma2 semaphore(%arg12 : memref<!tpu.dma_semaphore, #tpu.memory_space<semaphore_mem>>) src(%arg4 : memref<128x128xf32, #tpu.memory_space<vmem>>) dst(%dma_wait3A_608 : memref<128x128xf32, #tpu.memory_space<hbm>>)
    %add3A_609 = arith.constant 4096 : i32
    %add3A_610 = arith.addi %mul3A_2, %add3A_609 : i32
    %dma_start3A_611 = arith.constant 0 : i32
    %dma_start3A_612 = tpu.memref_slice %arg2[%add3A_610, %dma_start3A_611] : memref<262144x128xf32, #tpu.memory_space<hbm>> -> memref<128x128xf32, #tpu.memory_space<hbm>>
    %dma_start3A_613 = arith.constant 0 : i32
    %dma_start3A_614 = tpu.memref_slice %arg2[%add3A_610, %dma_start3A_613] : memref<262144x128xf32, #tpu.memory_space<hbm>> -> memref<128x128xf32, #tpu.memory_space<hbm>>
    tpu.enqueue_dma source(%dma_start3A_614 : memref<128x128xf32, #tpu.memory_space<hbm>>) target(%arg4 : memref<128x128xf32, #tpu.memory_space<vmem>>) target_semaphore(%arg8 : memref<!tpu.dma_semaphore, #tpu.memory_space<semaphore_mem>>)
    %dma_wait3A_615 = arith.constant 0 : i32
    %dma_wait3A_616 = tpu.memref_slice %arg2[%add3A_570, %dma_wait3A_615] : memref<262144x128xf32, #tpu.memory_space<hbm>> -> memref<128x128xf32, #tpu.memory_space<hbm>>
    %dma_wait3A_617 = arith.constant 0 : i32
    %dma_wait3A_618 = tpu.memref_slice %arg2[%add3A_570, %dma_wait3A_617] : memref<262144x128xf32, #tpu.memory_space<hbm>> -> memref<128x128xf32, #tpu.memory_space<hbm>>
    tpu.wait_dma2 semaphore(%arg10 : memref<!tpu.dma_semaphore, #tpu.memory_space<semaphore_mem>>) src(%dma_wait3A_618 : memref<128x128xf32, #tpu.memory_space<hbm>>) dst(%arg6 : memref<128x128xf32, #tpu.memory_space<vmem>>)
    %add3A_619 = arith.constant 3840 : i32
    %add3A_620 = arith.addi %mul3A_2, %add3A_619 : i32
    %dma_start3A_621 = arith.constant 0 : i32
    %dma_start3A_622 = tpu.memref_slice %arg3[%add3A_620, %dma_start3A_621] : memref<262144x128xf32, #tpu.memory_space<hbm>> -> memref<128x128xf32, #tpu.memory_space<hbm>>
    %dma_start3A_623 = arith.constant 0 : i32
    %dma_start3A_624 = tpu.memref_slice %arg3[%add3A_620, %dma_start3A_623] : memref<262144x128xf32, #tpu.memory_space<hbm>> -> memref<128x128xf32, #tpu.memory_space<hbm>>
    tpu.enqueue_dma source(%arg6 : memref<128x128xf32, #tpu.memory_space<vmem>>) target(%dma_start3A_624 : memref<128x128xf32, #tpu.memory_space<hbm>>) target_semaphore(%arg14 : memref<!tpu.dma_semaphore, #tpu.memory_space<semaphore_mem>>)
    %dma_wait3A_625 = arith.constant 0 : i32
    %dma_wait3A_626 = tpu.memref_slice %arg3[%add3A_600, %dma_wait3A_625] : memref<262144x128xf32, #tpu.memory_space<hbm>> -> memref<128x128xf32, #tpu.memory_space<hbm>>
    %dma_wait3A_627 = arith.constant 0 : i32
    %dma_wait3A_628 = tpu.memref_slice %arg3[%add3A_600, %dma_wait3A_627] : memref<262144x128xf32, #tpu.memory_space<hbm>> -> memref<128x128xf32, #tpu.memory_space<hbm>>
    tpu.wait_dma2 semaphore(%arg13 : memref<!tpu.dma_semaphore, #tpu.memory_space<semaphore_mem>>) src(%arg5 : memref<128x128xf32, #tpu.memory_space<vmem>>) dst(%dma_wait3A_628 : memref<128x128xf32, #tpu.memory_space<hbm>>)
    %add3A_629 = arith.constant 4224 : i32
    %add3A_630 = arith.addi %mul3A_2, %add3A_629 : i32
    %dma_start3A_631 = arith.constant 0 : i32
    %dma_start3A_632 = tpu.memref_slice %arg2[%add3A_630, %dma_start3A_631] : memref<262144x128xf32, #tpu.memory_space<hbm>> -> memref<128x128xf32, #tpu.memory_space<hbm>>
    %dma_start3A_633 = arith.constant 0 : i32
    %dma_start3A_634 = tpu.memref_slice %arg2[%add3A_630, %dma_start3A_633] : memref<262144x128xf32, #tpu.memory_space<hbm>> -> memref<128x128xf32, #tpu.memory_space<hbm>>
    tpu.enqueue_dma source(%dma_start3A_634 : memref<128x128xf32, #tpu.memory_space<hbm>>) target(%arg5 : memref<128x128xf32, #tpu.memory_space<vmem>>) target_semaphore(%arg9 : memref<!tpu.dma_semaphore, #tpu.memory_space<semaphore_mem>>)
    %dma_wait3A_635 = arith.constant 0 : i32
    %dma_wait3A_636 = tpu.memref_slice %arg2[%add3A_590, %dma_wait3A_635] : memref<262144x128xf32, #tpu.memory_space<hbm>> -> memref<128x128xf32, #tpu.memory_space<hbm>>
    %dma_wait3A_637 = arith.constant 0 : i32
    %dma_wait3A_638 = tpu.memref_slice %arg2[%add3A_590, %dma_wait3A_637] : memref<262144x128xf32, #tpu.memory_space<hbm>> -> memref<128x128xf32, #tpu.memory_space<hbm>>
    tpu.wait_dma2 semaphore(%arg11 : memref<!tpu.dma_semaphore, #tpu.memory_space<semaphore_mem>>) src(%dma_wait3A_638 : memref<128x128xf32, #tpu.memory_space<hbm>>) dst(%arg7 : memref<128x128xf32, #tpu.memory_space<vmem>>)
    %add3A_639 = arith.constant 3968 : i32
    %add3A_640 = arith.addi %mul3A_2, %add3A_639 : i32
    %dma_start3A_641 = arith.constant 0 : i32
    %dma_start3A_642 = tpu.memref_slice %arg3[%add3A_640, %dma_start3A_641] : memref<262144x128xf32, #tpu.memory_space<hbm>> -> memref<128x128xf32, #tpu.memory_space<hbm>>
    %dma_start3A_643 = arith.constant 0 : i32
    %dma_start3A_644 = tpu.memref_slice %arg3[%add3A_640, %dma_start3A_643] : memref<262144x128xf32, #tpu.memory_space<hbm>> -> memref<128x128xf32, #tpu.memory_space<hbm>>
    tpu.enqueue_dma source(%arg7 : memref<128x128xf32, #tpu.memory_space<vmem>>) target(%dma_start3A_644 : memref<128x128xf32, #tpu.memory_space<hbm>>) target_semaphore(%arg15 : memref<!tpu.dma_semaphore, #tpu.memory_space<semaphore_mem>>)
    %dma_wait3A_645 = arith.constant 0 : i32
    %dma_wait3A_646 = tpu.memref_slice %arg3[%add3A_620, %dma_wait3A_645] : memref<262144x128xf32, #tpu.memory_space<hbm>> -> memref<128x128xf32, #tpu.memory_space<hbm>>
    %dma_wait3A_647 = arith.constant 0 : i32
    %dma_wait3A_648 = tpu.memref_slice %arg3[%add3A_620, %dma_wait3A_647] : memref<262144x128xf32, #tpu.memory_space<hbm>> -> memref<128x128xf32, #tpu.memory_space<hbm>>
    tpu.wait_dma2 semaphore(%arg14 : memref<!tpu.dma_semaphore, #tpu.memory_space<semaphore_mem>>) src(%arg6 : memref<128x128xf32, #tpu.memory_space<vmem>>) dst(%dma_wait3A_648 : memref<128x128xf32, #tpu.memory_space<hbm>>)
    %add3A_649 = arith.constant 4352 : i32
    %add3A_650 = arith.addi %mul3A_2, %add3A_649 : i32
    %dma_start3A_651 = arith.constant 0 : i32
    %dma_start3A_652 = tpu.memref_slice %arg2[%add3A_650, %dma_start3A_651] : memref<262144x128xf32, #tpu.memory_space<hbm>> -> memref<128x128xf32, #tpu.memory_space<hbm>>
    %dma_start3A_653 = arith.constant 0 : i32
    %dma_start3A_654 = tpu.memref_slice %arg2[%add3A_650, %dma_start3A_653] : memref<262144x128xf32, #tpu.memory_space<hbm>> -> memref<128x128xf32, #tpu.memory_space<hbm>>
    tpu.enqueue_dma source(%dma_start3A_654 : memref<128x128xf32, #tpu.memory_space<hbm>>) target(%arg6 : memref<128x128xf32, #tpu.memory_space<vmem>>) target_semaphore(%arg10 : memref<!tpu.dma_semaphore, #tpu.memory_space<semaphore_mem>>)
    %dma_wait3A_655 = arith.constant 0 : i32
    %dma_wait3A_656 = tpu.memref_slice %arg2[%add3A_610, %dma_wait3A_655] : memref<262144x128xf32, #tpu.memory_space<hbm>> -> memref<128x128xf32, #tpu.memory_space<hbm>>
    %dma_wait3A_657 = arith.constant 0 : i32
    %dma_wait3A_658 = tpu.memref_slice %arg2[%add3A_610, %dma_wait3A_657] : memref<262144x128xf32, #tpu.memory_space<hbm>> -> memref<128x128xf32, #tpu.memory_space<hbm>>
    tpu.wait_dma2 semaphore(%arg8 : memref<!tpu.dma_semaphore, #tpu.memory_space<semaphore_mem>>) src(%dma_wait3A_658 : memref<128x128xf32, #tpu.memory_space<hbm>>) dst(%arg4 : memref<128x128xf32, #tpu.memory_space<vmem>>)
    %add3A_659 = arith.constant 4096 : i32
    %add3A_660 = arith.addi %mul3A_2, %add3A_659 : i32
    %dma_start3A_661 = arith.constant 0 : i32
    %dma_start3A_662 = tpu.memref_slice %arg3[%add3A_660, %dma_start3A_661] : memref<262144x128xf32, #tpu.memory_space<hbm>> -> memref<128x128xf32, #tpu.memory_space<hbm>>
    %dma_start3A_663 = arith.constant 0 : i32
    %dma_start3A_664 = tpu.memref_slice %arg3[%add3A_660, %dma_start3A_663] : memref<262144x128xf32, #tpu.memory_space<hbm>> -> memref<128x128xf32, #tpu.memory_space<hbm>>
    tpu.enqueue_dma source(%arg4 : memref<128x128xf32, #tpu.memory_space<vmem>>) target(%dma_start3A_664 : memref<128x128xf32, #tpu.memory_space<hbm>>) target_semaphore(%arg12 : memref<!tpu.dma_semaphore, #tpu.memory_space<semaphore_mem>>)
    %dma_wait3A_665 = arith.constant 0 : i32
    %dma_wait3A_666 = tpu.memref_slice %arg3[%add3A_640, %dma_wait3A_665] : memref<262144x128xf32, #tpu.memory_space<hbm>> -> memref<128x128xf32, #tpu.memory_space<hbm>>
    %dma_wait3A_667 = arith.constant 0 : i32
    %dma_wait3A_668 = tpu.memref_slice %arg3[%add3A_640, %dma_wait3A_667] : memref<262144x128xf32, #tpu.memory_space<hbm>> -> memref<128x128xf32, #tpu.memory_space<hbm>>
    tpu.wait_dma2 semaphore(%arg15 : memref<!tpu.dma_semaphore, #tpu.memory_space<semaphore_mem>>) src(%arg7 : memref<128x128xf32, #tpu.memory_space<vmem>>) dst(%dma_wait3A_668 : memref<128x128xf32, #tpu.memory_space<hbm>>)
    %add3A_669 = arith.constant 4480 : i32
    %add3A_670 = arith.addi %mul3A_2, %add3A_669 : i32
    %dma_start3A_671 = arith.constant 0 : i32
    %dma_start3A_672 = tpu.memref_slice %arg2[%add3A_670, %dma_start3A_671] : memref<262144x128xf32, #tpu.memory_space<hbm>> -> memref<128x128xf32, #tpu.memory_space<hbm>>
    %dma_start3A_673 = arith.constant 0 : i32
    %dma_start3A_674 = tpu.memref_slice %arg2[%add3A_670, %dma_start3A_673] : memref<262144x128xf32, #tpu.memory_space<hbm>> -> memref<128x128xf32, #tpu.memory_space<hbm>>
    tpu.enqueue_dma source(%dma_start3A_674 : memref<128x128xf32, #tpu.memory_space<hbm>>) target(%arg7 : memref<128x128xf32, #tpu.memory_space<vmem>>) target_semaphore(%arg11 : memref<!tpu.dma_semaphore, #tpu.memory_space<semaphore_mem>>)
    %dma_wait3A_675 = arith.constant 0 : i32
    %dma_wait3A_676 = tpu.memref_slice %arg2[%add3A_630, %dma_wait3A_675] : memref<262144x128xf32, #tpu.memory_space<hbm>> -> memref<128x128xf32, #tpu.memory_space<hbm>>
    %dma_wait3A_677 = arith.constant 0 : i32
    %dma_wait3A_678 = tpu.memref_slice %arg2[%add3A_630, %dma_wait3A_677] : memref<262144x128xf32, #tpu.memory_space<hbm>> -> memref<128x128xf32, #tpu.memory_space<hbm>>
    tpu.wait_dma2 semaphore(%arg9 : memref<!tpu.dma_semaphore, #tpu.memory_space<semaphore_mem>>) src(%dma_wait3A_678 : memref<128x128xf32, #tpu.memory_space<hbm>>) dst(%arg5 : memref<128x128xf32, #tpu.memory_space<vmem>>)
    %add3A_679 = arith.constant 4224 : i32
    %add3A_680 = arith.addi %mul3A_2, %add3A_679 : i32
    %dma_start3A_681 = arith.constant 0 : i32
    %dma_start3A_682 = tpu.memref_slice %arg3[%add3A_680, %dma_start3A_681] : memref<262144x128xf32, #tpu.memory_space<hbm>> -> memref<128x128xf32, #tpu.memory_space<hbm>>
    %dma_start3A_683 = arith.constant 0 : i32
    %dma_start3A_684 = tpu.memref_slice %arg3[%add3A_680, %dma_start3A_683] : memref<262144x128xf32, #tpu.memory_space<hbm>> -> memref<128x128xf32, #tpu.memory_space<hbm>>
    tpu.enqueue_dma source(%arg5 : memref<128x128xf32, #tpu.memory_space<vmem>>) target(%dma_start3A_684 : memref<128x128xf32, #tpu.memory_space<hbm>>) target_semaphore(%arg13 : memref<!tpu.dma_semaphore, #tpu.memory_space<semaphore_mem>>)
    %dma_wait3A_685 = arith.constant 0 : i32
    %dma_wait3A_686 = tpu.memref_slice %arg3[%add3A_660, %dma_wait3A_685] : memref<262144x128xf32, #tpu.memory_space<hbm>> -> memref<128x128xf32, #tpu.memory_space<hbm>>
    %dma_wait3A_687 = arith.constant 0 : i32
    %dma_wait3A_688 = tpu.memref_slice %arg3[%add3A_660, %dma_wait3A_687] : memref<262144x128xf32, #tpu.memory_space<hbm>> -> memref<128x128xf32, #tpu.memory_space<hbm>>
    tpu.wait_dma2 semaphore(%arg12 : memref<!tpu.dma_semaphore, #tpu.memory_space<semaphore_mem>>) src(%arg4 : memref<128x128xf32, #tpu.memory_space<vmem>>) dst(%dma_wait3A_688 : memref<128x128xf32, #tpu.memory_space<hbm>>)
    %add3A_689 = arith.constant 4608 : i32
    %add3A_690 = arith.addi %mul3A_2, %add3A_689 : i32
    %dma_start3A_691 = arith.constant 0 : i32
    %dma_start3A_692 = tpu.memref_slice %arg2[%add3A_690, %dma_start3A_691] : memref<262144x128xf32, #tpu.memory_space<hbm>> -> memref<128x128xf32, #tpu.memory_space<hbm>>
    %dma_start3A_693 = arith.constant 0 : i32
    %dma_start3A_694 = tpu.memref_slice %arg2[%add3A_690, %dma_start3A_693] : memref<262144x128xf32, #tpu.memory_space<hbm>> -> memref<128x128xf32, #tpu.memory_space<hbm>>
    tpu.enqueue_dma source(%dma_start3A_694 : memref<128x128xf32, #tpu.memory_space<hbm>>) target(%arg4 : memref<128x128xf32, #tpu.memory_space<vmem>>) target_semaphore(%arg8 : memref<!tpu.dma_semaphore, #tpu.memory_space<semaphore_mem>>)
    %dma_wait3A_695 = arith.constant 0 : i32
    %dma_wait3A_696 = tpu.memref_slice %arg2[%add3A_650, %dma_wait3A_695] : memref<262144x128xf32, #tpu.memory_space<hbm>> -> memref<128x128xf32, #tpu.memory_space<hbm>>
    %dma_wait3A_697 = arith.constant 0 : i32
    %dma_wait3A_698 = tpu.memref_slice %arg2[%add3A_650, %dma_wait3A_697] : memref<262144x128xf32, #tpu.memory_space<hbm>> -> memref<128x128xf32, #tpu.memory_space<hbm>>
    tpu.wait_dma2 semaphore(%arg10 : memref<!tpu.dma_semaphore, #tpu.memory_space<semaphore_mem>>) src(%dma_wait3A_698 : memref<128x128xf32, #tpu.memory_space<hbm>>) dst(%arg6 : memref<128x128xf32, #tpu.memory_space<vmem>>)
    %add3A_699 = arith.constant 4352 : i32
    %add3A_700 = arith.addi %mul3A_2, %add3A_699 : i32
    %dma_start3A_701 = arith.constant 0 : i32
    %dma_start3A_702 = tpu.memref_slice %arg3[%add3A_700, %dma_start3A_701] : memref<262144x128xf32, #tpu.memory_space<hbm>> -> memref<128x128xf32, #tpu.memory_space<hbm>>
    %dma_start3A_703 = arith.constant 0 : i32
    %dma_start3A_704 = tpu.memref_slice %arg3[%add3A_700, %dma_start3A_703] : memref<262144x128xf32, #tpu.memory_space<hbm>> -> memref<128x128xf32, #tpu.memory_space<hbm>>
    tpu.enqueue_dma source(%arg6 : memref<128x128xf32, #tpu.memory_space<vmem>>) target(%dma_start3A_704 : memref<128x128xf32, #tpu.memory_space<hbm>>) target_semaphore(%arg14 : memref<!tpu.dma_semaphore, #tpu.memory_space<semaphore_mem>>)
    %dma_wait3A_705 = arith.constant 0 : i32
    %dma_wait3A_706 = tpu.memref_slice %arg3[%add3A_680, %dma_wait3A_705] : memref<262144x128xf32, #tpu.memory_space<hbm>> -> memref<128x128xf32, #tpu.memory_space<hbm>>
    %dma_wait3A_707 = arith.constant 0 : i32
    %dma_wait3A_708 = tpu.memref_slice %arg3[%add3A_680, %dma_wait3A_707] : memref<262144x128xf32, #tpu.memory_space<hbm>> -> memref<128x128xf32, #tpu.memory_space<hbm>>
    tpu.wait_dma2 semaphore(%arg13 : memref<!tpu.dma_semaphore, #tpu.memory_space<semaphore_mem>>) src(%arg5 : memref<128x128xf32, #tpu.memory_space<vmem>>) dst(%dma_wait3A_708 : memref<128x128xf32, #tpu.memory_space<hbm>>)
    %add3A_709 = arith.constant 4736 : i32
    %add3A_710 = arith.addi %mul3A_2, %add3A_709 : i32
    %dma_start3A_711 = arith.constant 0 : i32
    %dma_start3A_712 = tpu.memref_slice %arg2[%add3A_710, %dma_start3A_711] : memref<262144x128xf32, #tpu.memory_space<hbm>> -> memref<128x128xf32, #tpu.memory_space<hbm>>
    %dma_start3A_713 = arith.constant 0 : i32
    %dma_start3A_714 = tpu.memref_slice %arg2[%add3A_710, %dma_start3A_713] : memref<262144x128xf32, #tpu.memory_space<hbm>> -> memref<128x128xf32, #tpu.memory_space<hbm>>
    tpu.enqueue_dma source(%dma_start3A_714 : memref<128x128xf32, #tpu.memory_space<hbm>>) target(%arg5 : memref<128x128xf32, #tpu.memory_space<vmem>>) target_semaphore(%arg9 : memref<!tpu.dma_semaphore, #tpu.memory_space<semaphore_mem>>)
    %dma_wait3A_715 = arith.constant 0 : i32
    %dma_wait3A_716 = tpu.memref_slice %arg2[%add3A_670, %dma_wait3A_715] : memref<262144x128xf32, #tpu.memory_space<hbm>> -> memref<128x128xf32, #tpu.memory_space<hbm>>
    %dma_wait3A_717 = arith.constant 0 : i32
    %dma_wait3A_718 = tpu.memref_slice %arg2[%add3A_670, %dma_wait3A_717] : memref<262144x128xf32, #tpu.memory_space<hbm>> -> memref<128x128xf32, #tpu.memory_space<hbm>>
    tpu.wait_dma2 semaphore(%arg11 : memref<!tpu.dma_semaphore, #tpu.memory_space<semaphore_mem>>) src(%dma_wait3A_718 : memref<128x128xf32, #tpu.memory_space<hbm>>) dst(%arg7 : memref<128x128xf32, #tpu.memory_space<vmem>>)
    %add3A_719 = arith.constant 4480 : i32
    %add3A_720 = arith.addi %mul3A_2, %add3A_719 : i32
    %dma_start3A_721 = arith.constant 0 : i32
    %dma_start3A_722 = tpu.memref_slice %arg3[%add3A_720, %dma_start3A_721] : memref<262144x128xf32, #tpu.memory_space<hbm>> -> memref<128x128xf32, #tpu.memory_space<hbm>>
    %dma_start3A_723 = arith.constant 0 : i32
    %dma_start3A_724 = tpu.memref_slice %arg3[%add3A_720, %dma_start3A_723] : memref<262144x128xf32, #tpu.memory_space<hbm>> -> memref<128x128xf32, #tpu.memory_space<hbm>>
    tpu.enqueue_dma source(%arg7 : memref<128x128xf32, #tpu.memory_space<vmem>>) target(%dma_start3A_724 : memref<128x128xf32, #tpu.memory_space<hbm>>) target_semaphore(%arg15 : memref<!tpu.dma_semaphore, #tpu.memory_space<semaphore_mem>>)
    %dma_wait3A_725 = arith.constant 0 : i32
    %dma_wait3A_726 = tpu.memref_slice %arg3[%add3A_700, %dma_wait3A_725] : memref<262144x128xf32, #tpu.memory_space<hbm>> -> memref<128x128xf32, #tpu.memory_space<hbm>>
    %dma_wait3A_727 = arith.constant 0 : i32
    %dma_wait3A_728 = tpu.memref_slice %arg3[%add3A_700, %dma_wait3A_727] : memref<262144x128xf32, #tpu.memory_space<hbm>> -> memref<128x128xf32, #tpu.memory_space<hbm>>
    tpu.wait_dma2 semaphore(%arg14 : memref<!tpu.dma_semaphore, #tpu.memory_space<semaphore_mem>>) src(%arg6 : memref<128x128xf32, #tpu.memory_space<vmem>>) dst(%dma_wait3A_728 : memref<128x128xf32, #tpu.memory_space<hbm>>)
    %add3A_729 = arith.constant 4864 : i32
    %add3A_730 = arith.addi %mul3A_2, %add3A_729 : i32
    %dma_start3A_731 = arith.constant 0 : i32
    %dma_start3A_732 = tpu.memref_slice %arg2[%add3A_730, %dma_start3A_731] : memref<262144x128xf32, #tpu.memory_space<hbm>> -> memref<128x128xf32, #tpu.memory_space<hbm>>
    %dma_start3A_733 = arith.constant 0 : i32
    %dma_start3A_734 = tpu.memref_slice %arg2[%add3A_730, %dma_start3A_733] : memref<262144x128xf32, #tpu.memory_space<hbm>> -> memref<128x128xf32, #tpu.memory_space<hbm>>
    tpu.enqueue_dma source(%dma_start3A_734 : memref<128x128xf32, #tpu.memory_space<hbm>>) target(%arg6 : memref<128x128xf32, #tpu.memory_space<vmem>>) target_semaphore(%arg10 : memref<!tpu.dma_semaphore, #tpu.memory_space<semaphore_mem>>)
    %dma_wait3A_735 = arith.constant 0 : i32
    %dma_wait3A_736 = tpu.memref_slice %arg2[%add3A_690, %dma_wait3A_735] : memref<262144x128xf32, #tpu.memory_space<hbm>> -> memref<128x128xf32, #tpu.memory_space<hbm>>
    %dma_wait3A_737 = arith.constant 0 : i32
    %dma_wait3A_738 = tpu.memref_slice %arg2[%add3A_690, %dma_wait3A_737] : memref<262144x128xf32, #tpu.memory_space<hbm>> -> memref<128x128xf32, #tpu.memory_space<hbm>>
    tpu.wait_dma2 semaphore(%arg8 : memref<!tpu.dma_semaphore, #tpu.memory_space<semaphore_mem>>) src(%dma_wait3A_738 : memref<128x128xf32, #tpu.memory_space<hbm>>) dst(%arg4 : memref<128x128xf32, #tpu.memory_space<vmem>>)
    %add3A_739 = arith.constant 4608 : i32
    %add3A_740 = arith.addi %mul3A_2, %add3A_739 : i32
    %dma_start3A_741 = arith.constant 0 : i32
    %dma_start3A_742 = tpu.memref_slice %arg3[%add3A_740, %dma_start3A_741] : memref<262144x128xf32, #tpu.memory_space<hbm>> -> memref<128x128xf32, #tpu.memory_space<hbm>>
    %dma_start3A_743 = arith.constant 0 : i32
    %dma_start3A_744 = tpu.memref_slice %arg3[%add3A_740, %dma_start3A_743] : memref<262144x128xf32, #tpu.memory_space<hbm>> -> memref<128x128xf32, #tpu.memory_space<hbm>>
    tpu.enqueue_dma source(%arg4 : memref<128x128xf32, #tpu.memory_space<vmem>>) target(%dma_start3A_744 : memref<128x128xf32, #tpu.memory_space<hbm>>) target_semaphore(%arg12 : memref<!tpu.dma_semaphore, #tpu.memory_space<semaphore_mem>>)
    %dma_wait3A_745 = arith.constant 0 : i32
    %dma_wait3A_746 = tpu.memref_slice %arg3[%add3A_720, %dma_wait3A_745] : memref<262144x128xf32, #tpu.memory_space<hbm>> -> memref<128x128xf32, #tpu.memory_space<hbm>>
    %dma_wait3A_747 = arith.constant 0 : i32
    %dma_wait3A_748 = tpu.memref_slice %arg3[%add3A_720, %dma_wait3A_747] : memref<262144x128xf32, #tpu.memory_space<hbm>> -> memref<128x128xf32, #tpu.memory_space<hbm>>
    tpu.wait_dma2 semaphore(%arg15 : memref<!tpu.dma_semaphore, #tpu.memory_space<semaphore_mem>>) src(%arg7 : memref<128x128xf32, #tpu.memory_space<vmem>>) dst(%dma_wait3A_748 : memref<128x128xf32, #tpu.memory_space<hbm>>)
    %add3A_749 = arith.constant 4992 : i32
    %add3A_750 = arith.addi %mul3A_2, %add3A_749 : i32
    %dma_start3A_751 = arith.constant 0 : i32
    %dma_start3A_752 = tpu.memref_slice %arg2[%add3A_750, %dma_start3A_751] : memref<262144x128xf32, #tpu.memory_space<hbm>> -> memref<128x128xf32, #tpu.memory_space<hbm>>
    %dma_start3A_753 = arith.constant 0 : i32
    %dma_start3A_754 = tpu.memref_slice %arg2[%add3A_750, %dma_start3A_753] : memref<262144x128xf32, #tpu.memory_space<hbm>> -> memref<128x128xf32, #tpu.memory_space<hbm>>
    tpu.enqueue_dma source(%dma_start3A_754 : memref<128x128xf32, #tpu.memory_space<hbm>>) target(%arg7 : memref<128x128xf32, #tpu.memory_space<vmem>>) target_semaphore(%arg11 : memref<!tpu.dma_semaphore, #tpu.memory_space<semaphore_mem>>)
    %dma_wait3A_755 = arith.constant 0 : i32
    %dma_wait3A_756 = tpu.memref_slice %arg2[%add3A_710, %dma_wait3A_755] : memref<262144x128xf32, #tpu.memory_space<hbm>> -> memref<128x128xf32, #tpu.memory_space<hbm>>
    %dma_wait3A_757 = arith.constant 0 : i32
    %dma_wait3A_758 = tpu.memref_slice %arg2[%add3A_710, %dma_wait3A_757] : memref<262144x128xf32, #tpu.memory_space<hbm>> -> memref<128x128xf32, #tpu.memory_space<hbm>>
    tpu.wait_dma2 semaphore(%arg9 : memref<!tpu.dma_semaphore, #tpu.memory_space<semaphore_mem>>) src(%dma_wait3A_758 : memref<128x128xf32, #tpu.memory_space<hbm>>) dst(%arg5 : memref<128x128xf32, #tpu.memory_space<vmem>>)
    %add3A_759 = arith.constant 4736 : i32
    %add3A_760 = arith.addi %mul3A_2, %add3A_759 : i32
    %dma_start3A_761 = arith.constant 0 : i32
    %dma_start3A_762 = tpu.memref_slice %arg3[%add3A_760, %dma_start3A_761] : memref<262144x128xf32, #tpu.memory_space<hbm>> -> memref<128x128xf32, #tpu.memory_space<hbm>>
    %dma_start3A_763 = arith.constant 0 : i32
    %dma_start3A_764 = tpu.memref_slice %arg3[%add3A_760, %dma_start3A_763] : memref<262144x128xf32, #tpu.memory_space<hbm>> -> memref<128x128xf32, #tpu.memory_space<hbm>>
    tpu.enqueue_dma source(%arg5 : memref<128x128xf32, #tpu.memory_space<vmem>>) target(%dma_start3A_764 : memref<128x128xf32, #tpu.memory_space<hbm>>) target_semaphore(%arg13 : memref<!tpu.dma_semaphore, #tpu.memory_space<semaphore_mem>>)
    %dma_wait3A_765 = arith.constant 0 : i32
    %dma_wait3A_766 = tpu.memref_slice %arg3[%add3A_740, %dma_wait3A_765] : memref<262144x128xf32, #tpu.memory_space<hbm>> -> memref<128x128xf32, #tpu.memory_space<hbm>>
    %dma_wait3A_767 = arith.constant 0 : i32
    %dma_wait3A_768 = tpu.memref_slice %arg3[%add3A_740, %dma_wait3A_767] : memref<262144x128xf32, #tpu.memory_space<hbm>> -> memref<128x128xf32, #tpu.memory_space<hbm>>
    tpu.wait_dma2 semaphore(%arg12 : memref<!tpu.dma_semaphore, #tpu.memory_space<semaphore_mem>>) src(%arg4 : memref<128x128xf32, #tpu.memory_space<vmem>>) dst(%dma_wait3A_768 : memref<128x128xf32, #tpu.memory_space<hbm>>)
    %add3A_769 = arith.constant 5120 : i32
    %add3A_770 = arith.addi %mul3A_2, %add3A_769 : i32
    %dma_start3A_771 = arith.constant 0 : i32
    %dma_start3A_772 = tpu.memref_slice %arg2[%add3A_770, %dma_start3A_771] : memref<262144x128xf32, #tpu.memory_space<hbm>> -> memref<128x128xf32, #tpu.memory_space<hbm>>
    %dma_start3A_773 = arith.constant 0 : i32
    %dma_start3A_774 = tpu.memref_slice %arg2[%add3A_770, %dma_start3A_773] : memref<262144x128xf32, #tpu.memory_space<hbm>> -> memref<128x128xf32, #tpu.memory_space<hbm>>
    tpu.enqueue_dma source(%dma_start3A_774 : memref<128x128xf32, #tpu.memory_space<hbm>>) target(%arg4 : memref<128x128xf32, #tpu.memory_space<vmem>>) target_semaphore(%arg8 : memref<!tpu.dma_semaphore, #tpu.memory_space<semaphore_mem>>)
    %dma_wait3A_775 = arith.constant 0 : i32
    %dma_wait3A_776 = tpu.memref_slice %arg2[%add3A_730, %dma_wait3A_775] : memref<262144x128xf32, #tpu.memory_space<hbm>> -> memref<128x128xf32, #tpu.memory_space<hbm>>
    %dma_wait3A_777 = arith.constant 0 : i32
    %dma_wait3A_778 = tpu.memref_slice %arg2[%add3A_730, %dma_wait3A_777] : memref<262144x128xf32, #tpu.memory_space<hbm>> -> memref<128x128xf32, #tpu.memory_space<hbm>>
    tpu.wait_dma2 semaphore(%arg10 : memref<!tpu.dma_semaphore, #tpu.memory_space<semaphore_mem>>) src(%dma_wait3A_778 : memref<128x128xf32, #tpu.memory_space<hbm>>) dst(%arg6 : memref<128x128xf32, #tpu.memory_space<vmem>>)
    %add3A_779 = arith.constant 4864 : i32
    %add3A_780 = arith.addi %mul3A_2, %add3A_779 : i32
    %dma_start3A_781 = arith.constant 0 : i32
    %dma_start3A_782 = tpu.memref_slice %arg3[%add3A_780, %dma_start3A_781] : memref<262144x128xf32, #tpu.memory_space<hbm>> -> memref<128x128xf32, #tpu.memory_space<hbm>>
    %dma_start3A_783 = arith.constant 0 : i32
    %dma_start3A_784 = tpu.memref_slice %arg3[%add3A_780, %dma_start3A_783] : memref<262144x128xf32, #tpu.memory_space<hbm>> -> memref<128x128xf32, #tpu.memory_space<hbm>>
    tpu.enqueue_dma source(%arg6 : memref<128x128xf32, #tpu.memory_space<vmem>>) target(%dma_start3A_784 : memref<128x128xf32, #tpu.memory_space<hbm>>) target_semaphore(%arg14 : memref<!tpu.dma_semaphore, #tpu.memory_space<semaphore_mem>>)
    %dma_wait3A_785 = arith.constant 0 : i32
    %dma_wait3A_786 = tpu.memref_slice %arg3[%add3A_760, %dma_wait3A_785] : memref<262144x128xf32, #tpu.memory_space<hbm>> -> memref<128x128xf32, #tpu.memory_space<hbm>>
    %dma_wait3A_787 = arith.constant 0 : i32
    %dma_wait3A_788 = tpu.memref_slice %arg3[%add3A_760, %dma_wait3A_787] : memref<262144x128xf32, #tpu.memory_space<hbm>> -> memref<128x128xf32, #tpu.memory_space<hbm>>
    tpu.wait_dma2 semaphore(%arg13 : memref<!tpu.dma_semaphore, #tpu.memory_space<semaphore_mem>>) src(%arg5 : memref<128x128xf32, #tpu.memory_space<vmem>>) dst(%dma_wait3A_788 : memref<128x128xf32, #tpu.memory_space<hbm>>)
    %add3A_789 = arith.constant 5248 : i32
    %add3A_790 = arith.addi %mul3A_2, %add3A_789 : i32
    %dma_start3A_791 = arith.constant 0 : i32
    %dma_start3A_792 = tpu.memref_slice %arg2[%add3A_790, %dma_start3A_791] : memref<262144x128xf32, #tpu.memory_space<hbm>> -> memref<128x128xf32, #tpu.memory_space<hbm>>
    %dma_start3A_793 = arith.constant 0 : i32
    %dma_start3A_794 = tpu.memref_slice %arg2[%add3A_790, %dma_start3A_793] : memref<262144x128xf32, #tpu.memory_space<hbm>> -> memref<128x128xf32, #tpu.memory_space<hbm>>
    tpu.enqueue_dma source(%dma_start3A_794 : memref<128x128xf32, #tpu.memory_space<hbm>>) target(%arg5 : memref<128x128xf32, #tpu.memory_space<vmem>>) target_semaphore(%arg9 : memref<!tpu.dma_semaphore, #tpu.memory_space<semaphore_mem>>)
    %dma_wait3A_795 = arith.constant 0 : i32
    %dma_wait3A_796 = tpu.memref_slice %arg2[%add3A_750, %dma_wait3A_795] : memref<262144x128xf32, #tpu.memory_space<hbm>> -> memref<128x128xf32, #tpu.memory_space<hbm>>
    %dma_wait3A_797 = arith.constant 0 : i32
    %dma_wait3A_798 = tpu.memref_slice %arg2[%add3A_750, %dma_wait3A_797] : memref<262144x128xf32, #tpu.memory_space<hbm>> -> memref<128x128xf32, #tpu.memory_space<hbm>>
    tpu.wait_dma2 semaphore(%arg11 : memref<!tpu.dma_semaphore, #tpu.memory_space<semaphore_mem>>) src(%dma_wait3A_798 : memref<128x128xf32, #tpu.memory_space<hbm>>) dst(%arg7 : memref<128x128xf32, #tpu.memory_space<vmem>>)
    %add3A_799 = arith.constant 4992 : i32
    %add3A_800 = arith.addi %mul3A_2, %add3A_799 : i32
    %dma_start3A_801 = arith.constant 0 : i32
    %dma_start3A_802 = tpu.memref_slice %arg3[%add3A_800, %dma_start3A_801] : memref<262144x128xf32, #tpu.memory_space<hbm>> -> memref<128x128xf32, #tpu.memory_space<hbm>>
    %dma_start3A_803 = arith.constant 0 : i32
    %dma_start3A_804 = tpu.memref_slice %arg3[%add3A_800, %dma_start3A_803] : memref<262144x128xf32, #tpu.memory_space<hbm>> -> memref<128x128xf32, #tpu.memory_space<hbm>>
    tpu.enqueue_dma source(%arg7 : memref<128x128xf32, #tpu.memory_space<vmem>>) target(%dma_start3A_804 : memref<128x128xf32, #tpu.memory_space<hbm>>) target_semaphore(%arg15 : memref<!tpu.dma_semaphore, #tpu.memory_space<semaphore_mem>>)
    %dma_wait3A_805 = arith.constant 0 : i32
    %dma_wait3A_806 = tpu.memref_slice %arg3[%add3A_780, %dma_wait3A_805] : memref<262144x128xf32, #tpu.memory_space<hbm>> -> memref<128x128xf32, #tpu.memory_space<hbm>>
    %dma_wait3A_807 = arith.constant 0 : i32
    %dma_wait3A_808 = tpu.memref_slice %arg3[%add3A_780, %dma_wait3A_807] : memref<262144x128xf32, #tpu.memory_space<hbm>> -> memref<128x128xf32, #tpu.memory_space<hbm>>
    tpu.wait_dma2 semaphore(%arg14 : memref<!tpu.dma_semaphore, #tpu.memory_space<semaphore_mem>>) src(%arg6 : memref<128x128xf32, #tpu.memory_space<vmem>>) dst(%dma_wait3A_808 : memref<128x128xf32, #tpu.memory_space<hbm>>)
    %add3A_809 = arith.constant 5376 : i32
    %add3A_810 = arith.addi %mul3A_2, %add3A_809 : i32
    %dma_start3A_811 = arith.constant 0 : i32
    %dma_start3A_812 = tpu.memref_slice %arg2[%add3A_810, %dma_start3A_811] : memref<262144x128xf32, #tpu.memory_space<hbm>> -> memref<128x128xf32, #tpu.memory_space<hbm>>
    %dma_start3A_813 = arith.constant 0 : i32
    %dma_start3A_814 = tpu.memref_slice %arg2[%add3A_810, %dma_start3A_813] : memref<262144x128xf32, #tpu.memory_space<hbm>> -> memref<128x128xf32, #tpu.memory_space<hbm>>
    tpu.enqueue_dma source(%dma_start3A_814 : memref<128x128xf32, #tpu.memory_space<hbm>>) target(%arg6 : memref<128x128xf32, #tpu.memory_space<vmem>>) target_semaphore(%arg10 : memref<!tpu.dma_semaphore, #tpu.memory_space<semaphore_mem>>)
    %dma_wait3A_815 = arith.constant 0 : i32
    %dma_wait3A_816 = tpu.memref_slice %arg2[%add3A_770, %dma_wait3A_815] : memref<262144x128xf32, #tpu.memory_space<hbm>> -> memref<128x128xf32, #tpu.memory_space<hbm>>
    %dma_wait3A_817 = arith.constant 0 : i32
    %dma_wait3A_818 = tpu.memref_slice %arg2[%add3A_770, %dma_wait3A_817] : memref<262144x128xf32, #tpu.memory_space<hbm>> -> memref<128x128xf32, #tpu.memory_space<hbm>>
    tpu.wait_dma2 semaphore(%arg8 : memref<!tpu.dma_semaphore, #tpu.memory_space<semaphore_mem>>) src(%dma_wait3A_818 : memref<128x128xf32, #tpu.memory_space<hbm>>) dst(%arg4 : memref<128x128xf32, #tpu.memory_space<vmem>>)
    %add3A_819 = arith.constant 5120 : i32
    %add3A_820 = arith.addi %mul3A_2, %add3A_819 : i32
    %dma_start3A_821 = arith.constant 0 : i32
    %dma_start3A_822 = tpu.memref_slice %arg3[%add3A_820, %dma_start3A_821] : memref<262144x128xf32, #tpu.memory_space<hbm>> -> memref<128x128xf32, #tpu.memory_space<hbm>>
    %dma_start3A_823 = arith.constant 0 : i32
    %dma_start3A_824 = tpu.memref_slice %arg3[%add3A_820, %dma_start3A_823] : memref<262144x128xf32, #tpu.memory_space<hbm>> -> memref<128x128xf32, #tpu.memory_space<hbm>>
    tpu.enqueue_dma source(%arg4 : memref<128x128xf32, #tpu.memory_space<vmem>>) target(%dma_start3A_824 : memref<128x128xf32, #tpu.memory_space<hbm>>) target_semaphore(%arg12 : memref<!tpu.dma_semaphore, #tpu.memory_space<semaphore_mem>>)
    %dma_wait3A_825 = arith.constant 0 : i32
    %dma_wait3A_826 = tpu.memref_slice %arg3[%add3A_800, %dma_wait3A_825] : memref<262144x128xf32, #tpu.memory_space<hbm>> -> memref<128x128xf32, #tpu.memory_space<hbm>>
    %dma_wait3A_827 = arith.constant 0 : i32
    %dma_wait3A_828 = tpu.memref_slice %arg3[%add3A_800, %dma_wait3A_827] : memref<262144x128xf32, #tpu.memory_space<hbm>> -> memref<128x128xf32, #tpu.memory_space<hbm>>
    tpu.wait_dma2 semaphore(%arg15 : memref<!tpu.dma_semaphore, #tpu.memory_space<semaphore_mem>>) src(%arg7 : memref<128x128xf32, #tpu.memory_space<vmem>>) dst(%dma_wait3A_828 : memref<128x128xf32, #tpu.memory_space<hbm>>)
    %add3A_829 = arith.constant 5504 : i32
    %add3A_830 = arith.addi %mul3A_2, %add3A_829 : i32
    %dma_start3A_831 = arith.constant 0 : i32
    %dma_start3A_832 = tpu.memref_slice %arg2[%add3A_830, %dma_start3A_831] : memref<262144x128xf32, #tpu.memory_space<hbm>> -> memref<128x128xf32, #tpu.memory_space<hbm>>
    %dma_start3A_833 = arith.constant 0 : i32
    %dma_start3A_834 = tpu.memref_slice %arg2[%add3A_830, %dma_start3A_833] : memref<262144x128xf32, #tpu.memory_space<hbm>> -> memref<128x128xf32, #tpu.memory_space<hbm>>
    tpu.enqueue_dma source(%dma_start3A_834 : memref<128x128xf32, #tpu.memory_space<hbm>>) target(%arg7 : memref<128x128xf32, #tpu.memory_space<vmem>>) target_semaphore(%arg11 : memref<!tpu.dma_semaphore, #tpu.memory_space<semaphore_mem>>)
    %dma_wait3A_835 = arith.constant 0 : i32
    %dma_wait3A_836 = tpu.memref_slice %arg2[%add3A_790, %dma_wait3A_835] : memref<262144x128xf32, #tpu.memory_space<hbm>> -> memref<128x128xf32, #tpu.memory_space<hbm>>
    %dma_wait3A_837 = arith.constant 0 : i32
    %dma_wait3A_838 = tpu.memref_slice %arg2[%add3A_790, %dma_wait3A_837] : memref<262144x128xf32, #tpu.memory_space<hbm>> -> memref<128x128xf32, #tpu.memory_space<hbm>>
    tpu.wait_dma2 semaphore(%arg9 : memref<!tpu.dma_semaphore, #tpu.memory_space<semaphore_mem>>) src(%dma_wait3A_838 : memref<128x128xf32, #tpu.memory_space<hbm>>) dst(%arg5 : memref<128x128xf32, #tpu.memory_space<vmem>>)
    %add3A_839 = arith.constant 5248 : i32
    %add3A_840 = arith.addi %mul3A_2, %add3A_839 : i32
    %dma_start3A_841 = arith.constant 0 : i32
    %dma_start3A_842 = tpu.memref_slice %arg3[%add3A_840, %dma_start3A_841] : memref<262144x128xf32, #tpu.memory_space<hbm>> -> memref<128x128xf32, #tpu.memory_space<hbm>>
    %dma_start3A_843 = arith.constant 0 : i32
    %dma_start3A_844 = tpu.memref_slice %arg3[%add3A_840, %dma_start3A_843] : memref<262144x128xf32, #tpu.memory_space<hbm>> -> memref<128x128xf32, #tpu.memory_space<hbm>>
    tpu.enqueue_dma source(%arg5 : memref<128x128xf32, #tpu.memory_space<vmem>>) target(%dma_start3A_844 : memref<128x128xf32, #tpu.memory_space<hbm>>) target_semaphore(%arg13 : memref<!tpu.dma_semaphore, #tpu.memory_space<semaphore_mem>>)
    %dma_wait3A_845 = arith.constant 0 : i32
    %dma_wait3A_846 = tpu.memref_slice %arg3[%add3A_820, %dma_wait3A_845] : memref<262144x128xf32, #tpu.memory_space<hbm>> -> memref<128x128xf32, #tpu.memory_space<hbm>>
    %dma_wait3A_847 = arith.constant 0 : i32
    %dma_wait3A_848 = tpu.memref_slice %arg3[%add3A_820, %dma_wait3A_847] : memref<262144x128xf32, #tpu.memory_space<hbm>> -> memref<128x128xf32, #tpu.memory_space<hbm>>
    tpu.wait_dma2 semaphore(%arg12 : memref<!tpu.dma_semaphore, #tpu.memory_space<semaphore_mem>>) src(%arg4 : memref<128x128xf32, #tpu.memory_space<vmem>>) dst(%dma_wait3A_848 : memref<128x128xf32, #tpu.memory_space<hbm>>)
    %add3A_849 = arith.constant 5632 : i32
    %add3A_850 = arith.addi %mul3A_2, %add3A_849 : i32
    %dma_start3A_851 = arith.constant 0 : i32
    %dma_start3A_852 = tpu.memref_slice %arg2[%add3A_850, %dma_start3A_851] : memref<262144x128xf32, #tpu.memory_space<hbm>> -> memref<128x128xf32, #tpu.memory_space<hbm>>
    %dma_start3A_853 = arith.constant 0 : i32
    %dma_start3A_854 = tpu.memref_slice %arg2[%add3A_850, %dma_start3A_853] : memref<262144x128xf32, #tpu.memory_space<hbm>> -> memref<128x128xf32, #tpu.memory_space<hbm>>
    tpu.enqueue_dma source(%dma_start3A_854 : memref<128x128xf32, #tpu.memory_space<hbm>>) target(%arg4 : memref<128x128xf32, #tpu.memory_space<vmem>>) target_semaphore(%arg8 : memref<!tpu.dma_semaphore, #tpu.memory_space<semaphore_mem>>)
    %dma_wait3A_855 = arith.constant 0 : i32
    %dma_wait3A_856 = tpu.memref_slice %arg2[%add3A_810, %dma_wait3A_855] : memref<262144x128xf32, #tpu.memory_space<hbm>> -> memref<128x128xf32, #tpu.memory_space<hbm>>
    %dma_wait3A_857 = arith.constant 0 : i32
    %dma_wait3A_858 = tpu.memref_slice %arg2[%add3A_810, %dma_wait3A_857] : memref<262144x128xf32, #tpu.memory_space<hbm>> -> memref<128x128xf32, #tpu.memory_space<hbm>>
    tpu.wait_dma2 semaphore(%arg10 : memref<!tpu.dma_semaphore, #tpu.memory_space<semaphore_mem>>) src(%dma_wait3A_858 : memref<128x128xf32, #tpu.memory_space<hbm>>) dst(%arg6 : memref<128x128xf32, #tpu.memory_space<vmem>>)
    %add3A_859 = arith.constant 5376 : i32
    %add3A_860 = arith.addi %mul3A_2, %add3A_859 : i32
    %dma_start3A_861 = arith.constant 0 : i32
    %dma_start3A_862 = tpu.memref_slice %arg3[%add3A_860, %dma_start3A_861] : memref<262144x128xf32, #tpu.memory_space<hbm>> -> memref<128x128xf32, #tpu.memory_space<hbm>>
    %dma_start3A_863 = arith.constant 0 : i32
    %dma_start3A_864 = tpu.memref_slice %arg3[%add3A_860, %dma_start3A_863] : memref<262144x128xf32, #tpu.memory_space<hbm>> -> memref<128x128xf32, #tpu.memory_space<hbm>>
    tpu.enqueue_dma source(%arg6 : memref<128x128xf32, #tpu.memory_space<vmem>>) target(%dma_start3A_864 : memref<128x128xf32, #tpu.memory_space<hbm>>) target_semaphore(%arg14 : memref<!tpu.dma_semaphore, #tpu.memory_space<semaphore_mem>>)
    %dma_wait3A_865 = arith.constant 0 : i32
    %dma_wait3A_866 = tpu.memref_slice %arg3[%add3A_840, %dma_wait3A_865] : memref<262144x128xf32, #tpu.memory_space<hbm>> -> memref<128x128xf32, #tpu.memory_space<hbm>>
    %dma_wait3A_867 = arith.constant 0 : i32
    %dma_wait3A_868 = tpu.memref_slice %arg3[%add3A_840, %dma_wait3A_867] : memref<262144x128xf32, #tpu.memory_space<hbm>> -> memref<128x128xf32, #tpu.memory_space<hbm>>
    tpu.wait_dma2 semaphore(%arg13 : memref<!tpu.dma_semaphore, #tpu.memory_space<semaphore_mem>>) src(%arg5 : memref<128x128xf32, #tpu.memory_space<vmem>>) dst(%dma_wait3A_868 : memref<128x128xf32, #tpu.memory_space<hbm>>)
    %add3A_869 = arith.constant 5760 : i32
    %add3A_870 = arith.addi %mul3A_2, %add3A_869 : i32
    %dma_start3A_871 = arith.constant 0 : i32
    %dma_start3A_872 = tpu.memref_slice %arg2[%add3A_870, %dma_start3A_871] : memref<262144x128xf32, #tpu.memory_space<hbm>> -> memref<128x128xf32, #tpu.memory_space<hbm>>
    %dma_start3A_873 = arith.constant 0 : i32
    %dma_start3A_874 = tpu.memref_slice %arg2[%add3A_870, %dma_start3A_873] : memref<262144x128xf32, #tpu.memory_space<hbm>> -> memref<128x128xf32, #tpu.memory_space<hbm>>
    tpu.enqueue_dma source(%dma_start3A_874 : memref<128x128xf32, #tpu.memory_space<hbm>>) target(%arg5 : memref<128x128xf32, #tpu.memory_space<vmem>>) target_semaphore(%arg9 : memref<!tpu.dma_semaphore, #tpu.memory_space<semaphore_mem>>)
    %dma_wait3A_875 = arith.constant 0 : i32
    %dma_wait3A_876 = tpu.memref_slice %arg2[%add3A_830, %dma_wait3A_875] : memref<262144x128xf32, #tpu.memory_space<hbm>> -> memref<128x128xf32, #tpu.memory_space<hbm>>
    %dma_wait3A_877 = arith.constant 0 : i32
    %dma_wait3A_878 = tpu.memref_slice %arg2[%add3A_830, %dma_wait3A_877] : memref<262144x128xf32, #tpu.memory_space<hbm>> -> memref<128x128xf32, #tpu.memory_space<hbm>>
    tpu.wait_dma2 semaphore(%arg11 : memref<!tpu.dma_semaphore, #tpu.memory_space<semaphore_mem>>) src(%dma_wait3A_878 : memref<128x128xf32, #tpu.memory_space<hbm>>) dst(%arg7 : memref<128x128xf32, #tpu.memory_space<vmem>>)
    %add3A_879 = arith.constant 5504 : i32
    %add3A_880 = arith.addi %mul3A_2, %add3A_879 : i32
    %dma_start3A_881 = arith.constant 0 : i32
    %dma_start3A_882 = tpu.memref_slice %arg3[%add3A_880, %dma_start3A_881] : memref<262144x128xf32, #tpu.memory_space<hbm>> -> memref<128x128xf32, #tpu.memory_space<hbm>>
    %dma_start3A_883 = arith.constant 0 : i32
    %dma_start3A_884 = tpu.memref_slice %arg3[%add3A_880, %dma_start3A_883] : memref<262144x128xf32, #tpu.memory_space<hbm>> -> memref<128x128xf32, #tpu.memory_space<hbm>>
    tpu.enqueue_dma source(%arg7 : memref<128x128xf32, #tpu.memory_space<vmem>>) target(%dma_start3A_884 : memref<128x128xf32, #tpu.memory_space<hbm>>) target_semaphore(%arg15 : memref<!tpu.dma_semaphore, #tpu.memory_space<semaphore_mem>>)
    %dma_wait3A_885 = arith.constant 0 : i32
    %dma_wait3A_886 = tpu.memref_slice %arg3[%add3A_860, %dma_wait3A_885] : memref<262144x128xf32, #tpu.memory_space<hbm>> -> memref<128x128xf32, #tpu.memory_space<hbm>>
    %dma_wait3A_887 = arith.constant 0 : i32
    %dma_wait3A_888 = tpu.memref_slice %arg3[%add3A_860, %dma_wait3A_887] : memref<262144x128xf32, #tpu.memory_space<hbm>> -> memref<128x128xf32, #tpu.memory_space<hbm>>
    tpu.wait_dma2 semaphore(%arg14 : memref<!tpu.dma_semaphore, #tpu.memory_space<semaphore_mem>>) src(%arg6 : memref<128x128xf32, #tpu.memory_space<vmem>>) dst(%dma_wait3A_888 : memref<128x128xf32, #tpu.memory_space<hbm>>)
    %add3A_889 = arith.constant 5888 : i32
    %add3A_890 = arith.addi %mul3A_2, %add3A_889 : i32
    %dma_start3A_891 = arith.constant 0 : i32
    %dma_start3A_892 = tpu.memref_slice %arg2[%add3A_890, %dma_start3A_891] : memref<262144x128xf32, #tpu.memory_space<hbm>> -> memref<128x128xf32, #tpu.memory_space<hbm>>
    %dma_start3A_893 = arith.constant 0 : i32
    %dma_start3A_894 = tpu.memref_slice %arg2[%add3A_890, %dma_start3A_893] : memref<262144x128xf32, #tpu.memory_space<hbm>> -> memref<128x128xf32, #tpu.memory_space<hbm>>
    tpu.enqueue_dma source(%dma_start3A_894 : memref<128x128xf32, #tpu.memory_space<hbm>>) target(%arg6 : memref<128x128xf32, #tpu.memory_space<vmem>>) target_semaphore(%arg10 : memref<!tpu.dma_semaphore, #tpu.memory_space<semaphore_mem>>)
    %dma_wait3A_895 = arith.constant 0 : i32
    %dma_wait3A_896 = tpu.memref_slice %arg2[%add3A_850, %dma_wait3A_895] : memref<262144x128xf32, #tpu.memory_space<hbm>> -> memref<128x128xf32, #tpu.memory_space<hbm>>
    %dma_wait3A_897 = arith.constant 0 : i32
    %dma_wait3A_898 = tpu.memref_slice %arg2[%add3A_850, %dma_wait3A_897] : memref<262144x128xf32, #tpu.memory_space<hbm>> -> memref<128x128xf32, #tpu.memory_space<hbm>>
    tpu.wait_dma2 semaphore(%arg8 : memref<!tpu.dma_semaphore, #tpu.memory_space<semaphore_mem>>) src(%dma_wait3A_898 : memref<128x128xf32, #tpu.memory_space<hbm>>) dst(%arg4 : memref<128x128xf32, #tpu.memory_space<vmem>>)
    %add3A_899 = arith.constant 5632 : i32
    %add3A_900 = arith.addi %mul3A_2, %add3A_899 : i32
    %dma_start3A_901 = arith.constant 0 : i32
    %dma_start3A_902 = tpu.memref_slice %arg3[%add3A_900, %dma_start3A_901] : memref<262144x128xf32, #tpu.memory_space<hbm>> -> memref<128x128xf32, #tpu.memory_space<hbm>>
    %dma_start3A_903 = arith.constant 0 : i32
    %dma_start3A_904 = tpu.memref_slice %arg3[%add3A_900, %dma_start3A_903] : memref<262144x128xf32, #tpu.memory_space<hbm>> -> memref<128x128xf32, #tpu.memory_space<hbm>>
    tpu.enqueue_dma source(%arg4 : memref<128x128xf32, #tpu.memory_space<vmem>>) target(%dma_start3A_904 : memref<128x128xf32, #tpu.memory_space<hbm>>) target_semaphore(%arg12 : memref<!tpu.dma_semaphore, #tpu.memory_space<semaphore_mem>>)
    %dma_wait3A_905 = arith.constant 0 : i32
    %dma_wait3A_906 = tpu.memref_slice %arg3[%add3A_880, %dma_wait3A_905] : memref<262144x128xf32, #tpu.memory_space<hbm>> -> memref<128x128xf32, #tpu.memory_space<hbm>>
    %dma_wait3A_907 = arith.constant 0 : i32
    %dma_wait3A_908 = tpu.memref_slice %arg3[%add3A_880, %dma_wait3A_907] : memref<262144x128xf32, #tpu.memory_space<hbm>> -> memref<128x128xf32, #tpu.memory_space<hbm>>
    tpu.wait_dma2 semaphore(%arg15 : memref<!tpu.dma_semaphore, #tpu.memory_space<semaphore_mem>>) src(%arg7 : memref<128x128xf32, #tpu.memory_space<vmem>>) dst(%dma_wait3A_908 : memref<128x128xf32, #tpu.memory_space<hbm>>)
    %add3A_909 = arith.constant 6016 : i32
    %add3A_910 = arith.addi %mul3A_2, %add3A_909 : i32
    %dma_start3A_911 = arith.constant 0 : i32
    %dma_start3A_912 = tpu.memref_slice %arg2[%add3A_910, %dma_start3A_911] : memref<262144x128xf32, #tpu.memory_space<hbm>> -> memref<128x128xf32, #tpu.memory_space<hbm>>
    %dma_start3A_913 = arith.constant 0 : i32
    %dma_start3A_914 = tpu.memref_slice %arg2[%add3A_910, %dma_start3A_913] : memref<262144x128xf32, #tpu.memory_space<hbm>> -> memref<128x128xf32, #tpu.memory_space<hbm>>
    tpu.enqueue_dma source(%dma_start3A_914 : memref<128x128xf32, #tpu.memory_space<hbm>>) target(%arg7 : memref<128x128xf32, #tpu.memory_space<vmem>>) target_semaphore(%arg11 : memref<!tpu.dma_semaphore, #tpu.memory_space<semaphore_mem>>)
    %dma_wait3A_915 = arith.constant 0 : i32
    %dma_wait3A_916 = tpu.memref_slice %arg2[%add3A_870, %dma_wait3A_915] : memref<262144x128xf32, #tpu.memory_space<hbm>> -> memref<128x128xf32, #tpu.memory_space<hbm>>
    %dma_wait3A_917 = arith.constant 0 : i32
    %dma_wait3A_918 = tpu.memref_slice %arg2[%add3A_870, %dma_wait3A_917] : memref<262144x128xf32, #tpu.memory_space<hbm>> -> memref<128x128xf32, #tpu.memory_space<hbm>>
    tpu.wait_dma2 semaphore(%arg9 : memref<!tpu.dma_semaphore, #tpu.memory_space<semaphore_mem>>) src(%dma_wait3A_918 : memref<128x128xf32, #tpu.memory_space<hbm>>) dst(%arg5 : memref<128x128xf32, #tpu.memory_space<vmem>>)
    %add3A_919 = arith.constant 5760 : i32
    %add3A_920 = arith.addi %mul3A_2, %add3A_919 : i32
    %dma_start3A_921 = arith.constant 0 : i32
    %dma_start3A_922 = tpu.memref_slice %arg3[%add3A_920, %dma_start3A_921] : memref<262144x128xf32, #tpu.memory_space<hbm>> -> memref<128x128xf32, #tpu.memory_space<hbm>>
    %dma_start3A_923 = arith.constant 0 : i32
    %dma_start3A_924 = tpu.memref_slice %arg3[%add3A_920, %dma_start3A_923] : memref<262144x128xf32, #tpu.memory_space<hbm>> -> memref<128x128xf32, #tpu.memory_space<hbm>>
    tpu.enqueue_dma source(%arg5 : memref<128x128xf32, #tpu.memory_space<vmem>>) target(%dma_start3A_924 : memref<128x128xf32, #tpu.memory_space<hbm>>) target_semaphore(%arg13 : memref<!tpu.dma_semaphore, #tpu.memory_space<semaphore_mem>>)
    %dma_wait3A_925 = arith.constant 0 : i32
    %dma_wait3A_926 = tpu.memref_slice %arg3[%add3A_900, %dma_wait3A_925] : memref<262144x128xf32, #tpu.memory_space<hbm>> -> memref<128x128xf32, #tpu.memory_space<hbm>>
    %dma_wait3A_927 = arith.constant 0 : i32
    %dma_wait3A_928 = tpu.memref_slice %arg3[%add3A_900, %dma_wait3A_927] : memref<262144x128xf32, #tpu.memory_space<hbm>> -> memref<128x128xf32, #tpu.memory_space<hbm>>
    tpu.wait_dma2 semaphore(%arg12 : memref<!tpu.dma_semaphore, #tpu.memory_space<semaphore_mem>>) src(%arg4 : memref<128x128xf32, #tpu.memory_space<vmem>>) dst(%dma_wait3A_928 : memref<128x128xf32, #tpu.memory_space<hbm>>)
    %add3A_929 = arith.constant 6144 : i32
    %add3A_930 = arith.addi %mul3A_2, %add3A_929 : i32
    %dma_start3A_931 = arith.constant 0 : i32
    %dma_start3A_932 = tpu.memref_slice %arg2[%add3A_930, %dma_start3A_931] : memref<262144x128xf32, #tpu.memory_space<hbm>> -> memref<128x128xf32, #tpu.memory_space<hbm>>
    %dma_start3A_933 = arith.constant 0 : i32
    %dma_start3A_934 = tpu.memref_slice %arg2[%add3A_930, %dma_start3A_933] : memref<262144x128xf32, #tpu.memory_space<hbm>> -> memref<128x128xf32, #tpu.memory_space<hbm>>
    tpu.enqueue_dma source(%dma_start3A_934 : memref<128x128xf32, #tpu.memory_space<hbm>>) target(%arg4 : memref<128x128xf32, #tpu.memory_space<vmem>>) target_semaphore(%arg8 : memref<!tpu.dma_semaphore, #tpu.memory_space<semaphore_mem>>)
    %dma_wait3A_935 = arith.constant 0 : i32
    %dma_wait3A_936 = tpu.memref_slice %arg2[%add3A_890, %dma_wait3A_935] : memref<262144x128xf32, #tpu.memory_space<hbm>> -> memref<128x128xf32, #tpu.memory_space<hbm>>
    %dma_wait3A_937 = arith.constant 0 : i32
    %dma_wait3A_938 = tpu.memref_slice %arg2[%add3A_890, %dma_wait3A_937] : memref<262144x128xf32, #tpu.memory_space<hbm>> -> memref<128x128xf32, #tpu.memory_space<hbm>>
    tpu.wait_dma2 semaphore(%arg10 : memref<!tpu.dma_semaphore, #tpu.memory_space<semaphore_mem>>) src(%dma_wait3A_938 : memref<128x128xf32, #tpu.memory_space<hbm>>) dst(%arg6 : memref<128x128xf32, #tpu.memory_space<vmem>>)
    %add3A_939 = arith.constant 5888 : i32
    %add3A_940 = arith.addi %mul3A_2, %add3A_939 : i32
    %dma_start3A_941 = arith.constant 0 : i32
    %dma_start3A_942 = tpu.memref_slice %arg3[%add3A_940, %dma_start3A_941] : memref<262144x128xf32, #tpu.memory_space<hbm>> -> memref<128x128xf32, #tpu.memory_space<hbm>>
    %dma_start3A_943 = arith.constant 0 : i32
    %dma_start3A_944 = tpu.memref_slice %arg3[%add3A_940, %dma_start3A_943] : memref<262144x128xf32, #tpu.memory_space<hbm>> -> memref<128x128xf32, #tpu.memory_space<hbm>>
    tpu.enqueue_dma source(%arg6 : memref<128x128xf32, #tpu.memory_space<vmem>>) target(%dma_start3A_944 : memref<128x128xf32, #tpu.memory_space<hbm>>) target_semaphore(%arg14 : memref<!tpu.dma_semaphore, #tpu.memory_space<semaphore_mem>>)
    %dma_wait3A_945 = arith.constant 0 : i32
    %dma_wait3A_946 = tpu.memref_slice %arg3[%add3A_920, %dma_wait3A_945] : memref<262144x128xf32, #tpu.memory_space<hbm>> -> memref<128x128xf32, #tpu.memory_space<hbm>>
    %dma_wait3A_947 = arith.constant 0 : i32
    %dma_wait3A_948 = tpu.memref_slice %arg3[%add3A_920, %dma_wait3A_947] : memref<262144x128xf32, #tpu.memory_space<hbm>> -> memref<128x128xf32, #tpu.memory_space<hbm>>
    tpu.wait_dma2 semaphore(%arg13 : memref<!tpu.dma_semaphore, #tpu.memory_space<semaphore_mem>>) src(%arg5 : memref<128x128xf32, #tpu.memory_space<vmem>>) dst(%dma_wait3A_948 : memref<128x128xf32, #tpu.memory_space<hbm>>)
    %add3A_949 = arith.constant 6272 : i32
    %add3A_950 = arith.addi %mul3A_2, %add3A_949 : i32
    %dma_start3A_951 = arith.constant 0 : i32
    %dma_start3A_952 = tpu.memref_slice %arg2[%add3A_950, %dma_start3A_951] : memref<262144x128xf32, #tpu.memory_space<hbm>> -> memref<128x128xf32, #tpu.memory_space<hbm>>
    %dma_start3A_953 = arith.constant 0 : i32
    %dma_start3A_954 = tpu.memref_slice %arg2[%add3A_950, %dma_start3A_953] : memref<262144x128xf32, #tpu.memory_space<hbm>> -> memref<128x128xf32, #tpu.memory_space<hbm>>
    tpu.enqueue_dma source(%dma_start3A_954 : memref<128x128xf32, #tpu.memory_space<hbm>>) target(%arg5 : memref<128x128xf32, #tpu.memory_space<vmem>>) target_semaphore(%arg9 : memref<!tpu.dma_semaphore, #tpu.memory_space<semaphore_mem>>)
    %dma_wait3A_955 = arith.constant 0 : i32
    %dma_wait3A_956 = tpu.memref_slice %arg2[%add3A_910, %dma_wait3A_955] : memref<262144x128xf32, #tpu.memory_space<hbm>> -> memref<128x128xf32, #tpu.memory_space<hbm>>
    %dma_wait3A_957 = arith.constant 0 : i32
    %dma_wait3A_958 = tpu.memref_slice %arg2[%add3A_910, %dma_wait3A_957] : memref<262144x128xf32, #tpu.memory_space<hbm>> -> memref<128x128xf32, #tpu.memory_space<hbm>>
    tpu.wait_dma2 semaphore(%arg11 : memref<!tpu.dma_semaphore, #tpu.memory_space<semaphore_mem>>) src(%dma_wait3A_958 : memref<128x128xf32, #tpu.memory_space<hbm>>) dst(%arg7 : memref<128x128xf32, #tpu.memory_space<vmem>>)
    %add3A_959 = arith.constant 6016 : i32
    %add3A_960 = arith.addi %mul3A_2, %add3A_959 : i32
    %dma_start3A_961 = arith.constant 0 : i32
    %dma_start3A_962 = tpu.memref_slice %arg3[%add3A_960, %dma_start3A_961] : memref<262144x128xf32, #tpu.memory_space<hbm>> -> memref<128x128xf32, #tpu.memory_space<hbm>>
    %dma_start3A_963 = arith.constant 0 : i32
    %dma_start3A_964 = tpu.memref_slice %arg3[%add3A_960, %dma_start3A_963] : memref<262144x128xf32, #tpu.memory_space<hbm>> -> memref<128x128xf32, #tpu.memory_space<hbm>>
    tpu.enqueue_dma source(%arg7 : memref<128x128xf32, #tpu.memory_space<vmem>>) target(%dma_start3A_964 : memref<128x128xf32, #tpu.memory_space<hbm>>) target_semaphore(%arg15 : memref<!tpu.dma_semaphore, #tpu.memory_space<semaphore_mem>>)
    %dma_wait3A_965 = arith.constant 0 : i32
    %dma_wait3A_966 = tpu.memref_slice %arg3[%add3A_940, %dma_wait3A_965] : memref<262144x128xf32, #tpu.memory_space<hbm>> -> memref<128x128xf32, #tpu.memory_space<hbm>>
    %dma_wait3A_967 = arith.constant 0 : i32
    %dma_wait3A_968 = tpu.memref_slice %arg3[%add3A_940, %dma_wait3A_967] : memref<262144x128xf32, #tpu.memory_space<hbm>> -> memref<128x128xf32, #tpu.memory_space<hbm>>
    tpu.wait_dma2 semaphore(%arg14 : memref<!tpu.dma_semaphore, #tpu.memory_space<semaphore_mem>>) src(%arg6 : memref<128x128xf32, #tpu.memory_space<vmem>>) dst(%dma_wait3A_968 : memref<128x128xf32, #tpu.memory_space<hbm>>)
    %add3A_969 = arith.constant 6400 : i32
    %add3A_970 = arith.addi %mul3A_2, %add3A_969 : i32
    %dma_start3A_971 = arith.constant 0 : i32
    %dma_start3A_972 = tpu.memref_slice %arg2[%add3A_970, %dma_start3A_971] : memref<262144x128xf32, #tpu.memory_space<hbm>> -> memref<128x128xf32, #tpu.memory_space<hbm>>
    %dma_start3A_973 = arith.constant 0 : i32
    %dma_start3A_974 = tpu.memref_slice %arg2[%add3A_970, %dma_start3A_973] : memref<262144x128xf32, #tpu.memory_space<hbm>> -> memref<128x128xf32, #tpu.memory_space<hbm>>
    tpu.enqueue_dma source(%dma_start3A_974 : memref<128x128xf32, #tpu.memory_space<hbm>>) target(%arg6 : memref<128x128xf32, #tpu.memory_space<vmem>>) target_semaphore(%arg10 : memref<!tpu.dma_semaphore, #tpu.memory_space<semaphore_mem>>)
    %dma_wait3A_975 = arith.constant 0 : i32
    %dma_wait3A_976 = tpu.memref_slice %arg2[%add3A_930, %dma_wait3A_975] : memref<262144x128xf32, #tpu.memory_space<hbm>> -> memref<128x128xf32, #tpu.memory_space<hbm>>
    %dma_wait3A_977 = arith.constant 0 : i32
    %dma_wait3A_978 = tpu.memref_slice %arg2[%add3A_930, %dma_wait3A_977] : memref<262144x128xf32, #tpu.memory_space<hbm>> -> memref<128x128xf32, #tpu.memory_space<hbm>>
    tpu.wait_dma2 semaphore(%arg8 : memref<!tpu.dma_semaphore, #tpu.memory_space<semaphore_mem>>) src(%dma_wait3A_978 : memref<128x128xf32, #tpu.memory_space<hbm>>) dst(%arg4 : memref<128x128xf32, #tpu.memory_space<vmem>>)
    %add3A_979 = arith.constant 6144 : i32
    %add3A_980 = arith.addi %mul3A_2, %add3A_979 : i32
    %dma_start3A_981 = arith.constant 0 : i32
    %dma_start3A_982 = tpu.memref_slice %arg3[%add3A_980, %dma_start3A_981] : memref<262144x128xf32, #tpu.memory_space<hbm>> -> memref<128x128xf32, #tpu.memory_space<hbm>>
    %dma_start3A_983 = arith.constant 0 : i32
    %dma_start3A_984 = tpu.memref_slice %arg3[%add3A_980, %dma_start3A_983] : memref<262144x128xf32, #tpu.memory_space<hbm>> -> memref<128x128xf32, #tpu.memory_space<hbm>>
    tpu.enqueue_dma source(%arg4 : memref<128x128xf32, #tpu.memory_space<vmem>>) target(%dma_start3A_984 : memref<128x128xf32, #tpu.memory_space<hbm>>) target_semaphore(%arg12 : memref<!tpu.dma_semaphore, #tpu.memory_space<semaphore_mem>>)
    %dma_wait3A_985 = arith.constant 0 : i32
    %dma_wait3A_986 = tpu.memref_slice %arg3[%add3A_960, %dma_wait3A_985] : memref<262144x128xf32, #tpu.memory_space<hbm>> -> memref<128x128xf32, #tpu.memory_space<hbm>>
    %dma_wait3A_987 = arith.constant 0 : i32
    %dma_wait3A_988 = tpu.memref_slice %arg3[%add3A_960, %dma_wait3A_987] : memref<262144x128xf32, #tpu.memory_space<hbm>> -> memref<128x128xf32, #tpu.memory_space<hbm>>
    tpu.wait_dma2 semaphore(%arg15 : memref<!tpu.dma_semaphore, #tpu.memory_space<semaphore_mem>>) src(%arg7 : memref<128x128xf32, #tpu.memory_space<vmem>>) dst(%dma_wait3A_988 : memref<128x128xf32, #tpu.memory_space<hbm>>)
    %add3A_989 = arith.constant 6528 : i32
    %add3A_990 = arith.addi %mul3A_2, %add3A_989 : i32
    %dma_start3A_991 = arith.constant 0 : i32
    %dma_start3A_992 = tpu.memref_slice %arg2[%add3A_990, %dma_start3A_991] : memref<262144x128xf32, #tpu.memory_space<hbm>> -> memref<128x128xf32, #tpu.memory_space<hbm>>
    %dma_start3A_993 = arith.constant 0 : i32
    %dma_start3A_994 = tpu.memref_slice %arg2[%add3A_990, %dma_start3A_993] : memref<262144x128xf32, #tpu.memory_space<hbm>> -> memref<128x128xf32, #tpu.memory_space<hbm>>
    tpu.enqueue_dma source(%dma_start3A_994 : memref<128x128xf32, #tpu.memory_space<hbm>>) target(%arg7 : memref<128x128xf32, #tpu.memory_space<vmem>>) target_semaphore(%arg11 : memref<!tpu.dma_semaphore, #tpu.memory_space<semaphore_mem>>)
    %dma_wait3A_995 = arith.constant 0 : i32
    %dma_wait3A_996 = tpu.memref_slice %arg2[%add3A_950, %dma_wait3A_995] : memref<262144x128xf32, #tpu.memory_space<hbm>> -> memref<128x128xf32, #tpu.memory_space<hbm>>
    %dma_wait3A_997 = arith.constant 0 : i32
    %dma_wait3A_998 = tpu.memref_slice %arg2[%add3A_950, %dma_wait3A_997] : memref<262144x128xf32, #tpu.memory_space<hbm>> -> memref<128x128xf32, #tpu.memory_space<hbm>>
    tpu.wait_dma2 semaphore(%arg9 : memref<!tpu.dma_semaphore, #tpu.memory_space<semaphore_mem>>) src(%dma_wait3A_998 : memref<128x128xf32, #tpu.memory_space<hbm>>) dst(%arg5 : memref<128x128xf32, #tpu.memory_space<vmem>>)
    %add3A_999 = arith.constant 6272 : i32
    %add3A_1000 = arith.addi %mul3A_2, %add3A_999 : i32
    %dma_start3A_1001 = arith.constant 0 : i32
    %dma_start3A_1002 = tpu.memref_slice %arg3[%add3A_1000, %dma_start3A_1001] : memref<262144x128xf32, #tpu.memory_space<hbm>> -> memref<128x128xf32, #tpu.memory_space<hbm>>
    %dma_start3A_1003 = arith.constant 0 : i32
    %dma_start3A_1004 = tpu.memref_slice %arg3[%add3A_1000, %dma_start3A_1003] : memref<262144x128xf32, #tpu.memory_space<hbm>> -> memref<128x128xf32, #tpu.memory_space<hbm>>
    tpu.enqueue_dma source(%arg5 : memref<128x128xf32, #tpu.memory_space<vmem>>) target(%dma_start3A_1004 : memref<128x128xf32, #tpu.memory_space<hbm>>) target_semaphore(%arg13 : memref<!tpu.dma_semaphore, #tpu.memory_space<semaphore_mem>>)
    %dma_wait3A_1005 = arith.constant 0 : i32
    %dma_wait3A_1006 = tpu.memref_slice %arg3[%add3A_980, %dma_wait3A_1005] : memref<262144x128xf32, #tpu.memory_space<hbm>> -> memref<128x128xf32, #tpu.memory_space<hbm>>
    %dma_wait3A_1007 = arith.constant 0 : i32
    %dma_wait3A_1008 = tpu.memref_slice %arg3[%add3A_980, %dma_wait3A_1007] : memref<262144x128xf32, #tpu.memory_space<hbm>> -> memref<128x128xf32, #tpu.memory_space<hbm>>
    tpu.wait_dma2 semaphore(%arg12 : memref<!tpu.dma_semaphore, #tpu.memory_space<semaphore_mem>>) src(%arg4 : memref<128x128xf32, #tpu.memory_space<vmem>>) dst(%dma_wait3A_1008 : memref<128x128xf32, #tpu.memory_space<hbm>>)
    %add3A_1009 = arith.constant 6656 : i32
    %add3A_1010 = arith.addi %mul3A_2, %add3A_1009 : i32
    %dma_start3A_1011 = arith.constant 0 : i32
    %dma_start3A_1012 = tpu.memref_slice %arg2[%add3A_1010, %dma_start3A_1011] : memref<262144x128xf32, #tpu.memory_space<hbm>> -> memref<128x128xf32, #tpu.memory_space<hbm>>
    %dma_start3A_1013 = arith.constant 0 : i32
    %dma_start3A_1014 = tpu.memref_slice %arg2[%add3A_1010, %dma_start3A_1013] : memref<262144x128xf32, #tpu.memory_space<hbm>> -> memref<128x128xf32, #tpu.memory_space<hbm>>
    tpu.enqueue_dma source(%dma_start3A_1014 : memref<128x128xf32, #tpu.memory_space<hbm>>) target(%arg4 : memref<128x128xf32, #tpu.memory_space<vmem>>) target_semaphore(%arg8 : memref<!tpu.dma_semaphore, #tpu.memory_space<semaphore_mem>>)
    %dma_wait3A_1015 = arith.constant 0 : i32
    %dma_wait3A_1016 = tpu.memref_slice %arg2[%add3A_970, %dma_wait3A_1015] : memref<262144x128xf32, #tpu.memory_space<hbm>> -> memref<128x128xf32, #tpu.memory_space<hbm>>
    %dma_wait3A_1017 = arith.constant 0 : i32
    %dma_wait3A_1018 = tpu.memref_slice %arg2[%add3A_970, %dma_wait3A_1017] : memref<262144x128xf32, #tpu.memory_space<hbm>> -> memref<128x128xf32, #tpu.memory_space<hbm>>
    tpu.wait_dma2 semaphore(%arg10 : memref<!tpu.dma_semaphore, #tpu.memory_space<semaphore_mem>>) src(%dma_wait3A_1018 : memref<128x128xf32, #tpu.memory_space<hbm>>) dst(%arg6 : memref<128x128xf32, #tpu.memory_space<vmem>>)
    %add3A_1019 = arith.constant 6400 : i32
    %add3A_1020 = arith.addi %mul3A_2, %add3A_1019 : i32
    %dma_start3A_1021 = arith.constant 0 : i32
    %dma_start3A_1022 = tpu.memref_slice %arg3[%add3A_1020, %dma_start3A_1021] : memref<262144x128xf32, #tpu.memory_space<hbm>> -> memref<128x128xf32, #tpu.memory_space<hbm>>
    %dma_start3A_1023 = arith.constant 0 : i32
    %dma_start3A_1024 = tpu.memref_slice %arg3[%add3A_1020, %dma_start3A_1023] : memref<262144x128xf32, #tpu.memory_space<hbm>> -> memref<128x128xf32, #tpu.memory_space<hbm>>
    tpu.enqueue_dma source(%arg6 : memref<128x128xf32, #tpu.memory_space<vmem>>) target(%dma_start3A_1024 : memref<128x128xf32, #tpu.memory_space<hbm>>) target_semaphore(%arg14 : memref<!tpu.dma_semaphore, #tpu.memory_space<semaphore_mem>>)
    %dma_wait3A_1025 = arith.constant 0 : i32
    %dma_wait3A_1026 = tpu.memref_slice %arg3[%add3A_1000, %dma_wait3A_1025] : memref<262144x128xf32, #tpu.memory_space<hbm>> -> memref<128x128xf32, #tpu.memory_space<hbm>>
    %dma_wait3A_1027 = arith.constant 0 : i32
    %dma_wait3A_1028 = tpu.memref_slice %arg3[%add3A_1000, %dma_wait3A_1027] : memref<262144x128xf32, #tpu.memory_space<hbm>> -> memref<128x128xf32, #tpu.memory_space<hbm>>
    tpu.wait_dma2 semaphore(%arg13 : memref<!tpu.dma_semaphore, #tpu.memory_space<semaphore_mem>>) src(%arg5 : memref<128x128xf32, #tpu.memory_space<vmem>>) dst(%dma_wait3A_1028 : memref<128x128xf32, #tpu.memory_space<hbm>>)
    %add3A_1029 = arith.constant 6784 : i32
    %add3A_1030 = arith.addi %mul3A_2, %add3A_1029 : i32
    %dma_start3A_1031 = arith.constant 0 : i32
    %dma_start3A_1032 = tpu.memref_slice %arg2[%add3A_1030, %dma_start3A_1031] : memref<262144x128xf32, #tpu.memory_space<hbm>> -> memref<128x128xf32, #tpu.memory_space<hbm>>
    %dma_start3A_1033 = arith.constant 0 : i32
    %dma_start3A_1034 = tpu.memref_slice %arg2[%add3A_1030, %dma_start3A_1033] : memref<262144x128xf32, #tpu.memory_space<hbm>> -> memref<128x128xf32, #tpu.memory_space<hbm>>
    tpu.enqueue_dma source(%dma_start3A_1034 : memref<128x128xf32, #tpu.memory_space<hbm>>) target(%arg5 : memref<128x128xf32, #tpu.memory_space<vmem>>) target_semaphore(%arg9 : memref<!tpu.dma_semaphore, #tpu.memory_space<semaphore_mem>>)
    %dma_wait3A_1035 = arith.constant 0 : i32
    %dma_wait3A_1036 = tpu.memref_slice %arg2[%add3A_990, %dma_wait3A_1035] : memref<262144x128xf32, #tpu.memory_space<hbm>> -> memref<128x128xf32, #tpu.memory_space<hbm>>
    %dma_wait3A_1037 = arith.constant 0 : i32
    %dma_wait3A_1038 = tpu.memref_slice %arg2[%add3A_990, %dma_wait3A_1037] : memref<262144x128xf32, #tpu.memory_space<hbm>> -> memref<128x128xf32, #tpu.memory_space<hbm>>
    tpu.wait_dma2 semaphore(%arg11 : memref<!tpu.dma_semaphore, #tpu.memory_space<semaphore_mem>>) src(%dma_wait3A_1038 : memref<128x128xf32, #tpu.memory_space<hbm>>) dst(%arg7 : memref<128x128xf32, #tpu.memory_space<vmem>>)
    %add3A_1039 = arith.constant 6528 : i32
    %add3A_1040 = arith.addi %mul3A_2, %add3A_1039 : i32
    %dma_start3A_1041 = arith.constant 0 : i32
    %dma_start3A_1042 = tpu.memref_slice %arg3[%add3A_1040, %dma_start3A_1041] : memref<262144x128xf32, #tpu.memory_space<hbm>> -> memref<128x128xf32, #tpu.memory_space<hbm>>
    %dma_start3A_1043 = arith.constant 0 : i32
    %dma_start3A_1044 = tpu.memref_slice %arg3[%add3A_1040, %dma_start3A_1043] : memref<262144x128xf32, #tpu.memory_space<hbm>> -> memref<128x128xf32, #tpu.memory_space<hbm>>
    tpu.enqueue_dma source(%arg7 : memref<128x128xf32, #tpu.memory_space<vmem>>) target(%dma_start3A_1044 : memref<128x128xf32, #tpu.memory_space<hbm>>) target_semaphore(%arg15 : memref<!tpu.dma_semaphore, #tpu.memory_space<semaphore_mem>>)
    %dma_wait3A_1045 = arith.constant 0 : i32
    %dma_wait3A_1046 = tpu.memref_slice %arg3[%add3A_1020, %dma_wait3A_1045] : memref<262144x128xf32, #tpu.memory_space<hbm>> -> memref<128x128xf32, #tpu.memory_space<hbm>>
    %dma_wait3A_1047 = arith.constant 0 : i32
    %dma_wait3A_1048 = tpu.memref_slice %arg3[%add3A_1020, %dma_wait3A_1047] : memref<262144x128xf32, #tpu.memory_space<hbm>> -> memref<128x128xf32, #tpu.memory_space<hbm>>
    tpu.wait_dma2 semaphore(%arg14 : memref<!tpu.dma_semaphore, #tpu.memory_space<semaphore_mem>>) src(%arg6 : memref<128x128xf32, #tpu.memory_space<vmem>>) dst(%dma_wait3A_1048 : memref<128x128xf32, #tpu.memory_space<hbm>>)
    %add3A_1049 = arith.constant 6912 : i32
    %add3A_1050 = arith.addi %mul3A_2, %add3A_1049 : i32
    %dma_start3A_1051 = arith.constant 0 : i32
    %dma_start3A_1052 = tpu.memref_slice %arg2[%add3A_1050, %dma_start3A_1051] : memref<262144x128xf32, #tpu.memory_space<hbm>> -> memref<128x128xf32, #tpu.memory_space<hbm>>
    %dma_start3A_1053 = arith.constant 0 : i32
    %dma_start3A_1054 = tpu.memref_slice %arg2[%add3A_1050, %dma_start3A_1053] : memref<262144x128xf32, #tpu.memory_space<hbm>> -> memref<128x128xf32, #tpu.memory_space<hbm>>
    tpu.enqueue_dma source(%dma_start3A_1054 : memref<128x128xf32, #tpu.memory_space<hbm>>) target(%arg6 : memref<128x128xf32, #tpu.memory_space<vmem>>) target_semaphore(%arg10 : memref<!tpu.dma_semaphore, #tpu.memory_space<semaphore_mem>>)
    %dma_wait3A_1055 = arith.constant 0 : i32
    %dma_wait3A_1056 = tpu.memref_slice %arg2[%add3A_1010, %dma_wait3A_1055] : memref<262144x128xf32, #tpu.memory_space<hbm>> -> memref<128x128xf32, #tpu.memory_space<hbm>>
    %dma_wait3A_1057 = arith.constant 0 : i32
    %dma_wait3A_1058 = tpu.memref_slice %arg2[%add3A_1010, %dma_wait3A_1057] : memref<262144x128xf32, #tpu.memory_space<hbm>> -> memref<128x128xf32, #tpu.memory_space<hbm>>
    tpu.wait_dma2 semaphore(%arg8 : memref<!tpu.dma_semaphore, #tpu.memory_space<semaphore_mem>>) src(%dma_wait3A_1058 : memref<128x128xf32, #tpu.memory_space<hbm>>) dst(%arg4 : memref<128x128xf32, #tpu.memory_space<vmem>>)
    %add3A_1059 = arith.constant 6656 : i32
    %add3A_1060 = arith.addi %mul3A_2, %add3A_1059 : i32
    %dma_start3A_1061 = arith.constant 0 : i32
    %dma_start3A_1062 = tpu.memref_slice %arg3[%add3A_1060, %dma_start3A_1061] : memref<262144x128xf32, #tpu.memory_space<hbm>> -> memref<128x128xf32, #tpu.memory_space<hbm>>
    %dma_start3A_1063 = arith.constant 0 : i32
    %dma_start3A_1064 = tpu.memref_slice %arg3[%add3A_1060, %dma_start3A_1063] : memref<262144x128xf32, #tpu.memory_space<hbm>> -> memref<128x128xf32, #tpu.memory_space<hbm>>
    tpu.enqueue_dma source(%arg4 : memref<128x128xf32, #tpu.memory_space<vmem>>) target(%dma_start3A_1064 : memref<128x128xf32, #tpu.memory_space<hbm>>) target_semaphore(%arg12 : memref<!tpu.dma_semaphore, #tpu.memory_space<semaphore_mem>>)
    %dma_wait3A_1065 = arith.constant 0 : i32
    %dma_wait3A_1066 = tpu.memref_slice %arg3[%add3A_1040, %dma_wait3A_1065] : memref<262144x128xf32, #tpu.memory_space<hbm>> -> memref<128x128xf32, #tpu.memory_space<hbm>>
    %dma_wait3A_1067 = arith.constant 0 : i32
    %dma_wait3A_1068 = tpu.memref_slice %arg3[%add3A_1040, %dma_wait3A_1067] : memref<262144x128xf32, #tpu.memory_space<hbm>> -> memref<128x128xf32, #tpu.memory_space<hbm>>
    tpu.wait_dma2 semaphore(%arg15 : memref<!tpu.dma_semaphore, #tpu.memory_space<semaphore_mem>>) src(%arg7 : memref<128x128xf32, #tpu.memory_space<vmem>>) dst(%dma_wait3A_1068 : memref<128x128xf32, #tpu.memory_space<hbm>>)
    %add3A_1069 = arith.constant 7040 : i32
    %add3A_1070 = arith.addi %mul3A_2, %add3A_1069 : i32
    %dma_start3A_1071 = arith.constant 0 : i32
    %dma_start3A_1072 = tpu.memref_slice %arg2[%add3A_1070, %dma_start3A_1071] : memref<262144x128xf32, #tpu.memory_space<hbm>> -> memref<128x128xf32, #tpu.memory_space<hbm>>
    %dma_start3A_1073 = arith.constant 0 : i32
    %dma_start3A_1074 = tpu.memref_slice %arg2[%add3A_1070, %dma_start3A_1073] : memref<262144x128xf32, #tpu.memory_space<hbm>> -> memref<128x128xf32, #tpu.memory_space<hbm>>
    tpu.enqueue_dma source(%dma_start3A_1074 : memref<128x128xf32, #tpu.memory_space<hbm>>) target(%arg7 : memref<128x128xf32, #tpu.memory_space<vmem>>) target_semaphore(%arg11 : memref<!tpu.dma_semaphore, #tpu.memory_space<semaphore_mem>>)
    %dma_wait3A_1075 = arith.constant 0 : i32
    %dma_wait3A_1076 = tpu.memref_slice %arg2[%add3A_1030, %dma_wait3A_1075] : memref<262144x128xf32, #tpu.memory_space<hbm>> -> memref<128x128xf32, #tpu.memory_space<hbm>>
    %dma_wait3A_1077 = arith.constant 0 : i32
    %dma_wait3A_1078 = tpu.memref_slice %arg2[%add3A_1030, %dma_wait3A_1077] : memref<262144x128xf32, #tpu.memory_space<hbm>> -> memref<128x128xf32, #tpu.memory_space<hbm>>
    tpu.wait_dma2 semaphore(%arg9 : memref<!tpu.dma_semaphore, #tpu.memory_space<semaphore_mem>>) src(%dma_wait3A_1078 : memref<128x128xf32, #tpu.memory_space<hbm>>) dst(%arg5 : memref<128x128xf32, #tpu.memory_space<vmem>>)
    %add3A_1079 = arith.constant 6784 : i32
    %add3A_1080 = arith.addi %mul3A_2, %add3A_1079 : i32
    %dma_start3A_1081 = arith.constant 0 : i32
    %dma_start3A_1082 = tpu.memref_slice %arg3[%add3A_1080, %dma_start3A_1081] : memref<262144x128xf32, #tpu.memory_space<hbm>> -> memref<128x128xf32, #tpu.memory_space<hbm>>
    %dma_start3A_1083 = arith.constant 0 : i32
    %dma_start3A_1084 = tpu.memref_slice %arg3[%add3A_1080, %dma_start3A_1083] : memref<262144x128xf32, #tpu.memory_space<hbm>> -> memref<128x128xf32, #tpu.memory_space<hbm>>
    tpu.enqueue_dma source(%arg5 : memref<128x128xf32, #tpu.memory_space<vmem>>) target(%dma_start3A_1084 : memref<128x128xf32, #tpu.memory_space<hbm>>) target_semaphore(%arg13 : memref<!tpu.dma_semaphore, #tpu.memory_space<semaphore_mem>>)
    %dma_wait3A_1085 = arith.constant 0 : i32
    %dma_wait3A_1086 = tpu.memref_slice %arg3[%add3A_1060, %dma_wait3A_1085] : memref<262144x128xf32, #tpu.memory_space<hbm>> -> memref<128x128xf32, #tpu.memory_space<hbm>>
    %dma_wait3A_1087 = arith.constant 0 : i32
    %dma_wait3A_1088 = tpu.memref_slice %arg3[%add3A_1060, %dma_wait3A_1087] : memref<262144x128xf32, #tpu.memory_space<hbm>> -> memref<128x128xf32, #tpu.memory_space<hbm>>
    tpu.wait_dma2 semaphore(%arg12 : memref<!tpu.dma_semaphore, #tpu.memory_space<semaphore_mem>>) src(%arg4 : memref<128x128xf32, #tpu.memory_space<vmem>>) dst(%dma_wait3A_1088 : memref<128x128xf32, #tpu.memory_space<hbm>>)
    %add3A_1089 = arith.constant 7168 : i32
    %add3A_1090 = arith.addi %mul3A_2, %add3A_1089 : i32
    %dma_start3A_1091 = arith.constant 0 : i32
    %dma_start3A_1092 = tpu.memref_slice %arg2[%add3A_1090, %dma_start3A_1091] : memref<262144x128xf32, #tpu.memory_space<hbm>> -> memref<128x128xf32, #tpu.memory_space<hbm>>
    %dma_start3A_1093 = arith.constant 0 : i32
    %dma_start3A_1094 = tpu.memref_slice %arg2[%add3A_1090, %dma_start3A_1093] : memref<262144x128xf32, #tpu.memory_space<hbm>> -> memref<128x128xf32, #tpu.memory_space<hbm>>
    tpu.enqueue_dma source(%dma_start3A_1094 : memref<128x128xf32, #tpu.memory_space<hbm>>) target(%arg4 : memref<128x128xf32, #tpu.memory_space<vmem>>) target_semaphore(%arg8 : memref<!tpu.dma_semaphore, #tpu.memory_space<semaphore_mem>>)
    %dma_wait3A_1095 = arith.constant 0 : i32
    %dma_wait3A_1096 = tpu.memref_slice %arg2[%add3A_1050, %dma_wait3A_1095] : memref<262144x128xf32, #tpu.memory_space<hbm>> -> memref<128x128xf32, #tpu.memory_space<hbm>>
    %dma_wait3A_1097 = arith.constant 0 : i32
    %dma_wait3A_1098 = tpu.memref_slice %arg2[%add3A_1050, %dma_wait3A_1097] : memref<262144x128xf32, #tpu.memory_space<hbm>> -> memref<128x128xf32, #tpu.memory_space<hbm>>
    tpu.wait_dma2 semaphore(%arg10 : memref<!tpu.dma_semaphore, #tpu.memory_space<semaphore_mem>>) src(%dma_wait3A_1098 : memref<128x128xf32, #tpu.memory_space<hbm>>) dst(%arg6 : memref<128x128xf32, #tpu.memory_space<vmem>>)
    %add3A_1099 = arith.constant 6912 : i32
    %add3A_1100 = arith.addi %mul3A_2, %add3A_1099 : i32
    %dma_start3A_1101 = arith.constant 0 : i32
    %dma_start3A_1102 = tpu.memref_slice %arg3[%add3A_1100, %dma_start3A_1101] : memref<262144x128xf32, #tpu.memory_space<hbm>> -> memref<128x128xf32, #tpu.memory_space<hbm>>
    %dma_start3A_1103 = arith.constant 0 : i32
    %dma_start3A_1104 = tpu.memref_slice %arg3[%add3A_1100, %dma_start3A_1103] : memref<262144x128xf32, #tpu.memory_space<hbm>> -> memref<128x128xf32, #tpu.memory_space<hbm>>
    tpu.enqueue_dma source(%arg6 : memref<128x128xf32, #tpu.memory_space<vmem>>) target(%dma_start3A_1104 : memref<128x128xf32, #tpu.memory_space<hbm>>) target_semaphore(%arg14 : memref<!tpu.dma_semaphore, #tpu.memory_space<semaphore_mem>>)
    %dma_wait3A_1105 = arith.constant 0 : i32
    %dma_wait3A_1106 = tpu.memref_slice %arg3[%add3A_1080, %dma_wait3A_1105] : memref<262144x128xf32, #tpu.memory_space<hbm>> -> memref<128x128xf32, #tpu.memory_space<hbm>>
    %dma_wait3A_1107 = arith.constant 0 : i32
    %dma_wait3A_1108 = tpu.memref_slice %arg3[%add3A_1080, %dma_wait3A_1107] : memref<262144x128xf32, #tpu.memory_space<hbm>> -> memref<128x128xf32, #tpu.memory_space<hbm>>
    tpu.wait_dma2 semaphore(%arg13 : memref<!tpu.dma_semaphore, #tpu.memory_space<semaphore_mem>>) src(%arg5 : memref<128x128xf32, #tpu.memory_space<vmem>>) dst(%dma_wait3A_1108 : memref<128x128xf32, #tpu.memory_space<hbm>>)
    %add3A_1109 = arith.constant 7296 : i32
    %add3A_1110 = arith.addi %mul3A_2, %add3A_1109 : i32
    %dma_start3A_1111 = arith.constant 0 : i32
    %dma_start3A_1112 = tpu.memref_slice %arg2[%add3A_1110, %dma_start3A_1111] : memref<262144x128xf32, #tpu.memory_space<hbm>> -> memref<128x128xf32, #tpu.memory_space<hbm>>
    %dma_start3A_1113 = arith.constant 0 : i32
    %dma_start3A_1114 = tpu.memref_slice %arg2[%add3A_1110, %dma_start3A_1113] : memref<262144x128xf32, #tpu.memory_space<hbm>> -> memref<128x128xf32, #tpu.memory_space<hbm>>
    tpu.enqueue_dma source(%dma_start3A_1114 : memref<128x128xf32, #tpu.memory_space<hbm>>) target(%arg5 : memref<128x128xf32, #tpu.memory_space<vmem>>) target_semaphore(%arg9 : memref<!tpu.dma_semaphore, #tpu.memory_space<semaphore_mem>>)
    %dma_wait3A_1115 = arith.constant 0 : i32
    %dma_wait3A_1116 = tpu.memref_slice %arg2[%add3A_1070, %dma_wait3A_1115] : memref<262144x128xf32, #tpu.memory_space<hbm>> -> memref<128x128xf32, #tpu.memory_space<hbm>>
    %dma_wait3A_1117 = arith.constant 0 : i32
    %dma_wait3A_1118 = tpu.memref_slice %arg2[%add3A_1070, %dma_wait3A_1117] : memref<262144x128xf32, #tpu.memory_space<hbm>> -> memref<128x128xf32, #tpu.memory_space<hbm>>
    tpu.wait_dma2 semaphore(%arg11 : memref<!tpu.dma_semaphore, #tpu.memory_space<semaphore_mem>>) src(%dma_wait3A_1118 : memref<128x128xf32, #tpu.memory_space<hbm>>) dst(%arg7 : memref<128x128xf32, #tpu.memory_space<vmem>>)
    %add3A_1119 = arith.constant 7040 : i32
    %add3A_1120 = arith.addi %mul3A_2, %add3A_1119 : i32
    %dma_start3A_1121 = arith.constant 0 : i32
    %dma_start3A_1122 = tpu.memref_slice %arg3[%add3A_1120, %dma_start3A_1121] : memref<262144x128xf32, #tpu.memory_space<hbm>> -> memref<128x128xf32, #tpu.memory_space<hbm>>
    %dma_start3A_1123 = arith.constant 0 : i32
    %dma_start3A_1124 = tpu.memref_slice %arg3[%add3A_1120, %dma_start3A_1123] : memref<262144x128xf32, #tpu.memory_space<hbm>> -> memref<128x128xf32, #tpu.memory_space<hbm>>
    tpu.enqueue_dma source(%arg7 : memref<128x128xf32, #tpu.memory_space<vmem>>) target(%dma_start3A_1124 : memref<128x128xf32, #tpu.memory_space<hbm>>) target_semaphore(%arg15 : memref<!tpu.dma_semaphore, #tpu.memory_space<semaphore_mem>>)
    %dma_wait3A_1125 = arith.constant 0 : i32
    %dma_wait3A_1126 = tpu.memref_slice %arg3[%add3A_1100, %dma_wait3A_1125] : memref<262144x128xf32, #tpu.memory_space<hbm>> -> memref<128x128xf32, #tpu.memory_space<hbm>>
    %dma_wait3A_1127 = arith.constant 0 : i32
    %dma_wait3A_1128 = tpu.memref_slice %arg3[%add3A_1100, %dma_wait3A_1127] : memref<262144x128xf32, #tpu.memory_space<hbm>> -> memref<128x128xf32, #tpu.memory_space<hbm>>
    tpu.wait_dma2 semaphore(%arg14 : memref<!tpu.dma_semaphore, #tpu.memory_space<semaphore_mem>>) src(%arg6 : memref<128x128xf32, #tpu.memory_space<vmem>>) dst(%dma_wait3A_1128 : memref<128x128xf32, #tpu.memory_space<hbm>>)
    %add3A_1129 = arith.constant 7424 : i32
    %add3A_1130 = arith.addi %mul3A_2, %add3A_1129 : i32
    %dma_start3A_1131 = arith.constant 0 : i32
    %dma_start3A_1132 = tpu.memref_slice %arg2[%add3A_1130, %dma_start3A_1131] : memref<262144x128xf32, #tpu.memory_space<hbm>> -> memref<128x128xf32, #tpu.memory_space<hbm>>
    %dma_start3A_1133 = arith.constant 0 : i32
    %dma_start3A_1134 = tpu.memref_slice %arg2[%add3A_1130, %dma_start3A_1133] : memref<262144x128xf32, #tpu.memory_space<hbm>> -> memref<128x128xf32, #tpu.memory_space<hbm>>
    tpu.enqueue_dma source(%dma_start3A_1134 : memref<128x128xf32, #tpu.memory_space<hbm>>) target(%arg6 : memref<128x128xf32, #tpu.memory_space<vmem>>) target_semaphore(%arg10 : memref<!tpu.dma_semaphore, #tpu.memory_space<semaphore_mem>>)
    %dma_wait3A_1135 = arith.constant 0 : i32
    %dma_wait3A_1136 = tpu.memref_slice %arg2[%add3A_1090, %dma_wait3A_1135] : memref<262144x128xf32, #tpu.memory_space<hbm>> -> memref<128x128xf32, #tpu.memory_space<hbm>>
    %dma_wait3A_1137 = arith.constant 0 : i32
    %dma_wait3A_1138 = tpu.memref_slice %arg2[%add3A_1090, %dma_wait3A_1137] : memref<262144x128xf32, #tpu.memory_space<hbm>> -> memref<128x128xf32, #tpu.memory_space<hbm>>
    tpu.wait_dma2 semaphore(%arg8 : memref<!tpu.dma_semaphore, #tpu.memory_space<semaphore_mem>>) src(%dma_wait3A_1138 : memref<128x128xf32, #tpu.memory_space<hbm>>) dst(%arg4 : memref<128x128xf32, #tpu.memory_space<vmem>>)
    %add3A_1139 = arith.constant 7168 : i32
    %add3A_1140 = arith.addi %mul3A_2, %add3A_1139 : i32
    %dma_start3A_1141 = arith.constant 0 : i32
    %dma_start3A_1142 = tpu.memref_slice %arg3[%add3A_1140, %dma_start3A_1141] : memref<262144x128xf32, #tpu.memory_space<hbm>> -> memref<128x128xf32, #tpu.memory_space<hbm>>
    %dma_start3A_1143 = arith.constant 0 : i32
    %dma_start3A_1144 = tpu.memref_slice %arg3[%add3A_1140, %dma_start3A_1143] : memref<262144x128xf32, #tpu.memory_space<hbm>> -> memref<128x128xf32, #tpu.memory_space<hbm>>
    tpu.enqueue_dma source(%arg4 : memref<128x128xf32, #tpu.memory_space<vmem>>) target(%dma_start3A_1144 : memref<128x128xf32, #tpu.memory_space<hbm>>) target_semaphore(%arg12 : memref<!tpu.dma_semaphore, #tpu.memory_space<semaphore_mem>>)
    %dma_wait3A_1145 = arith.constant 0 : i32
    %dma_wait3A_1146 = tpu.memref_slice %arg3[%add3A_1120, %dma_wait3A_1145] : memref<262144x128xf32, #tpu.memory_space<hbm>> -> memref<128x128xf32, #tpu.memory_space<hbm>>
    %dma_wait3A_1147 = arith.constant 0 : i32
    %dma_wait3A_1148 = tpu.memref_slice %arg3[%add3A_1120, %dma_wait3A_1147] : memref<262144x128xf32, #tpu.memory_space<hbm>> -> memref<128x128xf32, #tpu.memory_space<hbm>>
    tpu.wait_dma2 semaphore(%arg15 : memref<!tpu.dma_semaphore, #tpu.memory_space<semaphore_mem>>) src(%arg7 : memref<128x128xf32, #tpu.memory_space<vmem>>) dst(%dma_wait3A_1148 : memref<128x128xf32, #tpu.memory_space<hbm>>)
    %add3A_1149 = arith.constant 7552 : i32
    %add3A_1150 = arith.addi %mul3A_2, %add3A_1149 : i32
    %dma_start3A_1151 = arith.constant 0 : i32
    %dma_start3A_1152 = tpu.memref_slice %arg2[%add3A_1150, %dma_start3A_1151] : memref<262144x128xf32, #tpu.memory_space<hbm>> -> memref<128x128xf32, #tpu.memory_space<hbm>>
    %dma_start3A_1153 = arith.constant 0 : i32
    %dma_start3A_1154 = tpu.memref_slice %arg2[%add3A_1150, %dma_start3A_1153] : memref<262144x128xf32, #tpu.memory_space<hbm>> -> memref<128x128xf32, #tpu.memory_space<hbm>>
    tpu.enqueue_dma source(%dma_start3A_1154 : memref<128x128xf32, #tpu.memory_space<hbm>>) target(%arg7 : memref<128x128xf32, #tpu.memory_space<vmem>>) target_semaphore(%arg11 : memref<!tpu.dma_semaphore, #tpu.memory_space<semaphore_mem>>)
    %dma_wait3A_1155 = arith.constant 0 : i32
    %dma_wait3A_1156 = tpu.memref_slice %arg2[%add3A_1110, %dma_wait3A_1155] : memref<262144x128xf32, #tpu.memory_space<hbm>> -> memref<128x128xf32, #tpu.memory_space<hbm>>
    %dma_wait3A_1157 = arith.constant 0 : i32
    %dma_wait3A_1158 = tpu.memref_slice %arg2[%add3A_1110, %dma_wait3A_1157] : memref<262144x128xf32, #tpu.memory_space<hbm>> -> memref<128x128xf32, #tpu.memory_space<hbm>>
    tpu.wait_dma2 semaphore(%arg9 : memref<!tpu.dma_semaphore, #tpu.memory_space<semaphore_mem>>) src(%dma_wait3A_1158 : memref<128x128xf32, #tpu.memory_space<hbm>>) dst(%arg5 : memref<128x128xf32, #tpu.memory_space<vmem>>)
    %add3A_1159 = arith.constant 7296 : i32
    %add3A_1160 = arith.addi %mul3A_2, %add3A_1159 : i32
    %dma_start3A_1161 = arith.constant 0 : i32
    %dma_start3A_1162 = tpu.memref_slice %arg3[%add3A_1160, %dma_start3A_1161] : memref<262144x128xf32, #tpu.memory_space<hbm>> -> memref<128x128xf32, #tpu.memory_space<hbm>>
    %dma_start3A_1163 = arith.constant 0 : i32
    %dma_start3A_1164 = tpu.memref_slice %arg3[%add3A_1160, %dma_start3A_1163] : memref<262144x128xf32, #tpu.memory_space<hbm>> -> memref<128x128xf32, #tpu.memory_space<hbm>>
    tpu.enqueue_dma source(%arg5 : memref<128x128xf32, #tpu.memory_space<vmem>>) target(%dma_start3A_1164 : memref<128x128xf32, #tpu.memory_space<hbm>>) target_semaphore(%arg13 : memref<!tpu.dma_semaphore, #tpu.memory_space<semaphore_mem>>)
    %dma_wait3A_1165 = arith.constant 0 : i32
    %dma_wait3A_1166 = tpu.memref_slice %arg3[%add3A_1140, %dma_wait3A_1165] : memref<262144x128xf32, #tpu.memory_space<hbm>> -> memref<128x128xf32, #tpu.memory_space<hbm>>
    %dma_wait3A_1167 = arith.constant 0 : i32
    %dma_wait3A_1168 = tpu.memref_slice %arg3[%add3A_1140, %dma_wait3A_1167] : memref<262144x128xf32, #tpu.memory_space<hbm>> -> memref<128x128xf32, #tpu.memory_space<hbm>>
    tpu.wait_dma2 semaphore(%arg12 : memref<!tpu.dma_semaphore, #tpu.memory_space<semaphore_mem>>) src(%arg4 : memref<128x128xf32, #tpu.memory_space<vmem>>) dst(%dma_wait3A_1168 : memref<128x128xf32, #tpu.memory_space<hbm>>)
    %add3A_1169 = arith.constant 7680 : i32
    %add3A_1170 = arith.addi %mul3A_2, %add3A_1169 : i32
    %dma_start3A_1171 = arith.constant 0 : i32
    %dma_start3A_1172 = tpu.memref_slice %arg2[%add3A_1170, %dma_start3A_1171] : memref<262144x128xf32, #tpu.memory_space<hbm>> -> memref<128x128xf32, #tpu.memory_space<hbm>>
    %dma_start3A_1173 = arith.constant 0 : i32
    %dma_start3A_1174 = tpu.memref_slice %arg2[%add3A_1170, %dma_start3A_1173] : memref<262144x128xf32, #tpu.memory_space<hbm>> -> memref<128x128xf32, #tpu.memory_space<hbm>>
    tpu.enqueue_dma source(%dma_start3A_1174 : memref<128x128xf32, #tpu.memory_space<hbm>>) target(%arg4 : memref<128x128xf32, #tpu.memory_space<vmem>>) target_semaphore(%arg8 : memref<!tpu.dma_semaphore, #tpu.memory_space<semaphore_mem>>)
    %dma_wait3A_1175 = arith.constant 0 : i32
    %dma_wait3A_1176 = tpu.memref_slice %arg2[%add3A_1130, %dma_wait3A_1175] : memref<262144x128xf32, #tpu.memory_space<hbm>> -> memref<128x128xf32, #tpu.memory_space<hbm>>
    %dma_wait3A_1177 = arith.constant 0 : i32
    %dma_wait3A_1178 = tpu.memref_slice %arg2[%add3A_1130, %dma_wait3A_1177] : memref<262144x128xf32, #tpu.memory_space<hbm>> -> memref<128x128xf32, #tpu.memory_space<hbm>>
    tpu.wait_dma2 semaphore(%arg10 : memref<!tpu.dma_semaphore, #tpu.memory_space<semaphore_mem>>) src(%dma_wait3A_1178 : memref<128x128xf32, #tpu.memory_space<hbm>>) dst(%arg6 : memref<128x128xf32, #tpu.memory_space<vmem>>)
    %add3A_1179 = arith.constant 7424 : i32
    %add3A_1180 = arith.addi %mul3A_2, %add3A_1179 : i32
    %dma_start3A_1181 = arith.constant 0 : i32
    %dma_start3A_1182 = tpu.memref_slice %arg3[%add3A_1180, %dma_start3A_1181] : memref<262144x128xf32, #tpu.memory_space<hbm>> -> memref<128x128xf32, #tpu.memory_space<hbm>>
    %dma_start3A_1183 = arith.constant 0 : i32
    %dma_start3A_1184 = tpu.memref_slice %arg3[%add3A_1180, %dma_start3A_1183] : memref<262144x128xf32, #tpu.memory_space<hbm>> -> memref<128x128xf32, #tpu.memory_space<hbm>>
    tpu.enqueue_dma source(%arg6 : memref<128x128xf32, #tpu.memory_space<vmem>>) target(%dma_start3A_1184 : memref<128x128xf32, #tpu.memory_space<hbm>>) target_semaphore(%arg14 : memref<!tpu.dma_semaphore, #tpu.memory_space<semaphore_mem>>)
    %dma_wait3A_1185 = arith.constant 0 : i32
    %dma_wait3A_1186 = tpu.memref_slice %arg3[%add3A_1160, %dma_wait3A_1185] : memref<262144x128xf32, #tpu.memory_space<hbm>> -> memref<128x128xf32, #tpu.memory_space<hbm>>
    %dma_wait3A_1187 = arith.constant 0 : i32
    %dma_wait3A_1188 = tpu.memref_slice %arg3[%add3A_1160, %dma_wait3A_1187] : memref<262144x128xf32, #tpu.memory_space<hbm>> -> memref<128x128xf32, #tpu.memory_space<hbm>>
    tpu.wait_dma2 semaphore(%arg13 : memref<!tpu.dma_semaphore, #tpu.memory_space<semaphore_mem>>) src(%arg5 : memref<128x128xf32, #tpu.memory_space<vmem>>) dst(%dma_wait3A_1188 : memref<128x128xf32, #tpu.memory_space<hbm>>)
    %add3A_1189 = arith.constant 7808 : i32
    %add3A_1190 = arith.addi %mul3A_2, %add3A_1189 : i32
    %dma_start3A_1191 = arith.constant 0 : i32
    %dma_start3A_1192 = tpu.memref_slice %arg2[%add3A_1190, %dma_start3A_1191] : memref<262144x128xf32, #tpu.memory_space<hbm>> -> memref<128x128xf32, #tpu.memory_space<hbm>>
    %dma_start3A_1193 = arith.constant 0 : i32
    %dma_start3A_1194 = tpu.memref_slice %arg2[%add3A_1190, %dma_start3A_1193] : memref<262144x128xf32, #tpu.memory_space<hbm>> -> memref<128x128xf32, #tpu.memory_space<hbm>>
    tpu.enqueue_dma source(%dma_start3A_1194 : memref<128x128xf32, #tpu.memory_space<hbm>>) target(%arg5 : memref<128x128xf32, #tpu.memory_space<vmem>>) target_semaphore(%arg9 : memref<!tpu.dma_semaphore, #tpu.memory_space<semaphore_mem>>)
    %dma_wait3A_1195 = arith.constant 0 : i32
    %dma_wait3A_1196 = tpu.memref_slice %arg2[%add3A_1150, %dma_wait3A_1195] : memref<262144x128xf32, #tpu.memory_space<hbm>> -> memref<128x128xf32, #tpu.memory_space<hbm>>
    %dma_wait3A_1197 = arith.constant 0 : i32
    %dma_wait3A_1198 = tpu.memref_slice %arg2[%add3A_1150, %dma_wait3A_1197] : memref<262144x128xf32, #tpu.memory_space<hbm>> -> memref<128x128xf32, #tpu.memory_space<hbm>>
    tpu.wait_dma2 semaphore(%arg11 : memref<!tpu.dma_semaphore, #tpu.memory_space<semaphore_mem>>) src(%dma_wait3A_1198 : memref<128x128xf32, #tpu.memory_space<hbm>>) dst(%arg7 : memref<128x128xf32, #tpu.memory_space<vmem>>)
    %add3A_1199 = arith.constant 7552 : i32
    %add3A_1200 = arith.addi %mul3A_2, %add3A_1199 : i32
    %dma_start3A_1201 = arith.constant 0 : i32
    %dma_start3A_1202 = tpu.memref_slice %arg3[%add3A_1200, %dma_start3A_1201] : memref<262144x128xf32, #tpu.memory_space<hbm>> -> memref<128x128xf32, #tpu.memory_space<hbm>>
    %dma_start3A_1203 = arith.constant 0 : i32
    %dma_start3A_1204 = tpu.memref_slice %arg3[%add3A_1200, %dma_start3A_1203] : memref<262144x128xf32, #tpu.memory_space<hbm>> -> memref<128x128xf32, #tpu.memory_space<hbm>>
    tpu.enqueue_dma source(%arg7 : memref<128x128xf32, #tpu.memory_space<vmem>>) target(%dma_start3A_1204 : memref<128x128xf32, #tpu.memory_space<hbm>>) target_semaphore(%arg15 : memref<!tpu.dma_semaphore, #tpu.memory_space<semaphore_mem>>)
    %dma_wait3A_1205 = arith.constant 0 : i32
    %dma_wait3A_1206 = tpu.memref_slice %arg3[%add3A_1180, %dma_wait3A_1205] : memref<262144x128xf32, #tpu.memory_space<hbm>> -> memref<128x128xf32, #tpu.memory_space<hbm>>
    %dma_wait3A_1207 = arith.constant 0 : i32
    %dma_wait3A_1208 = tpu.memref_slice %arg3[%add3A_1180, %dma_wait3A_1207] : memref<262144x128xf32, #tpu.memory_space<hbm>> -> memref<128x128xf32, #tpu.memory_space<hbm>>
    tpu.wait_dma2 semaphore(%arg14 : memref<!tpu.dma_semaphore, #tpu.memory_space<semaphore_mem>>) src(%arg6 : memref<128x128xf32, #tpu.memory_space<vmem>>) dst(%dma_wait3A_1208 : memref<128x128xf32, #tpu.memory_space<hbm>>)
    %add3A_1209 = arith.constant 7936 : i32
    %add3A_1210 = arith.addi %mul3A_2, %add3A_1209 : i32
    %dma_start3A_1211 = arith.constant 0 : i32
    %dma_start3A_1212 = tpu.memref_slice %arg2[%add3A_1210, %dma_start3A_1211] : memref<262144x128xf32, #tpu.memory_space<hbm>> -> memref<128x128xf32, #tpu.memory_space<hbm>>
    %dma_start3A_1213 = arith.constant 0 : i32
    %dma_start3A_1214 = tpu.memref_slice %arg2[%add3A_1210, %dma_start3A_1213] : memref<262144x128xf32, #tpu.memory_space<hbm>> -> memref<128x128xf32, #tpu.memory_space<hbm>>
    tpu.enqueue_dma source(%dma_start3A_1214 : memref<128x128xf32, #tpu.memory_space<hbm>>) target(%arg6 : memref<128x128xf32, #tpu.memory_space<vmem>>) target_semaphore(%arg10 : memref<!tpu.dma_semaphore, #tpu.memory_space<semaphore_mem>>)
    %dma_wait3A_1215 = arith.constant 0 : i32
    %dma_wait3A_1216 = tpu.memref_slice %arg2[%add3A_1170, %dma_wait3A_1215] : memref<262144x128xf32, #tpu.memory_space<hbm>> -> memref<128x128xf32, #tpu.memory_space<hbm>>
    %dma_wait3A_1217 = arith.constant 0 : i32
    %dma_wait3A_1218 = tpu.memref_slice %arg2[%add3A_1170, %dma_wait3A_1217] : memref<262144x128xf32, #tpu.memory_space<hbm>> -> memref<128x128xf32, #tpu.memory_space<hbm>>
    tpu.wait_dma2 semaphore(%arg8 : memref<!tpu.dma_semaphore, #tpu.memory_space<semaphore_mem>>) src(%dma_wait3A_1218 : memref<128x128xf32, #tpu.memory_space<hbm>>) dst(%arg4 : memref<128x128xf32, #tpu.memory_space<vmem>>)
    %add3A_1219 = arith.constant 7680 : i32
    %add3A_1220 = arith.addi %mul3A_2, %add3A_1219 : i32
    %dma_start3A_1221 = arith.constant 0 : i32
    %dma_start3A_1222 = tpu.memref_slice %arg3[%add3A_1220, %dma_start3A_1221] : memref<262144x128xf32, #tpu.memory_space<hbm>> -> memref<128x128xf32, #tpu.memory_space<hbm>>
    %dma_start3A_1223 = arith.constant 0 : i32
    %dma_start3A_1224 = tpu.memref_slice %arg3[%add3A_1220, %dma_start3A_1223] : memref<262144x128xf32, #tpu.memory_space<hbm>> -> memref<128x128xf32, #tpu.memory_space<hbm>>
    tpu.enqueue_dma source(%arg4 : memref<128x128xf32, #tpu.memory_space<vmem>>) target(%dma_start3A_1224 : memref<128x128xf32, #tpu.memory_space<hbm>>) target_semaphore(%arg12 : memref<!tpu.dma_semaphore, #tpu.memory_space<semaphore_mem>>)
    %dma_wait3A_1225 = arith.constant 0 : i32
    %dma_wait3A_1226 = tpu.memref_slice %arg3[%add3A_1200, %dma_wait3A_1225] : memref<262144x128xf32, #tpu.memory_space<hbm>> -> memref<128x128xf32, #tpu.memory_space<hbm>>
    %dma_wait3A_1227 = arith.constant 0 : i32
    %dma_wait3A_1228 = tpu.memref_slice %arg3[%add3A_1200, %dma_wait3A_1227] : memref<262144x128xf32, #tpu.memory_space<hbm>> -> memref<128x128xf32, #tpu.memory_space<hbm>>
    tpu.wait_dma2 semaphore(%arg15 : memref<!tpu.dma_semaphore, #tpu.memory_space<semaphore_mem>>) src(%arg7 : memref<128x128xf32, #tpu.memory_space<vmem>>) dst(%dma_wait3A_1228 : memref<128x128xf32, #tpu.memory_space<hbm>>)
    %add3A_1229 = arith.constant 8064 : i32
    %add3A_1230 = arith.addi %mul3A_2, %add3A_1229 : i32
    %dma_start3A_1231 = arith.constant 0 : i32
    %dma_start3A_1232 = tpu.memref_slice %arg2[%add3A_1230, %dma_start3A_1231] : memref<262144x128xf32, #tpu.memory_space<hbm>> -> memref<128x128xf32, #tpu.memory_space<hbm>>
    %dma_start3A_1233 = arith.constant 0 : i32
    %dma_start3A_1234 = tpu.memref_slice %arg2[%add3A_1230, %dma_start3A_1233] : memref<262144x128xf32, #tpu.memory_space<hbm>> -> memref<128x128xf32, #tpu.memory_space<hbm>>
    tpu.enqueue_dma source(%dma_start3A_1234 : memref<128x128xf32, #tpu.memory_space<hbm>>) target(%arg7 : memref<128x128xf32, #tpu.memory_space<vmem>>) target_semaphore(%arg11 : memref<!tpu.dma_semaphore, #tpu.memory_space<semaphore_mem>>)
    %dma_wait3A_1235 = arith.constant 0 : i32
    %dma_wait3A_1236 = tpu.memref_slice %arg2[%add3A_1190, %dma_wait3A_1235] : memref<262144x128xf32, #tpu.memory_space<hbm>> -> memref<128x128xf32, #tpu.memory_space<hbm>>
    %dma_wait3A_1237 = arith.constant 0 : i32
    %dma_wait3A_1238 = tpu.memref_slice %arg2[%add3A_1190, %dma_wait3A_1237] : memref<262144x128xf32, #tpu.memory_space<hbm>> -> memref<128x128xf32, #tpu.memory_space<hbm>>
    tpu.wait_dma2 semaphore(%arg9 : memref<!tpu.dma_semaphore, #tpu.memory_space<semaphore_mem>>) src(%dma_wait3A_1238 : memref<128x128xf32, #tpu.memory_space<hbm>>) dst(%arg5 : memref<128x128xf32, #tpu.memory_space<vmem>>)
    %add3A_1239 = arith.constant 7808 : i32
    %add3A_1240 = arith.addi %mul3A_2, %add3A_1239 : i32
    %dma_start3A_1241 = arith.constant 0 : i32
    %dma_start3A_1242 = tpu.memref_slice %arg3[%add3A_1240, %dma_start3A_1241] : memref<262144x128xf32, #tpu.memory_space<hbm>> -> memref<128x128xf32, #tpu.memory_space<hbm>>
    %dma_start3A_1243 = arith.constant 0 : i32
    %dma_start3A_1244 = tpu.memref_slice %arg3[%add3A_1240, %dma_start3A_1243] : memref<262144x128xf32, #tpu.memory_space<hbm>> -> memref<128x128xf32, #tpu.memory_space<hbm>>
    tpu.enqueue_dma source(%arg5 : memref<128x128xf32, #tpu.memory_space<vmem>>) target(%dma_start3A_1244 : memref<128x128xf32, #tpu.memory_space<hbm>>) target_semaphore(%arg13 : memref<!tpu.dma_semaphore, #tpu.memory_space<semaphore_mem>>)
    %dma_wait3A_1245 = arith.constant 0 : i32
    %dma_wait3A_1246 = tpu.memref_slice %arg2[%add3A_1210, %dma_wait3A_1245] : memref<262144x128xf32, #tpu.memory_space<hbm>> -> memref<128x128xf32, #tpu.memory_space<hbm>>
    %dma_wait3A_1247 = arith.constant 0 : i32
    %dma_wait3A_1248 = tpu.memref_slice %arg2[%add3A_1210, %dma_wait3A_1247] : memref<262144x128xf32, #tpu.memory_space<hbm>> -> memref<128x128xf32, #tpu.memory_space<hbm>>
    tpu.wait_dma2 semaphore(%arg10 : memref<!tpu.dma_semaphore, #tpu.memory_space<semaphore_mem>>) src(%dma_wait3A_1248 : memref<128x128xf32, #tpu.memory_space<hbm>>) dst(%arg6 : memref<128x128xf32, #tpu.memory_space<vmem>>)
    %add3A_1249 = arith.constant 7936 : i32
    %add3A_1250 = arith.addi %mul3A_2, %add3A_1249 : i32
    %dma_start3A_1251 = arith.constant 0 : i32
    %dma_start3A_1252 = tpu.memref_slice %arg3[%add3A_1250, %dma_start3A_1251] : memref<262144x128xf32, #tpu.memory_space<hbm>> -> memref<128x128xf32, #tpu.memory_space<hbm>>
    %dma_start3A_1253 = arith.constant 0 : i32
    %dma_start3A_1254 = tpu.memref_slice %arg3[%add3A_1250, %dma_start3A_1253] : memref<262144x128xf32, #tpu.memory_space<hbm>> -> memref<128x128xf32, #tpu.memory_space<hbm>>
    tpu.enqueue_dma source(%arg6 : memref<128x128xf32, #tpu.memory_space<vmem>>) target(%dma_start3A_1254 : memref<128x128xf32, #tpu.memory_space<hbm>>) target_semaphore(%arg14 : memref<!tpu.dma_semaphore, #tpu.memory_space<semaphore_mem>>)
    %dma_wait3A_1255 = arith.constant 0 : i32
    %dma_wait3A_1256 = tpu.memref_slice %arg2[%add3A_1230, %dma_wait3A_1255] : memref<262144x128xf32, #tpu.memory_space<hbm>> -> memref<128x128xf32, #tpu.memory_space<hbm>>
    %dma_wait3A_1257 = arith.constant 0 : i32
    %dma_wait3A_1258 = tpu.memref_slice %arg2[%add3A_1230, %dma_wait3A_1257] : memref<262144x128xf32, #tpu.memory_space<hbm>> -> memref<128x128xf32, #tpu.memory_space<hbm>>
    tpu.wait_dma2 semaphore(%arg11 : memref<!tpu.dma_semaphore, #tpu.memory_space<semaphore_mem>>) src(%dma_wait3A_1258 : memref<128x128xf32, #tpu.memory_space<hbm>>) dst(%arg7 : memref<128x128xf32, #tpu.memory_space<vmem>>)
    %add3A_1259 = arith.constant 8064 : i32
    %add3A_1260 = arith.addi %mul3A_2, %add3A_1259 : i32
    %dma_start3A_1261 = arith.constant 0 : i32
    %dma_start3A_1262 = tpu.memref_slice %arg3[%add3A_1260, %dma_start3A_1261] : memref<262144x128xf32, #tpu.memory_space<hbm>> -> memref<128x128xf32, #tpu.memory_space<hbm>>
    %dma_start3A_1263 = arith.constant 0 : i32
    %dma_start3A_1264 = tpu.memref_slice %arg3[%add3A_1260, %dma_start3A_1263] : memref<262144x128xf32, #tpu.memory_space<hbm>> -> memref<128x128xf32, #tpu.memory_space<hbm>>
    tpu.enqueue_dma source(%arg7 : memref<128x128xf32, #tpu.memory_space<vmem>>) target(%dma_start3A_1264 : memref<128x128xf32, #tpu.memory_space<hbm>>) target_semaphore(%arg15 : memref<!tpu.dma_semaphore, #tpu.memory_space<semaphore_mem>>)
    %dma_wait3A_1265 = arith.constant 0 : i32
    %dma_wait3A_1266 = tpu.memref_slice %arg3[%add3A_1220, %dma_wait3A_1265] : memref<262144x128xf32, #tpu.memory_space<hbm>> -> memref<128x128xf32, #tpu.memory_space<hbm>>
    %dma_wait3A_1267 = arith.constant 0 : i32
    %dma_wait3A_1268 = tpu.memref_slice %arg3[%add3A_1220, %dma_wait3A_1267] : memref<262144x128xf32, #tpu.memory_space<hbm>> -> memref<128x128xf32, #tpu.memory_space<hbm>>
    tpu.wait_dma2 semaphore(%arg12 : memref<!tpu.dma_semaphore, #tpu.memory_space<semaphore_mem>>) src(%arg4 : memref<128x128xf32, #tpu.memory_space<vmem>>) dst(%dma_wait3A_1268 : memref<128x128xf32, #tpu.memory_space<hbm>>)
    %dma_wait3A_1269 = arith.constant 0 : i32
    %dma_wait3A_1270 = tpu.memref_slice %arg3[%add3A_1240, %dma_wait3A_1269] : memref<262144x128xf32, #tpu.memory_space<hbm>> -> memref<128x128xf32, #tpu.memory_space<hbm>>
    %dma_wait3A_1271 = arith.constant 0 : i32
    %dma_wait3A_1272 = tpu.memref_slice %arg3[%add3A_1240, %dma_wait3A_1271] : memref<262144x128xf32, #tpu.memory_space<hbm>> -> memref<128x128xf32, #tpu.memory_space<hbm>>
    tpu.wait_dma2 semaphore(%arg13 : memref<!tpu.dma_semaphore, #tpu.memory_space<semaphore_mem>>) src(%arg5 : memref<128x128xf32, #tpu.memory_space<vmem>>) dst(%dma_wait3A_1272 : memref<128x128xf32, #tpu.memory_space<hbm>>)
    %dma_wait3A_1273 = arith.constant 0 : i32
    %dma_wait3A_1274 = tpu.memref_slice %arg3[%add3A_1250, %dma_wait3A_1273] : memref<262144x128xf32, #tpu.memory_space<hbm>> -> memref<128x128xf32, #tpu.memory_space<hbm>>
    %dma_wait3A_1275 = arith.constant 0 : i32
    %dma_wait3A_1276 = tpu.memref_slice %arg3[%add3A_1250, %dma_wait3A_1275] : memref<262144x128xf32, #tpu.memory_space<hbm>> -> memref<128x128xf32, #tpu.memory_space<hbm>>
    tpu.wait_dma2 semaphore(%arg14 : memref<!tpu.dma_semaphore, #tpu.memory_space<semaphore_mem>>) src(%arg6 : memref<128x128xf32, #tpu.memory_space<vmem>>) dst(%dma_wait3A_1276 : memref<128x128xf32, #tpu.memory_space<hbm>>)
    %dma_wait3A_1277 = arith.constant 0 : i32
    %dma_wait3A_1278 = tpu.memref_slice %arg3[%add3A_1260, %dma_wait3A_1277] : memref<262144x128xf32, #tpu.memory_space<hbm>> -> memref<128x128xf32, #tpu.memory_space<hbm>>
    %dma_wait3A_1279 = arith.constant 0 : i32
    %dma_wait3A_1280 = tpu.memref_slice %arg3[%add3A_1260, %dma_wait3A_1279] : memref<262144x128xf32, #tpu.memory_space<hbm>> -> memref<128x128xf32, #tpu.memory_space<hbm>>
    tpu.wait_dma2 semaphore(%arg15 : memref<!tpu.dma_semaphore, #tpu.memory_space<semaphore_mem>>) src(%arg7 : memref<128x128xf32, #tpu.memory_space<vmem>>) dst(%dma_wait3A_1280 : memref<128x128xf32, #tpu.memory_space<hbm>>)
    return
  }
}

module attributes {stable_mosaic.version = 14 : i64} {
  func.func @_tc_copy(%arg0: i32, %arg1: memref<8192x128xf32, #tpu.memory_space<vmem>>, %arg2: memref<8192x128xf32, #tpu.memory_space<vmem>>) attributes {dimension_semantics = [#tpu.dimension_semantics<arbitrary>], iteration_bounds = array<i64: 32>, scalar_prefetch = 0 : i64, scratch_operands = 0 : i64, tpu.core_type = #tpu.core_type<tc>, window_params = [{transform_indices = @transform_0, window_bounds = array<i64: 8192, 128>}, {transform_indices = @transform_1, window_bounds = array<i64: 8192, 128>}]} {
    %get3A = arith.constant 0 : index
    %get3A_0 = arith.constant 0 : index
    %get3A_1 = vector.load %arg1[%get3A, %get3A_0] : memref<8192x128xf32, #tpu.memory_space<vmem>>, vector<8192x128xf32>
    %swap3A = arith.constant 0 : index
    %swap3A_2 = arith.constant 0 : index
    %swap3A_3 = vector.load %arg2[%swap3A, %swap3A_2] : memref<8192x128xf32, #tpu.memory_space<vmem>>, vector<8192x128xf32>
    tpu.vector_store %arg2[%swap3A, %swap3A_2], %get3A_1 {strides = array<i32>} : memref<8192x128xf32, #tpu.memory_space<vmem>>, vector<8192x128xf32>,
    return
  }
  func.func @transform_0(%arg0: i32) -> (i32, i32) {
    %c0_i32 = arith.constant 0 : i32
    %c0_i32_0 = arith.constant 0 : i32
    return %arg0, %c0_i32 : i32, i32
  }
  func.func @transform_1(%arg0: i32) -> (i32, i32) {
    %c0_i32 = arith.constant 0 : i32
    %c0_i32_0 = arith.constant 0 : i32
    return %arg0, %c0_i32 : i32, i32
  }
}

module attributes {stable_mosaic.version = 14 : i64} {
  func.func @_tc_scatter(%arg0: i32, %arg1: memref<32xi32, #tpu.memory_space<smem>>, %arg2: memref<128x1x1x128xf32, #tpu.memory_space<vmem>>, %arg3: memref<128x2048x1x128xf32, #tpu.memory_space<hbm>>, %arg4: memref<128x1x1x128xf32, #tpu.memory_space<vmem>>) attributes {dimension_semantics = [#tpu.dimension_semantics<arbitrary>], iteration_bounds = array<i64: 32>, scalar_prefetch = 1 : i64, scratch_operands = 0 : i64, tpu.core_type = #tpu.core_type<tc>, window_params = [{transform_indices = @transform_0, window_bounds = array<i64: 128, 1, 1, 128>}, {}, {transform_indices = @transform_2, window_bounds = array<i64: 128, 1, 1, 128>}]} {
    %get3A = arith.constant 0 : index
    %get3A_0 = arith.constant 0 : index
    %get3A_1 = arith.constant 0 : index
    %get3A_2 = arith.constant 0 : index
    %get3A_3 = vector.load %arg2[%get3A, %get3A_0, %get3A_1, %get3A_2] : memref<128x1x1x128xf32, #tpu.memory_space<vmem>>, vector<128x1x1x128xf32>
    %swap3A = arith.constant 0 : index
    %swap3A_4 = arith.constant 0 : index
    %swap3A_5 = arith.constant 0 : index
    %swap3A_6 = arith.constant 0 : index
    %swap3A_7 = vector.load %arg4[%swap3A, %swap3A_4, %swap3A_5, %swap3A_6] : memref<128x1x1x128xf32, #tpu.memory_space<vmem>>, vector<128x1x1x128xf32>
    tpu.vector_store %arg4[%swap3A, %swap3A_4, %swap3A_5, %swap3A_6], %get3A_3 {strides = array<i32>} : memref<128x1x1x128xf32, #tpu.memory_space<vmem>>, vector<128x1x1x128xf32>,
    return
  }
  func.func @transform_0(%arg0: i32, %arg1: memref<32xi32, #tpu.memory_space<smem>>) -> (i32, i32, i32, i32) {
    %c0_i32 = arith.constant 0 : i32
    %c0_i32_0 = arith.constant 0 : i32
    %c0_i32_1 = arith.constant 0 : i32
    %c0_i32_2 = arith.constant 0 : i32
    return %c0_i32, %arg0, %c0_i32_0, %c0_i32_1 : i32, i32, i32, i32
  }
  func.func @transform_2(%arg0: i32, %arg1: memref<32xi32, #tpu.memory_space<smem>>) -> (i32, i32, i32, i32) {
    %get3A = arith.index_cast %arg0 : i32 to index
    %get3A_0 = memref.load %arg1[%get3A] : memref<32xi32, #tpu.memory_space<smem>>
    %c0_i32 = arith.constant 0 : i32
    %c0_i32_1 = arith.constant 0 : i32
    %c0_i32_2 = arith.constant 0 : i32
    %c0_i32_3 = arith.constant 0 : i32
    return %c0_i32, %get3A_0, %c0_i32_1, %c0_i32_2 : i32, i32, i32, i32
  }
}

</mosaic_0001>

<sc_bundles>
// kernel: kernel.6.cloned.1.call-start
scs
__scs_entry_jumppad:
0x0: {  	(pc) =	sbr.rel $0x88, $3  }
0x1: {  	(tag) =	ssettag $0x0;
	lr =	simm.s32 $0x1  }
0x2: {  	[smem:$0x3F9C] =	sst lr;
	_ =	strace $0xD0000000  }
0x3: {  	_ = 	snop  }
0x4: {  	_ = 	snop  }
0x5: {  	_ = 	snop  }
0x6: {  	_ = 	snop  }
0x7: {  	_ = 	snop  }
__scs_overlays_trampoline_lowered:
0x8: {  	[smem:$0x3FAB] =	sst s0  }
0x9: {  	[smem:$0x3FAC] =	sst s1  }
0xa: {  	[smem:$0x3FAD] =	sst s2  }
0xb: {  	[smem:$0x3FAE] =	sst s3  }
0xc: {  	[smem:$0x3FAF] =	sst s4  }
0xd: {  	[smem:$0x3FB0] =	sst s5  }
0xe: {  	[smem:$0x3FB1] =	sst s6  }
0xf: {  	[smem:$0x3FB2] =	sst s7  }
0x10: {  	[smem:$0x3FB3] =	sst s8  }
0x11: {  	[smem:$0x3FB4] =	sst s9;
	s0 =	simm.s32 @!p0 $0x0  }
0x12: {  	s1 =	sld [smem:$0x3F9A];
	s0 =	simm.s32 @p0 $0x1  }
0x13: {  	[smem:$0x3FB5] =	sst s0;
	s0 =	simm.s32 @!p1 $0x0  }
0x14: {  	s2 =	sld [smem:$0x3F99];
	s0 =	simm.s32 @p1 $0x1  }
0x15: {  	[smem:$0x3FB6] =	sst s0;
	s0 =	simm.s32 @!p2 $0x0  }
0x16: {  	s3 =	sld [smem:$0x3FDB];
	s0 =	simm.s32 @p2 $0x1  }
0x17: {  	s4 =	simm.s32 $0x1BF5;
	[smem:$0x3FB8] =	sst s0  }
0x18: {  	s0 =	sld [smem:$0x3F9B];
	_ =	swait.ge [sflag:s4], $0x0  }
0x19: {  	s7 =	sld [smem:$0x3F9C]  }
0x1a: {  	s8 =	sadd.s32 $0xFFFFE003, lr  }
0x1b: {  	s9 =	sadd.s32 $0xFFFFFEF7, lr;
	s5 =	simm.s32 $0xFFFFFFFF;
	p2 =	slt.u32 s8, $0xFFFFF086  }
0x1c: {  	p1 =	slt.u32 s9, $0xF7A;
	s5 =	simm.s32 @!p2 $0x0  }
0x1d: {  	s5 =	simm.s32 @p1 $0x1;
	p0 =	seq.s32 s7, s2  }
0x1e: {  	s7 =	smul.u32 @!p0 $0xF7A, s2;
	p2 =	seq.s32 @!p0 s5, $0x0  }
0x1f: {  	s9 =	smul.u32 $0xF7A, s1;
	s8 =	simm.s32 @!p0 $0x1BF5;
	p2 =	por !p2, p0  }
0x20: {  	[sflag:s8] =	ssyncset.s32 @!p0 $0xFFFFF086;
	s6 =	sadd.s32 @!p0 s3, s7;
	s7 =	simm.s32 @!p0 $0x108  }
0x21: {  	s3 =	sadd.s32 s3, s9;
	s6 =	sadd.s32 @!p0 $0x88, s6;
	s7 =	simm.s32 @p2 $0x1082  }
0x22: {  	[simem:s7], [sflag:s8] =	dma.local @!p0 [hbm:s6], $0xF7A  }
0x23: {  	s9 =	sor.u32 $0xD0000000, s2;
	s6 =	simm.s32 $0x108;
	_ =	swait.ge @!p0 [sflag:s8], $0x0  }
0x24: {  	s3 =	sadd.s32 $0x88, s3;
	s6 =	simm.s32 @!p1 $0x1082;
	[sflag:s4] =	ssyncset.s32 $0xFFFFF086  }
0x25: {  	[simem:s6], [sflag:s4] =	dma.local [hbm:s3], $0xF7A  }
0x26: {  	[smem:$0x3F9C] =	sst s1;
	(tag) =	ssettag s2;
	_ =	strace s9  }
0x27: {  	s1 =	sld [smem:$0x3FAC]  }
0x28: {  	s2 =	sld [smem:$0x3FAD]  }
0x29: {  	s4 =	sld [smem:$0x3FAF]  }
0x2a: {  	p0 =	seq.s32 s5, $0x0;
	s5 =	sld [smem:$0x3FB0]  }
0x2b: {  	s6 =	sld [smem:$0x3FB1]  }
0x2c: {  	s7 =	sld [smem:$0x3FB2]  }
0x2d: {  	s3 =	simm.s32 $0x108;
	s8 =	sld [smem:$0x3FB3]  }
0x2e: {  	s3 =	simm.s32 @!p0 $0x1082;
	s9 =	sld [smem:$0x3FB4]  }
0x2f: {  	lr =	sadd.s32 s0, s3;
	s0 =	sld [smem:$0x3FAB]  }
0x30: {  	s3 =	sld [smem:$0x3FAE]  }
0x31: {  	[smem:$0x3FB7] =	sst s10  }
0x32: {  	s10 =	sld [smem:$0x3FB5];
	_ =	sdelay $0x3  }
0x33: {  	p0 =	seq.s32 s10, $0x1;
	s10 =	sld [smem:$0x3FB7];
	_ =	sdelay $0x3  }
0x34: {  	[smem:$0x3FB7] =	sst s10  }
0x35: {  	s10 =	sld [smem:$0x3FB6];
	_ =	sdelay $0x3  }
0x36: {  	p1 =	seq.s32 s10, $0x1;
	s10 =	sld [smem:$0x3FB7];
	_ =	sdelay $0x3  }
0x37: {  	[smem:$0x3FB7] =	sst s10  }
0x38: {  	s10 =	sld [smem:$0x3FB8]  }
0x39: {  	_ = 	snop;
	(pc) =	sbr.ind lr, $3  }
0x3a: {  	_ = 	snop  }
0x3b: {  	_ = 	snop  }
0x3c: {  	p2 =	seq.s32 s10, $0x1;
	s10 =	sld [smem:$0x3FB7]  }
0x3d: {  	_ =	shalt  }
0x3e: {  	_ =	shalt  }
0x3f: {  	_ =	shalt  }
0x40: {  	_ =	shalt  }
0x41: {  	_ =	shalt  }
0x42: {  	_ =	shalt  }
0x43: {  	_ =	shalt  }
0x44: {  	_ =	shalt  }
0x45: {  	_ =	shalt  }
0x46: {  	_ =	shalt  }
0x47: {  	_ =	shalt  }
0x48: {  	_ =	shalt  }
0x49: {  	_ =	shalt  }
0x4a: {  	_ =	shalt  }
0x4b: {  	_ =	shalt  }
0x4c: {  	_ =	shalt  }
0x4d: {  	_ =	shalt  }
0x4e: {  	_ =	shalt  }
0x4f: {  	_ =	shalt  }
0x50: {  	_ =	shalt  }
0x51: {  	_ =	shalt  }
0x52: {  	_ =	shalt  }
0x53: {  	_ =	shalt  }
0x54: {  	_ =	shalt  }
0x55: {  	_ =	shalt  }
0x56: {  	_ =	shalt  }
0x57: {  	_ =	shalt  }
0x58: {  	_ =	shalt  }
0x59: {  	_ =	shalt  }
0x5a: {  	_ =	shalt  }
0x5b: {  	_ =	shalt  }
0x5c: {  	_ =	shalt  }
0x5d: {  	_ =	shalt  }
0x5e: {  	_ =	shalt  }
0x5f: {  	_ =	shalt  }
0x60: {  	_ =	shalt  }
0x61: {  	_ =	shalt  }
0x62: {  	_ =	shalt  }
0x63: {  	_ =	shalt  }
0x64: {  	_ =	shalt  }
0x65: {  	_ =	shalt  }
0x66: {  	_ =	shalt  }
0x67: {  	_ =	shalt  }
0x68: {  	_ =	shalt  }
0x69: {  	_ =	shalt  }
0x6a: {  	_ =	shalt  }
0x6b: {  	_ =	shalt  }
0x6c: {  	_ =	shalt  }
0x6d: {  	_ =	shalt  }
0x6e: {  	_ =	shalt  }
0x6f: {  	_ =	shalt  }
0x70: {  	_ =	shalt  }
0x71: {  	_ =	shalt  }
0x72: {  	_ =	shalt  }
0x73: {  	_ =	shalt  }
0x74: {  	_ =	shalt  }
0x75: {  	_ =	shalt  }
0x76: {  	_ =	shalt  }
0x77: {  	_ =	shalt  }
0x78: {  	_ =	shalt  }
0x79: {  	_ =	shalt  }
0x7a: {  	_ =	shalt  }
0x7b: {  	_ =	shalt  }
0x7c: {  	_ =	shalt  }
0x7d: {  	_ =	shalt  }
0x7e: {  	_ =	shalt  }
0x7f: {  	_ =	shalt  }
0x80: {  	_ =	shalt  }
0x81: {  	_ =	shalt  }
0x82: {  	_ =	shalt  }
0x83: {  	_ =	shalt  }
0x84: {  	_ =	shalt  }
0x85: {  	_ =	shalt  }
0x86: {  	_ =	shalt  }
0x87: {  	_ =	shalt  }
.Lfunc_end0:
.L_simem_size_0:
called_computation_lowered:
.L_overlay_start_0:
0x88: {  	s2 =	sld [smem:$0x3FD9]  }
0x89: {  	s3 =	sld [smem:$0x3FFE];
	_ =	sdelay $0x1  }
0x8a: {  	s1 =	srdreg.scid  }
0x8b: {  	s0 =	sand.u32 $0x1, s1  }
0x8c: {  	s15 =	sshll.u32 s0, $0xA;
	s2 =	sadd.s32 s3, s2  }
0x8d: {  	s2 =	sadd.s32 s2, s15  }
0x8e: {  	[smem:$0x3FC3] =	sst s2  }
0x8f: {  	_ = 	snop  }
0x90: {  	s2 =	sld [smem:$0x3FD0];
	_ =	sdelay $0x2  }
0x91: {  	s4 =	simm.s32 $0xA;
	s5 =	simm.s32 $0x10;
	s16 =	sld [smem:$0x3FC5]  }
0x92: {  	[smem:s5], [sflag:s4] =	dma.local [hbm:s2], $0x1  }
0x93: {  	_ =	swait.eq [sflag:s4], $0x1  }
0x94: {  	[sflag:s4] =	ssyncset.done $0x0  }
0x95: {  	[sflag:s4] =	ssyncadd.s32 $0xFFFFFFFF  }
0x96: {  	s17 =	sld [smem:$0x11];
	(tm) =	ssettm $0x1  }
0x97: {  	s18 =	sld [smem:$0x3FFB];
	_ =	sdelay $0x3  }
0x98: {  	_ =	strace s18  }
0x99: {  	s4 =	sld [smem:$0x3FFC];
	_ =	sdelay $0x3  }
0x9a: {  	_ =	strace s4  }
0x9b: {  	s4 =	sld [smem:$0x3FFD];
	_ =	sdelay $0x3  }
0x9c: {  	_ =	strace s4  }
0x9d: {  	_ =	strace $0x8FFFFFFF  }
0x9e: {  	s19 =	sld [smem:$0x3FDB];
	_ =	sdelay $0x1  }
0x9f: {  	s20 =	simm.s32 $_scs_section_size  }
0xa0: {  	s6 =	simm.s32 $_size__tile_overlayer_lowered;
	s7 =	simm.s32 $_tile_overlayer_lowered  }
0xa1: {  	s23 =	simm.s32 $0x1BFF;
	s22 =	sshll.u32 s7, $0x1;
	s4 =	sadd.s32 s20, s19  }
0xa2: {  	s8 =	simm.s32 $0x0;
	s21 =	sshll.u32 s6, $0x1;
	s6 =	sadd.s32 s22, s4  }
0xa3: {  	[timem:s8], [sflag:s23] =	dma.local [hbm:s6], s21  }
0xa4: {  	_ =	swait.ge [sflag:s23], s21  }
0xa5: {  	s5 =	ssub.s32 $0x0, s21;
	[sflag:s23] =	ssyncset.done $0x0  }
0xa6: {  	[sflag:s23] =	ssyncadd.s32 s5;
	_ =	sdelay $0x1  }
0xa7: {  	s24 =	simm.s32 $0x1B8B  }
0xa8: {  	_ =	swait.ge [sflag:s24], $0x1  }
0xa9: {  	[sflag:s24] =	ssyncset.done $0x0  }
0xaa: {  	s25 =	simm.s32 $0x1B8E;
	[sflag:s24] =	ssyncadd.s32 $0xFFFFFFFF  }
0xab: {  	s26 =	simm.s32 $execute0_lowered;
	[smem:$0x3FD2] =	sst s25  }
0xac: {  	s5 =	sshll.u32 s26, $0x1;
	_ =	strace $0x80000046;
	[dreg:$0x1] =	wrdreg $0xFFFFFFFF  }
0xad: {  	s28 =	simm.s32 $_size_execute0_lowered;
	s4 =	sadd.s32 s4, s5;
	[dreg:$0x0] =	wrdreg $0x0  }
0xae: {  	s5 =	sshll.u32 s28, $0x1;
	[dreg:$0x2] =	wrdreg s4  }
0xaf: {  	[dreg:$0x3] =	wrdreg s5  }
0xb0: {  	[dreg:$0x4] =	wrdreg $0xC0  }
0xb1: {  	_ =	task [dreg:s8], $0x5FFFF  }
0xb2: {  	[dreg:$0x1] =	wrdreg $0xFFFFFFFF  }
0xb3: {  	[dreg:$0x0] =	wrdreg $0x60  }
0xb4: {  	[dreg:$0x2] =	wrdreg s16  }
0xb5: {  	[dreg:$0x3] =	wrdreg s17  }
0xb6: {  	[dreg:$0x4] =	wrdreg $0x9  }
0xb7: {  	_ =	task.clear_ibuf [dreg:s8], $0x5FFFF;
	_ =	strace $0x90000046  }
0xb8: {  	s29 =	simm.s32 $0x9;
	_ =	strace $0x80000048  }
0xb9: {  	_ =	swait.ge [sflag:s29], $0x1  }
0xba: {  	[sflag:s29] =	ssyncadd.s32 $0xFFFFFFFF  }
0xbb: {  	_ =	strace $0x90000048  }
0xbc: {  	_ =	sfence  }
0xbd: {  	s30 =	sld [smem:$0x0];
	_ =	sdelay $0x2  }
0xbe: {  	s31 =	sshll.u32 s1, $0xD;
	s1 =	sshrl.u32 s1, $0x2  }
0xbf: {  	s3 =	sand.u32 $0x4000, s31;
	s1 =	sadd.s32 s1, s30  }
0xc0: {  	s0 =	sor.u32 s3, s0;
	s1 =	sshll.u32 s1, $0x11  }
0xc1: {  	s0 =	sor.u32 s1, s0  }
0xc2: {  	s0 =	sadd.s32 $0x8F2B, s0  }
0xc3: {  	[sflag:s0] =	ssyncadd.remote.s32 $0x1  }
0xc4: {  	_ =	sfence.sel $0xFFFF  }
0xc5: {  	[dreg:$0x0] =	wrdreg $0xFFFFFFFF;
	(pc) =	sbr.abs _section_cstart, $3  }
0xc6: {  	[dreg:$0x1] =	wrdreg $0xFFFFFFFF  }
0xc7: {  	_ =	task.clear_ibuf [dreg:s8], $0x2FFFF;
	_ =	strace $0x9FFFFFFF  }
0xc8: {  	(tm) =	ssettm $0x7FFFFFFF  }
0xc9: {  	_ =	shalt  }
tec
execute0_lowered:
.L_overlay_start_1:
0x0: {  	(tag) =	ssettag $0x1  }
0x1: {  	s1 =	srdreg.scid  }
0x2: {  	s3 =	rddreg [dreg:$0x0];
	s4 =	stileid.u32;
	s5 =	sand.u32 $0x1, s1  }
0x3: {  	s2 =	simm.s32 $0x0;
	s4 =	sshll.u32 s4, $0x11;
	s1 =	sshll.u32 s5, $0x15  }
0x4: {  	[smem:$0x7FF] =	sst s2;
	s4 =	sor.u32 s4, s1  }
0x5: {  	s0 =	rddreg [dreg:$0x1];
	_ =	strace $0x80000047;
	s1 =	sadd.s32 s3, s4  }
0x6: {  	s6 =	sor.u32 $0x800, s4;
	s10 =	sadd.s32 s0, s4;
	[dreg:$0x3] =	wrdreg s1  }
0x7: {  	s7 =	sor.u32 $0x1000, s4;
	s8 =	sadd.s32 s3, s6;
	[dreg:$0x6] =	wrdreg s10  }
0x8: {  	s9 =	sadd.s32 s3, s7;
	[dreg:$0x4] =	wrdreg s8  }
0x9: {  	s13 =	sor.u32 $0x2000, s4;
	s12 =	sadd.s32 s0, s6;
	[dreg:$0x5] =	wrdreg s9  }
0xa: {  	s14 =	sadd.s32 s3, s13;
	[dreg:$0x8] =	wrdreg s12  }
0xb: {  	s16 =	sor.u32 $0x2800, s4;
	s15 =	sadd.s32 s0, s7;
	[dreg:$0x9] =	wrdreg s14  }
0xc: {  	s19 =	sor.u32 $0x3000, s4;
	s17 =	sadd.s32 s3, s16;
	[dreg:$0xa] =	wrdreg s15  }
0xd: {  	s20 =	sadd.s32 s3, s19;
	[dreg:$0xb] =	wrdreg s17  }
0xe: {  	s22 =	sor.u32 $0x3800, s4;
	s21 =	sadd.s32 s0, s13;
	[dreg:$0xd] =	wrdreg s20  }
0xf: {  	s23 =	sadd.s32 s3, s22;
	[dreg:$0xe] =	wrdreg s21  }
0x10: {  	s25 =	sor.u32 $0x4000, s4;
	s24 =	sadd.s32 s0, s16;
	[dreg:$0xf] =	wrdreg s23  }
0x11: {  	s26 =	sadd.s32 s3, s25;
	[dreg:$0x10] =	wrdreg s24  }
0x12: {  	[dreg:$0x11] =	wrdreg s26  }
0x13: {  	s9 =	sadd.s32 s0, s19;
	s1 =	rddreg [dreg:$0x3]  }
0x14: {  	s13 =	sor.u32 $0x5000, s4;
	s12 =	sadd.s32 s0, s22;
	[dreg:$0x12] =	wrdreg s9  }
0x15: {  	s14 =	sadd.s32 s3, s13;
	[dreg:$0x14] =	wrdreg s12  }
0x16: {  	s16 =	sor.u32 $0x5800, s4;
	s15 =	sadd.s32 s0, s25;
	[dreg:$0x15] =	wrdreg s14  }
0x17: {  	s17 =	sadd.s32 s3, s16;
	[dreg:$0x16] =	wrdreg s15  }
0x18: {  	s21 =	sadd.s32 s0, s13;
	[dreg:$0x17] =	wrdreg s17  }
0x19: {  	s8 =	sor.u32 $0x1800, s4;
	s24 =	sadd.s32 s0, s16;
	[dreg:$0x1a] =	wrdreg s21  }
0x1a: {  	s11 =	sadd.s32 s3, s8;
	[dreg:$0x1c] =	wrdreg s24  }
0x1b: {  	s19 =	sor.u32 $0x6000, s4;
	s18 =	sadd.s32 s0, s8;
	[dreg:$0x7] =	wrdreg s11  }
0x1c: {  	s22 =	sor.u32 $0x6800, s4;
	s20 =	sadd.s32 s3, s19;
	[dreg:$0xc] =	wrdreg s18  }
0x1d: {  	s25 =	sor.u32 $0x7000, s4;
	s23 =	sadd.s32 s3, s22;
	[dreg:$0x19] =	wrdreg s20  }
0x1e: {  	s26 =	sadd.s32 s3, s25;
	[dreg:$0x1b] =	wrdreg s23  }
0x1f: {  	s9 =	sadd.s32 s0, s19;
	[dreg:$0x1d] =	wrdreg s26  }
0x20: {  	s13 =	sor.u32 $0x8000, s4;
	s12 =	sadd.s32 s0, s22;
	[dreg:$0x1e] =	wrdreg s9  }
0x21: {  	s14 =	sadd.s32 s3, s13;
	[smem:$0x7AC] =	sst s12  }
0x22: {  	s16 =	sor.u32 $0x8800, s4;
	s15 =	sadd.s32 s0, s25;
	[smem:$0x7AD] =	sst s14  }
0x23: {  	s17 =	sadd.s32 s3, s16;
	[smem:$0x7AE] =	sst s15  }
0x24: {  	s21 =	sadd.s32 s0, s13;
	[smem:$0x7AF] =	sst s17  }
0x25: {  	s10 =	sor.u32 $0x4800, s4;
	s24 =	sadd.s32 s0, s16;
	[smem:$0x7B2] =	sst s21  }
0x26: {  	s11 =	sadd.s32 s3, s10;
	[smem:$0x7B4] =	sst s24  }
0x27: {  	s19 =	sor.u32 $0x9000, s4;
	s18 =	sadd.s32 s0, s10;
	[dreg:$0x13] =	wrdreg s11  }
0x28: {  	s22 =	sor.u32 $0x9800, s4;
	s20 =	sadd.s32 s3, s19;
	[dreg:$0x18] =	wrdreg s18  }
0x29: {  	s25 =	sor.u32 $0xA000, s4;
	s23 =	sadd.s32 s3, s22;
	[smem:$0x7B1] =	sst s20  }
0x2a: {  	s26 =	sadd.s32 s3, s25;
	[smem:$0x7B3] =	sst s23  }
0x2b: {  	s9 =	sadd.s32 s0, s19;
	[smem:$0x7B5] =	sst s26  }
0x2c: {  	s13 =	sor.u32 $0xB000, s4;
	s12 =	sadd.s32 s0, s22;
	[smem:$0x7B6] =	sst s9  }
0x2d: {  	s14 =	sadd.s32 s3, s13;
	[smem:$0x7B8] =	sst s12  }
0x2e: {  	s16 =	sor.u32 $0xB800, s4;
	s15 =	sadd.s32 s0, s25;
	[smem:$0x7B9] =	sst s14  }
0x2f: {  	s17 =	sadd.s32 s3, s16;
	[smem:$0x7BA] =	sst s15  }
0x30: {  	s21 =	sadd.s32 s0, s13;
	[smem:$0x7BB] =	sst s17  }
0x31: {  	s10 =	sor.u32 $0x7800, s4;
	s24 =	sadd.s32 s0, s16;
	[smem:$0x7BE] =	sst s21  }
0x32: {  	s11 =	sadd.s32 s3, s10;
	[smem:$0x7C0] =	sst s24  }
0x33: {  	s19 =	sor.u32 $0xC000, s4;
	s18 =	sadd.s32 s0, s10;
	[dreg:$0x1f] =	wrdreg s11  }
0x34: {  	s22 =	sor.u32 $0xC800, s4;
	s20 =	sadd.s32 s3, s19;
	[smem:$0x7B0] =	sst s18  }
0x35: {  	s25 =	sor.u32 $0xD000, s4;
	s23 =	sadd.s32 s3, s22;
	[smem:$0x7BD] =	sst s20  }
0x36: {  	s26 =	sadd.s32 s3, s25;
	[smem:$0x7BF] =	sst s23  }
0x37: {  	s9 =	sadd.s32 s0, s19;
	[smem:$0x7C1] =	sst s26  }
0x38: {  	s13 =	sor.u32 $0xE000, s4;
	s12 =	sadd.s32 s0, s22;
	[smem:$0x7C2] =	sst s9  }
0x39: {  	s14 =	sadd.s32 s3, s13;
	[smem:$0x7C4] =	sst s12  }
0x3a: {  	s16 =	sor.u32 $0xE800, s4;
	s15 =	sadd.s32 s0, s25;
	[smem:$0x7C5] =	sst s14  }
0x3b: {  	s17 =	sadd.s32 s3, s16;
	[smem:$0x7C6] =	sst s15  }
0x3c: {  	s21 =	sadd.s32 s0, s13;
	[smem:$0x7C7] =	sst s17  }
0x3d: {  	s10 =	sor.u32 $0xA800, s4;
	s24 =	sadd.s32 s0, s16;
	[smem:$0x7CA] =	sst s21  }
0x3e: {  	s11 =	sadd.s32 s3, s10;
	[smem:$0x7CC] =	sst s24  }
0x3f: {  	s19 =	sor.u32 $0xF000, s4;
	s18 =	sadd.s32 s0, s10;
	[smem:$0x7B7] =	sst s11  }
0x40: {  	s22 =	sor.u32 $0xF800, s4;
	s20 =	sadd.s32 s3, s19;
	[smem:$0x7BC] =	sst s18  }
0x41: {  	s25 =	sor.u32 $0x10000, s4;
	s23 =	sadd.s32 s3, s22;
	[smem:$0x7C9] =	sst s20  }
0x42: {  	s26 =	sadd.s32 s3, s25;
	[smem:$0x7CB] =	sst s23  }
0x43: {  	s9 =	sadd.s32 s0, s19;
	[smem:$0x7CD] =	sst s26  }
0x44: {  	s13 =	sor.u32 $0x11000, s4;
	s12 =	sadd.s32 s0, s22;
	[smem:$0x7CE] =	sst s9  }
0x45: {  	s14 =	sadd.s32 s3, s13;
	[smem:$0x7D0] =	sst s12  }
0x46: {  	s16 =	sor.u32 $0x11800, s4;
	s15 =	sadd.s32 s0, s25;
	[smem:$0x7D1] =	sst s14  }
0x47: {  	s17 =	sadd.s32 s3, s16;
	[smem:$0x7D2] =	sst s15  }
0x48: {  	s21 =	sadd.s32 s0, s13;
	[smem:$0x7D3] =	sst s17  }
0x49: {  	s10 =	sor.u32 $0xD800, s4;
	s24 =	sadd.s32 s0, s16;
	[smem:$0x7D6] =	sst s21  }
0x4a: {  	s11 =	sadd.s32 s3, s10;
	[smem:$0x7D8] =	sst s24  }
0x4b: {  	s19 =	sor.u32 $0x12000, s4;
	s18 =	sadd.s32 s0, s10;
	[smem:$0x7C3] =	sst s11  }
0x4c: {  	s22 =	sor.u32 $0x12800, s4;
	s20 =	sadd.s32 s3, s19;
	[smem:$0x7C8] =	sst s18  }
0x4d: {  	s25 =	sor.u32 $0x13000, s4;
	s23 =	sadd.s32 s3, s22;
	[smem:$0x7D5] =	sst s20  }
0x4e: {  	s26 =	sadd.s32 s3, s25;
	[smem:$0x7D7] =	sst s23  }
0x4f: {  	s9 =	sadd.s32 s0, s19;
	[smem:$0x7D9] =	sst s26  }
0x50: {  	s13 =	sor.u32 $0x14000, s4;
	s12 =	sadd.s32 s0, s22;
	[smem:$0x7DA] =	sst s9  }
0x51: {  	s14 =	sadd.s32 s3, s13;
	[smem:$0x7DC] =	sst s12  }
0x52: {  	s16 =	sor.u32 $0x14800, s4;
	s15 =	sadd.s32 s0, s25;
	[smem:$0x7DD] =	sst s14  }
0x53: {  	p0 =	por $0x0, $0x0;
	s17 =	sadd.s32 s3, s16;
	[smem:$0x7DE] =	sst s15  }
0x54: {  	s5 =	ssub.s32 $0x2, s5;
	s21 =	sadd.s32 s0, s13;
	[smem:$0x7DF] =	sst s17  }
0x55: {  	s10 =	sor.u32 $0x10800, s4;
	s24 =	sadd.s32 s0, s16;
	[smem:$0x7E2] =	sst s21  }
0x56: {  	s6 =	simm.s32 $0xC000;
	s11 =	sadd.s32 s3, s10;
	[smem:$0x7E4] =	sst s24  }
0x57: {  	s19 =	sor.u32 $0x15000, s4;
	s18 =	sadd.s32 s0, s10;
	[smem:$0x7CF] =	sst s11  }
0x58: {  	s22 =	sor.u32 $0x15800, s4;
	s20 =	sadd.s32 s3, s19;
	[smem:$0x7D4] =	sst s18  }
0x59: {  	s25 =	sor.u32 $0x16000, s4;
	s23 =	sadd.s32 s3, s22;
	[smem:$0x7E1] =	sst s20  }
0x5a: {  	s7 =	simm.s32 $0x7;
	s26 =	sadd.s32 s3, s25;
	[smem:$0x7E3] =	sst s23  }
0x5b: {  	s13 =	sor.u32 $0x17000, s4;
	s9 =	sadd.s32 s0, s19;
	[smem:$0x7E5] =	sst s26  }
0x5c: {  	s16 =	sor.u32 $0x17800, s4;
	s12 =	sadd.s32 s0, s22;
	[smem:$0x7E6] =	sst s9  }
0x5d: {  	s10 =	sor.u32 $0x13800, s4;
	s14 =	sadd.s32 s3, s13;
	[smem:$0x7E8] =	sst s12  }
0x5e: {  	s15 =	sadd.s32 s0, s25;
	s17 =	sadd.s32 s3, s16;
	[smem:$0x7E9] =	sst s14  }
0x5f: {  	s19 =	sor.u32 $0x18000, s4;
	s21 =	sadd.s32 s0, s13;
	[smem:$0x7EA] =	sst s15  }
0x60: {  	s22 =	sor.u32 $0x18800, s4;
	s24 =	sadd.s32 s0, s16;
	[smem:$0x7EB] =	sst s17  }
0x61: {  	s25 =	sor.u32 $0x19000, s4;
	s13 =	sor.u32 $0x1A000, s4;
	[smem:$0x7EE] =	sst s21  }
0x62: {  	s16 =	sor.u32 $0x1A800, s4;
	s11 =	sadd.s32 s3, s10;
	[smem:$0x7F0] =	sst s24  }
0x63: {  	s18 =	sadd.s32 s0, s10;
	s10 =	sor.u32 $0x16800, s4;
	[smem:$0x7DB] =	sst s11  }
0x64: {  	s20 =	sadd.s32 s3, s19;
	s23 =	sadd.s32 s3, s22;
	[smem:$0x7E0] =	sst s18  }
0x65: {  	s26 =	sadd.s32 s3, s25;
	s9 =	sadd.s32 s0, s19;
	[smem:$0x7ED] =	sst s20  }
0x66: {  	s12 =	sadd.s32 s0, s22;
	s14 =	sadd.s32 s3, s13;
	[smem:$0x7EF] =	sst s23  }
0x67: {  	s15 =	sadd.s32 s0, s25;
	s17 =	sadd.s32 s3, s16;
	[smem:$0x7F1] =	sst s26  }
0x68: {  	s19 =	sor.u32 $0x1B000, s4;
	s21 =	sadd.s32 s0, s13;
	[smem:$0x7F2] =	sst s9  }
0x69: {  	s22 =	sor.u32 $0x1B800, s4;
	s24 =	sadd.s32 s0, s16;
	[smem:$0x7F4] =	sst s12  }
0x6a: {  	s25 =	sor.u32 $0x1C000, s4;
	s13 =	sor.u32 $0x1E800, s4;
	[smem:$0x7F5] =	sst s14  }
0x6b: {  	s16 =	sor.u32 $0x1F000, s4;
	s11 =	sadd.s32 s3, s10;
	[smem:$0x7F6] =	sst s15  }
0x6c: {  	s18 =	sadd.s32 s0, s10;
	s10 =	sor.u32 $0x19800, s4;
	[smem:$0x7F7] =	sst s17  }
0x6d: {  	s20 =	sadd.s32 s3, s19;
	[smem:$0x7FA] =	sst s21;
	s23 =	sadd.s32 s3, s22  }
0x6e: {  	s9 =	sshrl.u32 s5, $0x1;
	[smem:$0x7FC] =	sst s24;
	s26 =	sadd.s32 s3, s25  }
0x6f: {  	s31 =	sadd.s32 s0, s19;
	s29 =	sadd.s32 s0, s22;
	[smem:$0x7E7] =	sst s11  }
0x70: {  	s12 =	sor.u32 $0x1E000, s4;
	s15 =	sadd.s32 s3, s16;
	[smem:$0x7EC] =	sst s18  }
0x71: {  	s17 =	sor.u32 $0x1F800, s4;
	s8 =	sadd.s32 s0, s13;
	[smem:$0x7F9] =	sst s20  }
0x72: {  	s21 =	simm.s32 $0x1;
	s11 =	sadd.s32 s3, s10;
	[smem:$0x7FB] =	sst s23  }
0x73: {  	s18 =	sadd.s32 s0, s10;
	s5 =	ssub.s32 s5, s9;
	[smem:$0x7FD] =	sst s26  }
0x74: {  	s9 =	sor.u32 $0x1C800, s4;
	s10 =	sor.u32 $0x1D000, s4;
	s26 =	sadd.s32 s0, s25  }
0x75: {  	s23 =	sadd.s32 s3, s12;
	s20 =	sadd.s32 s3, s13;
	s14 =	sadd.s32 s0, s12  }
0x76: {  	s12 =	sadd.s32 s3, s17;
	s13 =	simm.s32 $0x4000;
	[smem:$0x7F3] =	sst s11  }
0x77: {  	[smem:$0x7F8] =	sst s18;
	s30 =	sadd.s32 s3, s9;
	s18 =	smax.u32 s5, $0x1  }
0x78: {  	s28 =	sadd.s32 s3, s10;
	s11 =	sor.u32 $0x1D800, s4;
	p1 =	sne.s32 s18, $0x1  }
.Ltmp0:
0x79: {  	s24 =	sadd.s32 s0, s9;
	s22 =	sadd.s32 s0, s10;
	(pc) =	sbr.rel @!p1 .LBB2_3-.Ltmp0, $4  }
0x7a: {  	s4 =	sadd.s32 s0, s16;
	s10 =	simm.s32 $0x8000;
	s9 =	simm.s32 $0x6  }
0x7b: {  	s16 =	simm.s32 $0x4;
	s5 =	simm.s32 $0x8;
	s25 =	sadd.s32 s3, s11  }
0x7c: {  	s19 =	sadd.s32 s0, s11;
	s3 =	sadd.s32 s0, s17;
	s17 =	simm.s32 $0x2  }
0x7d: {  	s0 =	sadd.s32 $0xFFFFFFFF, s18;
	s11 =	simm.s32 $0x5;
	s18 =	simm.s32 $0x3  }
0x7e: {  	[smem:$0x7AB] =	sst s0  }
0x7f: {  	[tilespmem:s2], [sflag:$0x1] =	stream.linear.gather [hbm4b:s1+s2], $0x4000, $0x38;
	[tilespmem:$0x10000] =	vst v63  }
0x80: {  	s0 =	rddreg [dreg:$0x4]  }
0x81: {  	[tilespmem:s13], [sflag:$0x2] =	stream.linear.gather [hbm4b:s0+s2], $0x4000, $0x38;
	[tilespmem:$0x10000] =	vst v63  }
0x82: {  	s1 =	rddreg [dreg:$0x5]  }
0x83: {  	[tilespmem:s10], [sflag:$0x3] =	stream.linear.gather [hbm4b:s1+s2], $0x4000, $0x38;
	[tilespmem:$0x10000] =	vst v63  }
0x84: {  	_ =	swait.ge [sflag:s21], $0x4000  }
0x85: {  	[sflag:s21] =	ssyncset.done $0x0  }
0x86: {  	s0 =	rddreg [dreg:$0x6];
	[sflag:s21] =	ssyncadd.s32 $0xFFFFC000  }
0x87: {  	[hbm4b:s0+s2] =	stream.linear.scatter [tilespmem:s2], [sflag:$0x5], $0x4000, $0x38;
	[tilespmem:$0x10000] =	vst v63  }
0x88: {  	s1 =	rddreg [dreg:$0x7]  }
0x89: {  	[tilespmem:s6], [sflag:$0x4] =	stream.linear.gather [hbm4b:s1+s2], $0x4000, $0x38;
	[tilespmem:$0x10000] =	vst v63  }
0x8a: {  	_ =	swait.ge [sflag:s17], $0x4000  }
0x8b: {  	[sflag:s17] =	ssyncset.done $0x0  }
0x8c: {  	s1 =	rddreg [dreg:$0x8];
	[sflag:s17] =	ssyncadd.s32 $0xFFFFC000  }
0x8d: {  	[hbm4b:s1+s2] =	stream.linear.scatter [tilespmem:s13], [sflag:$0x6], $0x4000, $0x38;
	[tilespmem:$0x10000] =	vst v63  }
0x8e: {  	_ =	swait.ge [sflag:s11], $0x4000  }
0x8f: {  	[sflag:s11] =	ssyncset.done $0x0  }
0x90: {  	s1 =	rddreg [dreg:$0x9];
	[sflag:s11] =	ssyncadd.s32 $0xFFFFC000  }
0x91: {  	[tilespmem:s2], [sflag:$0x1] =	stream.linear.gather [hbm4b:s1+s2], $0x4000, $0x38;
	[tilespmem:$0x10000] =	vst v63  }
0x92: {  	_ =	swait.ge [sflag:s18], $0x4000  }
0x93: {  	[sflag:s18] =	ssyncset.done $0x0  }
0x94: {  	s1 =	rddreg [dreg:$0xa];
	[sflag:s18] =	ssyncadd.s32 $0xFFFFC000  }
0x95: {  	[hbm4b:s1+s2] =	stream.linear.scatter [tilespmem:s10], [sflag:$0x7], $0x4000, $0x38;
	[tilespmem:$0x10000] =	vst v63  }
0x96: {  	_ =	swait.ge [sflag:s9], $0x4000  }
0x97: {  	[sflag:s9] =	ssyncset.done $0x0  }
0x98: {  	s1 =	rddreg [dreg:$0xb];
	[sflag:s9] =	ssyncadd.s32 $0xFFFFC000  }
0x99: {  	[tilespmem:s13], [sflag:$0x2] =	stream.linear.gather [hbm4b:s1+s2], $0x4000, $0x38;
	[tilespmem:$0x10000] =	vst v63  }
0x9a: {  	_ =	swait.ge [sflag:s16], $0x4000  }
0x9b: {  	[sflag:s16] =	ssyncset.done $0x0  }
0x9c: {  	s1 =	rddreg [dreg:$0xc];
	[sflag:s16] =	ssyncadd.s32 $0xFFFFC000  }
0x9d: {  	[hbm4b:s1+s2] =	stream.linear.scatter [tilespmem:s6], [sflag:$0x8], $0x4000, $0x38;
	[tilespmem:$0x10000] =	vst v63  }
0x9e: {  	_ =	swait.ge [sflag:s7], $0x4000  }
0x9f: {  	[sflag:s7] =	ssyncset.done $0x0  }
0xa0: {  	s1 =	rddreg [dreg:$0xd];
	[sflag:s7] =	ssyncadd.s32 $0xFFFFC000  }
0xa1: {  	[tilespmem:s10], [sflag:$0x3] =	stream.linear.gather [hbm4b:s1+s2], $0x4000, $0x38;
	[tilespmem:$0x10000] =	vst v63  }
0xa2: {  	_ =	swait.ge [sflag:s21], $0x4000  }
0xa3: {  	[sflag:s21] =	ssyncset.done $0x0  }
0xa4: {  	s1 =	rddreg [dreg:$0xe];
	[sflag:s21] =	ssyncadd.s32 $0xFFFFC000  }
0xa5: {  	[hbm4b:s1+s2] =	stream.linear.scatter [tilespmem:s2], [sflag:$0x5], $0x4000, $0x38;
	[tilespmem:$0x10000] =	vst v63  }
0xa6: {  	_ =	swait.ge [sflag:s5], $0x4000  }
0xa7: {  	[sflag:s5] =	ssyncset.done $0x0  }
0xa8: {  	s1 =	rddreg [dreg:$0xf];
	[sflag:s5] =	ssyncadd.s32 $0xFFFFC000  }
0xa9: {  	[tilespmem:s6], [sflag:$0x4] =	stream.linear.gather [hbm4b:s1+s2], $0x4000, $0x38;
	[tilespmem:$0x10000] =	vst v63  }
0xaa: {  	_ =	swait.ge [sflag:s17], $0x4000  }
0xab: {  	[sflag:s17] =	ssyncset.done $0x0  }
0xac: {  	s1 =	rddreg [dreg:$0x10];
	[sflag:s17] =	ssyncadd.s32 $0xFFFFC000  }
0xad: {  	[hbm4b:s1+s2] =	stream.linear.scatter [tilespmem:s13], [sflag:$0x6], $0x4000, $0x38;
	[tilespmem:$0x10000] =	vst v63  }
0xae: {  	_ =	swait.ge [sflag:s11], $0x4000  }
0xaf: {  	[sflag:s11] =	ssyncset.done $0x0  }
0xb0: {  	s1 =	rddreg [dreg:$0x11];
	[sflag:s11] =	ssyncadd.s32 $0xFFFFC000  }
0xb1: {  	[tilespmem:s2], [sflag:$0x1] =	stream.linear.gather [hbm4b:s1+s2], $0x4000, $0x38;
	[tilespmem:$0x10000] =	vst v63  }
0xb2: {  	_ =	swait.ge [sflag:s18], $0x4000  }
0xb3: {  	[sflag:s18] =	ssyncset.done $0x0  }
0xb4: {  	s1 =	rddreg [dreg:$0x12];
	[sflag:s18] =	ssyncadd.s32 $0xFFFFC000  }
0xb5: {  	[hbm4b:s1+s2] =	stream.linear.scatter [tilespmem:s10], [sflag:$0x7], $0x4000, $0x38;
	[tilespmem:$0x10000] =	vst v63  }
0xb6: {  	_ =	swait.ge [sflag:s9], $0x4000  }
0xb7: {  	[sflag:s9] =	ssyncset.done $0x0  }
0xb8: {  	s1 =	rddreg [dreg:$0x13];
	[sflag:s9] =	ssyncadd.s32 $0xFFFFC000  }
0xb9: {  	[tilespmem:s13], [sflag:$0x2] =	stream.linear.gather [hbm4b:s1+s2], $0x4000, $0x38;
	[tilespmem:$0x10000] =	vst v63  }
0xba: {  	_ =	swait.ge [sflag:s16], $0x4000  }
0xbb: {  	[sflag:s16] =	ssyncset.done $0x0  }
0xbc: {  	s1 =	rddreg [dreg:$0x14];
	[sflag:s16] =	ssyncadd.s32 $0xFFFFC000  }
0xbd: {  	[hbm4b:s1+s2] =	stream.linear.scatter [tilespmem:s6], [sflag:$0x8], $0x4000, $0x38;
	[tilespmem:$0x10000] =	vst v63  }
0xbe: {  	_ =	swait.ge [sflag:s7], $0x4000  }
0xbf: {  	[sflag:s7] =	ssyncset.done $0x0  }
0xc0: {  	s1 =	rddreg [dreg:$0x15];
	[sflag:s7] =	ssyncadd.s32 $0xFFFFC000  }
0xc1: {  	[tilespmem:s10], [sflag:$0x3] =	stream.linear.gather [hbm4b:s1+s2], $0x4000, $0x38;
	[tilespmem:$0x10000] =	vst v63  }
0xc2: {  	_ =	swait.ge [sflag:s21], $0x4000  }
0xc3: {  	[sflag:s21] =	ssyncset.done $0x0  }
0xc4: {  	s1 =	rddreg [dreg:$0x16];
	[sflag:s21] =	ssyncadd.s32 $0xFFFFC000  }
0xc5: {  	[hbm4b:s1+s2] =	stream.linear.scatter [tilespmem:s2], [sflag:$0x5], $0x4000, $0x38;
	[tilespmem:$0x10000] =	vst v63  }
0xc6: {  	_ =	swait.ge [sflag:s5], $0x4000  }
0xc7: {  	[sflag:s5] =	ssyncset.done $0x0  }
0xc8: {  	s1 =	rddreg [dreg:$0x17];
	[sflag:s5] =	ssyncadd.s32 $0xFFFFC000  }
0xc9: {  	[tilespmem:s6], [sflag:$0x4] =	stream.linear.gather [hbm4b:s1+s2], $0x4000, $0x38;
	[tilespmem:$0x10000] =	vst v63  }
0xca: {  	_ =	swait.ge [sflag:s17], $0x4000  }
0xcb: {  	[sflag:s17] =	ssyncset.done $0x0  }
0xcc: {  	s1 =	rddreg [dreg:$0x18];
	[sflag:s17] =	ssyncadd.s32 $0xFFFFC000  }
0xcd: {  	[hbm4b:s1+s2] =	stream.linear.scatter [tilespmem:s13], [sflag:$0x6], $0x4000, $0x38;
	[tilespmem:$0x10000] =	vst v63  }
0xce: {  	_ =	swait.ge [sflag:s11], $0x4000  }
0xcf: {  	[sflag:s11] =	ssyncset.done $0x0  }
0xd0: {  	s1 =	rddreg [dreg:$0x19];
	[sflag:s11] =	ssyncadd.s32 $0xFFFFC000  }
0xd1: {  	[tilespmem:s2], [sflag:$0x1] =	stream.linear.gather [hbm4b:s1+s2], $0x4000, $0x38;
	[tilespmem:$0x10000] =	vst v63  }
0xd2: {  	_ =	swait.ge [sflag:s18], $0x4000  }
0xd3: {  	[sflag:s18] =	ssyncset.done $0x0  }
0xd4: {  	s1 =	rddreg [dreg:$0x1a];
	[sflag:s18] =	ssyncadd.s32 $0xFFFFC000  }
0xd5: {  	[hbm4b:s1+s2] =	stream.linear.scatter [tilespmem:s10], [sflag:$0x7], $0x4000, $0x38;
	[tilespmem:$0x10000] =	vst v63  }
0xd6: {  	_ =	swait.ge [sflag:s9], $0x4000  }
0xd7: {  	[sflag:s9] =	ssyncset.done $0x0  }
0xd8: {  	s1 =	rddreg [dreg:$0x1b];
	[sflag:s9] =	ssyncadd.s32 $0xFFFFC000  }
0xd9: {  	[tilespmem:s13], [sflag:$0x2] =	stream.linear.gather [hbm4b:s1+s2], $0x4000, $0x38;
	[tilespmem:$0x10000] =	vst v63  }
0xda: {  	_ =	swait.ge [sflag:s16], $0x4000  }
0xdb: {  	[sflag:s16] =	ssyncset.done $0x0  }
0xdc: {  	s1 =	rddreg [dreg:$0x1c];
	[sflag:s16] =	ssyncadd.s32 $0xFFFFC000  }
0xdd: {  	[hbm4b:s1+s2] =	stream.linear.scatter [tilespmem:s6], [sflag:$0x8], $0x4000, $0x38;
	[tilespmem:$0x10000] =	vst v63  }
0xde: {  	_ =	swait.ge [sflag:s7], $0x4000  }
0xdf: {  	[sflag:s7] =	ssyncset.done $0x0  }
0xe0: {  	s1 =	rddreg [dreg:$0x1d];
	[sflag:s7] =	ssyncadd.s32 $0xFFFFC000  }
0xe1: {  	[tilespmem:s10], [sflag:$0x3] =	stream.linear.gather [hbm4b:s1+s2], $0x4000, $0x38;
	[tilespmem:$0x10000] =	vst v63  }
0xe2: {  	_ =	swait.ge [sflag:s21], $0x4000  }
0xe3: {  	[sflag:s21] =	ssyncset.done $0x0  }
0xe4: {  	s1 =	rddreg [dreg:$0x1e];
	[sflag:s21] =	ssyncadd.s32 $0xFFFFC000  }
0xe5: {  	[hbm4b:s1+s2] =	stream.linear.scatter [tilespmem:s2], [sflag:$0x5], $0x4000, $0x38;
	[tilespmem:$0x10000] =	vst v63  }
0xe6: {  	_ =	swait.ge [sflag:s5], $0x4000  }
0xe7: {  	[sflag:s5] =	ssyncset.done $0x0  }
0xe8: {  	s1 =	rddreg [dreg:$0x1f];
	[sflag:s5] =	ssyncadd.s32 $0xFFFFC000  }
0xe9: {  	[tilespmem:s6], [sflag:$0x4] =	stream.linear.gather [hbm4b:s1+s2], $0x4000, $0x38;
	[tilespmem:$0x10000] =	vst v63  }
0xea: {  	_ =	swait.ge [sflag:s17], $0x4000  }
0xeb: {  	s1 =	sld [smem:$0x7AC]  }
0xec: {  	[sflag:s17] =	ssyncset.done $0x0  }
0xed: {  	[sflag:s17] =	ssyncadd.s32 $0xFFFFC000  }
0xee: {  	[hbm4b:s1+s2] =	stream.linear.scatter [tilespmem:s13], [sflag:$0x6], $0x4000, $0x38;
	[tilespmem:$0x10000] =	vst v63  }
0xef: {  	_ =	swait.ge [sflag:s11], $0x4000  }
0xf0: {  	s1 =	sld [smem:$0x7AD]  }
0xf1: {  	[sflag:s11] =	ssyncset.done $0x0  }
0xf2: {  	[sflag:s11] =	ssyncadd.s32 $0xFFFFC000  }
0xf3: {  	[tilespmem:s2], [sflag:$0x1] =	stream.linear.gather [hbm4b:s1+s2], $0x4000, $0x38;
	[tilespmem:$0x10000] =	vst v63  }
0xf4: {  	_ =	swait.ge [sflag:s18], $0x4000  }
0xf5: {  	s1 =	sld [smem:$0x7AE]  }
0xf6: {  	[sflag:s18] =	ssyncset.done $0x0  }
0xf7: {  	[sflag:s18] =	ssyncadd.s32 $0xFFFFC000  }
0xf8: {  	[hbm4b:s1+s2] =	stream.linear.scatter [tilespmem:s10], [sflag:$0x7], $0x4000, $0x38;
	[tilespmem:$0x10000] =	vst v63  }
0xf9: {  	_ =	swait.ge [sflag:s9], $0x4000  }
0xfa: {  	s1 =	sld [smem:$0x7AF]  }
0xfb: {  	[sflag:s9] =	ssyncset.done $0x0  }
0xfc: {  	[sflag:s9] =	ssyncadd.s32 $0xFFFFC000  }
0xfd: {  	[tilespmem:s13], [sflag:$0x2] =	stream.linear.gather [hbm4b:s1+s2], $0x4000, $0x38;
	[tilespmem:$0x10000] =	vst v63  }
0xfe: {  	_ =	swait.ge [sflag:s16], $0x4000  }
0xff: {  	s1 =	sld [smem:$0x7B0]  }
0x100: {  	[sflag:s16] =	ssyncset.done $0x0  }
0x101: {  	[sflag:s16] =	ssyncadd.s32 $0xFFFFC000  }
0x102: {  	[hbm4b:s1+s2] =	stream.linear.scatter [tilespmem:s6], [sflag:$0x8], $0x4000, $0x38;
	[tilespmem:$0x10000] =	vst v63  }
0x103: {  	_ =	swait.ge [sflag:s7], $0x4000  }
0x104: {  	s1 =	sld [smem:$0x7B1]  }
0x105: {  	[sflag:s7] =	ssyncset.done $0x0  }
0x106: {  	[sflag:s7] =	ssyncadd.s32 $0xFFFFC000  }
0x107: {  	[tilespmem:s10], [sflag:$0x3] =	stream.linear.gather [hbm4b:s1+s2], $0x4000, $0x38;
	[tilespmem:$0x10000] =	vst v63  }
0x108: {  	_ =	swait.ge [sflag:s21], $0x4000  }
0x109: {  	s1 =	sld [smem:$0x7B2]  }
0x10a: {  	[sflag:s21] =	ssyncset.done $0x0  }
0x10b: {  	[sflag:s21] =	ssyncadd.s32 $0xFFFFC000  }
0x10c: {  	[hbm4b:s1+s2] =	stream.linear.scatter [tilespmem:s2], [sflag:$0x5], $0x4000, $0x38;
	[tilespmem:$0x10000] =	vst v63  }
0x10d: {  	_ =	swait.ge [sflag:s5], $0x4000  }
0x10e: {  	s1 =	sld [smem:$0x7B3]  }
0x10f: {  	[sflag:s5] =	ssyncset.done $0x0  }
0x110: {  	[sflag:s5] =	ssyncadd.s32 $0xFFFFC000  }
0x111: {  	[tilespmem:s6], [sflag:$0x4] =	stream.linear.gather [hbm4b:s1+s2], $0x4000, $0x38;
	[tilespmem:$0x10000] =	vst v63  }
0x112: {  	_ =	swait.ge [sflag:s17], $0x4000  }
0x113: {  	s1 =	sld [smem:$0x7B4]  }
0x114: {  	[sflag:s17] =	ssyncset.done $0x0  }
0x115: {  	[sflag:s17] =	ssyncadd.s32 $0xFFFFC000  }
0x116: {  	[hbm4b:s1+s2] =	stream.linear.scatter [tilespmem:s13], [sflag:$0x6], $0x4000, $0x38;
	[tilespmem:$0x10000] =	vst v63  }
0x117: {  	_ =	swait.ge [sflag:s11], $0x4000  }
0x118: {  	s1 =	sld [smem:$0x7B5]  }
0x119: {  	[sflag:s11] =	ssyncset.done $0x0  }
0x11a: {  	[sflag:s11] =	ssyncadd.s32 $0xFFFFC000  }
0x11b: {  	[tilespmem:s2], [sflag:$0x1] =	stream.linear.gather [hbm4b:s1+s2], $0x4000, $0x38;
	[tilespmem:$0x10000] =	vst v63  }
0x11c: {  	_ =	swait.ge [sflag:s18], $0x4000  }
0x11d: {  	s1 =	sld [smem:$0x7B6]  }
0x11e: {  	[sflag:s18] =	ssyncset.done $0x0  }
0x11f: {  	[sflag:s18] =	ssyncadd.s32 $0xFFFFC000  }
0x120: {  	[hbm4b:s1+s2] =	stream.linear.scatter [tilespmem:s10], [sflag:$0x7], $0x4000, $0x38;
	[tilespmem:$0x10000] =	vst v63  }
0x121: {  	_ =	swait.ge [sflag:s9], $0x4000  }
0x122: {  	s1 =	sld [smem:$0x7B7]  }
0x123: {  	[sflag:s9] =	ssyncset.done $0x0  }
0x124: {  	[sflag:s9] =	ssyncadd.s32 $0xFFFFC000  }
0x125: {  	[tilespmem:s13], [sflag:$0x2] =	stream.linear.gather [hbm4b:s1+s2], $0x4000, $0x38;
	[tilespmem:$0x10000] =	vst v63  }
0x126: {  	_ =	swait.ge [sflag:s16], $0x4000  }
0x127: {  	s1 =	sld [smem:$0x7B8]  }
0x128: {  	[sflag:s16] =	ssyncset.done $0x0  }
0x129: {  	[sflag:s16] =	ssyncadd.s32 $0xFFFFC000  }
0x12a: {  	[hbm4b:s1+s2] =	stream.linear.scatter [tilespmem:s6], [sflag:$0x8], $0x4000, $0x38;
	[tilespmem:$0x10000] =	vst v63  }
0x12b: {  	_ =	swait.ge [sflag:s7], $0x4000  }
0x12c: {  	s1 =	sld [smem:$0x7B9]  }
0x12d: {  	[sflag:s7] =	ssyncset.done $0x0  }
0x12e: {  	[sflag:s7] =	ssyncadd.s32 $0xFFFFC000  }
0x12f: {  	[tilespmem:s10], [sflag:$0x3] =	stream.linear.gather [hbm4b:s1+s2], $0x4000, $0x38;
	[tilespmem:$0x10000] =	vst v63  }
0x130: {  	_ =	swait.ge [sflag:s21], $0x4000  }
0x131: {  	s1 =	sld [smem:$0x7BA]  }
0x132: {  	[sflag:s21] =	ssyncset.done $0x0  }
0x133: {  	[sflag:s21] =	ssyncadd.s32 $0xFFFFC000  }
0x134: {  	[hbm4b:s1+s2] =	stream.linear.scatter [tilespmem:s2], [sflag:$0x5], $0x4000, $0x38;
	[tilespmem:$0x10000] =	vst v63  }
0x135: {  	_ =	swait.ge [sflag:s5], $0x4000  }
0x136: {  	s1 =	sld [smem:$0x7BB]  }
0x137: {  	[sflag:s5] =	ssyncset.done $0x0  }
0x138: {  	[sflag:s5] =	ssyncadd.s32 $0xFFFFC000  }
0x139: {  	[tilespmem:s6], [sflag:$0x4] =	stream.linear.gather [hbm4b:s1+s2], $0x4000, $0x38;
	[tilespmem:$0x10000] =	vst v63  }
0x13a: {  	_ =	swait.ge [sflag:s17], $0x4000  }
0x13b: {  	s1 =	sld [smem:$0x7BC]  }
0x13c: {  	[sflag:s17] =	ssyncset.done $0x0  }
0x13d: {  	[sflag:s17] =	ssyncadd.s32 $0xFFFFC000  }
0x13e: {  	[hbm4b:s1+s2] =	stream.linear.scatter [tilespmem:s13], [sflag:$0x6], $0x4000, $0x38;
	[tilespmem:$0x10000] =	vst v63  }
0x13f: {  	_ =	swait.ge [sflag:s11], $0x4000  }
0x140: {  	s1 =	sld [smem:$0x7BD]  }
0x141: {  	[sflag:s11] =	ssyncset.done $0x0  }
0x142: {  	[sflag:s11] =	ssyncadd.s32 $0xFFFFC000  }
0x143: {  	[tilespmem:s2], [sflag:$0x1] =	stream.linear.gather [hbm4b:s1+s2], $0x4000, $0x38;
	[tilespmem:$0x10000] =	vst v63  }
0x144: {  	_ =	swait.ge [sflag:s18], $0x4000  }
0x145: {  	s1 =	sld [smem:$0x7BE]  }
0x146: {  	[sflag:s18] =	ssyncset.done $0x0  }
0x147: {  	[sflag:s18] =	ssyncadd.s32 $0xFFFFC000  }
0x148: {  	[hbm4b:s1+s2] =	stream.linear.scatter [tilespmem:s10], [sflag:$0x7], $0x4000, $0x38;
	[tilespmem:$0x10000] =	vst v63  }
0x149: {  	_ =	swait.ge [sflag:s9], $0x4000  }
0x14a: {  	s1 =	sld [smem:$0x7BF]  }
0x14b: {  	[sflag:s9] =	ssyncset.done $0x0  }
0x14c: {  	[sflag:s9] =	ssyncadd.s32 $0xFFFFC000  }
0x14d: {  	[tilespmem:s13], [sflag:$0x2] =	stream.linear.gather [hbm4b:s1+s2], $0x4000, $0x38;
	[tilespmem:$0x10000] =	vst v63  }
0x14e: {  	_ =	swait.ge [sflag:s16], $0x4000  }
0x14f: {  	s1 =	sld [smem:$0x7C0]  }
0x150: {  	[sflag:s16] =	ssyncset.done $0x0  }
0x151: {  	[sflag:s16] =	ssyncadd.s32 $0xFFFFC000  }
0x152: {  	[hbm4b:s1+s2] =	stream.linear.scatter [tilespmem:s6], [sflag:$0x8], $0x4000, $0x38;
	[tilespmem:$0x10000] =	vst v63  }
0x153: {  	_ =	swait.ge [sflag:s7], $0x4000  }
0x154: {  	s1 =	sld [smem:$0x7C1]  }
0x155: {  	[sflag:s7] =	ssyncset.done $0x0  }
0x156: {  	[sflag:s7] =	ssyncadd.s32 $0xFFFFC000  }
0x157: {  	[tilespmem:s10], [sflag:$0x3] =	stream.linear.gather [hbm4b:s1+s2], $0x4000, $0x38;
	[tilespmem:$0x10000] =	vst v63  }
0x158: {  	_ =	swait.ge [sflag:s21], $0x4000  }
0x159: {  	s1 =	sld [smem:$0x7C2]  }
0x15a: {  	[sflag:s21] =	ssyncset.done $0x0  }
0x15b: {  	[sflag:s21] =	ssyncadd.s32 $0xFFFFC000  }
0x15c: {  	[hbm4b:s1+s2] =	stream.linear.scatter [tilespmem:s2], [sflag:$0x5], $0x4000, $0x38;
	[tilespmem:$0x10000] =	vst v63  }
0x15d: {  	_ =	swait.ge [sflag:s5], $0x4000  }
0x15e: {  	s1 =	sld [smem:$0x7C3]  }
0x15f: {  	[sflag:s5] =	ssyncset.done $0x0  }
0x160: {  	[sflag:s5] =	ssyncadd.s32 $0xFFFFC000  }
0x161: {  	[tilespmem:s6], [sflag:$0x4] =	stream.linear.gather [hbm4b:s1+s2], $0x4000, $0x38;
	[tilespmem:$0x10000] =	vst v63  }
0x162: {  	_ =	swait.ge [sflag:s17], $0x4000  }
0x163: {  	s1 =	sld [smem:$0x7C4]  }
0x164: {  	[sflag:s17] =	ssyncset.done $0x0  }
0x165: {  	[sflag:s17] =	ssyncadd.s32 $0xFFFFC000  }
0x166: {  	[hbm4b:s1+s2] =	stream.linear.scatter [tilespmem:s13], [sflag:$0x6], $0x4000, $0x38;
	[tilespmem:$0x10000] =	vst v63  }
0x167: {  	_ =	swait.ge [sflag:s11], $0x4000  }
0x168: {  	s1 =	sld [smem:$0x7C5]  }
0x169: {  	[sflag:s11] =	ssyncset.done $0x0  }
0x16a: {  	[sflag:s11] =	ssyncadd.s32 $0xFFFFC000  }
0x16b: {  	[tilespmem:s2], [sflag:$0x1] =	stream.linear.gather [hbm4b:s1+s2], $0x4000, $0x38;
	[tilespmem:$0x10000] =	vst v63  }
0x16c: {  	_ =	swait.ge [sflag:s18], $0x4000  }
0x16d: {  	s1 =	sld [smem:$0x7C6]  }
0x16e: {  	[sflag:s18] =	ssyncset.done $0x0  }
0x16f: {  	[sflag:s18] =	ssyncadd.s32 $0xFFFFC000  }
0x170: {  	[hbm4b:s1+s2] =	stream.linear.scatter [tilespmem:s10], [sflag:$0x7], $0x4000, $0x38;
	[tilespmem:$0x10000] =	vst v63  }
0x171: {  	_ =	swait.ge [sflag:s9], $0x4000  }
0x172: {  	s1 =	sld [smem:$0x7C7]  }
0x173: {  	[sflag:s9] =	ssyncset.done $0x0  }
0x174: {  	[sflag:s9] =	ssyncadd.s32 $0xFFFFC000  }
0x175: {  	[tilespmem:s13], [sflag:$0x2] =	stream.linear.gather [hbm4b:s1+s2], $0x4000, $0x38;
	[tilespmem:$0x10000] =	vst v63  }
0x176: {  	_ =	swait.ge [sflag:s16], $0x4000  }
0x177: {  	s1 =	sld [smem:$0x7C8]  }
0x178: {  	[sflag:s16] =	ssyncset.done $0x0  }
0x179: {  	[sflag:s16] =	ssyncadd.s32 $0xFFFFC000  }
0x17a: {  	[hbm4b:s1+s2] =	stream.linear.scatter [tilespmem:s6], [sflag:$0x8], $0x4000, $0x38;
	[tilespmem:$0x10000] =	vst v63  }
0x17b: {  	_ =	swait.ge [sflag:s7], $0x4000  }
0x17c: {  	s1 =	sld [smem:$0x7C9]  }
0x17d: {  	[sflag:s7] =	ssyncset.done $0x0  }
0x17e: {  	[sflag:s7] =	ssyncadd.s32 $0xFFFFC000  }
0x17f: {  	[tilespmem:s10], [sflag:$0x3] =	stream.linear.gather [hbm4b:s1+s2], $0x4000, $0x38;
	[tilespmem:$0x10000] =	vst v63  }
0x180: {  	_ =	swait.ge [sflag:s21], $0x4000  }
0x181: {  	s1 =	sld [smem:$0x7CA]  }
0x182: {  	[sflag:s21] =	ssyncset.done $0x0  }
0x183: {  	[sflag:s21] =	ssyncadd.s32 $0xFFFFC000  }
0x184: {  	[hbm4b:s1+s2] =	stream.linear.scatter [tilespmem:s2], [sflag:$0x5], $0x4000, $0x38;
	[tilespmem:$0x10000] =	vst v63  }
0x185: {  	_ =	swait.ge [sflag:s5], $0x4000  }
0x186: {  	s1 =	sld [smem:$0x7CB]  }
0x187: {  	[sflag:s5] =	ssyncset.done $0x0  }
0x188: {  	[sflag:s5] =	ssyncadd.s32 $0xFFFFC000  }
0x189: {  	[tilespmem:s6], [sflag:$0x4] =	stream.linear.gather [hbm4b:s1+s2], $0x4000, $0x38;
	[tilespmem:$0x10000] =	vst v63  }
0x18a: {  	_ =	swait.ge [sflag:s17], $0x4000  }
0x18b: {  	s1 =	sld [smem:$0x7CC]  }
0x18c: {  	[sflag:s17] =	ssyncset.done $0x0  }
0x18d: {  	[sflag:s17] =	ssyncadd.s32 $0xFFFFC000  }
0x18e: {  	[hbm4b:s1+s2] =	stream.linear.scatter [tilespmem:s13], [sflag:$0x6], $0x4000, $0x38;
	[tilespmem:$0x10000] =	vst v63  }
0x18f: {  	_ =	swait.ge [sflag:s11], $0x4000  }
0x190: {  	s1 =	sld [smem:$0x7CD]  }
0x191: {  	[sflag:s11] =	ssyncset.done $0x0  }
0x192: {  	[sflag:s11] =	ssyncadd.s32 $0xFFFFC000  }
0x193: {  	[tilespmem:s2], [sflag:$0x1] =	stream.linear.gather [hbm4b:s1+s2], $0x4000, $0x38;
	[tilespmem:$0x10000] =	vst v63  }
0x194: {  	_ =	swait.ge [sflag:s18], $0x4000  }
0x195: {  	s1 =	sld [smem:$0x7CE]  }
0x196: {  	[sflag:s18] =	ssyncset.done $0x0  }
0x197: {  	[sflag:s18] =	ssyncadd.s32 $0xFFFFC000  }
0x198: {  	[hbm4b:s1+s2] =	stream.linear.scatter [tilespmem:s10], [sflag:$0x7], $0x4000, $0x38;
	[tilespmem:$0x10000] =	vst v63  }
0x199: {  	_ =	swait.ge [sflag:s9], $0x4000  }
0x19a: {  	s1 =	sld [smem:$0x7CF]  }
0x19b: {  	[sflag:s9] =	ssyncset.done $0x0  }
0x19c: {  	[sflag:s9] =	ssyncadd.s32 $0xFFFFC000  }
0x19d: {  	[tilespmem:s13], [sflag:$0x2] =	stream.linear.gather [hbm4b:s1+s2], $0x4000, $0x38;
	[tilespmem:$0x10000] =	vst v63  }
0x19e: {  	_ =	swait.ge [sflag:s16], $0x4000  }
0x19f: {  	s1 =	sld [smem:$0x7D0]  }
0x1a0: {  	[sflag:s16] =	ssyncset.done $0x0  }
0x1a1: {  	[sflag:s16] =	ssyncadd.s32 $0xFFFFC000  }
0x1a2: {  	[hbm4b:s1+s2] =	stream.linear.scatter [tilespmem:s6], [sflag:$0x8], $0x4000, $0x38;
	[tilespmem:$0x10000] =	vst v63  }
0x1a3: {  	_ =	swait.ge [sflag:s7], $0x4000  }
0x1a4: {  	s1 =	sld [smem:$0x7D1]  }
0x1a5: {  	[sflag:s7] =	ssyncset.done $0x0  }
0x1a6: {  	[sflag:s7] =	ssyncadd.s32 $0xFFFFC000  }
0x1a7: {  	[tilespmem:s10], [sflag:$0x3] =	stream.linear.gather [hbm4b:s1+s2], $0x4000, $0x38;
	[tilespmem:$0x10000] =	vst v63  }
0x1a8: {  	_ =	swait.ge [sflag:s21], $0x4000  }
0x1a9: {  	s1 =	sld [smem:$0x7D2]  }
0x1aa: {  	[sflag:s21] =	ssyncset.done $0x0  }
0x1ab: {  	[sflag:s21] =	ssyncadd.s32 $0xFFFFC000  }
0x1ac: {  	[hbm4b:s1+s2] =	stream.linear.scatter [tilespmem:s2], [sflag:$0x5], $0x4000, $0x38;
	[tilespmem:$0x10000] =	vst v63  }
0x1ad: {  	_ =	swait.ge [sflag:s5], $0x4000  }
0x1ae: {  	s1 =	sld [smem:$0x7D3]  }
0x1af: {  	[sflag:s5] =	ssyncset.done $0x0  }
0x1b0: {  	[sflag:s5] =	ssyncadd.s32 $0xFFFFC000  }
0x1b1: {  	[tilespmem:s6], [sflag:$0x4] =	stream.linear.gather [hbm4b:s1+s2], $0x4000, $0x38;
	[tilespmem:$0x10000] =	vst v63  }
0x1b2: {  	_ =	swait.ge [sflag:s17], $0x4000  }
0x1b3: {  	s1 =	sld [smem:$0x7D4]  }
0x1b4: {  	[sflag:s17] =	ssyncset.done $0x0  }
0x1b5: {  	[sflag:s17] =	ssyncadd.s32 $0xFFFFC000  }
0x1b6: {  	[hbm4b:s1+s2] =	stream.linear.scatter [tilespmem:s13], [sflag:$0x6], $0x4000, $0x38;
	[tilespmem:$0x10000] =	vst v63  }
0x1b7: {  	_ =	swait.ge [sflag:s11], $0x4000  }
0x1b8: {  	s1 =	sld [smem:$0x7D5]  }
0x1b9: {  	[sflag:s11] =	ssyncset.done $0x0  }
0x1ba: {  	[sflag:s11] =	ssyncadd.s32 $0xFFFFC000  }
0x1bb: {  	[tilespmem:s2], [sflag:$0x1] =	stream.linear.gather [hbm4b:s1+s2], $0x4000, $0x38;
	[tilespmem:$0x10000] =	vst v63  }
0x1bc: {  	_ =	swait.ge [sflag:s18], $0x4000  }
0x1bd: {  	s1 =	sld [smem:$0x7D6]  }
0x1be: {  	[sflag:s18] =	ssyncset.done $0x0  }
0x1bf: {  	[sflag:s18] =	ssyncadd.s32 $0xFFFFC000  }
0x1c0: {  	[hbm4b:s1+s2] =	stream.linear.scatter [tilespmem:s10], [sflag:$0x7], $0x4000, $0x38;
	[tilespmem:$0x10000] =	vst v63  }
0x1c1: {  	_ =	swait.ge [sflag:s9], $0x4000  }
0x1c2: {  	s1 =	sld [smem:$0x7D7]  }
0x1c3: {  	[sflag:s9] =	ssyncset.done $0x0  }
0x1c4: {  	[sflag:s9] =	ssyncadd.s32 $0xFFFFC000  }
0x1c5: {  	[tilespmem:s13], [sflag:$0x2] =	stream.linear.gather [hbm4b:s1+s2], $0x4000, $0x38;
	[tilespmem:$0x10000] =	vst v63  }
0x1c6: {  	_ =	swait.ge [sflag:s16], $0x4000  }
0x1c7: {  	s1 =	sld [smem:$0x7D8]  }
0x1c8: {  	[sflag:s16] =	ssyncset.done $0x0  }
0x1c9: {  	[sflag:s16] =	ssyncadd.s32 $0xFFFFC000  }
0x1ca: {  	[hbm4b:s1+s2] =	stream.linear.scatter [tilespmem:s6], [sflag:$0x8], $0x4000, $0x38;
	[tilespmem:$0x10000] =	vst v63  }
0x1cb: {  	_ =	swait.ge [sflag:s7], $0x4000  }
0x1cc: {  	s1 =	sld [smem:$0x7D9]  }
0x1cd: {  	[sflag:s7] =	ssyncset.done $0x0  }
0x1ce: {  	[sflag:s7] =	ssyncadd.s32 $0xFFFFC000  }
0x1cf: {  	[tilespmem:s10], [sflag:$0x3] =	stream.linear.gather [hbm4b:s1+s2], $0x4000, $0x38;
	[tilespmem:$0x10000] =	vst v63  }
0x1d0: {  	_ =	swait.ge [sflag:s21], $0x4000  }
0x1d1: {  	s1 =	sld [smem:$0x7DA]  }
0x1d2: {  	[sflag:s21] =	ssyncset.done $0x0  }
0x1d3: {  	[sflag:s21] =	ssyncadd.s32 $0xFFFFC000  }
0x1d4: {  	[hbm4b:s1+s2] =	stream.linear.scatter [tilespmem:s2], [sflag:$0x5], $0x4000, $0x38;
	[tilespmem:$0x10000] =	vst v63  }
0x1d5: {  	_ =	swait.ge [sflag:s5], $0x4000  }
0x1d6: {  	s1 =	sld [smem:$0x7DB]  }
0x1d7: {  	[sflag:s5] =	ssyncset.done $0x0  }
0x1d8: {  	[sflag:s5] =	ssyncadd.s32 $0xFFFFC000  }
0x1d9: {  	[tilespmem:s6], [sflag:$0x4] =	stream.linear.gather [hbm4b:s1+s2], $0x4000, $0x38;
	[tilespmem:$0x10000] =	vst v63  }
0x1da: {  	_ =	swait.ge [sflag:s17], $0x4000  }
0x1db: {  	s1 =	sld [smem:$0x7DC]  }
0x1dc: {  	[sflag:s17] =	ssyncset.done $0x0  }
0x1dd: {  	[sflag:s17] =	ssyncadd.s32 $0xFFFFC000  }
0x1de: {  	[hbm4b:s1+s2] =	stream.linear.scatter [tilespmem:s13], [sflag:$0x6], $0x4000, $0x38;
	[tilespmem:$0x10000] =	vst v63  }
0x1df: {  	_ =	swait.ge [sflag:s11], $0x4000  }
0x1e0: {  	s1 =	sld [smem:$0x7DD]  }
0x1e1: {  	[sflag:s11] =	ssyncset.done $0x0  }
0x1e2: {  	[sflag:s11] =	ssyncadd.s32 $0xFFFFC000  }
0x1e3: {  	[tilespmem:s2], [sflag:$0x1] =	stream.linear.gather [hbm4b:s1+s2], $0x4000, $0x38;
	[tilespmem:$0x10000] =	vst v63  }
0x1e4: {  	_ =	swait.ge [sflag:s18], $0x4000  }
0x1e5: {  	s1 =	sld [smem:$0x7DE]  }
0x1e6: {  	[sflag:s18] =	ssyncset.done $0x0  }
0x1e7: {  	[sflag:s18] =	ssyncadd.s32 $0xFFFFC000  }
0x1e8: {  	[hbm4b:s1+s2] =	stream.linear.scatter [tilespmem:s10], [sflag:$0x7], $0x4000, $0x38;
	[tilespmem:$0x10000] =	vst v63  }
0x1e9: {  	_ =	swait.ge [sflag:s9], $0x4000  }
0x1ea: {  	s1 =	sld [smem:$0x7DF]  }
0x1eb: {  	[sflag:s9] =	ssyncset.done $0x0  }
0x1ec: {  	[sflag:s9] =	ssyncadd.s32 $0xFFFFC000  }
0x1ed: {  	[tilespmem:s13], [sflag:$0x2] =	stream.linear.gather [hbm4b:s1+s2], $0x4000, $0x38;
	[tilespmem:$0x10000] =	vst v63  }
0x1ee: {  	_ =	swait.ge [sflag:s16], $0x4000  }
0x1ef: {  	s1 =	sld [smem:$0x7E0]  }
0x1f0: {  	[sflag:s16] =	ssyncset.done $0x0  }
0x1f1: {  	[sflag:s16] =	ssyncadd.s32 $0xFFFFC000  }
0x1f2: {  	[hbm4b:s1+s2] =	stream.linear.scatter [tilespmem:s6], [sflag:$0x8], $0x4000, $0x38;
	[tilespmem:$0x10000] =	vst v63  }
0x1f3: {  	_ =	swait.ge [sflag:s7], $0x4000  }
0x1f4: {  	s1 =	sld [smem:$0x7E1]  }
0x1f5: {  	[sflag:s7] =	ssyncset.done $0x0  }
0x1f6: {  	[sflag:s7] =	ssyncadd.s32 $0xFFFFC000  }
0x1f7: {  	[tilespmem:s10], [sflag:$0x3] =	stream.linear.gather [hbm4b:s1+s2], $0x4000, $0x38;
	[tilespmem:$0x10000] =	vst v63  }
0x1f8: {  	_ =	swait.ge [sflag:s21], $0x4000  }
0x1f9: {  	s1 =	sld [smem:$0x7E2]  }
0x1fa: {  	[sflag:s21] =	ssyncset.done $0x0  }
0x1fb: {  	[sflag:s21] =	ssyncadd.s32 $0xFFFFC000  }
0x1fc: {  	[hbm4b:s1+s2] =	stream.linear.scatter [tilespmem:s2], [sflag:$0x5], $0x4000, $0x38;
	[tilespmem:$0x10000] =	vst v63  }
0x1fd: {  	_ =	swait.ge [sflag:s5], $0x4000  }
0x1fe: {  	s1 =	sld [smem:$0x7E3]  }
0x1ff: {  	[sflag:s5] =	ssyncset.done $0x0  }
0x200: {  	[sflag:s5] =	ssyncadd.s32 $0xFFFFC000  }
0x201: {  	[tilespmem:s6], [sflag:$0x4] =	stream.linear.gather [hbm4b:s1+s2], $0x4000, $0x38;
	[tilespmem:$0x10000] =	vst v63  }
0x202: {  	_ =	swait.ge [sflag:s17], $0x4000  }
0x203: {  	s1 =	sld [smem:$0x7E4]  }
0x204: {  	[sflag:s17] =	ssyncset.done $0x0  }
0x205: {  	[sflag:s17] =	ssyncadd.s32 $0xFFFFC000  }
0x206: {  	[hbm4b:s1+s2] =	stream.linear.scatter [tilespmem:s13], [sflag:$0x6], $0x4000, $0x38;
	[tilespmem:$0x10000] =	vst v63  }
0x207: {  	_ =	swait.ge [sflag:s11], $0x4000  }
0x208: {  	s1 =	sld [smem:$0x7E5]  }
0x209: {  	[sflag:s11] =	ssyncset.done $0x0  }
0x20a: {  	[sflag:s11] =	ssyncadd.s32 $0xFFFFC000  }
0x20b: {  	[tilespmem:s2], [sflag:$0x1] =	stream.linear.gather [hbm4b:s1+s2], $0x4000, $0x38;
	[tilespmem:$0x10000] =	vst v63  }
0x20c: {  	_ =	swait.ge [sflag:s18], $0x4000  }
0x20d: {  	s1 =	sld [smem:$0x7E6]  }
0x20e: {  	[sflag:s18] =	ssyncset.done $0x0  }
0x20f: {  	[sflag:s18] =	ssyncadd.s32 $0xFFFFC000  }
0x210: {  	[hbm4b:s1+s2] =	stream.linear.scatter [tilespmem:s10], [sflag:$0x7], $0x4000, $0x38;
	[tilespmem:$0x10000] =	vst v63  }
0x211: {  	_ =	swait.ge [sflag:s9], $0x4000  }
0x212: {  	s1 =	sld [smem:$0x7E7]  }
0x213: {  	[sflag:s9] =	ssyncset.done $0x0  }
0x214: {  	[sflag:s9] =	ssyncadd.s32 $0xFFFFC000  }
0x215: {  	[tilespmem:s13], [sflag:$0x2] =	stream.linear.gather [hbm4b:s1+s2], $0x4000, $0x38;
	[tilespmem:$0x10000] =	vst v63  }
0x216: {  	_ =	swait.ge [sflag:s16], $0x4000  }
0x217: {  	s1 =	sld [smem:$0x7E8]  }
0x218: {  	[sflag:s16] =	ssyncset.done $0x0  }
0x219: {  	[sflag:s16] =	ssyncadd.s32 $0xFFFFC000  }
0x21a: {  	[hbm4b:s1+s2] =	stream.linear.scatter [tilespmem:s6], [sflag:$0x8], $0x4000, $0x38;
	[tilespmem:$0x10000] =	vst v63  }
0x21b: {  	_ =	swait.ge [sflag:s7], $0x4000  }
0x21c: {  	s1 =	sld [smem:$0x7E9]  }
0x21d: {  	[sflag:s7] =	ssyncset.done $0x0  }
0x21e: {  	[sflag:s7] =	ssyncadd.s32 $0xFFFFC000  }
0x21f: {  	[tilespmem:s10], [sflag:$0x3] =	stream.linear.gather [hbm4b:s1+s2], $0x4000, $0x38;
	[tilespmem:$0x10000] =	vst v63  }
0x220: {  	_ =	swait.ge [sflag:s21], $0x4000  }
0x221: {  	s1 =	sld [smem:$0x7EA]  }
0x222: {  	[sflag:s21] =	ssyncset.done $0x0  }
0x223: {  	[sflag:s21] =	ssyncadd.s32 $0xFFFFC000  }
0x224: {  	[hbm4b:s1+s2] =	stream.linear.scatter [tilespmem:s2], [sflag:$0x5], $0x4000, $0x38;
	[tilespmem:$0x10000] =	vst v63  }
0x225: {  	_ =	swait.ge [sflag:s5], $0x4000  }
0x226: {  	s1 =	sld [smem:$0x7EB]  }
0x227: {  	[sflag:s5] =	ssyncset.done $0x0  }
0x228: {  	[sflag:s5] =	ssyncadd.s32 $0xFFFFC000  }
0x229: {  	[tilespmem:s6], [sflag:$0x4] =	stream.linear.gather [hbm4b:s1+s2], $0x4000, $0x38;
	[tilespmem:$0x10000] =	vst v63  }
0x22a: {  	_ =	swait.ge [sflag:s17], $0x4000  }
0x22b: {  	s1 =	sld [smem:$0x7EC]  }
0x22c: {  	[sflag:s17] =	ssyncset.done $0x0  }
0x22d: {  	[sflag:s17] =	ssyncadd.s32 $0xFFFFC000  }
0x22e: {  	[hbm4b:s1+s2] =	stream.linear.scatter [tilespmem:s13], [sflag:$0x6], $0x4000, $0x38;
	[tilespmem:$0x10000] =	vst v63  }
0x22f: {  	_ =	swait.ge [sflag:s11], $0x4000  }
0x230: {  	s1 =	sld [smem:$0x7ED]  }
0x231: {  	[sflag:s11] =	ssyncset.done $0x0  }
0x232: {  	[sflag:s11] =	ssyncadd.s32 $0xFFFFC000  }
0x233: {  	[tilespmem:s2], [sflag:$0x1] =	stream.linear.gather [hbm4b:s1+s2], $0x4000, $0x38;
	[tilespmem:$0x10000] =	vst v63  }
0x234: {  	_ =	swait.ge [sflag:s18], $0x4000  }
0x235: {  	s1 =	sld [smem:$0x7EE]  }
0x236: {  	[sflag:s18] =	ssyncset.done $0x0  }
0x237: {  	[sflag:s18] =	ssyncadd.s32 $0xFFFFC000  }
0x238: {  	[hbm4b:s1+s2] =	stream.linear.scatter [tilespmem:s10], [sflag:$0x7], $0x4000, $0x38;
	[tilespmem:$0x10000] =	vst v63  }
0x239: {  	_ =	swait.ge [sflag:s9], $0x4000  }
0x23a: {  	s1 =	sld [smem:$0x7EF]  }
0x23b: {  	[sflag:s9] =	ssyncset.done $0x0  }
0x23c: {  	[sflag:s9] =	ssyncadd.s32 $0xFFFFC000  }
0x23d: {  	[tilespmem:s13], [sflag:$0x2] =	stream.linear.gather [hbm4b:s1+s2], $0x4000, $0x38;
	[tilespmem:$0x10000] =	vst v63  }
0x23e: {  	_ =	swait.ge [sflag:s16], $0x4000  }
0x23f: {  	s1 =	sld [smem:$0x7F0]  }
0x240: {  	[sflag:s16] =	ssyncset.done $0x0  }
0x241: {  	[sflag:s16] =	ssyncadd.s32 $0xFFFFC000  }
0x242: {  	[hbm4b:s1+s2] =	stream.linear.scatter [tilespmem:s6], [sflag:$0x8], $0x4000, $0x38;
	[tilespmem:$0x10000] =	vst v63  }
0x243: {  	_ =	swait.ge [sflag:s7], $0x4000  }
0x244: {  	s1 =	sld [smem:$0x7F1]  }
0x245: {  	[sflag:s7] =	ssyncset.done $0x0  }
0x246: {  	[sflag:s7] =	ssyncadd.s32 $0xFFFFC000  }
0x247: {  	[tilespmem:s10], [sflag:$0x3] =	stream.linear.gather [hbm4b:s1+s2], $0x4000, $0x38;
	[tilespmem:$0x10000] =	vst v63  }
0x248: {  	_ =	swait.ge [sflag:s21], $0x4000  }
0x249: {  	s1 =	sld [smem:$0x7F2]  }
0x24a: {  	[sflag:s21] =	ssyncset.done $0x0  }
0x24b: {  	[sflag:s21] =	ssyncadd.s32 $0xFFFFC000  }
0x24c: {  	[hbm4b:s1+s2] =	stream.linear.scatter [tilespmem:s2], [sflag:$0x5], $0x4000, $0x38;
	[tilespmem:$0x10000] =	vst v63  }
0x24d: {  	_ =	swait.ge [sflag:s5], $0x4000  }
0x24e: {  	s1 =	sld [smem:$0x7F3]  }
0x24f: {  	[sflag:s5] =	ssyncset.done $0x0  }
0x250: {  	[sflag:s5] =	ssyncadd.s32 $0xFFFFC000  }
0x251: {  	[tilespmem:s6], [sflag:$0x4] =	stream.linear.gather [hbm4b:s1+s2], $0x4000, $0x38;
	[tilespmem:$0x10000] =	vst v63  }
0x252: {  	_ =	swait.ge [sflag:s17], $0x4000  }
0x253: {  	s1 =	sld [smem:$0x7F4]  }
0x254: {  	[sflag:s17] =	ssyncset.done $0x0  }
0x255: {  	[sflag:s17] =	ssyncadd.s32 $0xFFFFC000  }
0x256: {  	[hbm4b:s1+s2] =	stream.linear.scatter [tilespmem:s13], [sflag:$0x6], $0x4000, $0x38;
	[tilespmem:$0x10000] =	vst v63  }
0x257: {  	_ =	swait.ge [sflag:s11], $0x4000  }
0x258: {  	s1 =	sld [smem:$0x7F5]  }
0x259: {  	[sflag:s11] =	ssyncset.done $0x0  }
0x25a: {  	[sflag:s11] =	ssyncadd.s32 $0xFFFFC000  }
0x25b: {  	[tilespmem:s2], [sflag:$0x1] =	stream.linear.gather [hbm4b:s1+s2], $0x4000, $0x38;
	[tilespmem:$0x10000] =	vst v63  }
0x25c: {  	_ =	swait.ge [sflag:s18], $0x4000  }
0x25d: {  	s1 =	sld [smem:$0x7F6]  }
0x25e: {  	[sflag:s18] =	ssyncset.done $0x0  }
0x25f: {  	[sflag:s18] =	ssyncadd.s32 $0xFFFFC000  }
0x260: {  	[hbm4b:s1+s2] =	stream.linear.scatter [tilespmem:s10], [sflag:$0x7], $0x4000, $0x38;
	[tilespmem:$0x10000] =	vst v63  }
0x261: {  	_ =	swait.ge [sflag:s9], $0x4000  }
0x262: {  	s1 =	sld [smem:$0x7F7]  }
0x263: {  	[sflag:s9] =	ssyncset.done $0x0  }
0x264: {  	[sflag:s9] =	ssyncadd.s32 $0xFFFFC000  }
0x265: {  	[tilespmem:s13], [sflag:$0x2] =	stream.linear.gather [hbm4b:s1+s2], $0x4000, $0x38;
	[tilespmem:$0x10000] =	vst v63  }
0x266: {  	_ =	swait.ge [sflag:s16], $0x4000  }
0x267: {  	s1 =	sld [smem:$0x7F8]  }
0x268: {  	[sflag:s16] =	ssyncset.done $0x0  }
0x269: {  	[sflag:s16] =	ssyncadd.s32 $0xFFFFC000  }
0x26a: {  	[hbm4b:s1+s2] =	stream.linear.scatter [tilespmem:s6], [sflag:$0x8], $0x4000, $0x38;
	[tilespmem:$0x10000] =	vst v63  }
0x26b: {  	_ =	swait.ge [sflag:s7], $0x4000  }
0x26c: {  	s1 =	sld [smem:$0x7F9]  }
0x26d: {  	[sflag:s7] =	ssyncset.done $0x0  }
0x26e: {  	[sflag:s7] =	ssyncadd.s32 $0xFFFFC000  }
0x26f: {  	[tilespmem:s10], [sflag:$0x3] =	stream.linear.gather [hbm4b:s1+s2], $0x4000, $0x38;
	[tilespmem:$0x10000] =	vst v63  }
0x270: {  	_ =	swait.ge [sflag:s21], $0x4000  }
0x271: {  	s1 =	sld [smem:$0x7FA]  }
0x272: {  	[sflag:s21] =	ssyncset.done $0x0  }
0x273: {  	[sflag:s21] =	ssyncadd.s32 $0xFFFFC000  }
0x274: {  	[hbm4b:s1+s2] =	stream.linear.scatter [tilespmem:s2], [sflag:$0x5], $0x4000, $0x38;
	[tilespmem:$0x10000] =	vst v63  }
0x275: {  	_ =	swait.ge [sflag:s5], $0x4000  }
0x276: {  	s1 =	sld [smem:$0x7FB]  }
0x277: {  	[sflag:s5] =	ssyncset.done $0x0  }
0x278: {  	[sflag:s5] =	ssyncadd.s32 $0xFFFFC000  }
0x279: {  	[tilespmem:s6], [sflag:$0x4] =	stream.linear.gather [hbm4b:s1+s2], $0x4000, $0x38;
	[tilespmem:$0x10000] =	vst v63  }
0x27a: {  	_ =	swait.ge [sflag:s17], $0x4000  }
0x27b: {  	s1 =	sld [smem:$0x7FC]  }
0x27c: {  	[sflag:s17] =	ssyncset.done $0x0  }
0x27d: {  	[sflag:s17] =	ssyncadd.s32 $0xFFFFC000  }
0x27e: {  	[hbm4b:s1+s2] =	stream.linear.scatter [tilespmem:s13], [sflag:$0x6], $0x4000, $0x38;
	[tilespmem:$0x10000] =	vst v63  }
0x27f: {  	_ =	swait.ge [sflag:s11], $0x4000  }
0x280: {  	s1 =	sld [smem:$0x7FD]  }
0x281: {  	[sflag:s11] =	ssyncset.done $0x0  }
0x282: {  	[sflag:s11] =	ssyncadd.s32 $0xFFFFC000  }
0x283: {  	[tilespmem:s2], [sflag:$0x1] =	stream.linear.gather [hbm4b:s1+s2], $0x4000, $0x38;
	[tilespmem:$0x10000] =	vst v63  }
0x284: {  	_ =	swait.ge [sflag:s18], $0x4000  }
0x285: {  	[sflag:s18] =	ssyncset.done $0x0  }
0x286: {  	[sflag:s18] =	ssyncadd.s32 $0xFFFFC000  }
0x287: {  	[hbm4b:s31+s2] =	stream.linear.scatter [tilespmem:s10], [sflag:$0x7], $0x4000, $0x38;
	[tilespmem:$0x10000] =	vst v63  }
0x288: {  	_ =	swait.ge [sflag:s9], $0x4000  }
0x289: {  	[sflag:s9] =	ssyncset.done $0x0  }
0x28a: {  	[sflag:s9] =	ssyncadd.s32 $0xFFFFC000  }
0x28b: {  	[tilespmem:s13], [sflag:$0x2] =	stream.linear.gather [hbm4b:s30+s2], $0x4000, $0x38;
	[tilespmem:$0x10000] =	vst v63  }
0x28c: {  	_ =	swait.ge [sflag:s16], $0x4000  }
0x28d: {  	[sflag:s16] =	ssyncset.done $0x0  }
0x28e: {  	[sflag:s16] =	ssyncadd.s32 $0xFFFFC000  }
0x28f: {  	[hbm4b:s29+s2] =	stream.linear.scatter [tilespmem:s6], [sflag:$0x8], $0x4000, $0x38;
	[tilespmem:$0x10000] =	vst v63  }
0x290: {  	_ =	swait.ge [sflag:s7], $0x4000  }
0x291: {  	[sflag:s7] =	ssyncset.done $0x0  }
0x292: {  	[sflag:s7] =	ssyncadd.s32 $0xFFFFC000  }
0x293: {  	[tilespmem:s10], [sflag:$0x3] =	stream.linear.gather [hbm4b:s28+s2], $0x4000, $0x38;
	[tilespmem:$0x10000] =	vst v63  }
0x294: {  	_ =	swait.ge [sflag:s21], $0x4000  }
0x295: {  	[sflag:s21] =	ssyncset.done $0x0  }
0x296: {  	[sflag:s21] =	ssyncadd.s32 $0xFFFFC000  }
0x297: {  	[hbm4b:s26+s2] =	stream.linear.scatter [tilespmem:s2], [sflag:$0x5], $0x4000, $0x38;
	[tilespmem:$0x10000] =	vst v63  }
0x298: {  	_ =	swait.ge [sflag:s5], $0x4000  }
0x299: {  	[sflag:s5] =	ssyncset.done $0x0  }
0x29a: {  	[sflag:s5] =	ssyncadd.s32 $0xFFFFC000  }
0x29b: {  	[tilespmem:s6], [sflag:$0x4] =	stream.linear.gather [hbm4b:s25+s2], $0x4000, $0x38;
	[tilespmem:$0x10000] =	vst v63  }
0x29c: {  	_ =	swait.ge [sflag:s17], $0x4000  }
0x29d: {  	[sflag:s17] =	ssyncset.done $0x0  }
0x29e: {  	[sflag:s17] =	ssyncadd.s32 $0xFFFFC000  }
0x29f: {  	[hbm4b:s24+s2] =	stream.linear.scatter [tilespmem:s13], [sflag:$0x6], $0x4000, $0x38;
	[tilespmem:$0x10000] =	vst v63  }
0x2a0: {  	_ =	swait.ge [sflag:s11], $0x4000  }
0x2a1: {  	[sflag:s11] =	ssyncset.done $0x0  }
0x2a2: {  	[sflag:s11] =	ssyncadd.s32 $0xFFFFC000  }
0x2a3: {  	[tilespmem:s2], [sflag:$0x1] =	stream.linear.gather [hbm4b:s23+s2], $0x4000, $0x38;
	[tilespmem:$0x10000] =	vst v63  }
0x2a4: {  	_ =	swait.ge [sflag:s18], $0x4000  }
0x2a5: {  	[sflag:s18] =	ssyncset.done $0x0  }
0x2a6: {  	[sflag:s18] =	ssyncadd.s32 $0xFFFFC000  }
0x2a7: {  	[hbm4b:s22+s2] =	stream.linear.scatter [tilespmem:s10], [sflag:$0x7], $0x4000, $0x38;
	[tilespmem:$0x10000] =	vst v63  }
0x2a8: {  	_ =	swait.ge [sflag:s9], $0x4000  }
0x2a9: {  	[sflag:s9] =	ssyncset.done $0x0  }
0x2aa: {  	[sflag:s9] =	ssyncadd.s32 $0xFFFFC000  }
0x2ab: {  	[tilespmem:s13], [sflag:$0x2] =	stream.linear.gather [hbm4b:s20+s2], $0x4000, $0x38;
	[tilespmem:$0x10000] =	vst v63  }
0x2ac: {  	_ =	swait.ge [sflag:s16], $0x4000  }
0x2ad: {  	[sflag:s16] =	ssyncset.done $0x0  }
0x2ae: {  	[sflag:s16] =	ssyncadd.s32 $0xFFFFC000  }
0x2af: {  	[hbm4b:s19+s2] =	stream.linear.scatter [tilespmem:s6], [sflag:$0x8], $0x4000, $0x38;
	[tilespmem:$0x10000] =	vst v63  }
0x2b0: {  	_ =	swait.ge [sflag:s7], $0x4000  }
0x2b1: {  	[sflag:s7] =	ssyncset.done $0x0  }
0x2b2: {  	[sflag:s7] =	ssyncadd.s32 $0xFFFFC000  }
0x2b3: {  	[tilespmem:s10], [sflag:$0x3] =	stream.linear.gather [hbm4b:s15+s2], $0x4000, $0x38;
	[tilespmem:$0x10000] =	vst v63  }
0x2b4: {  	_ =	swait.ge [sflag:s21], $0x4000  }
0x2b5: {  	[sflag:s21] =	ssyncset.done $0x0  }
0x2b6: {  	[sflag:s21] =	ssyncadd.s32 $0xFFFFC000  }
0x2b7: {  	[hbm4b:s14+s2] =	stream.linear.scatter [tilespmem:s2], [sflag:$0x5], $0x4000, $0x38;
	[tilespmem:$0x10000] =	vst v63  }
0x2b8: {  	_ =	swait.ge [sflag:s5], $0x4000  }
0x2b9: {  	[sflag:s5] =	ssyncset.done $0x0  }
0x2ba: {  	[sflag:s5] =	ssyncadd.s32 $0xFFFFC000  }
0x2bb: {  	[tilespmem:s6], [sflag:$0x4] =	stream.linear.gather [hbm4b:s12+s2], $0x4000, $0x38;
	[tilespmem:$0x10000] =	vst v63  }
0x2bc: {  	_ =	swait.ge [sflag:s17], $0x4000  }
0x2bd: {  	[sflag:s17] =	ssyncset.done $0x0  }
0x2be: {  	[sflag:s17] =	ssyncadd.s32 $0xFFFFC000  }
0x2bf: {  	[hbm4b:s8+s2] =	stream.linear.scatter [tilespmem:s13], [sflag:$0x6], $0x4000, $0x38;
	[tilespmem:$0x10000] =	vst v63  }
0x2c0: {  	_ =	swait.ge [sflag:s18], $0x4000  }
0x2c1: {  	[sflag:s18] =	ssyncset.done $0x0  }
0x2c2: {  	[sflag:s18] =	ssyncadd.s32 $0xFFFFC000  }
0x2c3: {  	[hbm4b:s4+s2] =	stream.linear.scatter [tilespmem:s10], [sflag:$0x7], $0x4000, $0x38;
	[tilespmem:$0x10000] =	vst v63  }
0x2c4: {  	_ =	swait.ge [sflag:s16], $0x4000  }
0x2c5: {  	[sflag:s16] =	ssyncset.done $0x0  }
0x2c6: {  	[sflag:s16] =	ssyncadd.s32 $0xFFFFC000  }
0x2c7: {  	[hbm4b:s3+s2] =	stream.linear.scatter [tilespmem:s6], [sflag:$0x8], $0x4000, $0x38;
	[tilespmem:$0x10000] =	vst v63  }
0x2c8: {  	_ =	swait.ge [sflag:s11], $0x4000  }
0x2c9: {  	[sflag:s11] =	ssyncset.done $0x0  }
0x2ca: {  	[sflag:s11] =	ssyncadd.s32 $0xFFFFC000  }
0x2cb: {  	_ =	swait.ge [sflag:s9], $0x4000  }
0x2cc: {  	[sflag:s9] =	ssyncset.done $0x0  }
0x2cd: {  	[sflag:s9] =	ssyncadd.s32 $0xFFFFC000  }
0x2ce: {  	_ =	swait.ge [sflag:s7], $0x4000  }
0x2cf: {  	s1 =	sld [smem:$0x7AB];
	_ =	sdelay $0x2  }
0x2d0: {  	p1 =	sne.s32 s1, $0x1  }
.Ltmp1:
0x2d1: {  	_ = 	snop;
	(pc) =	sbr.rel @!p1 .LBB2_3-.Ltmp1, $4  }
0x2d2: {  	[sflag:s7] =	ssyncset.done $0x0  }
0x2d3: {  	[sflag:s7] =	ssyncadd.s32 $0xFFFFC000  }
0x2d4: {  	p0 =	por $0x1, $0x1;
	_ =	swait.ge [sflag:s5], $0x4000  }
0x2d5: {  	s0 =	sadd.s32 $0xFFFFFFFF, s1;
	s1 =	rddreg [dreg:$0x3];
	[sflag:s5] =	ssyncset.done $0x0  }
.LBB2_2:
0x2d6: {  	p1 =	sne.s32 s0, $0x1  }
0x2d7: {  	s6 =	sadd.s32 $0xFFFFFFFF, s0;
	[sflag:s5] =	ssyncadd.s32 $0xFFFFC000;
	s5 =	simm.s32 $0x4000  }
0x2d8: {  	s0 =	smov.u32 s31;
	s31 =	smov.u32 s30;
	s30 =	smov.u32 s29  }
0x2d9: {  	s29 =	smov.u32 s28;
	s28 =	smov.u32 s26;
	s26 =	smov.u32 s25  }
0x2da: {  	s25 =	smov.u32 s24;
	s24 =	smov.u32 s23;
	s23 =	smov.u32 s22  }
0x2db: {  	s22 =	smov.u32 s20;
	s20 =	smov.u32 s19;
	s19 =	smov.u32 s15  }
0x2dc: {  	s15 =	smov.u32 s14;
	s14 =	smov.u32 s12;
	s12 =	smov.u32 s8  }
0x2dd: {  	[tilespmem:s2], [sflag:$0x1] =	stream.linear.gather [hbm4b:s1+s2], $0x4000, $0x38;
	[tilespmem:$0x10000] =	vst v63  }
0x2de: {  	s8 =	smov.u32 s4;
	s4 =	smov.u32 s3;
	s3 =	rddreg [dreg:$0x4]  }
0x2df: {  	[tilespmem:s5], [sflag:$0x2] =	stream.linear.gather [hbm4b:s3+s2], $0x4000, $0x38;
	[tilespmem:$0x10000] =	vst v63  }
0x2e0: {  	s13 =	simm.s32 $0x8000;
	s1 =	rddreg [dreg:$0x5]  }
0x2e1: {  	[tilespmem:s13], [sflag:$0x3] =	stream.linear.gather [hbm4b:s1+s2], $0x4000, $0x38;
	[tilespmem:$0x10000] =	vst v63  }
0x2e2: {  	_ =	swait.ge [sflag:s21], $0x4000  }
0x2e3: {  	[sflag:s21] =	ssyncset.done $0x0  }
0x2e4: {  	s1 =	rddreg [dreg:$0x6];
	[sflag:s21] =	ssyncadd.s32 $0xFFFFC000  }
0x2e5: {  	[hbm4b:s1+s2] =	stream.linear.scatter [tilespmem:s2], [sflag:$0x5], $0x4000, $0x38;
	[tilespmem:$0x10000] =	vst v63  }
0x2e6: {  	s10 =	simm.s32 $0xC000;
	s3 =	rddreg [dreg:$0x7]  }
0x2e7: {  	[tilespmem:s10], [sflag:$0x4] =	stream.linear.gather [hbm4b:s3+s2], $0x4000, $0x38;
	[tilespmem:$0x10000] =	vst v63  }
0x2e8: {  	_ =	swait.ge [sflag:s17], $0x4000  }
0x2e9: {  	[sflag:s17] =	ssyncset.done $0x0  }
0x2ea: {  	s13 =	simm.s32 $0x4000;
	s1 =	rddreg [dreg:$0x8];
	[sflag:s17] =	ssyncadd.s32 $0xFFFFC000  }
0x2eb: {  	[hbm4b:s1+s2] =	stream.linear.scatter [tilespmem:s13], [sflag:$0x6], $0x4000, $0x38;
	[tilespmem:$0x10000] =	vst v63  }
0x2ec: {  	s10 =	simm.s32 $0x8000;
	s3 =	smov.u32 s4;
	_ =	swait.ge [sflag:s11], $0x4000  }
0x2ed: {  	s4 =	smov.u32 s8;
	s8 =	smov.u32 s12;
	[sflag:s11] =	ssyncset.done $0x0  }
0x2ee: {  	s12 =	smov.u32 s14;
	s1 =	rddreg [dreg:$0x9];
	[sflag:s11] =	ssyncadd.s32 $0xFFFFC000  }
0x2ef: {  	[tilespmem:s2], [sflag:$0x1] =	stream.linear.gather [hbm4b:s1+s2], $0x4000, $0x38;
	[tilespmem:$0x10000] =	vst v63  }
0x2f0: {  	s14 =	smov.u32 s15;
	s15 =	smov.u32 s19;
	_ =	swait.ge [sflag:s18], $0x4000  }
0x2f1: {  	s19 =	smov.u32 s20;
	s20 =	smov.u32 s22;
	[sflag:s18] =	ssyncset.done $0x0  }
0x2f2: {  	s22 =	smov.u32 s23;
	s1 =	rddreg [dreg:$0xa];
	[sflag:s18] =	ssyncadd.s32 $0xFFFFC000  }
0x2f3: {  	[hbm4b:s1+s2] =	stream.linear.scatter [tilespmem:s10], [sflag:$0x7], $0x4000, $0x38;
	[tilespmem:$0x10000] =	vst v63  }
0x2f4: {  	s23 =	smov.u32 s24;
	s24 =	smov.u32 s25;
	_ =	swait.ge [sflag:s9], $0x4000  }
0x2f5: {  	s25 =	smov.u32 s26;
	s26 =	smov.u32 s28;
	[sflag:s9] =	ssyncset.done $0x0  }
0x2f6: {  	s28 =	smov.u32 s29;
	s1 =	rddreg [dreg:$0xb];
	[sflag:s9] =	ssyncadd.s32 $0xFFFFC000  }
0x2f7: {  	[tilespmem:s13], [sflag:$0x2] =	stream.linear.gather [hbm4b:s1+s2], $0x4000, $0x38;
	[tilespmem:$0x10000] =	vst v63  }
0x2f8: {  	s29 =	smov.u32 s30;
	s30 =	smov.u32 s31;
	_ =	swait.ge [sflag:s16], $0x4000  }
0x2f9: {  	s31 =	smov.u32 s0;
	s0 =	smov.u32 s6;
	[sflag:s16] =	ssyncset.done $0x0  }
0x2fa: {  	s6 =	simm.s32 $0xC000;
	s1 =	rddreg [dreg:$0xc];
	[sflag:s16] =	ssyncadd.s32 $0xFFFFC000  }
0x2fb: {  	[hbm4b:s1+s2] =	stream.linear.scatter [tilespmem:s6], [sflag:$0x8], $0x4000, $0x38;
	[tilespmem:$0x10000] =	vst v63  }
0x2fc: {  	_ =	swait.ge [sflag:s7], $0x4000  }
0x2fd: {  	[sflag:s7] =	ssyncset.done $0x0  }
0x2fe: {  	s1 =	rddreg [dreg:$0xd];
	[sflag:s7] =	ssyncadd.s32 $0xFFFFC000  }
0x2ff: {  	[tilespmem:s10], [sflag:$0x3] =	stream.linear.gather [hbm4b:s1+s2], $0x4000, $0x38;
	[tilespmem:$0x10000] =	vst v63  }
0x300: {  	_ =	swait.ge [sflag:s21], $0x4000  }
0x301: {  	[sflag:s21] =	ssyncset.done $0x0  }
0x302: {  	s5 =	simm.s32 $0x8;
	s1 =	rddreg [dreg:$0xe];
	[sflag:s21] =	ssyncadd.s32 $0xFFFFC000  }
0x303: {  	[hbm4b:s1+s2] =	stream.linear.scatter [tilespmem:s2], [sflag:$0x5], $0x4000, $0x38;
	[tilespmem:$0x10000] =	vst v63  }
0x304: {  	_ =	swait.ge [sflag:s5], $0x4000  }
0x305: {  	[sflag:s5] =	ssyncset.done $0x0  }
0x306: {  	s1 =	rddreg [dreg:$0xf];
	[sflag:s5] =	ssyncadd.s32 $0xFFFFC000  }
0x307: {  	[tilespmem:s6], [sflag:$0x4] =	stream.linear.gather [hbm4b:s1+s2], $0x4000, $0x38;
	[tilespmem:$0x10000] =	vst v63  }
0x308: {  	_ =	swait.ge [sflag:s17], $0x4000  }
0x309: {  	[sflag:s17] =	ssyncset.done $0x0  }
0x30a: {  	s1 =	rddreg [dreg:$0x10];
	[sflag:s17] =	ssyncadd.s32 $0xFFFFC000  }
0x30b: {  	[hbm4b:s1+s2] =	stream.linear.scatter [tilespmem:s13], [sflag:$0x6], $0x4000, $0x38;
	[tilespmem:$0x10000] =	vst v63  }
0x30c: {  	_ =	swait.ge [sflag:s11], $0x4000  }
0x30d: {  	[sflag:s11] =	ssyncset.done $0x0  }
0x30e: {  	s1 =	rddreg [dreg:$0x11];
	[sflag:s11] =	ssyncadd.s32 $0xFFFFC000  }
0x30f: {  	[tilespmem:s2], [sflag:$0x1] =	stream.linear.gather [hbm4b:s1+s2], $0x4000, $0x38;
	[tilespmem:$0x10000] =	vst v63  }
0x310: {  	_ =	swait.ge [sflag:s18], $0x4000  }
0x311: {  	[sflag:s18] =	ssyncset.done $0x0  }
0x312: {  	s1 =	rddreg [dreg:$0x12];
	[sflag:s18] =	ssyncadd.s32 $0xFFFFC000  }
0x313: {  	[hbm4b:s1+s2] =	stream.linear.scatter [tilespmem:s10], [sflag:$0x7], $0x4000, $0x38;
	[tilespmem:$0x10000] =	vst v63  }
0x314: {  	_ =	swait.ge [sflag:s9], $0x4000  }
0x315: {  	[sflag:s9] =	ssyncset.done $0x0  }
0x316: {  	s1 =	rddreg [dreg:$0x13];
	[sflag:s9] =	ssyncadd.s32 $0xFFFFC000  }
0x317: {  	[tilespmem:s13], [sflag:$0x2] =	stream.linear.gather [hbm4b:s1+s2], $0x4000, $0x38;
	[tilespmem:$0x10000] =	vst v63  }
0x318: {  	_ =	swait.ge [sflag:s16], $0x4000  }
0x319: {  	[sflag:s16] =	ssyncset.done $0x0  }
0x31a: {  	s1 =	rddreg [dreg:$0x14];
	[sflag:s16] =	ssyncadd.s32 $0xFFFFC000  }
0x31b: {  	[hbm4b:s1+s2] =	stream.linear.scatter [tilespmem:s6], [sflag:$0x8], $0x4000, $0x38;
	[tilespmem:$0x10000] =	vst v63  }
0x31c: {  	_ =	swait.ge [sflag:s7], $0x4000  }
0x31d: {  	[sflag:s7] =	ssyncset.done $0x0  }
0x31e: {  	s1 =	rddreg [dreg:$0x15];
	[sflag:s7] =	ssyncadd.s32 $0xFFFFC000  }
0x31f: {  	[tilespmem:s10], [sflag:$0x3] =	stream.linear.gather [hbm4b:s1+s2], $0x4000, $0x38;
	[tilespmem:$0x10000] =	vst v63  }
0x320: {  	_ =	swait.ge [sflag:s21], $0x4000  }
0x321: {  	[sflag:s21] =	ssyncset.done $0x0  }
0x322: {  	s1 =	rddreg [dreg:$0x16];
	[sflag:s21] =	ssyncadd.s32 $0xFFFFC000  }
0x323: {  	[hbm4b:s1+s2] =	stream.linear.scatter [tilespmem:s2], [sflag:$0x5], $0x4000, $0x38;
	[tilespmem:$0x10000] =	vst v63  }
0x324: {  	_ =	swait.ge [sflag:s5], $0x4000  }
0x325: {  	[sflag:s5] =	ssyncset.done $0x0  }
0x326: {  	s1 =	rddreg [dreg:$0x17];
	[sflag:s5] =	ssyncadd.s32 $0xFFFFC000  }
0x327: {  	[tilespmem:s6], [sflag:$0x4] =	stream.linear.gather [hbm4b:s1+s2], $0x4000, $0x38;
	[tilespmem:$0x10000] =	vst v63  }
0x328: {  	_ =	swait.ge [sflag:s17], $0x4000  }
0x329: {  	[sflag:s17] =	ssyncset.done $0x0  }
0x32a: {  	s1 =	rddreg [dreg:$0x18];
	[sflag:s17] =	ssyncadd.s32 $0xFFFFC000  }
0x32b: {  	[hbm4b:s1+s2] =	stream.linear.scatter [tilespmem:s13], [sflag:$0x6], $0x4000, $0x38;
	[tilespmem:$0x10000] =	vst v63  }
0x32c: {  	_ =	swait.ge [sflag:s11], $0x4000  }
0x32d: {  	[sflag:s11] =	ssyncset.done $0x0  }
0x32e: {  	s1 =	rddreg [dreg:$0x19];
	[sflag:s11] =	ssyncadd.s32 $0xFFFFC000  }
0x32f: {  	[tilespmem:s2], [sflag:$0x1] =	stream.linear.gather [hbm4b:s1+s2], $0x4000, $0x38;
	[tilespmem:$0x10000] =	vst v63  }
0x330: {  	_ =	swait.ge [sflag:s18], $0x4000  }
0x331: {  	[sflag:s18] =	ssyncset.done $0x0  }
0x332: {  	s1 =	rddreg [dreg:$0x1a];
	[sflag:s18] =	ssyncadd.s32 $0xFFFFC000  }
0x333: {  	[hbm4b:s1+s2] =	stream.linear.scatter [tilespmem:s10], [sflag:$0x7], $0x4000, $0x38;
	[tilespmem:$0x10000] =	vst v63  }
0x334: {  	_ =	swait.ge [sflag:s9], $0x4000  }
0x335: {  	[sflag:s9] =	ssyncset.done $0x0  }
0x336: {  	s1 =	rddreg [dreg:$0x1b];
	[sflag:s9] =	ssyncadd.s32 $0xFFFFC000  }
0x337: {  	[tilespmem:s13], [sflag:$0x2] =	stream.linear.gather [hbm4b:s1+s2], $0x4000, $0x38;
	[tilespmem:$0x10000] =	vst v63  }
0x338: {  	_ =	swait.ge [sflag:s16], $0x4000  }
0x339: {  	[sflag:s16] =	ssyncset.done $0x0  }
0x33a: {  	s1 =	rddreg [dreg:$0x1c];
	[sflag:s16] =	ssyncadd.s32 $0xFFFFC000  }
0x33b: {  	[hbm4b:s1+s2] =	stream.linear.scatter [tilespmem:s6], [sflag:$0x8], $0x4000, $0x38;
	[tilespmem:$0x10000] =	vst v63  }
0x33c: {  	_ =	swait.ge [sflag:s7], $0x4000  }
0x33d: {  	[sflag:s7] =	ssyncset.done $0x0  }
0x33e: {  	s1 =	rddreg [dreg:$0x1d];
	[sflag:s7] =	ssyncadd.s32 $0xFFFFC000  }
0x33f: {  	[tilespmem:s10], [sflag:$0x3] =	stream.linear.gather [hbm4b:s1+s2], $0x4000, $0x38;
	[tilespmem:$0x10000] =	vst v63  }
0x340: {  	_ =	swait.ge [sflag:s21], $0x4000  }
0x341: {  	[sflag:s21] =	ssyncset.done $0x0  }
0x342: {  	s1 =	rddreg [dreg:$0x1e];
	[sflag:s21] =	ssyncadd.s32 $0xFFFFC000  }
0x343: {  	[hbm4b:s1+s2] =	stream.linear.scatter [tilespmem:s2], [sflag:$0x5], $0x4000, $0x38;
	[tilespmem:$0x10000] =	vst v63  }
0x344: {  	_ =	swait.ge [sflag:s5], $0x4000  }
0x345: {  	[sflag:s5] =	ssyncset.done $0x0  }
0x346: {  	s1 =	rddreg [dreg:$0x1f];
	[sflag:s5] =	ssyncadd.s32 $0xFFFFC000  }
0x347: {  	[tilespmem:s6], [sflag:$0x4] =	stream.linear.gather [hbm4b:s1+s2], $0x4000, $0x38;
	[tilespmem:$0x10000] =	vst v63  }
0x348: {  	_ =	swait.ge [sflag:s17], $0x4000  }
0x349: {  	s1 =	sld [smem:$0x7AC]  }
0x34a: {  	[sflag:s17] =	ssyncset.done $0x0  }
0x34b: {  	[sflag:s17] =	ssyncadd.s32 $0xFFFFC000  }
0x34c: {  	[hbm4b:s1+s2] =	stream.linear.scatter [tilespmem:s13], [sflag:$0x6], $0x4000, $0x38;
	[tilespmem:$0x10000] =	vst v63  }
0x34d: {  	_ =	swait.ge [sflag:s11], $0x4000  }
0x34e: {  	s1 =	sld [smem:$0x7AD]  }
0x34f: {  	[sflag:s11] =	ssyncset.done $0x0  }
0x350: {  	[sflag:s11] =	ssyncadd.s32 $0xFFFFC000  }
0x351: {  	[tilespmem:s2], [sflag:$0x1] =	stream.linear.gather [hbm4b:s1+s2], $0x4000, $0x38;
	[tilespmem:$0x10000] =	vst v63  }
0x352: {  	_ =	swait.ge [sflag:s18], $0x4000  }
0x353: {  	s1 =	sld [smem:$0x7AE]  }
0x354: {  	[sflag:s18] =	ssyncset.done $0x0  }
0x355: {  	[sflag:s18] =	ssyncadd.s32 $0xFFFFC000  }
0x356: {  	[hbm4b:s1+s2] =	stream.linear.scatter [tilespmem:s10], [sflag:$0x7], $0x4000, $0x38;
	[tilespmem:$0x10000] =	vst v63  }
0x357: {  	_ =	swait.ge [sflag:s9], $0x4000  }
0x358: {  	s1 =	sld [smem:$0x7AF]  }
0x359: {  	[sflag:s9] =	ssyncset.done $0x0  }
0x35a: {  	[sflag:s9] =	ssyncadd.s32 $0xFFFFC000  }
0x35b: {  	[tilespmem:s13], [sflag:$0x2] =	stream.linear.gather [hbm4b:s1+s2], $0x4000, $0x38;
	[tilespmem:$0x10000] =	vst v63  }
0x35c: {  	_ =	swait.ge [sflag:s16], $0x4000  }
0x35d: {  	s1 =	sld [smem:$0x7B0]  }
0x35e: {  	[sflag:s16] =	ssyncset.done $0x0  }
0x35f: {  	[sflag:s16] =	ssyncadd.s32 $0xFFFFC000  }
0x360: {  	[hbm4b:s1+s2] =	stream.linear.scatter [tilespmem:s6], [sflag:$0x8], $0x4000, $0x38;
	[tilespmem:$0x10000] =	vst v63  }
0x361: {  	_ =	swait.ge [sflag:s7], $0x4000  }
0x362: {  	s1 =	sld [smem:$0x7B1]  }
0x363: {  	[sflag:s7] =	ssyncset.done $0x0  }
0x364: {  	[sflag:s7] =	ssyncadd.s32 $0xFFFFC000  }
0x365: {  	[tilespmem:s10], [sflag:$0x3] =	stream.linear.gather [hbm4b:s1+s2], $0x4000, $0x38;
	[tilespmem:$0x10000] =	vst v63  }
0x366: {  	_ =	swait.ge [sflag:s21], $0x4000  }
0x367: {  	s1 =	sld [smem:$0x7B2]  }
0x368: {  	[sflag:s21] =	ssyncset.done $0x0  }
0x369: {  	[sflag:s21] =	ssyncadd.s32 $0xFFFFC000  }
0x36a: {  	[hbm4b:s1+s2] =	stream.linear.scatter [tilespmem:s2], [sflag:$0x5], $0x4000, $0x38;
	[tilespmem:$0x10000] =	vst v63  }
0x36b: {  	_ =	swait.ge [sflag:s5], $0x4000  }
0x36c: {  	s1 =	sld [smem:$0x7B3]  }
0x36d: {  	[sflag:s5] =	ssyncset.done $0x0  }
0x36e: {  	[sflag:s5] =	ssyncadd.s32 $0xFFFFC000  }
0x36f: {  	[tilespmem:s6], [sflag:$0x4] =	stream.linear.gather [hbm4b:s1+s2], $0x4000, $0x38;
	[tilespmem:$0x10000] =	vst v63  }
0x370: {  	_ =	swait.ge [sflag:s17], $0x4000  }
0x371: {  	s1 =	sld [smem:$0x7B4]  }
0x372: {  	[sflag:s17] =	ssyncset.done $0x0  }
0x373: {  	[sflag:s17] =	ssyncadd.s32 $0xFFFFC000  }
0x374: {  	[hbm4b:s1+s2] =	stream.linear.scatter [tilespmem:s13], [sflag:$0x6], $0x4000, $0x38;
	[tilespmem:$0x10000] =	vst v63  }
0x375: {  	_ =	swait.ge [sflag:s11], $0x4000  }
0x376: {  	s1 =	sld [smem:$0x7B5]  }
0x377: {  	[sflag:s11] =	ssyncset.done $0x0  }
0x378: {  	[sflag:s11] =	ssyncadd.s32 $0xFFFFC000  }
0x379: {  	[tilespmem:s2], [sflag:$0x1] =	stream.linear.gather [hbm4b:s1+s2], $0x4000, $0x38;
	[tilespmem:$0x10000] =	vst v63  }
0x37a: {  	_ =	swait.ge [sflag:s18], $0x4000  }
0x37b: {  	s1 =	sld [smem:$0x7B6]  }
0x37c: {  	[sflag:s18] =	ssyncset.done $0x0  }
0x37d: {  	[sflag:s18] =	ssyncadd.s32 $0xFFFFC000  }
0x37e: {  	[hbm4b:s1+s2] =	stream.linear.scatter [tilespmem:s10], [sflag:$0x7], $0x4000, $0x38;
	[tilespmem:$0x10000] =	vst v63  }
0x37f: {  	_ =	swait.ge [sflag:s9], $0x4000  }
0x380: {  	s1 =	sld [smem:$0x7B7]  }
0x381: {  	[sflag:s9] =	ssyncset.done $0x0  }
0x382: {  	[sflag:s9] =	ssyncadd.s32 $0xFFFFC000  }
0x383: {  	[tilespmem:s13], [sflag:$0x2] =	stream.linear.gather [hbm4b:s1+s2], $0x4000, $0x38;
	[tilespmem:$0x10000] =	vst v63  }
0x384: {  	_ =	swait.ge [sflag:s16], $0x4000  }
0x385: {  	s1 =	sld [smem:$0x7B8]  }
0x386: {  	[sflag:s16] =	ssyncset.done $0x0  }
0x387: {  	[sflag:s16] =	ssyncadd.s32 $0xFFFFC000  }
0x388: {  	[hbm4b:s1+s2] =	stream.linear.scatter [tilespmem:s6], [sflag:$0x8], $0x4000, $0x38;
	[tilespmem:$0x10000] =	vst v63  }
0x389: {  	_ =	swait.ge [sflag:s7], $0x4000  }
0x38a: {  	s1 =	sld [smem:$0x7B9]  }
0x38b: {  	[sflag:s7] =	ssyncset.done $0x0  }
0x38c: {  	[sflag:s7] =	ssyncadd.s32 $0xFFFFC000  }
0x38d: {  	[tilespmem:s10], [sflag:$0x3] =	stream.linear.gather [hbm4b:s1+s2], $0x4000, $0x38;
	[tilespmem:$0x10000] =	vst v63  }
0x38e: {  	_ =	swait.ge [sflag:s21], $0x4000  }
0x38f: {  	s1 =	sld [smem:$0x7BA]  }
0x390: {  	[sflag:s21] =	ssyncset.done $0x0  }
0x391: {  	[sflag:s21] =	ssyncadd.s32 $0xFFFFC000  }
0x392: {  	[hbm4b:s1+s2] =	stream.linear.scatter [tilespmem:s2], [sflag:$0x5], $0x4000, $0x38;
	[tilespmem:$0x10000] =	vst v63  }
0x393: {  	_ =	swait.ge [sflag:s5], $0x4000  }
0x394: {  	s1 =	sld [smem:$0x7BB]  }
0x395: {  	[sflag:s5] =	ssyncset.done $0x0  }
0x396: {  	[sflag:s5] =	ssyncadd.s32 $0xFFFFC000  }
0x397: {  	[tilespmem:s6], [sflag:$0x4] =	stream.linear.gather [hbm4b:s1+s2], $0x4000, $0x38;
	[tilespmem:$0x10000] =	vst v63  }
0x398: {  	_ =	swait.ge [sflag:s17], $0x4000  }
0x399: {  	s1 =	sld [smem:$0x7BC]  }
0x39a: {  	[sflag:s17] =	ssyncset.done $0x0  }
0x39b: {  	[sflag:s17] =	ssyncadd.s32 $0xFFFFC000  }
0x39c: {  	[hbm4b:s1+s2] =	stream.linear.scatter [tilespmem:s13], [sflag:$0x6], $0x4000, $0x38;
	[tilespmem:$0x10000] =	vst v63  }
0x39d: {  	_ =	swait.ge [sflag:s11], $0x4000  }
0x39e: {  	s1 =	sld [smem:$0x7BD]  }
0x39f: {  	[sflag:s11] =	ssyncset.done $0x0  }
0x3a0: {  	[sflag:s11] =	ssyncadd.s32 $0xFFFFC000  }
0x3a1: {  	[tilespmem:s2], [sflag:$0x1] =	stream.linear.gather [hbm4b:s1+s2], $0x4000, $0x38;
	[tilespmem:$0x10000] =	vst v63  }
0x3a2: {  	_ =	swait.ge [sflag:s18], $0x4000  }
0x3a3: {  	s1 =	sld [smem:$0x7BE]  }
0x3a4: {  	[sflag:s18] =	ssyncset.done $0x0  }
0x3a5: {  	[sflag:s18] =	ssyncadd.s32 $0xFFFFC000  }
0x3a6: {  	[hbm4b:s1+s2] =	stream.linear.scatter [tilespmem:s10], [sflag:$0x7], $0x4000, $0x38;
	[tilespmem:$0x10000] =	vst v63  }
0x3a7: {  	_ =	swait.ge [sflag:s9], $0x4000  }
0x3a8: {  	s1 =	sld [smem:$0x7BF]  }
0x3a9: {  	[sflag:s9] =	ssyncset.done $0x0  }
0x3aa: {  	[sflag:s9] =	ssyncadd.s32 $0xFFFFC000  }
0x3ab: {  	[tilespmem:s13], [sflag:$0x2] =	stream.linear.gather [hbm4b:s1+s2], $0x4000, $0x38;
	[tilespmem:$0x10000] =	vst v63  }
0x3ac: {  	_ =	swait.ge [sflag:s16], $0x4000  }
0x3ad: {  	s1 =	sld [smem:$0x7C0]  }
0x3ae: {  	[sflag:s16] =	ssyncset.done $0x0  }
0x3af: {  	[sflag:s16] =	ssyncadd.s32 $0xFFFFC000  }
0x3b0: {  	[hbm4b:s1+s2] =	stream.linear.scatter [tilespmem:s6], [sflag:$0x8], $0x4000, $0x38;
	[tilespmem:$0x10000] =	vst v63  }
0x3b1: {  	_ =	swait.ge [sflag:s7], $0x4000  }
0x3b2: {  	s1 =	sld [smem:$0x7C1]  }
0x3b3: {  	[sflag:s7] =	ssyncset.done $0x0  }
0x3b4: {  	[sflag:s7] =	ssyncadd.s32 $0xFFFFC000  }
0x3b5: {  	[tilespmem:s10], [sflag:$0x3] =	stream.linear.gather [hbm4b:s1+s2], $0x4000, $0x38;
	[tilespmem:$0x10000] =	vst v63  }
0x3b6: {  	_ =	swait.ge [sflag:s21], $0x4000  }
0x3b7: {  	s1 =	sld [smem:$0x7C2]  }
0x3b8: {  	[sflag:s21] =	ssyncset.done $0x0  }
0x3b9: {  	[sflag:s21] =	ssyncadd.s32 $0xFFFFC000  }
0x3ba: {  	[hbm4b:s1+s2] =	stream.linear.scatter [tilespmem:s2], [sflag:$0x5], $0x4000, $0x38;
	[tilespmem:$0x10000] =	vst v63  }
0x3bb: {  	_ =	swait.ge [sflag:s5], $0x4000  }
0x3bc: {  	s1 =	sld [smem:$0x7C3]  }
0x3bd: {  	[sflag:s5] =	ssyncset.done $0x0  }
0x3be: {  	[sflag:s5] =	ssyncadd.s32 $0xFFFFC000  }
0x3bf: {  	[tilespmem:s6], [sflag:$0x4] =	stream.linear.gather [hbm4b:s1+s2], $0x4000, $0x38;
	[tilespmem:$0x10000] =	vst v63  }
0x3c0: {  	_ =	swait.ge [sflag:s17], $0x4000  }
0x3c1: {  	s1 =	sld [smem:$0x7C4]  }
0x3c2: {  	[sflag:s17] =	ssyncset.done $0x0  }
0x3c3: {  	[sflag:s17] =	ssyncadd.s32 $0xFFFFC000  }
0x3c4: {  	[hbm4b:s1+s2] =	stream.linear.scatter [tilespmem:s13], [sflag:$0x6], $0x4000, $0x38;
	[tilespmem:$0x10000] =	vst v63  }
0x3c5: {  	_ =	swait.ge [sflag:s11], $0x4000  }
0x3c6: {  	s1 =	sld [smem:$0x7C5]  }
0x3c7: {  	[sflag:s11] =	ssyncset.done $0x0  }
0x3c8: {  	[sflag:s11] =	ssyncadd.s32 $0xFFFFC000  }
0x3c9: {  	[tilespmem:s2], [sflag:$0x1] =	stream.linear.gather [hbm4b:s1+s2], $0x4000, $0x38;
	[tilespmem:$0x10000] =	vst v63  }
0x3ca: {  	_ =	swait.ge [sflag:s18], $0x4000  }
0x3cb: {  	s1 =	sld [smem:$0x7C6]  }
0x3cc: {  	[sflag:s18] =	ssyncset.done $0x0  }
0x3cd: {  	[sflag:s18] =	ssyncadd.s32 $0xFFFFC000  }
0x3ce: {  	[hbm4b:s1+s2] =	stream.linear.scatter [tilespmem:s10], [sflag:$0x7], $0x4000, $0x38;
	[tilespmem:$0x10000] =	vst v63  }
0x3cf: {  	_ =	swait.ge [sflag:s9], $0x4000  }
0x3d0: {  	s1 =	sld [smem:$0x7C7]  }
0x3d1: {  	[sflag:s9] =	ssyncset.done $0x0  }
0x3d2: {  	[sflag:s9] =	ssyncadd.s32 $0xFFFFC000  }
0x3d3: {  	[tilespmem:s13], [sflag:$0x2] =	stream.linear.gather [hbm4b:s1+s2], $0x4000, $0x38;
	[tilespmem:$0x10000] =	vst v63  }
0x3d4: {  	_ =	swait.ge [sflag:s16], $0x4000  }
0x3d5: {  	s1 =	sld [smem:$0x7C8]  }
0x3d6: {  	[sflag:s16] =	ssyncset.done $0x0  }
0x3d7: {  	[sflag:s16] =	ssyncadd.s32 $0xFFFFC000  }
0x3d8: {  	[hbm4b:s1+s2] =	stream.linear.scatter [tilespmem:s6], [sflag:$0x8], $0x4000, $0x38;
	[tilespmem:$0x10000] =	vst v63  }
0x3d9: {  	_ =	swait.ge [sflag:s7], $0x4000  }
0x3da: {  	s1 =	sld [smem:$0x7C9]  }
0x3db: {  	[sflag:s7] =	ssyncset.done $0x0  }
0x3dc: {  	[sflag:s7] =	ssyncadd.s32 $0xFFFFC000  }
0x3dd: {  	[tilespmem:s10], [sflag:$0x3] =	stream.linear.gather [hbm4b:s1+s2], $0x4000, $0x38;
	[tilespmem:$0x10000] =	vst v63  }
0x3de: {  	_ =	swait.ge [sflag:s21], $0x4000  }
0x3df: {  	s1 =	sld [smem:$0x7CA]  }
0x3e0: {  	[sflag:s21] =	ssyncset.done $0x0  }
0x3e1: {  	[sflag:s21] =	ssyncadd.s32 $0xFFFFC000  }
0x3e2: {  	[hbm4b:s1+s2] =	stream.linear.scatter [tilespmem:s2], [sflag:$0x5], $0x4000, $0x38;
	[tilespmem:$0x10000] =	vst v63  }
0x3e3: {  	_ =	swait.ge [sflag:s5], $0x4000  }
0x3e4: {  	s1 =	sld [smem:$0x7CB]  }
0x3e5: {  	[sflag:s5] =	ssyncset.done $0x0  }
0x3e6: {  	[sflag:s5] =	ssyncadd.s32 $0xFFFFC000  }
0x3e7: {  	[tilespmem:s6], [sflag:$0x4] =	stream.linear.gather [hbm4b:s1+s2], $0x4000, $0x38;
	[tilespmem:$0x10000] =	vst v63  }
0x3e8: {  	_ =	swait.ge [sflag:s17], $0x4000  }
0x3e9: {  	s1 =	sld [smem:$0x7CC]  }
0x3ea: {  	[sflag:s17] =	ssyncset.done $0x0  }
0x3eb: {  	[sflag:s17] =	ssyncadd.s32 $0xFFFFC000  }
0x3ec: {  	[hbm4b:s1+s2] =	stream.linear.scatter [tilespmem:s13], [sflag:$0x6], $0x4000, $0x38;
	[tilespmem:$0x10000] =	vst v63  }
0x3ed: {  	_ =	swait.ge [sflag:s11], $0x4000  }
0x3ee: {  	s1 =	sld [smem:$0x7CD]  }
0x3ef: {  	[sflag:s11] =	ssyncset.done $0x0  }
0x3f0: {  	[sflag:s11] =	ssyncadd.s32 $0xFFFFC000  }
0x3f1: {  	[tilespmem:s2], [sflag:$0x1] =	stream.linear.gather [hbm4b:s1+s2], $0x4000, $0x38;
	[tilespmem:$0x10000] =	vst v63  }
0x3f2: {  	_ =	swait.ge [sflag:s18], $0x4000  }
0x3f3: {  	s1 =	sld [smem:$0x7CE]  }
0x3f4: {  	[sflag:s18] =	ssyncset.done $0x0  }
0x3f5: {  	[sflag:s18] =	ssyncadd.s32 $0xFFFFC000  }
0x3f6: {  	[hbm4b:s1+s2] =	stream.linear.scatter [tilespmem:s10], [sflag:$0x7], $0x4000, $0x38;
	[tilespmem:$0x10000] =	vst v63  }
0x3f7: {  	_ =	swait.ge [sflag:s9], $0x4000  }
0x3f8: {  	s1 =	sld [smem:$0x7CF]  }
0x3f9: {  	[sflag:s9] =	ssyncset.done $0x0  }
0x3fa: {  	[sflag:s9] =	ssyncadd.s32 $0xFFFFC000  }
0x3fb: {  	[tilespmem:s13], [sflag:$0x2] =	stream.linear.gather [hbm4b:s1+s2], $0x4000, $0x38;
	[tilespmem:$0x10000] =	vst v63  }
0x3fc: {  	_ =	swait.ge [sflag:s16], $0x4000  }
0x3fd: {  	s1 =	sld [smem:$0x7D0]  }
0x3fe: {  	[sflag:s16] =	ssyncset.done $0x0  }
0x3ff: {  	[sflag:s16] =	ssyncadd.s32 $0xFFFFC000  }
0x400: {  	[hbm4b:s1+s2] =	stream.linear.scatter [tilespmem:s6], [sflag:$0x8], $0x4000, $0x38;
	[tilespmem:$0x10000] =	vst v63  }
0x401: {  	_ =	swait.ge [sflag:s7], $0x4000  }
0x402: {  	s1 =	sld [smem:$0x7D1]  }
0x403: {  	[sflag:s7] =	ssyncset.done $0x0  }
0x404: {  	[sflag:s7] =	ssyncadd.s32 $0xFFFFC000  }
0x405: {  	[tilespmem:s10], [sflag:$0x3] =	stream.linear.gather [hbm4b:s1+s2], $0x4000, $0x38;
	[tilespmem:$0x10000] =	vst v63  }
0x406: {  	_ =	swait.ge [sflag:s21], $0x4000  }
0x407: {  	s1 =	sld [smem:$0x7D2]  }
0x408: {  	[sflag:s21] =	ssyncset.done $0x0  }
0x409: {  	[sflag:s21] =	ssyncadd.s32 $0xFFFFC000  }
0x40a: {  	[hbm4b:s1+s2] =	stream.linear.scatter [tilespmem:s2], [sflag:$0x5], $0x4000, $0x38;
	[tilespmem:$0x10000] =	vst v63  }
0x40b: {  	_ =	swait.ge [sflag:s5], $0x4000  }
0x40c: {  	s1 =	sld [smem:$0x7D3]  }
0x40d: {  	[sflag:s5] =	ssyncset.done $0x0  }
0x40e: {  	[sflag:s5] =	ssyncadd.s32 $0xFFFFC000  }
0x40f: {  	[tilespmem:s6], [sflag:$0x4] =	stream.linear.gather [hbm4b:s1+s2], $0x4000, $0x38;
	[tilespmem:$0x10000] =	vst v63  }
0x410: {  	_ =	swait.ge [sflag:s17], $0x4000  }
0x411: {  	s1 =	sld [smem:$0x7D4]  }
0x412: {  	[sflag:s17] =	ssyncset.done $0x0  }
0x413: {  	[sflag:s17] =	ssyncadd.s32 $0xFFFFC000  }
0x414: {  	[hbm4b:s1+s2] =	stream.linear.scatter [tilespmem:s13], [sflag:$0x6], $0x4000, $0x38;
	[tilespmem:$0x10000] =	vst v63  }
0x415: {  	_ =	swait.ge [sflag:s11], $0x4000  }
0x416: {  	s1 =	sld [smem:$0x7D5]  }
0x417: {  	[sflag:s11] =	ssyncset.done $0x0  }
0x418: {  	[sflag:s11] =	ssyncadd.s32 $0xFFFFC000  }
0x419: {  	[tilespmem:s2], [sflag:$0x1] =	stream.linear.gather [hbm4b:s1+s2], $0x4000, $0x38;
	[tilespmem:$0x10000] =	vst v63  }
0x41a: {  	_ =	swait.ge [sflag:s18], $0x4000  }
0x41b: {  	s1 =	sld [smem:$0x7D6]  }
0x41c: {  	[sflag:s18] =	ssyncset.done $0x0  }
0x41d: {  	[sflag:s18] =	ssyncadd.s32 $0xFFFFC000  }
0x41e: {  	[hbm4b:s1+s2] =	stream.linear.scatter [tilespmem:s10], [sflag:$0x7], $0x4000, $0x38;
	[tilespmem:$0x10000] =	vst v63  }
0x41f: {  	_ =	swait.ge [sflag:s9], $0x4000  }
0x420: {  	s1 =	sld [smem:$0x7D7]  }
0x421: {  	[sflag:s9] =	ssyncset.done $0x0  }
0x422: {  	[sflag:s9] =	ssyncadd.s32 $0xFFFFC000  }
0x423: {  	[tilespmem:s13], [sflag:$0x2] =	stream.linear.gather [hbm4b:s1+s2], $0x4000, $0x38;
	[tilespmem:$0x10000] =	vst v63  }
0x424: {  	_ =	swait.ge [sflag:s16], $0x4000  }
0x425: {  	s1 =	sld [smem:$0x7D8]  }
0x426: {  	[sflag:s16] =	ssyncset.done $0x0  }
0x427: {  	[sflag:s16] =	ssyncadd.s32 $0xFFFFC000  }
0x428: {  	[hbm4b:s1+s2] =	stream.linear.scatter [tilespmem:s6], [sflag:$0x8], $0x4000, $0x38;
	[tilespmem:$0x10000] =	vst v63  }
0x429: {  	_ =	swait.ge [sflag:s7], $0x4000  }
0x42a: {  	s1 =	sld [smem:$0x7D9]  }
0x42b: {  	[sflag:s7] =	ssyncset.done $0x0  }
0x42c: {  	[sflag:s7] =	ssyncadd.s32 $0xFFFFC000  }
0x42d: {  	[tilespmem:s10], [sflag:$0x3] =	stream.linear.gather [hbm4b:s1+s2], $0x4000, $0x38;
	[tilespmem:$0x10000] =	vst v63  }
0x42e: {  	_ =	swait.ge [sflag:s21], $0x4000  }
0x42f: {  	s1 =	sld [smem:$0x7DA]  }
0x430: {  	[sflag:s21] =	ssyncset.done $0x0  }
0x431: {  	[sflag:s21] =	ssyncadd.s32 $0xFFFFC000  }
0x432: {  	[hbm4b:s1+s2] =	stream.linear.scatter [tilespmem:s2], [sflag:$0x5], $0x4000, $0x38;
	[tilespmem:$0x10000] =	vst v63  }
0x433: {  	_ =	swait.ge [sflag:s5], $0x4000  }
0x434: {  	s1 =	sld [smem:$0x7DB]  }
0x435: {  	[sflag:s5] =	ssyncset.done $0x0  }
0x436: {  	[sflag:s5] =	ssyncadd.s32 $0xFFFFC000  }
0x437: {  	[tilespmem:s6], [sflag:$0x4] =	stream.linear.gather [hbm4b:s1+s2], $0x4000, $0x38;
	[tilespmem:$0x10000] =	vst v63  }
0x438: {  	_ =	swait.ge [sflag:s17], $0x4000  }
0x439: {  	s1 =	sld [smem:$0x7DC]  }
0x43a: {  	[sflag:s17] =	ssyncset.done $0x0  }
0x43b: {  	[sflag:s17] =	ssyncadd.s32 $0xFFFFC000  }
0x43c: {  	[hbm4b:s1+s2] =	stream.linear.scatter [tilespmem:s13], [sflag:$0x6], $0x4000, $0x38;
	[tilespmem:$0x10000] =	vst v63  }
0x43d: {  	_ =	swait.ge [sflag:s11], $0x4000  }
0x43e: {  	s1 =	sld [smem:$0x7DD]  }
0x43f: {  	[sflag:s11] =	ssyncset.done $0x0  }
0x440: {  	[sflag:s11] =	ssyncadd.s32 $0xFFFFC000  }
0x441: {  	[tilespmem:s2], [sflag:$0x1] =	stream.linear.gather [hbm4b:s1+s2], $0x4000, $0x38;
	[tilespmem:$0x10000] =	vst v63  }
0x442: {  	_ =	swait.ge [sflag:s18], $0x4000  }
0x443: {  	s1 =	sld [smem:$0x7DE]  }
0x444: {  	[sflag:s18] =	ssyncset.done $0x0  }
0x445: {  	[sflag:s18] =	ssyncadd.s32 $0xFFFFC000  }
0x446: {  	[hbm4b:s1+s2] =	stream.linear.scatter [tilespmem:s10], [sflag:$0x7], $0x4000, $0x38;
	[tilespmem:$0x10000] =	vst v63  }
0x447: {  	_ =	swait.ge [sflag:s9], $0x4000  }
0x448: {  	s1 =	sld [smem:$0x7DF]  }
0x449: {  	[sflag:s9] =	ssyncset.done $0x0  }
0x44a: {  	[sflag:s9] =	ssyncadd.s32 $0xFFFFC000  }
0x44b: {  	[tilespmem:s13], [sflag:$0x2] =	stream.linear.gather [hbm4b:s1+s2], $0x4000, $0x38;
	[tilespmem:$0x10000] =	vst v63  }
0x44c: {  	_ =	swait.ge [sflag:s16], $0x4000  }
0x44d: {  	s1 =	sld [smem:$0x7E0]  }
0x44e: {  	[sflag:s16] =	ssyncset.done $0x0  }
0x44f: {  	[sflag:s16] =	ssyncadd.s32 $0xFFFFC000  }
0x450: {  	[hbm4b:s1+s2] =	stream.linear.scatter [tilespmem:s6], [sflag:$0x8], $0x4000, $0x38;
	[tilespmem:$0x10000] =	vst v63  }
0x451: {  	_ =	swait.ge [sflag:s7], $0x4000  }
0x452: {  	s1 =	sld [smem:$0x7E1]  }
0x453: {  	[sflag:s7] =	ssyncset.done $0x0  }
0x454: {  	[sflag:s7] =	ssyncadd.s32 $0xFFFFC000  }
0x455: {  	[tilespmem:s10], [sflag:$0x3] =	stream.linear.gather [hbm4b:s1+s2], $0x4000, $0x38;
	[tilespmem:$0x10000] =	vst v63  }
0x456: {  	_ =	swait.ge [sflag:s21], $0x4000  }
0x457: {  	s1 =	sld [smem:$0x7E2]  }
0x458: {  	[sflag:s21] =	ssyncset.done $0x0  }
0x459: {  	[sflag:s21] =	ssyncadd.s32 $0xFFFFC000  }
0x45a: {  	[hbm4b:s1+s2] =	stream.linear.scatter [tilespmem:s2], [sflag:$0x5], $0x4000, $0x38;
	[tilespmem:$0x10000] =	vst v63  }
0x45b: {  	_ =	swait.ge [sflag:s5], $0x4000  }
0x45c: {  	s1 =	sld [smem:$0x7E3]  }
0x45d: {  	[sflag:s5] =	ssyncset.done $0x0  }
0x45e: {  	[sflag:s5] =	ssyncadd.s32 $0xFFFFC000  }
0x45f: {  	[tilespmem:s6], [sflag:$0x4] =	stream.linear.gather [hbm4b:s1+s2], $0x4000, $0x38;
	[tilespmem:$0x10000] =	vst v63  }
0x460: {  	_ =	swait.ge [sflag:s17], $0x4000  }
0x461: {  	s1 =	sld [smem:$0x7E4]  }
0x462: {  	[sflag:s17] =	ssyncset.done $0x0  }
0x463: {  	[sflag:s17] =	ssyncadd.s32 $0xFFFFC000  }
0x464: {  	[hbm4b:s1+s2] =	stream.linear.scatter [tilespmem:s13], [sflag:$0x6], $0x4000, $0x38;
	[tilespmem:$0x10000] =	vst v63  }
0x465: {  	_ =	swait.ge [sflag:s11], $0x4000  }
0x466: {  	s1 =	sld [smem:$0x7E5]  }
0x467: {  	[sflag:s11] =	ssyncset.done $0x0  }
0x468: {  	[sflag:s11] =	ssyncadd.s32 $0xFFFFC000  }
0x469: {  	[tilespmem:s2], [sflag:$0x1] =	stream.linear.gather [hbm4b:s1+s2], $0x4000, $0x38;
	[tilespmem:$0x10000] =	vst v63  }
0x46a: {  	_ =	swait.ge [sflag:s18], $0x4000  }
0x46b: {  	s1 =	sld [smem:$0x7E6]  }
0x46c: {  	[sflag:s18] =	ssyncset.done $0x0  }
0x46d: {  	[sflag:s18] =	ssyncadd.s32 $0xFFFFC000  }
0x46e: {  	[hbm4b:s1+s2] =	stream.linear.scatter [tilespmem:s10], [sflag:$0x7], $0x4000, $0x38;
	[tilespmem:$0x10000] =	vst v63  }
0x46f: {  	_ =	swait.ge [sflag:s9], $0x4000  }
0x470: {  	s1 =	sld [smem:$0x7E7]  }
0x471: {  	[sflag:s9] =	ssyncset.done $0x0  }
0x472: {  	[sflag:s9] =	ssyncadd.s32 $0xFFFFC000  }
0x473: {  	[tilespmem:s13], [sflag:$0x2] =	stream.linear.gather [hbm4b:s1+s2], $0x4000, $0x38;
	[tilespmem:$0x10000] =	vst v63  }
0x474: {  	_ =	swait.ge [sflag:s16], $0x4000  }
0x475: {  	s1 =	sld [smem:$0x7E8]  }
0x476: {  	[sflag:s16] =	ssyncset.done $0x0  }
0x477: {  	[sflag:s16] =	ssyncadd.s32 $0xFFFFC000  }
0x478: {  	[hbm4b:s1+s2] =	stream.linear.scatter [tilespmem:s6], [sflag:$0x8], $0x4000, $0x38;
	[tilespmem:$0x10000] =	vst v63  }
0x479: {  	_ =	swait.ge [sflag:s7], $0x4000  }
0x47a: {  	s1 =	sld [smem:$0x7E9]  }
0x47b: {  	[sflag:s7] =	ssyncset.done $0x0  }
0x47c: {  	[sflag:s7] =	ssyncadd.s32 $0xFFFFC000  }
0x47d: {  	[tilespmem:s10], [sflag:$0x3] =	stream.linear.gather [hbm4b:s1+s2], $0x4000, $0x38;
	[tilespmem:$0x10000] =	vst v63  }
0x47e: {  	_ =	swait.ge [sflag:s21], $0x4000  }
0x47f: {  	s1 =	sld [smem:$0x7EA]  }
0x480: {  	[sflag:s21] =	ssyncset.done $0x0  }
0x481: {  	[sflag:s21] =	ssyncadd.s32 $0xFFFFC000  }
0x482: {  	[hbm4b:s1+s2] =	stream.linear.scatter [tilespmem:s2], [sflag:$0x5], $0x4000, $0x38;
	[tilespmem:$0x10000] =	vst v63  }
0x483: {  	_ =	swait.ge [sflag:s5], $0x4000  }
0x484: {  	s1 =	sld [smem:$0x7EB]  }
0x485: {  	[sflag:s5] =	ssyncset.done $0x0  }
0x486: {  	[sflag:s5] =	ssyncadd.s32 $0xFFFFC000  }
0x487: {  	[tilespmem:s6], [sflag:$0x4] =	stream.linear.gather [hbm4b:s1+s2], $0x4000, $0x38;
	[tilespmem:$0x10000] =	vst v63  }
0x488: {  	_ =	swait.ge [sflag:s17], $0x4000  }
0x489: {  	s1 =	sld [smem:$0x7EC]  }
0x48a: {  	[sflag:s17] =	ssyncset.done $0x0  }
0x48b: {  	[sflag:s17] =	ssyncadd.s32 $0xFFFFC000  }
0x48c: {  	[hbm4b:s1+s2] =	stream.linear.scatter [tilespmem:s13], [sflag:$0x6], $0x4000, $0x38;
	[tilespmem:$0x10000] =	vst v63  }
0x48d: {  	_ =	swait.ge [sflag:s11], $0x4000  }
0x48e: {  	s1 =	sld [smem:$0x7ED]  }
0x48f: {  	[sflag:s11] =	ssyncset.done $0x0  }
0x490: {  	[sflag:s11] =	ssyncadd.s32 $0xFFFFC000  }
0x491: {  	[tilespmem:s2], [sflag:$0x1] =	stream.linear.gather [hbm4b:s1+s2], $0x4000, $0x38;
	[tilespmem:$0x10000] =	vst v63  }
0x492: {  	_ =	swait.ge [sflag:s18], $0x4000  }
0x493: {  	s1 =	sld [smem:$0x7EE]  }
0x494: {  	[sflag:s18] =	ssyncset.done $0x0  }
0x495: {  	[sflag:s18] =	ssyncadd.s32 $0xFFFFC000  }
0x496: {  	[hbm4b:s1+s2] =	stream.linear.scatter [tilespmem:s10], [sflag:$0x7], $0x4000, $0x38;
	[tilespmem:$0x10000] =	vst v63  }
0x497: {  	_ =	swait.ge [sflag:s9], $0x4000  }
0x498: {  	s1 =	sld [smem:$0x7EF]  }
0x499: {  	[sflag:s9] =	ssyncset.done $0x0  }
0x49a: {  	[sflag:s9] =	ssyncadd.s32 $0xFFFFC000  }
0x49b: {  	[tilespmem:s13], [sflag:$0x2] =	stream.linear.gather [hbm4b:s1+s2], $0x4000, $0x38;
	[tilespmem:$0x10000] =	vst v63  }
0x49c: {  	_ =	swait.ge [sflag:s16], $0x4000  }
0x49d: {  	s1 =	sld [smem:$0x7F0]  }
0x49e: {  	[sflag:s16] =	ssyncset.done $0x0  }
0x49f: {  	[sflag:s16] =	ssyncadd.s32 $0xFFFFC000  }
0x4a0: {  	[hbm4b:s1+s2] =	stream.linear.scatter [tilespmem:s6], [sflag:$0x8], $0x4000, $0x38;
	[tilespmem:$0x10000] =	vst v63  }
0x4a1: {  	_ =	swait.ge [sflag:s7], $0x4000  }
0x4a2: {  	s1 =	sld [smem:$0x7F1]  }
0x4a3: {  	[sflag:s7] =	ssyncset.done $0x0  }
0x4a4: {  	[sflag:s7] =	ssyncadd.s32 $0xFFFFC000  }
0x4a5: {  	[tilespmem:s10], [sflag:$0x3] =	stream.linear.gather [hbm4b:s1+s2], $0x4000, $0x38;
	[tilespmem:$0x10000] =	vst v63  }
0x4a6: {  	_ =	swait.ge [sflag:s21], $0x4000  }
0x4a7: {  	s1 =	sld [smem:$0x7F2]  }
0x4a8: {  	[sflag:s21] =	ssyncset.done $0x0  }
0x4a9: {  	[sflag:s21] =	ssyncadd.s32 $0xFFFFC000  }
0x4aa: {  	[hbm4b:s1+s2] =	stream.linear.scatter [tilespmem:s2], [sflag:$0x5], $0x4000, $0x38;
	[tilespmem:$0x10000] =	vst v63  }
0x4ab: {  	_ =	swait.ge [sflag:s5], $0x4000  }
0x4ac: {  	s1 =	sld [smem:$0x7F3]  }
0x4ad: {  	[sflag:s5] =	ssyncset.done $0x0  }
0x4ae: {  	[sflag:s5] =	ssyncadd.s32 $0xFFFFC000  }
0x4af: {  	[tilespmem:s6], [sflag:$0x4] =	stream.linear.gather [hbm4b:s1+s2], $0x4000, $0x38;
	[tilespmem:$0x10000] =	vst v63  }
0x4b0: {  	_ =	swait.ge [sflag:s17], $0x4000  }
0x4b1: {  	s1 =	sld [smem:$0x7F4]  }
0x4b2: {  	[sflag:s17] =	ssyncset.done $0x0  }
0x4b3: {  	[sflag:s17] =	ssyncadd.s32 $0xFFFFC000  }
0x4b4: {  	[hbm4b:s1+s2] =	stream.linear.scatter [tilespmem:s13], [sflag:$0x6], $0x4000, $0x38;
	[tilespmem:$0x10000] =	vst v63  }
0x4b5: {  	_ =	swait.ge [sflag:s11], $0x4000  }
0x4b6: {  	s1 =	sld [smem:$0x7F5]  }
0x4b7: {  	[sflag:s11] =	ssyncset.done $0x0  }
0x4b8: {  	[sflag:s11] =	ssyncadd.s32 $0xFFFFC000  }
0x4b9: {  	[tilespmem:s2], [sflag:$0x1] =	stream.linear.gather [hbm4b:s1+s2], $0x4000, $0x38;
	[tilespmem:$0x10000] =	vst v63  }
0x4ba: {  	_ =	swait.ge [sflag:s18], $0x4000  }
0x4bb: {  	s1 =	sld [smem:$0x7F6]  }
0x4bc: {  	[sflag:s18] =	ssyncset.done $0x0  }
0x4bd: {  	[sflag:s18] =	ssyncadd.s32 $0xFFFFC000  }
0x4be: {  	[hbm4b:s1+s2] =	stream.linear.scatter [tilespmem:s10], [sflag:$0x7], $0x4000, $0x38;
	[tilespmem:$0x10000] =	vst v63  }
0x4bf: {  	_ =	swait.ge [sflag:s9], $0x4000  }
0x4c0: {  	s1 =	sld [smem:$0x7F7]  }
0x4c1: {  	[sflag:s9] =	ssyncset.done $0x0  }
0x4c2: {  	[sflag:s9] =	ssyncadd.s32 $0xFFFFC000  }
0x4c3: {  	[tilespmem:s13], [sflag:$0x2] =	stream.linear.gather [hbm4b:s1+s2], $0x4000, $0x38;
	[tilespmem:$0x10000] =	vst v63  }
0x4c4: {  	_ =	swait.ge [sflag:s16], $0x4000  }
0x4c5: {  	s1 =	sld [smem:$0x7F8]  }
0x4c6: {  	[sflag:s16] =	ssyncset.done $0x0  }
0x4c7: {  	[sflag:s16] =	ssyncadd.s32 $0xFFFFC000  }
0x4c8: {  	[hbm4b:s1+s2] =	stream.linear.scatter [tilespmem:s6], [sflag:$0x8], $0x4000, $0x38;
	[tilespmem:$0x10000] =	vst v63  }
0x4c9: {  	_ =	swait.ge [sflag:s7], $0x4000  }
0x4ca: {  	s1 =	sld [smem:$0x7F9]  }
0x4cb: {  	[sflag:s7] =	ssyncset.done $0x0  }
0x4cc: {  	[sflag:s7] =	ssyncadd.s32 $0xFFFFC000  }
0x4cd: {  	[tilespmem:s10], [sflag:$0x3] =	stream.linear.gather [hbm4b:s1+s2], $0x4000, $0x38;
	[tilespmem:$0x10000] =	vst v63  }
0x4ce: {  	_ =	swait.ge [sflag:s21], $0x4000  }
0x4cf: {  	s1 =	sld [smem:$0x7FA]  }
0x4d0: {  	[sflag:s21] =	ssyncset.done $0x0  }
0x4d1: {  	[sflag:s21] =	ssyncadd.s32 $0xFFFFC000  }
0x4d2: {  	[hbm4b:s1+s2] =	stream.linear.scatter [tilespmem:s2], [sflag:$0x5], $0x4000, $0x38;
	[tilespmem:$0x10000] =	vst v63  }
0x4d3: {  	_ =	swait.ge [sflag:s5], $0x4000  }
0x4d4: {  	s1 =	sld [smem:$0x7FB]  }
0x4d5: {  	[sflag:s5] =	ssyncset.done $0x0  }
0x4d6: {  	[sflag:s5] =	ssyncadd.s32 $0xFFFFC000  }
0x4d7: {  	[tilespmem:s6], [sflag:$0x4] =	stream.linear.gather [hbm4b:s1+s2], $0x4000, $0x38;
	[tilespmem:$0x10000] =	vst v63  }
0x4d8: {  	_ =	swait.ge [sflag:s17], $0x4000  }
0x4d9: {  	s1 =	sld [smem:$0x7FC]  }
0x4da: {  	[sflag:s17] =	ssyncset.done $0x0  }
0x4db: {  	[sflag:s17] =	ssyncadd.s32 $0xFFFFC000  }
0x4dc: {  	[hbm4b:s1+s2] =	stream.linear.scatter [tilespmem:s13], [sflag:$0x6], $0x4000, $0x38;
	[tilespmem:$0x10000] =	vst v63  }
0x4dd: {  	_ =	swait.ge [sflag:s11], $0x4000  }
0x4de: {  	s1 =	sld [smem:$0x7FD]  }
0x4df: {  	[sflag:s11] =	ssyncset.done $0x0  }
0x4e0: {  	[sflag:s11] =	ssyncadd.s32 $0xFFFFC000  }
0x4e1: {  	[tilespmem:s2], [sflag:$0x1] =	stream.linear.gather [hbm4b:s1+s2], $0x4000, $0x38;
	[tilespmem:$0x10000] =	vst v63  }
0x4e2: {  	_ =	swait.ge [sflag:s18], $0x4000  }
0x4e3: {  	[sflag:s18] =	ssyncset.done $0x0  }
0x4e4: {  	[sflag:s18] =	ssyncadd.s32 $0xFFFFC000  }
0x4e5: {  	[hbm4b:s31+s2] =	stream.linear.scatter [tilespmem:s10], [sflag:$0x7], $0x4000, $0x38;
	[tilespmem:$0x10000] =	vst v63  }
0x4e6: {  	_ =	swait.ge [sflag:s9], $0x4000  }
0x4e7: {  	[sflag:s9] =	ssyncset.done $0x0  }
0x4e8: {  	[sflag:s9] =	ssyncadd.s32 $0xFFFFC000  }
0x4e9: {  	[tilespmem:s13], [sflag:$0x2] =	stream.linear.gather [hbm4b:s30+s2], $0x4000, $0x38;
	[tilespmem:$0x10000] =	vst v63  }
0x4ea: {  	_ =	swait.ge [sflag:s16], $0x4000  }
0x4eb: {  	[sflag:s16] =	ssyncset.done $0x0  }
0x4ec: {  	[sflag:s16] =	ssyncadd.s32 $0xFFFFC000  }
0x4ed: {  	[hbm4b:s29+s2] =	stream.linear.scatter [tilespmem:s6], [sflag:$0x8], $0x4000, $0x38;
	[tilespmem:$0x10000] =	vst v63  }
0x4ee: {  	_ =	swait.ge [sflag:s7], $0x4000  }
0x4ef: {  	[sflag:s7] =	ssyncset.done $0x0  }
0x4f0: {  	[sflag:s7] =	ssyncadd.s32 $0xFFFFC000  }
0x4f1: {  	[tilespmem:s10], [sflag:$0x3] =	stream.linear.gather [hbm4b:s28+s2], $0x4000, $0x38;
	[tilespmem:$0x10000] =	vst v63  }
0x4f2: {  	_ =	swait.ge [sflag:s21], $0x4000  }
0x4f3: {  	[sflag:s21] =	ssyncset.done $0x0  }
0x4f4: {  	[sflag:s21] =	ssyncadd.s32 $0xFFFFC000  }
0x4f5: {  	[hbm4b:s26+s2] =	stream.linear.scatter [tilespmem:s2], [sflag:$0x5], $0x4000, $0x38;
	[tilespmem:$0x10000] =	vst v63  }
0x4f6: {  	_ =	swait.ge [sflag:s5], $0x4000  }
0x4f7: {  	[sflag:s5] =	ssyncset.done $0x0  }
0x4f8: {  	[sflag:s5] =	ssyncadd.s32 $0xFFFFC000  }
0x4f9: {  	[tilespmem:s6], [sflag:$0x4] =	stream.linear.gather [hbm4b:s25+s2], $0x4000, $0x38;
	[tilespmem:$0x10000] =	vst v63  }
0x4fa: {  	_ =	swait.ge [sflag:s17], $0x4000  }
0x4fb: {  	[sflag:s17] =	ssyncset.done $0x0  }
0x4fc: {  	[sflag:s17] =	ssyncadd.s32 $0xFFFFC000  }
0x4fd: {  	[hbm4b:s24+s2] =	stream.linear.scatter [tilespmem:s13], [sflag:$0x6], $0x4000, $0x38;
	[tilespmem:$0x10000] =	vst v63  }
0x4fe: {  	_ =	swait.ge [sflag:s11], $0x4000  }
0x4ff: {  	[sflag:s11] =	ssyncset.done $0x0  }
0x500: {  	[sflag:s11] =	ssyncadd.s32 $0xFFFFC000  }
0x501: {  	[tilespmem:s2], [sflag:$0x1] =	stream.linear.gather [hbm4b:s23+s2], $0x4000, $0x38;
	[tilespmem:$0x10000] =	vst v63  }
0x502: {  	_ =	swait.ge [sflag:s18], $0x4000  }
0x503: {  	[sflag:s18] =	ssyncset.done $0x0  }
0x504: {  	[sflag:s18] =	ssyncadd.s32 $0xFFFFC000  }
0x505: {  	[hbm4b:s22+s2] =	stream.linear.scatter [tilespmem:s10], [sflag:$0x7], $0x4000, $0x38;
	[tilespmem:$0x10000] =	vst v63  }
0x506: {  	_ =	swait.ge [sflag:s9], $0x4000  }
0x507: {  	[sflag:s9] =	ssyncset.done $0x0  }
0x508: {  	[sflag:s9] =	ssyncadd.s32 $0xFFFFC000  }
0x509: {  	[tilespmem:s13], [sflag:$0x2] =	stream.linear.gather [hbm4b:s20+s2], $0x4000, $0x38;
	[tilespmem:$0x10000] =	vst v63  }
0x50a: {  	_ =	swait.ge [sflag:s16], $0x4000  }
0x50b: {  	[sflag:s16] =	ssyncset.done $0x0  }
0x50c: {  	[sflag:s16] =	ssyncadd.s32 $0xFFFFC000  }
0x50d: {  	[hbm4b:s19+s2] =	stream.linear.scatter [tilespmem:s6], [sflag:$0x8], $0x4000, $0x38;
	[tilespmem:$0x10000] =	vst v63  }
0x50e: {  	_ =	swait.ge [sflag:s7], $0x4000  }
0x50f: {  	[sflag:s7] =	ssyncset.done $0x0  }
0x510: {  	[sflag:s7] =	ssyncadd.s32 $0xFFFFC000  }
0x511: {  	[tilespmem:s10], [sflag:$0x3] =	stream.linear.gather [hbm4b:s15+s2], $0x4000, $0x38;
	[tilespmem:$0x10000] =	vst v63  }
0x512: {  	_ =	swait.ge [sflag:s21], $0x4000  }
0x513: {  	[sflag:s21] =	ssyncset.done $0x0  }
0x514: {  	[sflag:s21] =	ssyncadd.s32 $0xFFFFC000  }
0x515: {  	[hbm4b:s14+s2] =	stream.linear.scatter [tilespmem:s2], [sflag:$0x5], $0x4000, $0x38;
	[tilespmem:$0x10000] =	vst v63  }
0x516: {  	_ =	swait.ge [sflag:s5], $0x4000  }
0x517: {  	[sflag:s5] =	ssyncset.done $0x0  }
0x518: {  	[sflag:s5] =	ssyncadd.s32 $0xFFFFC000  }
0x519: {  	[tilespmem:s6], [sflag:$0x4] =	stream.linear.gather [hbm4b:s12+s2], $0x4000, $0x38;
	[tilespmem:$0x10000] =	vst v63  }
0x51a: {  	_ =	swait.ge [sflag:s17], $0x4000  }
0x51b: {  	[sflag:s17] =	ssyncset.done $0x0  }
0x51c: {  	[sflag:s17] =	ssyncadd.s32 $0xFFFFC000  }
0x51d: {  	[hbm4b:s8+s2] =	stream.linear.scatter [tilespmem:s13], [sflag:$0x6], $0x4000, $0x38;
	[tilespmem:$0x10000] =	vst v63  }
0x51e: {  	_ =	swait.ge [sflag:s18], $0x4000  }
0x51f: {  	[sflag:s18] =	ssyncset.done $0x0  }
0x520: {  	[sflag:s18] =	ssyncadd.s32 $0xFFFFC000  }
0x521: {  	[hbm4b:s4+s2] =	stream.linear.scatter [tilespmem:s10], [sflag:$0x7], $0x4000, $0x38;
	[tilespmem:$0x10000] =	vst v63  }
0x522: {  	_ =	swait.ge [sflag:s16], $0x4000  }
0x523: {  	[sflag:s16] =	ssyncset.done $0x0  }
0x524: {  	[sflag:s16] =	ssyncadd.s32 $0xFFFFC000  }
0x525: {  	[hbm4b:s3+s2] =	stream.linear.scatter [tilespmem:s6], [sflag:$0x8], $0x4000, $0x38;
	[tilespmem:$0x10000] =	vst v63  }
0x526: {  	_ =	swait.ge [sflag:s11], $0x4000  }
0x527: {  	[sflag:s11] =	ssyncset.done $0x0  }
0x528: {  	[sflag:s11] =	ssyncadd.s32 $0xFFFFC000  }
0x529: {  	_ =	swait.ge [sflag:s9], $0x4000  }
0x52a: {  	[sflag:s9] =	ssyncset.done $0x0  }
0x52b: {  	[sflag:s9] =	ssyncadd.s32 $0xFFFFC000  }
.Ltmp2:
0x52c: {  	_ =	swait.ge [sflag:s7], $0x4000;
	(pc) =	sbr.rel @p1 .LBB2_2-.Ltmp2, $4  }
0x52d: {  	[sflag:s7] =	ssyncset.done $0x0  }
0x52e: {  	[sflag:s7] =	ssyncadd.s32 $0xFFFFC000  }
0x52f: {  	_ =	swait.ge [sflag:s5], $0x4000  }
0x530: {  	s1 =	rddreg [dreg:$0x3];
	[sflag:s5] =	ssyncset.done $0x0  }
.LBB2_3:
0x531: {  	[sflag:s5] =	ssyncadd.s32 @p0 $0xFFFFC000  }
0x532: {  	[tilespmem:s2], [sflag:$0x1] =	stream.linear.gather [hbm4b:s1+s2], $0x4000, $0x38;
	[tilespmem:$0x10000] =	vst v63  }
0x533: {  	s0 =	rddreg [dreg:$0x4]  }
0x534: {  	[tilespmem:s13], [sflag:$0x2] =	stream.linear.gather [hbm4b:s0+s2], $0x4000, $0x38;
	[tilespmem:$0x10000] =	vst v63  }
0x535: {  	s1 =	rddreg [dreg:$0x5]  }
0x536: {  	[tilespmem:s10], [sflag:$0x3] =	stream.linear.gather [hbm4b:s1+s2], $0x4000, $0x38;
	[tilespmem:$0x10000] =	vst v63  }
0x537: {  	_ =	swait.ge [sflag:s21], $0x4000  }
0x538: {  	[sflag:s21] =	ssyncset.done $0x0  }
0x539: {  	s0 =	rddreg [dreg:$0x6];
	[sflag:s21] =	ssyncadd.s32 $0xFFFFC000  }
0x53a: {  	[hbm4b:s0+s2] =	stream.linear.scatter [tilespmem:s2], [sflag:$0x5], $0x4000, $0x38;
	[tilespmem:$0x10000] =	vst v63  }
0x53b: {  	s1 =	rddreg [dreg:$0x7]  }
0x53c: {  	[tilespmem:s6], [sflag:$0x4] =	stream.linear.gather [hbm4b:s1+s2], $0x4000, $0x38;
	[tilespmem:$0x10000] =	vst v63  }
0x53d: {  	_ =	swait.ge [sflag:s17], $0x4000  }
0x53e: {  	[sflag:s17] =	ssyncset.done $0x0  }
0x53f: {  	s1 =	rddreg [dreg:$0x8];
	[sflag:s17] =	ssyncadd.s32 $0xFFFFC000  }
0x540: {  	[hbm4b:s1+s2] =	stream.linear.scatter [tilespmem:s13], [sflag:$0x6], $0x4000, $0x38;
	[tilespmem:$0x10000] =	vst v63  }
0x541: {  	_ =	swait.ge [sflag:s11], $0x4000  }
0x542: {  	[sflag:s11] =	ssyncset.done $0x0  }
0x543: {  	s1 =	rddreg [dreg:$0x9];
	[sflag:s11] =	ssyncadd.s32 $0xFFFFC000  }
0x544: {  	[tilespmem:s2], [sflag:$0x1] =	stream.linear.gather [hbm4b:s1+s2], $0x4000, $0x38;
	[tilespmem:$0x10000] =	vst v63  }
0x545: {  	_ =	swait.ge [sflag:s18], $0x4000  }
0x546: {  	[sflag:s18] =	ssyncset.done $0x0  }
0x547: {  	s1 =	rddreg [dreg:$0xa];
	[sflag:s18] =	ssyncadd.s32 $0xFFFFC000  }
0x548: {  	[hbm4b:s1+s2] =	stream.linear.scatter [tilespmem:s10], [sflag:$0x7], $0x4000, $0x38;
	[tilespmem:$0x10000] =	vst v63  }
0x549: {  	_ =	swait.ge [sflag:s9], $0x4000  }
0x54a: {  	[sflag:s9] =	ssyncset.done $0x0  }
0x54b: {  	s1 =	rddreg [dreg:$0xb];
	[sflag:s9] =	ssyncadd.s32 $0xFFFFC000  }
0x54c: {  	[tilespmem:s13], [sflag:$0x2] =	stream.linear.gather [hbm4b:s1+s2], $0x4000, $0x38;
	[tilespmem:$0x10000] =	vst v63  }
0x54d: {  	_ =	swait.ge [sflag:s16], $0x4000  }
0x54e: {  	[sflag:s16] =	ssyncset.done $0x0  }
0x54f: {  	s1 =	rddreg [dreg:$0xc];
	[sflag:s16] =	ssyncadd.s32 $0xFFFFC000  }
0x550: {  	[hbm4b:s1+s2] =	stream.linear.scatter [tilespmem:s6], [sflag:$0x8], $0x4000, $0x38;
	[tilespmem:$0x10000] =	vst v63  }
0x551: {  	_ =	swait.ge [sflag:s7], $0x4000  }
0x552: {  	[sflag:s7] =	ssyncset.done $0x0  }
0x553: {  	s1 =	rddreg [dreg:$0xd];
	[sflag:s7] =	ssyncadd.s32 $0xFFFFC000  }
0x554: {  	[tilespmem:s10], [sflag:$0x3] =	stream.linear.gather [hbm4b:s1+s2], $0x4000, $0x38;
	[tilespmem:$0x10000] =	vst v63  }
0x555: {  	_ =	swait.ge [sflag:s21], $0x4000  }
0x556: {  	[sflag:s21] =	ssyncset.done $0x0  }
0x557: {  	s1 =	rddreg [dreg:$0xe];
	[sflag:s21] =	ssyncadd.s32 $0xFFFFC000  }
0x558: {  	[hbm4b:s1+s2] =	stream.linear.scatter [tilespmem:s2], [sflag:$0x5], $0x4000, $0x38;
	[tilespmem:$0x10000] =	vst v63  }
0x559: {  	_ =	swait.ge [sflag:s5], $0x4000  }
0x55a: {  	[sflag:s5] =	ssyncset.done $0x0  }
0x55b: {  	s1 =	rddreg [dreg:$0xf];
	[sflag:s5] =	ssyncadd.s32 $0xFFFFC000  }
0x55c: {  	[tilespmem:s6], [sflag:$0x4] =	stream.linear.gather [hbm4b:s1+s2], $0x4000, $0x38;
	[tilespmem:$0x10000] =	vst v63  }
0x55d: {  	_ =	swait.ge [sflag:s17], $0x4000  }
0x55e: {  	[sflag:s17] =	ssyncset.done $0x0  }
0x55f: {  	s1 =	rddreg [dreg:$0x10];
	[sflag:s17] =	ssyncadd.s32 $0xFFFFC000  }
0x560: {  	[hbm4b:s1+s2] =	stream.linear.scatter [tilespmem:s13], [sflag:$0x6], $0x4000, $0x38;
	[tilespmem:$0x10000] =	vst v63  }
0x561: {  	_ =	swait.ge [sflag:s11], $0x4000  }
0x562: {  	[sflag:s11] =	ssyncset.done $0x0  }
0x563: {  	s1 =	rddreg [dreg:$0x11];
	[sflag:s11] =	ssyncadd.s32 $0xFFFFC000  }
0x564: {  	[tilespmem:s2], [sflag:$0x1] =	stream.linear.gather [hbm4b:s1+s2], $0x4000, $0x38;
	[tilespmem:$0x10000] =	vst v63  }
0x565: {  	_ =	swait.ge [sflag:s18], $0x4000  }
0x566: {  	[sflag:s18] =	ssyncset.done $0x0  }
0x567: {  	s1 =	rddreg [dreg:$0x12];
	[sflag:s18] =	ssyncadd.s32 $0xFFFFC000  }
0x568: {  	[hbm4b:s1+s2] =	stream.linear.scatter [tilespmem:s10], [sflag:$0x7], $0x4000, $0x38;
	[tilespmem:$0x10000] =	vst v63  }
0x569: {  	_ =	swait.ge [sflag:s9], $0x4000  }
0x56a: {  	[sflag:s9] =	ssyncset.done $0x0  }
0x56b: {  	s1 =	rddreg [dreg:$0x13];
	[sflag:s9] =	ssyncadd.s32 $0xFFFFC000  }
0x56c: {  	[tilespmem:s13], [sflag:$0x2] =	stream.linear.gather [hbm4b:s1+s2], $0x4000, $0x38;
	[tilespmem:$0x10000] =	vst v63  }
0x56d: {  	_ =	swait.ge [sflag:s16], $0x4000  }
0x56e: {  	[sflag:s16] =	ssyncset.done $0x0  }
0x56f: {  	s1 =	rddreg [dreg:$0x14];
	[sflag:s16] =	ssyncadd.s32 $0xFFFFC000  }
0x570: {  	[hbm4b:s1+s2] =	stream.linear.scatter [tilespmem:s6], [sflag:$0x8], $0x4000, $0x38;
	[tilespmem:$0x10000] =	vst v63  }
0x571: {  	_ =	swait.ge [sflag:s7], $0x4000  }
0x572: {  	[sflag:s7] =	ssyncset.done $0x0  }
0x573: {  	s1 =	rddreg [dreg:$0x15];
	[sflag:s7] =	ssyncadd.s32 $0xFFFFC000  }
0x574: {  	[tilespmem:s10], [sflag:$0x3] =	stream.linear.gather [hbm4b:s1+s2], $0x4000, $0x38;
	[tilespmem:$0x10000] =	vst v63  }
0x575: {  	_ =	swait.ge [sflag:s21], $0x4000  }
0x576: {  	[sflag:s21] =	ssyncset.done $0x0  }
0x577: {  	s1 =	rddreg [dreg:$0x16];
	[sflag:s21] =	ssyncadd.s32 $0xFFFFC000  }
0x578: {  	[hbm4b:s1+s2] =	stream.linear.scatter [tilespmem:s2], [sflag:$0x5], $0x4000, $0x38;
	[tilespmem:$0x10000] =	vst v63  }
0x579: {  	_ =	swait.ge [sflag:s5], $0x4000  }
0x57a: {  	[sflag:s5] =	ssyncset.done $0x0  }
0x57b: {  	s1 =	rddreg [dreg:$0x17];
	[sflag:s5] =	ssyncadd.s32 $0xFFFFC000  }
0x57c: {  	[tilespmem:s6], [sflag:$0x4] =	stream.linear.gather [hbm4b:s1+s2], $0x4000, $0x38;
	[tilespmem:$0x10000] =	vst v63  }
0x57d: {  	_ =	swait.ge [sflag:s17], $0x4000  }
0x57e: {  	[sflag:s17] =	ssyncset.done $0x0  }
0x57f: {  	s1 =	rddreg [dreg:$0x18];
	[sflag:s17] =	ssyncadd.s32 $0xFFFFC000  }
0x580: {  	[hbm4b:s1+s2] =	stream.linear.scatter [tilespmem:s13], [sflag:$0x6], $0x4000, $0x38;
	[tilespmem:$0x10000] =	vst v63  }
0x581: {  	_ =	swait.ge [sflag:s11], $0x4000  }
0x582: {  	[sflag:s11] =	ssyncset.done $0x0  }
0x583: {  	s1 =	rddreg [dreg:$0x19];
	[sflag:s11] =	ssyncadd.s32 $0xFFFFC000  }
0x584: {  	[tilespmem:s2], [sflag:$0x1] =	stream.linear.gather [hbm4b:s1+s2], $0x4000, $0x38;
	[tilespmem:$0x10000] =	vst v63  }
0x585: {  	_ =	swait.ge [sflag:s18], $0x4000  }
0x586: {  	[sflag:s18] =	ssyncset.done $0x0  }
0x587: {  	s1 =	rddreg [dreg:$0x1a];
	[sflag:s18] =	ssyncadd.s32 $0xFFFFC000  }
0x588: {  	[hbm4b:s1+s2] =	stream.linear.scatter [tilespmem:s10], [sflag:$0x7], $0x4000, $0x38;
	[tilespmem:$0x10000] =	vst v63  }
0x589: {  	_ =	swait.ge [sflag:s9], $0x4000  }
0x58a: {  	[sflag:s9] =	ssyncset.done $0x0  }
0x58b: {  	s1 =	rddreg [dreg:$0x1b];
	[sflag:s9] =	ssyncadd.s32 $0xFFFFC000  }
0x58c: {  	[tilespmem:s13], [sflag:$0x2] =	stream.linear.gather [hbm4b:s1+s2], $0x4000, $0x38;
	[tilespmem:$0x10000] =	vst v63  }
0x58d: {  	_ =	swait.ge [sflag:s16], $0x4000  }
0x58e: {  	[sflag:s16] =	ssyncset.done $0x0  }
0x58f: {  	s1 =	rddreg [dreg:$0x1c];
	[sflag:s16] =	ssyncadd.s32 $0xFFFFC000  }
0x590: {  	[hbm4b:s1+s2] =	stream.linear.scatter [tilespmem:s6], [sflag:$0x8], $0x4000, $0x38;
	[tilespmem:$0x10000] =	vst v63  }
0x591: {  	_ =	swait.ge [sflag:s7], $0x4000  }
0x592: {  	[sflag:s7] =	ssyncset.done $0x0  }
0x593: {  	s1 =	rddreg [dreg:$0x1d];
	[sflag:s7] =	ssyncadd.s32 $0xFFFFC000  }
0x594: {  	[tilespmem:s10], [sflag:$0x3] =	stream.linear.gather [hbm4b:s1+s2], $0x4000, $0x38;
	[tilespmem:$0x10000] =	vst v63  }
0x595: {  	_ =	swait.ge [sflag:s21], $0x4000  }
0x596: {  	[sflag:s21] =	ssyncset.done $0x0  }
0x597: {  	s1 =	rddreg [dreg:$0x1e];
	[sflag:s21] =	ssyncadd.s32 $0xFFFFC000  }
0x598: {  	[hbm4b:s1+s2] =	stream.linear.scatter [tilespmem:s2], [sflag:$0x5], $0x4000, $0x38;
	[tilespmem:$0x10000] =	vst v63  }
0x599: {  	_ =	swait.ge [sflag:s5], $0x4000  }
0x59a: {  	[sflag:s5] =	ssyncset.done $0x0  }
0x59b: {  	s1 =	rddreg [dreg:$0x1f];
	[sflag:s5] =	ssyncadd.s32 $0xFFFFC000  }
0x59c: {  	[tilespmem:s6], [sflag:$0x4] =	stream.linear.gather [hbm4b:s1+s2], $0x4000, $0x38;
	[tilespmem:$0x10000] =	vst v63  }
0x59d: {  	_ =	swait.ge [sflag:s17], $0x4000  }
0x59e: {  	s1 =	sld [smem:$0x7AC]  }
0x59f: {  	[sflag:s17] =	ssyncset.done $0x0  }
0x5a0: {  	[sflag:s17] =	ssyncadd.s32 $0xFFFFC000  }
0x5a1: {  	[hbm4b:s1+s2] =	stream.linear.scatter [tilespmem:s13], [sflag:$0x6], $0x4000, $0x38;
	[tilespmem:$0x10000] =	vst v63  }
0x5a2: {  	_ =	swait.ge [sflag:s11], $0x4000  }
0x5a3: {  	s1 =	sld [smem:$0x7AD]  }
0x5a4: {  	[sflag:s11] =	ssyncset.done $0x0  }
0x5a5: {  	[sflag:s11] =	ssyncadd.s32 $0xFFFFC000  }
0x5a6: {  	[tilespmem:s2], [sflag:$0x1] =	stream.linear.gather [hbm4b:s1+s2], $0x4000, $0x38;
	[tilespmem:$0x10000] =	vst v63  }
0x5a7: {  	_ =	swait.ge [sflag:s18], $0x4000  }
0x5a8: {  	s1 =	sld [smem:$0x7AE]  }
0x5a9: {  	[sflag:s18] =	ssyncset.done $0x0  }
0x5aa: {  	[sflag:s18] =	ssyncadd.s32 $0xFFFFC000  }
0x5ab: {  	[hbm4b:s1+s2] =	stream.linear.scatter [tilespmem:s10], [sflag:$0x7], $0x4000, $0x38;
	[tilespmem:$0x10000] =	vst v63  }
0x5ac: {  	_ =	swait.ge [sflag:s9], $0x4000  }
0x5ad: {  	s1 =	sld [smem:$0x7AF]  }
0x5ae: {  	[sflag:s9] =	ssyncset.done $0x0  }
0x5af: {  	[sflag:s9] =	ssyncadd.s32 $0xFFFFC000  }
0x5b0: {  	[tilespmem:s13], [sflag:$0x2] =	stream.linear.gather [hbm4b:s1+s2], $0x4000, $0x38;
	[tilespmem:$0x10000] =	vst v63  }
0x5b1: {  	_ =	swait.ge [sflag:s16], $0x4000  }
0x5b2: {  	s1 =	sld [smem:$0x7B0]  }
0x5b3: {  	[sflag:s16] =	ssyncset.done $0x0  }
0x5b4: {  	[sflag:s16] =	ssyncadd.s32 $0xFFFFC000  }
0x5b5: {  	[hbm4b:s1+s2] =	stream.linear.scatter [tilespmem:s6], [sflag:$0x8], $0x4000, $0x38;
	[tilespmem:$0x10000] =	vst v63  }
0x5b6: {  	_ =	swait.ge [sflag:s7], $0x4000  }
0x5b7: {  	s1 =	sld [smem:$0x7B1]  }
0x5b8: {  	[sflag:s7] =	ssyncset.done $0x0  }
0x5b9: {  	[sflag:s7] =	ssyncadd.s32 $0xFFFFC000  }
0x5ba: {  	[tilespmem:s10], [sflag:$0x3] =	stream.linear.gather [hbm4b:s1+s2], $0x4000, $0x38;
	[tilespmem:$0x10000] =	vst v63  }
0x5bb: {  	_ =	swait.ge [sflag:s21], $0x4000  }
0x5bc: {  	s1 =	sld [smem:$0x7B2]  }
0x5bd: {  	[sflag:s21] =	ssyncset.done $0x0  }
0x5be: {  	[sflag:s21] =	ssyncadd.s32 $0xFFFFC000  }
0x5bf: {  	[hbm4b:s1+s2] =	stream.linear.scatter [tilespmem:s2], [sflag:$0x5], $0x4000, $0x38;
	[tilespmem:$0x10000] =	vst v63  }
0x5c0: {  	_ =	swait.ge [sflag:s5], $0x4000  }
0x5c1: {  	s1 =	sld [smem:$0x7B3]  }
0x5c2: {  	[sflag:s5] =	ssyncset.done $0x0  }
0x5c3: {  	[sflag:s5] =	ssyncadd.s32 $0xFFFFC000  }
0x5c4: {  	[tilespmem:s6], [sflag:$0x4] =	stream.linear.gather [hbm4b:s1+s2], $0x4000, $0x38;
	[tilespmem:$0x10000] =	vst v63  }
0x5c5: {  	_ =	swait.ge [sflag:s17], $0x4000  }
0x5c6: {  	s1 =	sld [smem:$0x7B4]  }
0x5c7: {  	[sflag:s17] =	ssyncset.done $0x0  }
0x5c8: {  	[sflag:s17] =	ssyncadd.s32 $0xFFFFC000  }
0x5c9: {  	[hbm4b:s1+s2] =	stream.linear.scatter [tilespmem:s13], [sflag:$0x6], $0x4000, $0x38;
	[tilespmem:$0x10000] =	vst v63  }
0x5ca: {  	_ =	swait.ge [sflag:s11], $0x4000  }
0x5cb: {  	s1 =	sld [smem:$0x7B5]  }
0x5cc: {  	[sflag:s11] =	ssyncset.done $0x0  }
0x5cd: {  	[sflag:s11] =	ssyncadd.s32 $0xFFFFC000  }
0x5ce: {  	[tilespmem:s2], [sflag:$0x1] =	stream.linear.gather [hbm4b:s1+s2], $0x4000, $0x38;
	[tilespmem:$0x10000] =	vst v63  }
0x5cf: {  	_ =	swait.ge [sflag:s18], $0x4000  }
0x5d0: {  	s1 =	sld [smem:$0x7B6]  }
0x5d1: {  	[sflag:s18] =	ssyncset.done $0x0  }
0x5d2: {  	[sflag:s18] =	ssyncadd.s32 $0xFFFFC000  }
0x5d3: {  	[hbm4b:s1+s2] =	stream.linear.scatter [tilespmem:s10], [sflag:$0x7], $0x4000, $0x38;
	[tilespmem:$0x10000] =	vst v63  }
0x5d4: {  	_ =	swait.ge [sflag:s9], $0x4000  }
0x5d5: {  	s1 =	sld [smem:$0x7B7]  }
0x5d6: {  	[sflag:s9] =	ssyncset.done $0x0  }
0x5d7: {  	[sflag:s9] =	ssyncadd.s32 $0xFFFFC000  }
0x5d8: {  	[tilespmem:s13], [sflag:$0x2] =	stream.linear.gather [hbm4b:s1+s2], $0x4000, $0x38;
	[tilespmem:$0x10000] =	vst v63  }
0x5d9: {  	_ =	swait.ge [sflag:s16], $0x4000  }
0x5da: {  	s1 =	sld [smem:$0x7B8]  }
0x5db: {  	[sflag:s16] =	ssyncset.done $0x0  }
0x5dc: {  	[sflag:s16] =	ssyncadd.s32 $0xFFFFC000  }
0x5dd: {  	[hbm4b:s1+s2] =	stream.linear.scatter [tilespmem:s6], [sflag:$0x8], $0x4000, $0x38;
	[tilespmem:$0x10000] =	vst v63  }
0x5de: {  	_ =	swait.ge [sflag:s7], $0x4000  }
0x5df: {  	s1 =	sld [smem:$0x7B9]  }
0x5e0: {  	[sflag:s7] =	ssyncset.done $0x0  }
0x5e1: {  	[sflag:s7] =	ssyncadd.s32 $0xFFFFC000  }
0x5e2: {  	[tilespmem:s10], [sflag:$0x3] =	stream.linear.gather [hbm4b:s1+s2], $0x4000, $0x38;
	[tilespmem:$0x10000] =	vst v63  }
0x5e3: {  	_ =	swait.ge [sflag:s21], $0x4000  }
0x5e4: {  	s1 =	sld [smem:$0x7BA]  }
0x5e5: {  	[sflag:s21] =	ssyncset.done $0x0  }
0x5e6: {  	[sflag:s21] =	ssyncadd.s32 $0xFFFFC000  }
0x5e7: {  	[hbm4b:s1+s2] =	stream.linear.scatter [tilespmem:s2], [sflag:$0x5], $0x4000, $0x38;
	[tilespmem:$0x10000] =	vst v63  }
0x5e8: {  	_ =	swait.ge [sflag:s5], $0x4000  }
0x5e9: {  	s1 =	sld [smem:$0x7BB]  }
0x5ea: {  	[sflag:s5] =	ssyncset.done $0x0  }
0x5eb: {  	[sflag:s5] =	ssyncadd.s32 $0xFFFFC000  }
0x5ec: {  	[tilespmem:s6], [sflag:$0x4] =	stream.linear.gather [hbm4b:s1+s2], $0x4000, $0x38;
	[tilespmem:$0x10000] =	vst v63  }
0x5ed: {  	_ =	swait.ge [sflag:s17], $0x4000  }
0x5ee: {  	s1 =	sld [smem:$0x7BC]  }
0x5ef: {  	[sflag:s17] =	ssyncset.done $0x0  }
0x5f0: {  	[sflag:s17] =	ssyncadd.s32 $0xFFFFC000  }
0x5f1: {  	[hbm4b:s1+s2] =	stream.linear.scatter [tilespmem:s13], [sflag:$0x6], $0x4000, $0x38;
	[tilespmem:$0x10000] =	vst v63  }
0x5f2: {  	_ =	swait.ge [sflag:s11], $0x4000  }
0x5f3: {  	s1 =	sld [smem:$0x7BD]  }
0x5f4: {  	[sflag:s11] =	ssyncset.done $0x0  }
0x5f5: {  	[sflag:s11] =	ssyncadd.s32 $0xFFFFC000  }
0x5f6: {  	[tilespmem:s2], [sflag:$0x1] =	stream.linear.gather [hbm4b:s1+s2], $0x4000, $0x38;
	[tilespmem:$0x10000] =	vst v63  }
0x5f7: {  	_ =	swait.ge [sflag:s18], $0x4000  }
0x5f8: {  	s1 =	sld [smem:$0x7BE]  }
0x5f9: {  	[sflag:s18] =	ssyncset.done $0x0  }
0x5fa: {  	[sflag:s18] =	ssyncadd.s32 $0xFFFFC000  }
0x5fb: {  	[hbm4b:s1+s2] =	stream.linear.scatter [tilespmem:s10], [sflag:$0x7], $0x4000, $0x38;
	[tilespmem:$0x10000] =	vst v63  }
0x5fc: {  	_ =	swait.ge [sflag:s9], $0x4000  }
0x5fd: {  	s1 =	sld [smem:$0x7BF]  }
0x5fe: {  	[sflag:s9] =	ssyncset.done $0x0  }
0x5ff: {  	[sflag:s9] =	ssyncadd.s32 $0xFFFFC000  }
0x600: {  	[tilespmem:s13], [sflag:$0x2] =	stream.linear.gather [hbm4b:s1+s2], $0x4000, $0x38;
	[tilespmem:$0x10000] =	vst v63  }
0x601: {  	_ =	swait.ge [sflag:s16], $0x4000  }
0x602: {  	s1 =	sld [smem:$0x7C0]  }
0x603: {  	[sflag:s16] =	ssyncset.done $0x0  }
0x604: {  	[sflag:s16] =	ssyncadd.s32 $0xFFFFC000  }
0x605: {  	[hbm4b:s1+s2] =	stream.linear.scatter [tilespmem:s6], [sflag:$0x8], $0x4000, $0x38;
	[tilespmem:$0x10000] =	vst v63  }
0x606: {  	_ =	swait.ge [sflag:s7], $0x4000  }
0x607: {  	s1 =	sld [smem:$0x7C1]  }
0x608: {  	[sflag:s7] =	ssyncset.done $0x0  }
0x609: {  	[sflag:s7] =	ssyncadd.s32 $0xFFFFC000  }
0x60a: {  	[tilespmem:s10], [sflag:$0x3] =	stream.linear.gather [hbm4b:s1+s2], $0x4000, $0x38;
	[tilespmem:$0x10000] =	vst v63  }
0x60b: {  	_ =	swait.ge [sflag:s21], $0x4000  }
0x60c: {  	s1 =	sld [smem:$0x7C2]  }
0x60d: {  	[sflag:s21] =	ssyncset.done $0x0  }
0x60e: {  	[sflag:s21] =	ssyncadd.s32 $0xFFFFC000  }
0x60f: {  	[hbm4b:s1+s2] =	stream.linear.scatter [tilespmem:s2], [sflag:$0x5], $0x4000, $0x38;
	[tilespmem:$0x10000] =	vst v63  }
0x610: {  	_ =	swait.ge [sflag:s5], $0x4000  }
0x611: {  	s1 =	sld [smem:$0x7C3]  }
0x612: {  	[sflag:s5] =	ssyncset.done $0x0  }
0x613: {  	[sflag:s5] =	ssyncadd.s32 $0xFFFFC000  }
0x614: {  	[tilespmem:s6], [sflag:$0x4] =	stream.linear.gather [hbm4b:s1+s2], $0x4000, $0x38;
	[tilespmem:$0x10000] =	vst v63  }
0x615: {  	_ =	swait.ge [sflag:s17], $0x4000  }
0x616: {  	s1 =	sld [smem:$0x7C4]  }
0x617: {  	[sflag:s17] =	ssyncset.done $0x0  }
0x618: {  	[sflag:s17] =	ssyncadd.s32 $0xFFFFC000  }
0x619: {  	[hbm4b:s1+s2] =	stream.linear.scatter [tilespmem:s13], [sflag:$0x6], $0x4000, $0x38;
	[tilespmem:$0x10000] =	vst v63  }
0x61a: {  	_ =	swait.ge [sflag:s11], $0x4000  }
0x61b: {  	s1 =	sld [smem:$0x7C5]  }
0x61c: {  	[sflag:s11] =	ssyncset.done $0x0  }
0x61d: {  	[sflag:s11] =	ssyncadd.s32 $0xFFFFC000  }
0x61e: {  	[tilespmem:s2], [sflag:$0x1] =	stream.linear.gather [hbm4b:s1+s2], $0x4000, $0x38;
	[tilespmem:$0x10000] =	vst v63  }
0x61f: {  	_ =	swait.ge [sflag:s18], $0x4000  }
0x620: {  	s1 =	sld [smem:$0x7C6]  }
0x621: {  	[sflag:s18] =	ssyncset.done $0x0  }
0x622: {  	[sflag:s18] =	ssyncadd.s32 $0xFFFFC000  }
0x623: {  	[hbm4b:s1+s2] =	stream.linear.scatter [tilespmem:s10], [sflag:$0x7], $0x4000, $0x38;
	[tilespmem:$0x10000] =	vst v63  }
0x624: {  	_ =	swait.ge [sflag:s9], $0x4000  }
0x625: {  	s1 =	sld [smem:$0x7C7]  }
0x626: {  	[sflag:s9] =	ssyncset.done $0x0  }
0x627: {  	[sflag:s9] =	ssyncadd.s32 $0xFFFFC000  }
0x628: {  	[tilespmem:s13], [sflag:$0x2] =	stream.linear.gather [hbm4b:s1+s2], $0x4000, $0x38;
	[tilespmem:$0x10000] =	vst v63  }
0x629: {  	_ =	swait.ge [sflag:s16], $0x4000  }
0x62a: {  	s1 =	sld [smem:$0x7C8]  }
0x62b: {  	[sflag:s16] =	ssyncset.done $0x0  }
0x62c: {  	[sflag:s16] =	ssyncadd.s32 $0xFFFFC000  }
0x62d: {  	[hbm4b:s1+s2] =	stream.linear.scatter [tilespmem:s6], [sflag:$0x8], $0x4000, $0x38;
	[tilespmem:$0x10000] =	vst v63  }
0x62e: {  	_ =	swait.ge [sflag:s7], $0x4000  }
0x62f: {  	s1 =	sld [smem:$0x7C9]  }
0x630: {  	[sflag:s7] =	ssyncset.done $0x0  }
0x631: {  	[sflag:s7] =	ssyncadd.s32 $0xFFFFC000  }
0x632: {  	[tilespmem:s10], [sflag:$0x3] =	stream.linear.gather [hbm4b:s1+s2], $0x4000, $0x38;
	[tilespmem:$0x10000] =	vst v63  }
0x633: {  	_ =	swait.ge [sflag:s21], $0x4000  }
0x634: {  	s1 =	sld [smem:$0x7CA]  }
0x635: {  	[sflag:s21] =	ssyncset.done $0x0  }
0x636: {  	[sflag:s21] =	ssyncadd.s32 $0xFFFFC000  }
0x637: {  	[hbm4b:s1+s2] =	stream.linear.scatter [tilespmem:s2], [sflag:$0x5], $0x4000, $0x38;
	[tilespmem:$0x10000] =	vst v63  }
0x638: {  	_ =	swait.ge [sflag:s5], $0x4000  }
0x639: {  	s1 =	sld [smem:$0x7CB]  }
0x63a: {  	[sflag:s5] =	ssyncset.done $0x0  }
0x63b: {  	[sflag:s5] =	ssyncadd.s32 $0xFFFFC000  }
0x63c: {  	[tilespmem:s6], [sflag:$0x4] =	stream.linear.gather [hbm4b:s1+s2], $0x4000, $0x38;
	[tilespmem:$0x10000] =	vst v63  }
0x63d: {  	_ =	swait.ge [sflag:s17], $0x4000  }
0x63e: {  	s1 =	sld [smem:$0x7CC]  }
0x63f: {  	[sflag:s17] =	ssyncset.done $0x0  }
0x640: {  	[sflag:s17] =	ssyncadd.s32 $0xFFFFC000  }
0x641: {  	[hbm4b:s1+s2] =	stream.linear.scatter [tilespmem:s13], [sflag:$0x6], $0x4000, $0x38;
	[tilespmem:$0x10000] =	vst v63  }
0x642: {  	_ =	swait.ge [sflag:s11], $0x4000  }
0x643: {  	s1 =	sld [smem:$0x7CD]  }
0x644: {  	[sflag:s11] =	ssyncset.done $0x0  }
0x645: {  	[sflag:s11] =	ssyncadd.s32 $0xFFFFC000  }
0x646: {  	[tilespmem:s2], [sflag:$0x1] =	stream.linear.gather [hbm4b:s1+s2], $0x4000, $0x38;
	[tilespmem:$0x10000] =	vst v63  }
0x647: {  	_ =	swait.ge [sflag:s18], $0x4000  }
0x648: {  	s1 =	sld [smem:$0x7CE]  }
0x649: {  	[sflag:s18] =	ssyncset.done $0x0  }
0x64a: {  	[sflag:s18] =	ssyncadd.s32 $0xFFFFC000  }
0x64b: {  	[hbm4b:s1+s2] =	stream.linear.scatter [tilespmem:s10], [sflag:$0x7], $0x4000, $0x38;
	[tilespmem:$0x10000] =	vst v63  }
0x64c: {  	_ =	swait.ge [sflag:s9], $0x4000  }
0x64d: {  	s1 =	sld [smem:$0x7CF]  }
0x64e: {  	[sflag:s9] =	ssyncset.done $0x0  }
0x64f: {  	[sflag:s9] =	ssyncadd.s32 $0xFFFFC000  }
0x650: {  	[tilespmem:s13], [sflag:$0x2] =	stream.linear.gather [hbm4b:s1+s2], $0x4000, $0x38;
	[tilespmem:$0x10000] =	vst v63  }
0x651: {  	_ =	swait.ge [sflag:s16], $0x4000  }
0x652: {  	s1 =	sld [smem:$0x7D0]  }
0x653: {  	[sflag:s16] =	ssyncset.done $0x0  }
0x654: {  	[sflag:s16] =	ssyncadd.s32 $0xFFFFC000  }
0x655: {  	[hbm4b:s1+s2] =	stream.linear.scatter [tilespmem:s6], [sflag:$0x8], $0x4000, $0x38;
	[tilespmem:$0x10000] =	vst v63  }
0x656: {  	_ =	swait.ge [sflag:s7], $0x4000  }
0x657: {  	s1 =	sld [smem:$0x7D1]  }
0x658: {  	[sflag:s7] =	ssyncset.done $0x0  }
0x659: {  	[sflag:s7] =	ssyncadd.s32 $0xFFFFC000  }
0x65a: {  	[tilespmem:s10], [sflag:$0x3] =	stream.linear.gather [hbm4b:s1+s2], $0x4000, $0x38;
	[tilespmem:$0x10000] =	vst v63  }
0x65b: {  	_ =	swait.ge [sflag:s21], $0x4000  }
0x65c: {  	s1 =	sld [smem:$0x7D2]  }
0x65d: {  	[sflag:s21] =	ssyncset.done $0x0  }
0x65e: {  	[sflag:s21] =	ssyncadd.s32 $0xFFFFC000  }
0x65f: {  	[hbm4b:s1+s2] =	stream.linear.scatter [tilespmem:s2], [sflag:$0x5], $0x4000, $0x38;
	[tilespmem:$0x10000] =	vst v63  }
0x660: {  	_ =	swait.ge [sflag:s5], $0x4000  }
0x661: {  	s1 =	sld [smem:$0x7D3]  }
0x662: {  	[sflag:s5] =	ssyncset.done $0x0  }
0x663: {  	[sflag:s5] =	ssyncadd.s32 $0xFFFFC000  }
0x664: {  	[tilespmem:s6], [sflag:$0x4] =	stream.linear.gather [hbm4b:s1+s2], $0x4000, $0x38;
	[tilespmem:$0x10000] =	vst v63  }
0x665: {  	_ =	swait.ge [sflag:s17], $0x4000  }
0x666: {  	s1 =	sld [smem:$0x7D4]  }
0x667: {  	[sflag:s17] =	ssyncset.done $0x0  }
0x668: {  	[sflag:s17] =	ssyncadd.s32 $0xFFFFC000  }
0x669: {  	[hbm4b:s1+s2] =	stream.linear.scatter [tilespmem:s13], [sflag:$0x6], $0x4000, $0x38;
	[tilespmem:$0x10000] =	vst v63  }
0x66a: {  	_ =	swait.ge [sflag:s11], $0x4000  }
0x66b: {  	s1 =	sld [smem:$0x7D5]  }
0x66c: {  	[sflag:s11] =	ssyncset.done $0x0  }
0x66d: {  	[sflag:s11] =	ssyncadd.s32 $0xFFFFC000  }
0x66e: {  	[tilespmem:s2], [sflag:$0x1] =	stream.linear.gather [hbm4b:s1+s2], $0x4000, $0x38;
	[tilespmem:$0x10000] =	vst v63  }
0x66f: {  	_ =	swait.ge [sflag:s18], $0x4000  }
0x670: {  	s1 =	sld [smem:$0x7D6]  }
0x671: {  	[sflag:s18] =	ssyncset.done $0x0  }
0x672: {  	[sflag:s18] =	ssyncadd.s32 $0xFFFFC000  }
0x673: {  	[hbm4b:s1+s2] =	stream.linear.scatter [tilespmem:s10], [sflag:$0x7], $0x4000, $0x38;
	[tilespmem:$0x10000] =	vst v63  }
0x674: {  	_ =	swait.ge [sflag:s9], $0x4000  }
0x675: {  	s1 =	sld [smem:$0x7D7]  }
0x676: {  	[sflag:s9] =	ssyncset.done $0x0  }
0x677: {  	[sflag:s9] =	ssyncadd.s32 $0xFFFFC000  }
0x678: {  	[tilespmem:s13], [sflag:$0x2] =	stream.linear.gather [hbm4b:s1+s2], $0x4000, $0x38;
	[tilespmem:$0x10000] =	vst v63  }
0x679: {  	_ =	swait.ge [sflag:s16], $0x4000  }
0x67a: {  	s1 =	sld [smem:$0x7D8]  }
0x67b: {  	[sflag:s16] =	ssyncset.done $0x0  }
0x67c: {  	[sflag:s16] =	ssyncadd.s32 $0xFFFFC000  }
0x67d: {  	[hbm4b:s1+s2] =	stream.linear.scatter [tilespmem:s6], [sflag:$0x8], $0x4000, $0x38;
	[tilespmem:$0x10000] =	vst v63  }
0x67e: {  	_ =	swait.ge [sflag:s7], $0x4000  }
0x67f: {  	s1 =	sld [smem:$0x7D9]  }
0x680: {  	[sflag:s7] =	ssyncset.done $0x0  }
0x681: {  	[sflag:s7] =	ssyncadd.s32 $0xFFFFC000  }
0x682: {  	[tilespmem:s10], [sflag:$0x3] =	stream.linear.gather [hbm4b:s1+s2], $0x4000, $0x38;
	[tilespmem:$0x10000] =	vst v63  }
0x683: {  	_ =	swait.ge [sflag:s21], $0x4000  }
0x684: {  	s1 =	sld [smem:$0x7DA]  }
0x685: {  	[sflag:s21] =	ssyncset.done $0x0  }
0x686: {  	[sflag:s21] =	ssyncadd.s32 $0xFFFFC000  }
0x687: {  	[hbm4b:s1+s2] =	stream.linear.scatter [tilespmem:s2], [sflag:$0x5], $0x4000, $0x38;
	[tilespmem:$0x10000] =	vst v63  }
0x688: {  	_ =	swait.ge [sflag:s5], $0x4000  }
0x689: {  	s1 =	sld [smem:$0x7DB]  }
0x68a: {  	[sflag:s5] =	ssyncset.done $0x0  }
0x68b: {  	[sflag:s5] =	ssyncadd.s32 $0xFFFFC000  }
0x68c: {  	[tilespmem:s6], [sflag:$0x4] =	stream.linear.gather [hbm4b:s1+s2], $0x4000, $0x38;
	[tilespmem:$0x10000] =	vst v63  }
0x68d: {  	_ =	swait.ge [sflag:s17], $0x4000  }
0x68e: {  	s1 =	sld [smem:$0x7DC]  }
0x68f: {  	[sflag:s17] =	ssyncset.done $0x0  }
0x690: {  	[sflag:s17] =	ssyncadd.s32 $0xFFFFC000  }
0x691: {  	[hbm4b:s1+s2] =	stream.linear.scatter [tilespmem:s13], [sflag:$0x6], $0x4000, $0x38;
	[tilespmem:$0x10000] =	vst v63  }
0x692: {  	_ =	swait.ge [sflag:s11], $0x4000  }
0x693: {  	s1 =	sld [smem:$0x7DD]  }
0x694: {  	[sflag:s11] =	ssyncset.done $0x0  }
0x695: {  	[sflag:s11] =	ssyncadd.s32 $0xFFFFC000  }
0x696: {  	[tilespmem:s2], [sflag:$0x1] =	stream.linear.gather [hbm4b:s1+s2], $0x4000, $0x38;
	[tilespmem:$0x10000] =	vst v63  }
0x697: {  	_ =	swait.ge [sflag:s18], $0x4000  }
0x698: {  	s1 =	sld [smem:$0x7DE]  }
0x699: {  	[sflag:s18] =	ssyncset.done $0x0  }
0x69a: {  	[sflag:s18] =	ssyncadd.s32 $0xFFFFC000  }
0x69b: {  	[hbm4b:s1+s2] =	stream.linear.scatter [tilespmem:s10], [sflag:$0x7], $0x4000, $0x38;
	[tilespmem:$0x10000] =	vst v63  }
0x69c: {  	_ =	swait.ge [sflag:s9], $0x4000  }
0x69d: {  	s1 =	sld [smem:$0x7DF]  }
0x69e: {  	[sflag:s9] =	ssyncset.done $0x0  }
0x69f: {  	[sflag:s9] =	ssyncadd.s32 $0xFFFFC000  }
0x6a0: {  	[tilespmem:s13], [sflag:$0x2] =	stream.linear.gather [hbm4b:s1+s2], $0x4000, $0x38;
	[tilespmem:$0x10000] =	vst v63  }
0x6a1: {  	_ =	swait.ge [sflag:s16], $0x4000  }
0x6a2: {  	s1 =	sld [smem:$0x7E0]  }
0x6a3: {  	[sflag:s16] =	ssyncset.done $0x0  }
0x6a4: {  	[sflag:s16] =	ssyncadd.s32 $0xFFFFC000  }
0x6a5: {  	[hbm4b:s1+s2] =	stream.linear.scatter [tilespmem:s6], [sflag:$0x8], $0x4000, $0x38;
	[tilespmem:$0x10000] =	vst v63  }
0x6a6: {  	_ =	swait.ge [sflag:s7], $0x4000  }
0x6a7: {  	s1 =	sld [smem:$0x7E1]  }
0x6a8: {  	[sflag:s7] =	ssyncset.done $0x0  }
0x6a9: {  	[sflag:s7] =	ssyncadd.s32 $0xFFFFC000  }
0x6aa: {  	[tilespmem:s10], [sflag:$0x3] =	stream.linear.gather [hbm4b:s1+s2], $0x4000, $0x38;
	[tilespmem:$0x10000] =	vst v63  }
0x6ab: {  	_ =	swait.ge [sflag:s21], $0x4000  }
0x6ac: {  	s1 =	sld [smem:$0x7E2]  }
0x6ad: {  	[sflag:s21] =	ssyncset.done $0x0  }
0x6ae: {  	[sflag:s21] =	ssyncadd.s32 $0xFFFFC000  }
0x6af: {  	[hbm4b:s1+s2] =	stream.linear.scatter [tilespmem:s2], [sflag:$0x5], $0x4000, $0x38;
	[tilespmem:$0x10000] =	vst v63  }
0x6b0: {  	_ =	swait.ge [sflag:s5], $0x4000  }
0x6b1: {  	s1 =	sld [smem:$0x7E3]  }
0x6b2: {  	[sflag:s5] =	ssyncset.done $0x0  }
0x6b3: {  	[sflag:s5] =	ssyncadd.s32 $0xFFFFC000  }
0x6b4: {  	[tilespmem:s6], [sflag:$0x4] =	stream.linear.gather [hbm4b:s1+s2], $0x4000, $0x38;
	[tilespmem:$0x10000] =	vst v63  }
0x6b5: {  	_ =	swait.ge [sflag:s17], $0x4000  }
0x6b6: {  	s1 =	sld [smem:$0x7E4]  }
0x6b7: {  	[sflag:s17] =	ssyncset.done $0x0  }
0x6b8: {  	[sflag:s17] =	ssyncadd.s32 $0xFFFFC000  }
0x6b9: {  	[hbm4b:s1+s2] =	stream.linear.scatter [tilespmem:s13], [sflag:$0x6], $0x4000, $0x38;
	[tilespmem:$0x10000] =	vst v63  }
0x6ba: {  	_ =	swait.ge [sflag:s11], $0x4000  }
0x6bb: {  	s1 =	sld [smem:$0x7E5]  }
0x6bc: {  	[sflag:s11] =	ssyncset.done $0x0  }
0x6bd: {  	[sflag:s11] =	ssyncadd.s32 $0xFFFFC000  }
0x6be: {  	[tilespmem:s2], [sflag:$0x1] =	stream.linear.gather [hbm4b:s1+s2], $0x4000, $0x38;
	[tilespmem:$0x10000] =	vst v63  }
0x6bf: {  	_ =	swait.ge [sflag:s18], $0x4000  }
0x6c0: {  	s1 =	sld [smem:$0x7E6]  }
0x6c1: {  	[sflag:s18] =	ssyncset.done $0x0  }
0x6c2: {  	[sflag:s18] =	ssyncadd.s32 $0xFFFFC000  }
0x6c3: {  	[hbm4b:s1+s2] =	stream.linear.scatter [tilespmem:s10], [sflag:$0x7], $0x4000, $0x38;
	[tilespmem:$0x10000] =	vst v63  }
0x6c4: {  	_ =	swait.ge [sflag:s9], $0x4000  }
0x6c5: {  	s1 =	sld [smem:$0x7E7]  }
0x6c6: {  	[sflag:s9] =	ssyncset.done $0x0  }
0x6c7: {  	[sflag:s9] =	ssyncadd.s32 $0xFFFFC000  }
0x6c8: {  	[tilespmem:s13], [sflag:$0x2] =	stream.linear.gather [hbm4b:s1+s2], $0x4000, $0x38;
	[tilespmem:$0x10000] =	vst v63  }
0x6c9: {  	_ =	swait.ge [sflag:s16], $0x4000  }
0x6ca: {  	s1 =	sld [smem:$0x7E8]  }
0x6cb: {  	[sflag:s16] =	ssyncset.done $0x0  }
0x6cc: {  	[sflag:s16] =	ssyncadd.s32 $0xFFFFC000  }
0x6cd: {  	[hbm4b:s1+s2] =	stream.linear.scatter [tilespmem:s6], [sflag:$0x8], $0x4000, $0x38;
	[tilespmem:$0x10000] =	vst v63  }
0x6ce: {  	_ =	swait.ge [sflag:s7], $0x4000  }
0x6cf: {  	s1 =	sld [smem:$0x7E9]  }
0x6d0: {  	[sflag:s7] =	ssyncset.done $0x0  }
0x6d1: {  	[sflag:s7] =	ssyncadd.s32 $0xFFFFC000  }
0x6d2: {  	[tilespmem:s10], [sflag:$0x3] =	stream.linear.gather [hbm4b:s1+s2], $0x4000, $0x38;
	[tilespmem:$0x10000] =	vst v63  }
0x6d3: {  	_ =	swait.ge [sflag:s21], $0x4000  }
0x6d4: {  	s1 =	sld [smem:$0x7EA]  }
0x6d5: {  	[sflag:s21] =	ssyncset.done $0x0  }
0x6d6: {  	[sflag:s21] =	ssyncadd.s32 $0xFFFFC000  }
0x6d7: {  	[hbm4b:s1+s2] =	stream.linear.scatter [tilespmem:s2], [sflag:$0x5], $0x4000, $0x38;
	[tilespmem:$0x10000] =	vst v63  }
0x6d8: {  	_ =	swait.ge [sflag:s5], $0x4000  }
0x6d9: {  	s1 =	sld [smem:$0x7EB]  }
0x6da: {  	[sflag:s5] =	ssyncset.done $0x0  }
0x6db: {  	[sflag:s5] =	ssyncadd.s32 $0xFFFFC000  }
0x6dc: {  	[tilespmem:s6], [sflag:$0x4] =	stream.linear.gather [hbm4b:s1+s2], $0x4000, $0x38;
	[tilespmem:$0x10000] =	vst v63  }
0x6dd: {  	_ =	swait.ge [sflag:s17], $0x4000  }
0x6de: {  	s1 =	sld [smem:$0x7EC]  }
0x6df: {  	[sflag:s17] =	ssyncset.done $0x0  }
0x6e0: {  	[sflag:s17] =	ssyncadd.s32 $0xFFFFC000  }
0x6e1: {  	[hbm4b:s1+s2] =	stream.linear.scatter [tilespmem:s13], [sflag:$0x6], $0x4000, $0x38;
	[tilespmem:$0x10000] =	vst v63  }
0x6e2: {  	_ =	swait.ge [sflag:s11], $0x4000  }
0x6e3: {  	s1 =	sld [smem:$0x7ED]  }
0x6e4: {  	[sflag:s11] =	ssyncset.done $0x0  }
0x6e5: {  	[sflag:s11] =	ssyncadd.s32 $0xFFFFC000  }
0x6e6: {  	[tilespmem:s2], [sflag:$0x1] =	stream.linear.gather [hbm4b:s1+s2], $0x4000, $0x38;
	[tilespmem:$0x10000] =	vst v63  }
0x6e7: {  	_ =	swait.ge [sflag:s18], $0x4000  }
0x6e8: {  	s1 =	sld [smem:$0x7EE]  }
0x6e9: {  	[sflag:s18] =	ssyncset.done $0x0  }
0x6ea: {  	[sflag:s18] =	ssyncadd.s32 $0xFFFFC000  }
0x6eb: {  	[hbm4b:s1+s2] =	stream.linear.scatter [tilespmem:s10], [sflag:$0x7], $0x4000, $0x38;
	[tilespmem:$0x10000] =	vst v63  }
0x6ec: {  	_ =	swait.ge [sflag:s9], $0x4000  }
0x6ed: {  	s1 =	sld [smem:$0x7EF]  }
0x6ee: {  	[sflag:s9] =	ssyncset.done $0x0  }
0x6ef: {  	[sflag:s9] =	ssyncadd.s32 $0xFFFFC000  }
0x6f0: {  	[tilespmem:s13], [sflag:$0x2] =	stream.linear.gather [hbm4b:s1+s2], $0x4000, $0x38;
	[tilespmem:$0x10000] =	vst v63  }
0x6f1: {  	_ =	swait.ge [sflag:s16], $0x4000  }
0x6f2: {  	s1 =	sld [smem:$0x7F0]  }
0x6f3: {  	[sflag:s16] =	ssyncset.done $0x0  }
0x6f4: {  	[sflag:s16] =	ssyncadd.s32 $0xFFFFC000  }
0x6f5: {  	[hbm4b:s1+s2] =	stream.linear.scatter [tilespmem:s6], [sflag:$0x8], $0x4000, $0x38;
	[tilespmem:$0x10000] =	vst v63  }
0x6f6: {  	_ =	swait.ge [sflag:s7], $0x4000  }
0x6f7: {  	s1 =	sld [smem:$0x7F1]  }
0x6f8: {  	[sflag:s7] =	ssyncset.done $0x0  }
0x6f9: {  	[sflag:s7] =	ssyncadd.s32 $0xFFFFC000  }
0x6fa: {  	[tilespmem:s10], [sflag:$0x3] =	stream.linear.gather [hbm4b:s1+s2], $0x4000, $0x38;
	[tilespmem:$0x10000] =	vst v63  }
0x6fb: {  	_ =	swait.ge [sflag:s21], $0x4000  }
0x6fc: {  	s1 =	sld [smem:$0x7F2]  }
0x6fd: {  	[sflag:s21] =	ssyncset.done $0x0  }
0x6fe: {  	[sflag:s21] =	ssyncadd.s32 $0xFFFFC000  }
0x6ff: {  	[hbm4b:s1+s2] =	stream.linear.scatter [tilespmem:s2], [sflag:$0x5], $0x4000, $0x38;
	[tilespmem:$0x10000] =	vst v63  }
0x700: {  	_ =	swait.ge [sflag:s5], $0x4000  }
0x701: {  	s1 =	sld [smem:$0x7F3]  }
0x702: {  	[sflag:s5] =	ssyncset.done $0x0  }
0x703: {  	[sflag:s5] =	ssyncadd.s32 $0xFFFFC000  }
0x704: {  	[tilespmem:s6], [sflag:$0x4] =	stream.linear.gather [hbm4b:s1+s2], $0x4000, $0x38;
	[tilespmem:$0x10000] =	vst v63  }
0x705: {  	_ =	swait.ge [sflag:s17], $0x4000  }
0x706: {  	s1 =	sld [smem:$0x7F4]  }
0x707: {  	[sflag:s17] =	ssyncset.done $0x0  }
0x708: {  	[sflag:s17] =	ssyncadd.s32 $0xFFFFC000  }
0x709: {  	[hbm4b:s1+s2] =	stream.linear.scatter [tilespmem:s13], [sflag:$0x6], $0x4000, $0x38;
	[tilespmem:$0x10000] =	vst v63  }
0x70a: {  	_ =	swait.ge [sflag:s11], $0x4000  }
0x70b: {  	s1 =	sld [smem:$0x7F5]  }
0x70c: {  	[sflag:s11] =	ssyncset.done $0x0  }
0x70d: {  	[sflag:s11] =	ssyncadd.s32 $0xFFFFC000  }
0x70e: {  	[tilespmem:s2], [sflag:$0x1] =	stream.linear.gather [hbm4b:s1+s2], $0x4000, $0x38;
	[tilespmem:$0x10000] =	vst v63  }
0x70f: {  	_ =	swait.ge [sflag:s18], $0x4000  }
0x710: {  	s1 =	sld [smem:$0x7F6]  }
0x711: {  	[sflag:s18] =	ssyncset.done $0x0  }
0x712: {  	[sflag:s18] =	ssyncadd.s32 $0xFFFFC000  }
0x713: {  	[hbm4b:s1+s2] =	stream.linear.scatter [tilespmem:s10], [sflag:$0x7], $0x4000, $0x38;
	[tilespmem:$0x10000] =	vst v63  }
0x714: {  	_ =	swait.ge [sflag:s9], $0x4000  }
0x715: {  	s1 =	sld [smem:$0x7F7]  }
0x716: {  	[sflag:s9] =	ssyncset.done $0x0  }
0x717: {  	[sflag:s9] =	ssyncadd.s32 $0xFFFFC000  }
0x718: {  	[tilespmem:s13], [sflag:$0x2] =	stream.linear.gather [hbm4b:s1+s2], $0x4000, $0x38;
	[tilespmem:$0x10000] =	vst v63  }
0x719: {  	_ =	swait.ge [sflag:s16], $0x4000  }
0x71a: {  	s1 =	sld [smem:$0x7F8]  }
0x71b: {  	[sflag:s16] =	ssyncset.done $0x0  }
0x71c: {  	[sflag:s16] =	ssyncadd.s32 $0xFFFFC000  }
0x71d: {  	[hbm4b:s1+s2] =	stream.linear.scatter [tilespmem:s6], [sflag:$0x8], $0x4000, $0x38;
	[tilespmem:$0x10000] =	vst v63  }
0x71e: {  	_ =	swait.ge [sflag:s7], $0x4000  }
0x71f: {  	s1 =	sld [smem:$0x7F9]  }
0x720: {  	[sflag:s7] =	ssyncset.done $0x0  }
0x721: {  	[sflag:s7] =	ssyncadd.s32 $0xFFFFC000  }
0x722: {  	[tilespmem:s10], [sflag:$0x3] =	stream.linear.gather [hbm4b:s1+s2], $0x4000, $0x38;
	[tilespmem:$0x10000] =	vst v63  }
0x723: {  	_ =	swait.ge [sflag:s21], $0x4000  }
0x724: {  	s1 =	sld [smem:$0x7FA]  }
0x725: {  	[sflag:s21] =	ssyncset.done $0x0  }
0x726: {  	[sflag:s21] =	ssyncadd.s32 $0xFFFFC000  }
0x727: {  	[hbm4b:s1+s2] =	stream.linear.scatter [tilespmem:s2], [sflag:$0x5], $0x4000, $0x38;
	[tilespmem:$0x10000] =	vst v63  }
0x728: {  	_ =	swait.ge [sflag:s5], $0x4000  }
0x729: {  	s1 =	sld [smem:$0x7FB]  }
0x72a: {  	[sflag:s5] =	ssyncset.done $0x0  }
0x72b: {  	[sflag:s5] =	ssyncadd.s32 $0xFFFFC000  }
0x72c: {  	[tilespmem:s6], [sflag:$0x4] =	stream.linear.gather [hbm4b:s1+s2], $0x4000, $0x38;
	[tilespmem:$0x10000] =	vst v63  }
0x72d: {  	_ =	swait.ge [sflag:s17], $0x4000  }
0x72e: {  	s1 =	sld [smem:$0x7FC]  }
0x72f: {  	[sflag:s17] =	ssyncset.done $0x0  }
0x730: {  	[sflag:s17] =	ssyncadd.s32 $0xFFFFC000  }
0x731: {  	[hbm4b:s1+s2] =	stream.linear.scatter [tilespmem:s13], [sflag:$0x6], $0x4000, $0x38;
	[tilespmem:$0x10000] =	vst v63  }
0x732: {  	_ =	swait.ge [sflag:s11], $0x4000  }
0x733: {  	s1 =	sld [smem:$0x7FD]  }
0x734: {  	[sflag:s11] =	ssyncset.done $0x0  }
0x735: {  	[sflag:s11] =	ssyncadd.s32 $0xFFFFC000  }
0x736: {  	[tilespmem:s2], [sflag:$0x1] =	stream.linear.gather [hbm4b:s1+s2], $0x4000, $0x38;
	[tilespmem:$0x10000] =	vst v63  }
0x737: {  	_ =	swait.ge [sflag:s18], $0x4000  }
0x738: {  	[sflag:s18] =	ssyncset.done $0x0  }
0x739: {  	[sflag:s18] =	ssyncadd.s32 $0xFFFFC000  }
0x73a: {  	[hbm4b:s31+s2] =	stream.linear.scatter [tilespmem:s10], [sflag:$0x7], $0x4000, $0x38;
	[tilespmem:$0x10000] =	vst v63  }
0x73b: {  	_ =	swait.ge [sflag:s9], $0x4000  }
0x73c: {  	[sflag:s9] =	ssyncset.done $0x0  }
0x73d: {  	[sflag:s9] =	ssyncadd.s32 $0xFFFFC000  }
0x73e: {  	[tilespmem:s13], [sflag:$0x2] =	stream.linear.gather [hbm4b:s30+s2], $0x4000, $0x38;
	[tilespmem:$0x10000] =	vst v63  }
0x73f: {  	_ =	swait.ge [sflag:s16], $0x4000  }
0x740: {  	[sflag:s16] =	ssyncset.done $0x0  }
0x741: {  	[sflag:s16] =	ssyncadd.s32 $0xFFFFC000  }
0x742: {  	[hbm4b:s29+s2] =	stream.linear.scatter [tilespmem:s6], [sflag:$0x8], $0x4000, $0x38;
	[tilespmem:$0x10000] =	vst v63  }
0x743: {  	_ =	swait.ge [sflag:s7], $0x4000  }
0x744: {  	[sflag:s7] =	ssyncset.done $0x0  }
0x745: {  	[sflag:s7] =	ssyncadd.s32 $0xFFFFC000  }
0x746: {  	[tilespmem:s10], [sflag:$0x3] =	stream.linear.gather [hbm4b:s28+s2], $0x4000, $0x38;
	[tilespmem:$0x10000] =	vst v63  }
0x747: {  	_ =	swait.ge [sflag:s21], $0x4000  }
0x748: {  	[sflag:s21] =	ssyncset.done $0x0  }
0x749: {  	[sflag:s21] =	ssyncadd.s32 $0xFFFFC000  }
0x74a: {  	[hbm4b:s26+s2] =	stream.linear.scatter [tilespmem:s2], [sflag:$0x5], $0x4000, $0x38;
	[tilespmem:$0x10000] =	vst v63  }
0x74b: {  	_ =	swait.ge [sflag:s5], $0x4000  }
0x74c: {  	[sflag:s5] =	ssyncset.done $0x0  }
0x74d: {  	[sflag:s5] =	ssyncadd.s32 $0xFFFFC000  }
0x74e: {  	[tilespmem:s6], [sflag:$0x4] =	stream.linear.gather [hbm4b:s25+s2], $0x4000, $0x38;
	[tilespmem:$0x10000] =	vst v63  }
0x74f: {  	_ =	swait.ge [sflag:s17], $0x4000  }
0x750: {  	[sflag:s17] =	ssyncset.done $0x0  }
0x751: {  	[sflag:s17] =	ssyncadd.s32 $0xFFFFC000  }
0x752: {  	[hbm4b:s24+s2] =	stream.linear.scatter [tilespmem:s13], [sflag:$0x6], $0x4000, $0x38;
	[tilespmem:$0x10000] =	vst v63  }
0x753: {  	_ =	swait.ge [sflag:s11], $0x4000  }
0x754: {  	[sflag:s11] =	ssyncset.done $0x0  }
0x755: {  	[sflag:s11] =	ssyncadd.s32 $0xFFFFC000  }
0x756: {  	[tilespmem:s2], [sflag:$0x1] =	stream.linear.gather [hbm4b:s23+s2], $0x4000, $0x38;
	[tilespmem:$0x10000] =	vst v63  }
0x757: {  	_ =	swait.ge [sflag:s18], $0x4000  }
0x758: {  	[sflag:s18] =	ssyncset.done $0x0  }
0x759: {  	[sflag:s18] =	ssyncadd.s32 $0xFFFFC000  }
0x75a: {  	[hbm4b:s22+s2] =	stream.linear.scatter [tilespmem:s10], [sflag:$0x7], $0x4000, $0x38;
	[tilespmem:$0x10000] =	vst v63  }
0x75b: {  	_ =	swait.ge [sflag:s9], $0x4000  }
0x75c: {  	[sflag:s9] =	ssyncset.done $0x0  }
0x75d: {  	[sflag:s9] =	ssyncadd.s32 $0xFFFFC000  }
0x75e: {  	[tilespmem:s13], [sflag:$0x2] =	stream.linear.gather [hbm4b:s20+s2], $0x4000, $0x38;
	[tilespmem:$0x10000] =	vst v63  }
0x75f: {  	_ =	swait.ge [sflag:s16], $0x4000  }
0x760: {  	[sflag:s16] =	ssyncset.done $0x0  }
0x761: {  	[sflag:s16] =	ssyncadd.s32 $0xFFFFC000  }
0x762: {  	[hbm4b:s19+s2] =	stream.linear.scatter [tilespmem:s6], [sflag:$0x8], $0x4000, $0x38;
	[tilespmem:$0x10000] =	vst v63  }
0x763: {  	_ =	swait.ge [sflag:s7], $0x4000  }
0x764: {  	[sflag:s7] =	ssyncset.done $0x0  }
0x765: {  	[sflag:s7] =	ssyncadd.s32 $0xFFFFC000  }
0x766: {  	[tilespmem:s10], [sflag:$0x3] =	stream.linear.gather [hbm4b:s15+s2], $0x4000, $0x38;
	[tilespmem:$0x10000] =	vst v63  }
0x767: {  	_ =	swait.ge [sflag:s21], $0x4000  }
0x768: {  	[sflag:s21] =	ssyncset.done $0x0  }
0x769: {  	[sflag:s21] =	ssyncadd.s32 $0xFFFFC000  }
0x76a: {  	[hbm4b:s14+s2] =	stream.linear.scatter [tilespmem:s2], [sflag:$0x5], $0x4000, $0x38;
	[tilespmem:$0x10000] =	vst v63  }
0x76b: {  	_ =	swait.ge [sflag:s5], $0x4000  }
0x76c: {  	[sflag:s5] =	ssyncset.done $0x0  }
0x76d: {  	[sflag:s5] =	ssyncadd.s32 $0xFFFFC000  }
0x76e: {  	[tilespmem:s6], [sflag:$0x4] =	stream.linear.gather [hbm4b:s12+s2], $0x4000, $0x38;
	[tilespmem:$0x10000] =	vst v63  }
0x76f: {  	_ =	swait.ge [sflag:s17], $0x4000  }
0x770: {  	[sflag:s17] =	ssyncset.done $0x0  }
0x771: {  	[sflag:s17] =	ssyncadd.s32 $0xFFFFC000  }
0x772: {  	[hbm4b:s8+s2] =	stream.linear.scatter [tilespmem:s13], [sflag:$0x6], $0x4000, $0x38;
	[tilespmem:$0x10000] =	vst v63  }
0x773: {  	_ =	swait.ge [sflag:s18], $0x4000  }
0x774: {  	[sflag:s18] =	ssyncset.done $0x0  }
0x775: {  	[sflag:s18] =	ssyncadd.s32 $0xFFFFC000  }
0x776: {  	[hbm4b:s4+s2] =	stream.linear.scatter [tilespmem:s10], [sflag:$0x7], $0x4000, $0x38;
	[tilespmem:$0x10000] =	vst v63  }
0x777: {  	_ =	swait.ge [sflag:s16], $0x4000  }
0x778: {  	[sflag:s16] =	ssyncset.done $0x0  }
0x779: {  	[sflag:s16] =	ssyncadd.s32 $0xFFFFC000  }
0x77a: {  	[hbm4b:s3+s2] =	stream.linear.scatter [tilespmem:s6], [sflag:$0x8], $0x4000, $0x38;
	[tilespmem:$0x10000] =	vst v63  }
0x77b: {  	_ =	swait.ge [sflag:s11], $0x4000  }
0x77c: {  	[sflag:s11] =	ssyncset.done $0x0  }
0x77d: {  	[sflag:s11] =	ssyncadd.s32 $0xFFFFC000  }
0x77e: {  	_ =	swait.ge [sflag:s9], $0x4000  }
0x77f: {  	[sflag:s9] =	ssyncset.done $0x0  }
0x780: {  	[sflag:s9] =	ssyncadd.s32 $0xFFFFC000  }
0x781: {  	_ =	swait.ge [sflag:s7], $0x4000  }
0x782: {  	[sflag:s7] =	ssyncset.done $0x0  }
0x783: {  	[sflag:s7] =	ssyncadd.s32 $0xFFFFC000  }
0x784: {  	_ =	swait.ge [sflag:s5], $0x4000  }
0x785: {  	[sflag:s5] =	ssyncset.done $0x0  }
0x786: {  	[sflag:s5] =	ssyncadd.s32 $0xFFFFC000  }
0x787: {  	_ =	sfence.sel $0x180000  }
0x788: {  	[bflag:$0x0] =	sbarrier.arrive $0xFFFF  }
0x789: {  	_ =	strace $0x90000047  }
0x78a: {  	s31 =	stileid.u32;
	[bflag:$0x2] =	sbarrier.arrive $0xFFFF  }
0x78b: {  	p0 =	sne.s32 s31, $0x0;
	s0 =	rddreg [dreg:$0x2]  }
0x78c: {  	s0 =	sadd.s32 @!p0 $0x100000, s0  }
0x78d: {  	[sflag:s0] =	ssyncadd.tile.s32 @!p0 $0x1;
	_ =	shalt  }
.Lfunc_end2:
_tile_overlayer_lowered:
.L_overlay_start_2:
0x78e: {  	(tag) =	ssettag $0x2  }
0x78f: {  	s0 =	rddreg [dreg:$0x0];
	s2 =	stileid.u32  }
0x790: {  	s1 =	rddreg [dreg:$0x1];
	p0 =	sne.s32 s2, $0x0  }
0x791: {  	s3 =	rddreg [dreg:$0x2];
	[bflag:$0x3] =	sbarrier.arrive $0xFFFF;
	s2 =	simm.s32 @!p0 $0x1C09  }
0x792: {  	[timem:s3], [sflag:s2] =	dma.local @!p0 [hbm:s0], s1  }
0x793: {  	s0 =	simm.s32 @!p0 $0x9  }
0x794: {  	_ =	swait.ge @!p0 [sflag:s0], s1  }
0x795: {  	s1 =	ssub.s32 @!p0 $0x0, s1;
	[sflag:s0] =	ssyncset.done @!p0 $0x0  }
0x796: {  	[sflag:s0] =	ssyncadd.s32 @!p0 s1  }
0x797: {  	[bflag:$0x3] =	sbarrier.arrive $0xFFFF  }
0x798: {  	_ =	shalt  }

</sc_bundles>
